<compile_context>
chip_gen: v7x
topology: tpu7x:2x2x1
jax: 0.10.2.dev20260603
libtpu: 0.0.44.dev20260713+nightly
codegen_flags: <defaults>
</compile_context>

<pallas_src>
import math

import jax
import jax.numpy as jnp
from jax.experimental import pallas as pl
from jax.experimental.pallas import tpu as pltpu
from jax.experimental.pallas import tpu_sc as plsc

S, B, H, D = 4096, 2, 2048, 64
NGRAMS = (4, 6, 8)
ND = 3 * D
W = 16
EPS = 1e-5

CHUNK = 256
HALO = 16
G = CHUNK + HALO
GCH = ((0, 128), (128, 128), (256, 16))


def _sc_body(ii, t4, t6, t8, feat, tv, x4, x6, x8, r4, r6, r8, pooled,
             s4, s6, s8):
    cid = jax.lax.axis_index("c")
    sid = jax.lax.axis_index("s")
    wid = sid * 2 + cid
    b0 = wid // 16
    s0 = (wid % 16) * CHUNK

    lane = jnp.arange(16, dtype=jnp.int32)
    zi = jnp.zeros((16,), jnp.int32)
    zf = jnp.zeros((16,), jnp.float32)

    tv[pl.ds(0, 16)] = zi
    tv[pl.ds(16, 16)] = zi

    @pl.when(s0 == 0)
    def _():
        st = pl.multiple_of(b0 * S, 8)
        pltpu.sync_copy(ii.at[pl.ds(st, CHUNK)], tv.at[pl.ds(24, CHUNK)])

    @pl.when(s0 != 0)
    def _():
        st = pl.multiple_of(b0 * S + s0 - 24, 8)
        pltpu.sync_copy(ii.at[pl.ds(st, CHUNK + 24)],
                        tv.at[pl.ds(0, CHUNK + 24)])

    for gi in range(G // 16):
        c, off = divmod(gi * 16, 128)
        toks = [tv[pl.ds(gi * 16 + 8 - k, 16)] for k in range(8)]
        a4 = toks[0] + toks[1] * 5 + toks[2] * 25 + toks[3] * 125
        a6 = a4 + toks[4] * 625 + toks[5] * 3125
        a8 = a6 + toks[6] * 15625 + toks[7] * 78125
        x4[c, pl.ds(off, 16)] = a4
        x6[c, pl.ds(off, 16)] = a6
        x8[c, pl.ds(off, 16)] = a8

    waits = []
    for x, r, t, sem in ((x4, r4, t4, s4), (x6, r6, t6, s6), (x8, r8, t8, s8)):
        ds = []
        for ci, (o, ln) in enumerate(GCH):
            if ln == 128:
                idx = x.at[ci]
            else:
                idx = x.at[ci, pl.ds(0, ln)]
            ds.append(pltpu.async_copy(t.at[idx], r.at[pl.ds(o, ln)], sem))
        waits.append(ds)

    for g, (n, rref, dlist) in enumerate(zip(NGRAMS, (r4, r6, r8), waits)):
        L = W - n + 1
        for dsc in dlist:
            dsc.wait()

        @pl.when(s0 == 0)
        def _(rref=rref, n=n):
            for p in range(HALO + n - 1):
                for q in range(4):
                    rref[p, pl.ds(q * 16, 16)] = zf

        u = [zf, zf, zf, zf]
        for p in range(HALO - L, HALO):
            for q in range(4):
                u[q] = u[q] + rref[p, pl.ds(q * 16, 16)]

        def body(i2, u, rref=rref, L=L, g=g):
            out = list(u)
            for sub in range(2):
                i = i2 * 2 + sub
                for q in range(4):
                    uq = out[q] + rref[i + HALO, pl.ds(q * 16, 16)]
                    uq = uq - rref[i + HALO - L, pl.ds(q * 16, 16)]
                    pooled[i, pl.ds(g * D + q * 16, 16)] = uq
                    out[q] = uq
            return tuple(out)

        jax.lax.fori_loop(0, CHUNK // 2, body, tuple(u))

    pltpu.sync_copy(pooled, feat.at[b0, pl.ds(s0, CHUNK)])


def _sc_feat(input_ids, emb4, emb6, emb8):
    mesh = plsc.VectorSubcoreMesh(core_axis_name="c", subcore_axis_name="s")
    fn = pl.kernel(
        _sc_body,
        out_type=jax.ShapeDtypeStruct((B, S, ND), jnp.float32),
        mesh=mesh,
        scratch_types=[
            pltpu.VMEM((320,), jnp.int32),
            pltpu.VMEM((3, 128), jnp.int32),
            pltpu.VMEM((3, 128), jnp.int32),
            pltpu.VMEM((3, 128), jnp.int32),
            pltpu.VMEM((G, D), jnp.float32),
            pltpu.VMEM((G, D), jnp.float32),
            pltpu.VMEM((G, D), jnp.float32),
            pltpu.VMEM((CHUNK, ND), jnp.float32),
            pltpu.SemaphoreType.DMA,
            pltpu.SemaphoreType.DMA,
            pltpu.SemaphoreType.DMA,
        ],
        compiler_params=pltpu.CompilerParams(use_tc_tiling_on_sc=False),
    )
    return fn(input_ids.reshape(-1), emb4, emb6, emb8)


def _tc_body(h_ref, f_ref, kw_ref, vw_ref, nq_ref, nk_ref, o_ref):
    kw = kw_ref[...]
    vw = vw_ref[...]
    nq = nq_ref[...]
    nk = nk_ref[...]
    dn = (((1,), (1,)), ((), ()))
    inv_sqrt_h = 1.0 / math.sqrt(float(H))
    bs = h_ref.shape[0]
    trow = (jax.lax.broadcasted_iota(jnp.int32, (bs, ND), 0)
            + pl.program_id(0) * bs)
    ncol = 4 + 2 * (jax.lax.broadcasted_iota(jnp.int32, (bs, ND), 1) // D)
    dnm = jnp.clip(trow - ncol + 2, 1, W - ncol + 1).astype(jnp.float32)
    rcp = 1.0 / dnm
    for b in range(B):
        h = h_ref[:, b, :]
        f = f_ref[b] * rcp
        k = jax.lax.dot_general(f, kw, dn, precision=jax.lax.Precision.DEFAULT,
                                preferred_element_type=jnp.float32)
        v = jax.lax.dot_general(f, vw, dn, precision=jax.lax.Precision.DEFAULT,
                                preferred_element_type=jnp.float32)
        q = h * jax.lax.rsqrt(jnp.mean(h * h, axis=-1, keepdims=True) + EPS) * nq
        kn = k * jax.lax.rsqrt(jnp.mean(k * k, axis=-1, keepdims=True) + EPS) * nk
        x = jnp.sum(q * kn, axis=-1, keepdims=True) * inv_sqrt_h
        gate = 1.0 / (1.0 + jnp.exp(-x))
        o_ref[:, b, :] = gate * v


def _tc_call(hidden, feat, key_w, value_w, nq, nk):
    BS = 256
    return pl.pallas_call(
        _tc_body,
        grid=(S // BS,),
        in_specs=[
            pl.BlockSpec((BS, B, H), lambda i: (i, 0, 0)),
            pl.BlockSpec((B, BS, ND), lambda i: (0, i, 0)),
            pl.BlockSpec((H, ND), lambda i: (0, 0)),
            pl.BlockSpec((H, ND), lambda i: (0, 0)),
            pl.BlockSpec((1, H), lambda i: (0, 0)),
            pl.BlockSpec((1, H), lambda i: (0, 0)),
        ],
        out_specs=pl.BlockSpec((BS, B, H), lambda i: (i, 0, 0)),
        out_shape=jax.ShapeDtypeStruct((S, B, H), jnp.float32),
        compiler_params=pltpu.CompilerParams(
            vmem_limit_bytes=128 * 1024 * 1024),
    )(hidden, feat, key_w, value_w, nq, nk)


def kernel(hidden_states, input_ids, emb4, emb6, emb8, key_w, value_w,
           normq_w, normk_w):
    feat = _sc_feat(input_ids, emb4, emb6, emb8)
    return _tc_call(hidden_states, feat, key_w, value_w,
                    normq_w.reshape(1, H), normk_w.reshape(1, H))

# --- scband reference (transcript-rebuilt; emitter-appended) ---
"""Pipeline reference for scband-gengram-11012296147781 (READ-ONLY COPY).

The authoritative reference and input builder live on the scoring server;
editing this copy changes nothing except your own understanding.
"""

import jax, jax.numpy as jnp
import numpy as np
import math

HIDDEN_SIZE = 2048
DNA_TOKEN_IDS = [0, 1, 2, 3, 4]
NGRAM_SIZES = [4, 6, 8]
EMBED_DIM = 64
WINDOW_SIZE = 16
EPS = 1e-5


def _compute_ngram_ids(small_ids, n):
    s, b = small_ids.shape
    toks = [small_ids]
    for k in range(1, n):
        shifted = jnp.full_like(small_ids, -1)
        shifted = shifted.at[k:, :].set(small_ids[:s - k, :])
        toks.append(shifted)
    valid = jnp.ones((s, b), dtype=bool)
    for t in toks:
        valid = valid & (t >= 0)
    base = 1
    out = jnp.zeros((s, b), dtype=jnp.int32)
    for k in range(n):
        out = out + jnp.maximum(toks[k], 0).astype(jnp.int32) * base
        base = base * 5
    out = jnp.where(valid, out, jnp.zeros_like(out))
    return out, valid


def _pool_windowed(e_end, valid, n, W):
    L = W - n + 1
    if L == 1:
        return e_end
    prefix = jnp.cumsum(e_end, axis=0)
    prefix_shift = jnp.zeros_like(prefix).at[L:, :, :].set(prefix[:-L, :, :])
    sum_win = prefix - prefix_shift
    valid_f = valid.astype(jnp.float32)
    pc = jnp.cumsum(valid_f, axis=0)
    pcs = jnp.zeros_like(pc).at[L:, :].set(pc[:-L, :])
    cnt = pc - pcs
    denom = jnp.maximum(cnt, 1.0).astype(e_end.dtype)[..., None]
    return sum_win / denom


def _rmsnorm(x, w):
    var = jnp.mean(x * x, axis=-1, keepdims=True)
    return x * jax.lax.rsqrt(var + EPS) * w


def _forward(hidden_states, input_ids, tables, key_w, value_w, normq_w, normk_w):
    s, b, h = hidden_states.shape
    toks = jnp.transpose(input_ids, (1, 0)).astype(jnp.int32)  # [s, b]
    small = jnp.full(toks.shape, -1, dtype=jnp.int32)
    for sid, tok_id in enumerate(DNA_TOKEN_IDS):
        small = jnp.where(toks == tok_id, jnp.full_like(small, sid), small)
    feats = []
    for table, n in zip(tables, NGRAM_SIZES):
        ngram_ids, valid = _compute_ngram_ids(small, n)
        e_end = jnp.take(table, ngram_ids, axis=0)  # [s, b, d] gather
        e_end = e_end * valid.astype(e_end.dtype)[..., None]
        feats.append(_pool_windowed(e_end, valid, n, WINDOW_SIZE))
    feat = jnp.concatenate(feats, axis=-1)  # [s, b, 3*d]
    k = feat @ key_w.T
    v = feat @ value_w.T
    q = _rmsnorm(hidden_states, normq_w)
    k = _rmsnorm(k, normk_w)
    gate = jax.nn.sigmoid(jnp.sum(q * k, axis=-1) / math.sqrt(float(h)))
    return gate[..., None] * v


def setup_inputs(seed: int = 0) -> dict:
    key = jax.random.key(seed)
    ks = jax.random.split(key, 8)
    s, b = 4096, 2
    return {
        "hidden_states": jax.random.normal(ks[0], (s, b, HIDDEN_SIZE), dtype=jnp.float32),
        "input_ids": jax.random.randint(ks[1], (b, s), 0, 5, dtype=jnp.int32),
        "emb4": jax.random.normal(ks[2], (5 ** 4, EMBED_DIM), dtype=jnp.float32) * 0.02,
        "emb6": jax.random.normal(ks[3], (5 ** 6, EMBED_DIM), dtype=jnp.float32) * 0.02,
        "emb8": jax.random.normal(ks[4], (5 ** 8, EMBED_DIM), dtype=jnp.float32) * 0.02,
        "key_w": jax.random.normal(ks[5], (HIDDEN_SIZE, EMBED_DIM * len(NGRAM_SIZES)), dtype=jnp.float32) * 0.02,
        "value_w": jax.random.normal(ks[6], (HIDDEN_SIZE, EMBED_DIM * len(NGRAM_SIZES)), dtype=jnp.float32) * 0.02,
        "normq_w": jnp.ones((HIDDEN_SIZE,), dtype=jnp.float32),
        "normk_w": jnp.ones((HIDDEN_SIZE,), dtype=jnp.float32),
    }


def reference(hidden_states, input_ids, emb4, emb6, emb8, key_w, value_w, normq_w, normk_w):
    return _forward(hidden_states, input_ids, [emb4, emb6, emb8], key_w, value_w, normq_w, normk_w)

if __name__ == "__main__":
    import jax
    _d = setup_inputs()
    print(jax.jit(kernel)(*tuple(_d.values())))

</pallas_src>

<mosaic_0001>
#map = affine_map<(d0, d1) -> (0)>
#map1 = affine_map<(d0, d1) -> (0, 0)>
#map2 = affine_map<(d0, d1) -> (0, 0, 0)>
module attributes {stable_mosaic.version = 14 : i64} {
  func.func @_sc_body(%arg0: i32, %arg1: i32, %arg2: memref<8192xi32, #tpu.memory_space<hbm>>, %arg3: memref<625x64xf32, #tpu.memory_space<hbm>>, %arg4: memref<15625x64xf32, #tpu.memory_space<hbm>>, %arg5: memref<390625x64xf32, #tpu.memory_space<hbm>>, %arg6: memref<2x4096x192xf32, #tpu.memory_space<hbm>>, %arg7: memref<320xi32, #tpu.memory_space<vmem>>, %arg8: memref<3x128xi32, #tpu.memory_space<vmem>>, %arg9: memref<3x128xi32, #tpu.memory_space<vmem>>, %arg10: memref<3x128xi32, #tpu.memory_space<vmem>>, %arg11: memref<272x64xf32, #tpu.memory_space<vmem>>, %arg12: memref<272x64xf32, #tpu.memory_space<vmem>>, %arg13: memref<272x64xf32, #tpu.memory_space<vmem>>, %arg14: memref<256x192xf32, #tpu.memory_space<vmem>>, %arg15: memref<!tpu.dma_semaphore, #tpu.memory_space<semaphore_mem>>, %arg16: memref<!tpu.dma_semaphore, #tpu.memory_space<semaphore_mem>>, %arg17: memref<!tpu.dma_semaphore, #tpu.memory_space<semaphore_mem>>) attributes {dimension_semantics = [#tpu.dimension_semantics<core_parallel>, #tpu.dimension_semantics<subcore_parallel>], iteration_bounds = array<i64: 2, 16>, scalar_prefetch = 0 : i64, scratch_operands = 11 : i64, tpu.core_type = #tpu.core_type<sc_vector_subcore>, window_params = [{transform_indices = #map}, {transform_indices = #map1}, {transform_indices = #map1}, {transform_indices = #map1}, {transform_indices = #map2}]} {
    %mul3A = arith.constant 2 : i32
    %mul3A_0 = arith.muli %arg1, %mul3A : i32
    %add3A = arith.addi %mul3A_0, %arg0 : i32
    %jit3A = arith.constant 16 : i32
    %div3A = arith.divsi %add3A, %jit3A : i32
    %sign3A = arith.constant 0 : i32
    %sign3A_1 = arith.cmpi sgt, %add3A, %sign3A : i32
    %sign3A_2 = arith.extui %sign3A_1 : i1 to i32
    %sign3A_3 = arith.constant 0 : i32
    %sign3A_4 = arith.cmpi slt, %add3A, %sign3A_3 : i32
    %sign3A_5 = arith.extui %sign3A_4 : i1 to i32
    %sign3A_6 = arith.subi %sign3A_2, %sign3A_5 : i32
    %sign3A_7 = arith.constant 0 : i32
    %sign3A_8 = arith.cmpi sgt, %jit3A, %sign3A_7 : i32
    %sign3A_9 = arith.extui %sign3A_8 : i1 to i32
    %sign3A_10 = arith.constant 0 : i32
    %sign3A_11 = arith.cmpi slt, %jit3A, %sign3A_10 : i32
    %sign3A_12 = arith.extui %sign3A_11 : i1 to i32
    %sign3A_13 = arith.subi %sign3A_9, %sign3A_12 : i32
    %ne3A = arith.cmpi ne, %sign3A_6, %sign3A_13 : i32
    %rem3A = arith.remsi %add3A, %jit3A : i32
    %ne3A_14 = arith.constant 0 : i32
    %ne3A_15 = arith.cmpi ne, %rem3A, %ne3A_14 : i32
    %and3A = arith.andi %ne3A, %ne3A_15 : i1
    %sub3A = arith.constant 1 : i32
    %sub3A_16 = arith.subi %div3A, %sub3A : i32
    %select_n3A = arith.select %and3A, %sub3A_16, %div3A : i32
    %jit3A_17 = arith.constant 16 : i32
    %eq3A = arith.constant 0 : i32
    %eq3A_18 = arith.cmpi eq, %jit3A_17, %eq3A : i32
    %jit3A_19 = arith.constant 1 : i32
    %select_n3A_20 = arith.select %eq3A_18, %jit3A_19, %jit3A_17 : i32
    %rem3A_21 = arith.remsi %add3A, %select_n3A_20 : i32
    %ne3A_22 = arith.constant 0 : i32
    %ne3A_23 = arith.cmpi ne, %rem3A_21, %ne3A_22 : i32
    %lt3A = arith.constant 0 : i32
    %lt3A_24 = arith.cmpi slt, %rem3A_21, %lt3A : i32
    %lt3A_25 = arith.constant 0 : i32
    %lt3A_26 = arith.cmpi slt, %select_n3A_20, %lt3A_25 : i32
    %ne3A_27 = arith.xori %lt3A_24, %lt3A_26 : i1
    %and3A_28 = arith.andi %ne3A_27, %ne3A_23 : i1
    %add3A_29 = arith.addi %rem3A_21, %select_n3A_20 : i32
    %select_n3A_30 = arith.select %and3A_28, %add3A_29, %rem3A_21 : i32
    %mul3A_31 = arith.constant 256 : i32
    %mul3A_32 = arith.muli %select_n3A_30, %mul3A_31 : i32
    %iota3A = tpu.iota {dimensions = array<i32: 0>} : vector<16xi32>
    %broadcast_in_dim3A = arith.constant 0 : i32
    %broadcast_in_dim3A_33 = vector.broadcast %broadcast_in_dim3A : i32 to vector<16xi32>
    %broadcast_in_dim3A_34 = arith.constant 0.000000e+00 : f32
    %broadcast_in_dim3A_35 = vector.broadcast %broadcast_in_dim3A_34 : f32 to vector<16xf32>
    %swap3A = arith.constant 0 : index
    %swap3A_36 = tpu.vector_load %arg7[%swap3A] {strides = array<i32>} : memref<320xi32, #tpu.memory_space<vmem>>, vector<16xi32>,
    %swap3A_37 = vector.shape_cast %swap3A_36 : vector<16xi32> to vector<16xi32>
    %swap3A_38 = vector.shape_cast %broadcast_in_dim3A_33 : vector<16xi32> to vector<16xi32>
    tpu.vector_store %arg7[%swap3A], %swap3A_38 {strides = array<i32>} : memref<320xi32, #tpu.memory_space<vmem>>, vector<16xi32>,
    %swap3A_39 = arith.constant 16 : index
    %swap3A_40 = tpu.vector_load %arg7[%swap3A_39] {strides = array<i32>} : memref<320xi32, #tpu.memory_space<vmem>>, vector<16xi32>,
    %swap3A_41 = vector.shape_cast %swap3A_40 : vector<16xi32> to vector<16xi32>
    %swap3A_42 = vector.shape_cast %broadcast_in_dim3A_33 : vector<16xi32> to vector<16xi32>
    tpu.vector_store %arg7[%swap3A_39], %swap3A_42 {strides = array<i32>} : memref<320xi32, #tpu.memory_space<vmem>>, vector<16xi32>,
    %eq3A_43 = arith.constant 0 : i32
    %eq3A_44 = arith.cmpi eq, %mul3A_32, %eq3A_43 : i32
    %convert_element_type3A = arith.extui %eq3A_44 : i1 to i32
    %cond3A = arith.constant 0 : i32
    %cond3A_45 = arith.cmpi ne, %convert_element_type3A, %cond3A : i32
    scf.if %cond3A_45 {
      %mul3A_2242 = arith.constant 4096 : i32
      %mul3A_2243 = arith.muli %select_n3A, %mul3A_2242 : i32
      %multiple_of3A = tpu.assume_multiple %mul3A_2243, 8 : i32
      "tpu.region"() ({
        %run_scoped3A = tpu.sem_alloc : memref<!tpu.dma_semaphore, #tpu.memory_space<semaphore_mem>>
        %dma_start3A_2244 = arith.constant 24 : i32
        %dma_start3A_2245 = tpu.memref_slice %arg7[%dma_start3A_2244] : memref<320xi32, #tpu.memory_space<vmem>> -> memref<256xi32, #tpu.memory_space<vmem>>
        %dma_start3A_2246 = tpu.memref_slice %arg2[%multiple_of3A] : memref<8192xi32, #tpu.memory_space<hbm>> -> memref<256xi32, #tpu.memory_space<hbm>>
        %dma_start3A_2247 = arith.constant 24 : i32
        %dma_start3A_2248 = tpu.memref_slice %arg7[%dma_start3A_2247] : memref<320xi32, #tpu.memory_space<vmem>> -> memref<256xi32, #tpu.memory_space<vmem>>
        %dma_start3A_2249 = tpu.memref_slice %arg2[%multiple_of3A] : memref<8192xi32, #tpu.memory_space<hbm>> -> memref<256xi32, #tpu.memory_space<hbm>>
        tpu.enqueue_dma source(%dma_start3A_2249 : memref<256xi32, #tpu.memory_space<hbm>>) target(%dma_start3A_2248 : memref<256xi32, #tpu.memory_space<vmem>>) target_semaphore(%run_scoped3A : memref<!tpu.dma_semaphore, #tpu.memory_space<semaphore_mem>>)
        %dma_wait3A_2250 = arith.constant 24 : i32
        %dma_wait3A_2251 = tpu.memref_slice %arg7[%dma_wait3A_2250] : memref<320xi32, #tpu.memory_space<vmem>> -> memref<256xi32, #tpu.memory_space<vmem>>
        %dma_wait3A_2252 = tpu.memref_slice %arg2[%multiple_of3A] : memref<8192xi32, #tpu.memory_space<hbm>> -> memref<256xi32, #tpu.memory_space<hbm>>
        %dma_wait3A_2253 = arith.constant 24 : i32
        %dma_wait3A_2254 = tpu.memref_slice %arg7[%dma_wait3A_2253] : memref<320xi32, #tpu.memory_space<vmem>> -> memref<256xi32, #tpu.memory_space<vmem>>
        %dma_wait3A_2255 = tpu.memref_slice %arg2[%multiple_of3A] : memref<8192xi32, #tpu.memory_space<hbm>> -> memref<256xi32, #tpu.memory_space<hbm>>
        tpu.wait_dma2 semaphore(%run_scoped3A : memref<!tpu.dma_semaphore, #tpu.memory_space<semaphore_mem>>) src(%dma_wait3A_2255 : memref<256xi32, #tpu.memory_space<hbm>>) dst(%dma_wait3A_2254 : memref<256xi32, #tpu.memory_space<vmem>>)
        tpu.yield
      }) : () -> ()
    } else {
    }
    %ne3A_46 = arith.constant 0 : i32
    %ne3A_47 = arith.cmpi ne, %mul3A_32, %ne3A_46 : i32
    %convert_element_type3A_48 = arith.extui %ne3A_47 : i1 to i32
    %cond3A_49 = arith.constant 0 : i32
    %cond3A_50 = arith.cmpi ne, %convert_element_type3A_48, %cond3A_49 : i32
    scf.if %cond3A_50 {
      %mul3A_2242 = arith.constant 4096 : i32
      %mul3A_2243 = arith.muli %select_n3A, %mul3A_2242 : i32
      %add3A_2244 = arith.addi %mul3A_2243, %mul3A_32 : i32
      %sub3A_2245 = arith.constant 24 : i32
      %sub3A_2246 = arith.subi %add3A_2244, %sub3A_2245 : i32
      %multiple_of3A = tpu.assume_multiple %sub3A_2246, 8 : i32
      "tpu.region"() ({
        %run_scoped3A = tpu.sem_alloc : memref<!tpu.dma_semaphore, #tpu.memory_space<semaphore_mem>>
        %dma_start3A_2247 = arith.constant 0 : i32
        %dma_start3A_2248 = tpu.memref_slice %arg7[%dma_start3A_2247] : memref<320xi32, #tpu.memory_space<vmem>> -> memref<280xi32, #tpu.memory_space<vmem>>
        %dma_start3A_2249 = tpu.memref_slice %arg2[%multiple_of3A] : memref<8192xi32, #tpu.memory_space<hbm>> -> memref<280xi32, #tpu.memory_space<hbm>>
        %dma_start3A_2250 = arith.constant 0 : i32
        %dma_start3A_2251 = tpu.memref_slice %arg7[%dma_start3A_2250] : memref<320xi32, #tpu.memory_space<vmem>> -> memref<280xi32, #tpu.memory_space<vmem>>
        %dma_start3A_2252 = tpu.memref_slice %arg2[%multiple_of3A] : memref<8192xi32, #tpu.memory_space<hbm>> -> memref<280xi32, #tpu.memory_space<hbm>>
        tpu.enqueue_dma source(%dma_start3A_2252 : memref<280xi32, #tpu.memory_space<hbm>>) target(%dma_start3A_2251 : memref<280xi32, #tpu.memory_space<vmem>>) target_semaphore(%run_scoped3A : memref<!tpu.dma_semaphore, #tpu.memory_space<semaphore_mem>>)
        %dma_wait3A_2253 = arith.constant 0 : i32
        %dma_wait3A_2254 = tpu.memref_slice %arg7[%dma_wait3A_2253] : memref<320xi32, #tpu.memory_space<vmem>> -> memref<280xi32, #tpu.memory_space<vmem>>
        %dma_wait3A_2255 = tpu.memref_slice %arg2[%multiple_of3A] : memref<8192xi32, #tpu.memory_space<hbm>> -> memref<280xi32, #tpu.memory_space<hbm>>
        %dma_wait3A_2256 = arith.constant 0 : i32
        %dma_wait3A_2257 = tpu.memref_slice %arg7[%dma_wait3A_2256] : memref<320xi32, #tpu.memory_space<vmem>> -> memref<280xi32, #tpu.memory_space<vmem>>
        %dma_wait3A_2258 = tpu.memref_slice %arg2[%multiple_of3A] : memref<8192xi32, #tpu.memory_space<hbm>> -> memref<280xi32, #tpu.memory_space<hbm>>
        tpu.wait_dma2 semaphore(%run_scoped3A : memref<!tpu.dma_semaphore, #tpu.memory_space<semaphore_mem>>) src(%dma_wait3A_2258 : memref<280xi32, #tpu.memory_space<hbm>>) dst(%dma_wait3A_2257 : memref<280xi32, #tpu.memory_space<vmem>>)
        tpu.yield
      }) : () -> ()
    } else {
    }
    %get3A = arith.constant 8 : index
    %get3A_51 = tpu.vector_load %arg7[%get3A] {strides = array<i32>} : memref<320xi32, #tpu.memory_space<vmem>>, vector<16xi32>,
    %get3A_52 = vector.shape_cast %get3A_51 : vector<16xi32> to vector<16xi32>
    %get3A_53 = arith.constant 7 : index
    %get3A_54 = tpu.vector_load %arg7[%get3A_53] {strides = array<i32>} : memref<320xi32, #tpu.memory_space<vmem>>, vector<16xi32>,
    %get3A_55 = vector.shape_cast %get3A_54 : vector<16xi32> to vector<16xi32>
    %get3A_56 = arith.constant 6 : index
    %get3A_57 = tpu.vector_load %arg7[%get3A_56] {strides = array<i32>} : memref<320xi32, #tpu.memory_space<vmem>>, vector<16xi32>,
    %get3A_58 = vector.shape_cast %get3A_57 : vector<16xi32> to vector<16xi32>
    %get3A_59 = arith.constant 5 : index
    %get3A_60 = tpu.vector_load %arg7[%get3A_59] {strides = array<i32>} : memref<320xi32, #tpu.memory_space<vmem>>, vector<16xi32>,
    %get3A_61 = vector.shape_cast %get3A_60 : vector<16xi32> to vector<16xi32>
    %get3A_62 = arith.constant 4 : index
    %get3A_63 = tpu.vector_load %arg7[%get3A_62] {strides = array<i32>} : memref<320xi32, #tpu.memory_space<vmem>>, vector<16xi32>,
    %get3A_64 = vector.shape_cast %get3A_63 : vector<16xi32> to vector<16xi32>
    %get3A_65 = arith.constant 3 : index
    %get3A_66 = tpu.vector_load %arg7[%get3A_65] {strides = array<i32>} : memref<320xi32, #tpu.memory_space<vmem>>, vector<16xi32>,
    %get3A_67 = vector.shape_cast %get3A_66 : vector<16xi32> to vector<16xi32>
    %get3A_68 = arith.constant 2 : index
    %get3A_69 = tpu.vector_load %arg7[%get3A_68] {strides = array<i32>} : memref<320xi32, #tpu.memory_space<vmem>>, vector<16xi32>,
    %get3A_70 = vector.shape_cast %get3A_69 : vector<16xi32> to vector<16xi32>
    %get3A_71 = arith.constant 1 : index
    %get3A_72 = tpu.vector_load %arg7[%get3A_71] {strides = array<i32>} : memref<320xi32, #tpu.memory_space<vmem>>, vector<16xi32>,
    %get3A_73 = vector.shape_cast %get3A_72 : vector<16xi32> to vector<16xi32>
    %mul3A_74 = arith.constant 5 : i32
    %mul3A_75 = vector.broadcast %mul3A_74 : i32 to vector<16xi32>
    %mul3A_76 = arith.muli %get3A_55, %mul3A_75 : vector<16xi32>
    %add3A_77 = arith.addi %get3A_52, %mul3A_76 : vector<16xi32>
    %mul3A_78 = arith.constant 25 : i32
    %mul3A_79 = vector.broadcast %mul3A_78 : i32 to vector<16xi32>
    %mul3A_80 = arith.muli %get3A_58, %mul3A_79 : vector<16xi32>
    %add3A_81 = arith.addi %add3A_77, %mul3A_80 : vector<16xi32>
    %mul3A_82 = arith.constant 125 : i32
    %mul3A_83 = vector.broadcast %mul3A_82 : i32 to vector<16xi32>
    %mul3A_84 = arith.muli %get3A_61, %mul3A_83 : vector<16xi32>
    %add3A_85 = arith.addi %add3A_81, %mul3A_84 : vector<16xi32>
    %mul3A_86 = arith.constant 625 : i32
    %mul3A_87 = vector.broadcast %mul3A_86 : i32 to vector<16xi32>
    %mul3A_88 = arith.muli %get3A_64, %mul3A_87 : vector<16xi32>
    %add3A_89 = arith.addi %add3A_85, %mul3A_88 : vector<16xi32>
    %mul3A_90 = arith.constant 3125 : i32
    %mul3A_91 = vector.broadcast %mul3A_90 : i32 to vector<16xi32>
    %mul3A_92 = arith.muli %get3A_67, %mul3A_91 : vector<16xi32>
    %add3A_93 = arith.addi %add3A_89, %mul3A_92 : vector<16xi32>
    %mul3A_94 = arith.constant 15625 : i32
    %mul3A_95 = vector.broadcast %mul3A_94 : i32 to vector<16xi32>
    %mul3A_96 = arith.muli %get3A_70, %mul3A_95 : vector<16xi32>
    %add3A_97 = arith.addi %add3A_93, %mul3A_96 : vector<16xi32>
    %mul3A_98 = arith.constant 78125 : i32
    %mul3A_99 = vector.broadcast %mul3A_98 : i32 to vector<16xi32>
    %mul3A_100 = arith.muli %get3A_73, %mul3A_99 : vector<16xi32>
    %add3A_101 = arith.addi %add3A_97, %mul3A_100 : vector<16xi32>
    %swap3A_102 = arith.constant 0 : i32
    %swap3A_103 = arith.index_cast %swap3A_102 : i32 to index
    %swap3A_104 = arith.constant 0 : index
    %swap3A_105 = tpu.vector_load %arg8[%swap3A_103, %swap3A_104] {strides = array<i32>} : memref<3x128xi32, #tpu.memory_space<vmem>>, vector<1x16xi32>,
    %swap3A_106 = vector.shape_cast %swap3A_105 : vector<1x16xi32> to vector<16xi32>
    %swap3A_107 = vector.shape_cast %add3A_85 : vector<16xi32> to vector<1x16xi32>
    tpu.vector_store %arg8[%swap3A_103, %swap3A_104], %swap3A_107 {strides = array<i32>} : memref<3x128xi32, #tpu.memory_space<vmem>>, vector<1x16xi32>,
    %swap3A_108 = arith.constant 0 : i32
    %swap3A_109 = arith.index_cast %swap3A_108 : i32 to index
    %swap3A_110 = arith.constant 0 : index
    %swap3A_111 = tpu.vector_load %arg9[%swap3A_109, %swap3A_110] {strides = array<i32>} : memref<3x128xi32, #tpu.memory_space<vmem>>, vector<1x16xi32>,
    %swap3A_112 = vector.shape_cast %swap3A_111 : vector<1x16xi32> to vector<16xi32>
    %swap3A_113 = vector.shape_cast %add3A_93 : vector<16xi32> to vector<1x16xi32>
    tpu.vector_store %arg9[%swap3A_109, %swap3A_110], %swap3A_113 {strides = array<i32>} : memref<3x128xi32, #tpu.memory_space<vmem>>, vector<1x16xi32>,
    %swap3A_114 = arith.constant 0 : i32
    %swap3A_115 = arith.index_cast %swap3A_114 : i32 to index
    %swap3A_116 = arith.constant 0 : index
    %swap3A_117 = tpu.vector_load %arg10[%swap3A_115, %swap3A_116] {strides = array<i32>} : memref<3x128xi32, #tpu.memory_space<vmem>>, vector<1x16xi32>,
    %swap3A_118 = vector.shape_cast %swap3A_117 : vector<1x16xi32> to vector<16xi32>
    %swap3A_119 = vector.shape_cast %add3A_101 : vector<16xi32> to vector<1x16xi32>
    tpu.vector_store %arg10[%swap3A_115, %swap3A_116], %swap3A_119 {strides = array<i32>} : memref<3x128xi32, #tpu.memory_space<vmem>>, vector<1x16xi32>,
    %get3A_120 = arith.constant 24 : index
    %get3A_121 = tpu.vector_load %arg7[%get3A_120] {strides = array<i32>} : memref<320xi32, #tpu.memory_space<vmem>>, vector<16xi32>,
    %get3A_122 = vector.shape_cast %get3A_121 : vector<16xi32> to vector<16xi32>
    %get3A_123 = arith.constant 23 : index
    %get3A_124 = tpu.vector_load %arg7[%get3A_123] {strides = array<i32>} : memref<320xi32, #tpu.memory_space<vmem>>, vector<16xi32>,
    %get3A_125 = vector.shape_cast %get3A_124 : vector<16xi32> to vector<16xi32>
    %get3A_126 = arith.constant 22 : index
    %get3A_127 = tpu.vector_load %arg7[%get3A_126] {strides = array<i32>} : memref<320xi32, #tpu.memory_space<vmem>>, vector<16xi32>,
    %get3A_128 = vector.shape_cast %get3A_127 : vector<16xi32> to vector<16xi32>
    %get3A_129 = arith.constant 21 : index
    %get3A_130 = tpu.vector_load %arg7[%get3A_129] {strides = array<i32>} : memref<320xi32, #tpu.memory_space<vmem>>, vector<16xi32>,
    %get3A_131 = vector.shape_cast %get3A_130 : vector<16xi32> to vector<16xi32>
    %get3A_132 = arith.constant 20 : index
    %get3A_133 = tpu.vector_load %arg7[%get3A_132] {strides = array<i32>} : memref<320xi32, #tpu.memory_space<vmem>>, vector<16xi32>,
    %get3A_134 = vector.shape_cast %get3A_133 : vector<16xi32> to vector<16xi32>
    %get3A_135 = arith.constant 19 : index
    %get3A_136 = tpu.vector_load %arg7[%get3A_135] {strides = array<i32>} : memref<320xi32, #tpu.memory_space<vmem>>, vector<16xi32>,
    %get3A_137 = vector.shape_cast %get3A_136 : vector<16xi32> to vector<16xi32>
    %get3A_138 = arith.constant 18 : index
    %get3A_139 = tpu.vector_load %arg7[%get3A_138] {strides = array<i32>} : memref<320xi32, #tpu.memory_space<vmem>>, vector<16xi32>,
    %get3A_140 = vector.shape_cast %get3A_139 : vector<16xi32> to vector<16xi32>
    %get3A_141 = arith.constant 17 : index
    %get3A_142 = tpu.vector_load %arg7[%get3A_141] {strides = array<i32>} : memref<320xi32, #tpu.memory_space<vmem>>, vector<16xi32>,
    %get3A_143 = vector.shape_cast %get3A_142 : vector<16xi32> to vector<16xi32>
    %mul3A_144 = arith.constant 5 : i32
    %mul3A_145 = vector.broadcast %mul3A_144 : i32 to vector<16xi32>
    %mul3A_146 = arith.muli %get3A_125, %mul3A_145 : vector<16xi32>
    %add3A_147 = arith.addi %get3A_122, %mul3A_146 : vector<16xi32>
    %mul3A_148 = arith.constant 25 : i32
    %mul3A_149 = vector.broadcast %mul3A_148 : i32 to vector<16xi32>
    %mul3A_150 = arith.muli %get3A_128, %mul3A_149 : vector<16xi32>
    %add3A_151 = arith.addi %add3A_147, %mul3A_150 : vector<16xi32>
    %mul3A_152 = arith.constant 125 : i32
    %mul3A_153 = vector.broadcast %mul3A_152 : i32 to vector<16xi32>
    %mul3A_154 = arith.muli %get3A_131, %mul3A_153 : vector<16xi32>
    %add3A_155 = arith.addi %add3A_151, %mul3A_154 : vector<16xi32>
    %mul3A_156 = arith.constant 625 : i32
    %mul3A_157 = vector.broadcast %mul3A_156 : i32 to vector<16xi32>
    %mul3A_158 = arith.muli %get3A_134, %mul3A_157 : vector<16xi32>
    %add3A_159 = arith.addi %add3A_155, %mul3A_158 : vector<16xi32>
    %mul3A_160 = arith.constant 3125 : i32
    %mul3A_161 = vector.broadcast %mul3A_160 : i32 to vector<16xi32>
    %mul3A_162 = arith.muli %get3A_137, %mul3A_161 : vector<16xi32>
    %add3A_163 = arith.addi %add3A_159, %mul3A_162 : vector<16xi32>
    %mul3A_164 = arith.constant 15625 : i32
    %mul3A_165 = vector.broadcast %mul3A_164 : i32 to vector<16xi32>
    %mul3A_166 = arith.muli %get3A_140, %mul3A_165 : vector<16xi32>
    %add3A_167 = arith.addi %add3A_163, %mul3A_166 : vector<16xi32>
    %mul3A_168 = arith.constant 78125 : i32
    %mul3A_169 = vector.broadcast %mul3A_168 : i32 to vector<16xi32>
    %mul3A_170 = arith.muli %get3A_143, %mul3A_169 : vector<16xi32>
    %add3A_171 = arith.addi %add3A_167, %mul3A_170 : vector<16xi32>
    %swap3A_172 = arith.constant 0 : i32
    %swap3A_173 = arith.index_cast %swap3A_172 : i32 to index
    %swap3A_174 = arith.constant 16 : index
    %swap3A_175 = tpu.vector_load %arg8[%swap3A_173, %swap3A_174] {strides = array<i32>} : memref<3x128xi32, #tpu.memory_space<vmem>>, vector<1x16xi32>,
    %swap3A_176 = vector.shape_cast %swap3A_175 : vector<1x16xi32> to vector<16xi32>
    %swap3A_177 = vector.shape_cast %add3A_155 : vector<16xi32> to vector<1x16xi32>
    tpu.vector_store %arg8[%swap3A_173, %swap3A_174], %swap3A_177 {strides = array<i32>} : memref<3x128xi32, #tpu.memory_space<vmem>>, vector<1x16xi32>,
    %swap3A_178 = arith.constant 0 : i32
    %swap3A_179 = arith.index_cast %swap3A_178 : i32 to index
    %swap3A_180 = arith.constant 16 : index
    %swap3A_181 = tpu.vector_load %arg9[%swap3A_179, %swap3A_180] {strides = array<i32>} : memref<3x128xi32, #tpu.memory_space<vmem>>, vector<1x16xi32>,
    %swap3A_182 = vector.shape_cast %swap3A_181 : vector<1x16xi32> to vector<16xi32>
    %swap3A_183 = vector.shape_cast %add3A_163 : vector<16xi32> to vector<1x16xi32>
    tpu.vector_store %arg9[%swap3A_179, %swap3A_180], %swap3A_183 {strides = array<i32>} : memref<3x128xi32, #tpu.memory_space<vmem>>, vector<1x16xi32>,
    %swap3A_184 = arith.constant 0 : i32
    %swap3A_185 = arith.index_cast %swap3A_184 : i32 to index
    %swap3A_186 = arith.constant 16 : index
    %swap3A_187 = tpu.vector_load %arg10[%swap3A_185, %swap3A_186] {strides = array<i32>} : memref<3x128xi32, #tpu.memory_space<vmem>>, vector<1x16xi32>,
    %swap3A_188 = vector.shape_cast %swap3A_187 : vector<1x16xi32> to vector<16xi32>
    %swap3A_189 = vector.shape_cast %add3A_171 : vector<16xi32> to vector<1x16xi32>
    tpu.vector_store %arg10[%swap3A_185, %swap3A_186], %swap3A_189 {strides = array<i32>} : memref<3x128xi32, #tpu.memory_space<vmem>>, vector<1x16xi32>,
    %get3A_190 = arith.constant 40 : index
    %get3A_191 = tpu.vector_load %arg7[%get3A_190] {strides = array<i32>} : memref<320xi32, #tpu.memory_space<vmem>>, vector<16xi32>,
    %get3A_192 = vector.shape_cast %get3A_191 : vector<16xi32> to vector<16xi32>
    %get3A_193 = arith.constant 39 : index
    %get3A_194 = tpu.vector_load %arg7[%get3A_193] {strides = array<i32>} : memref<320xi32, #tpu.memory_space<vmem>>, vector<16xi32>,
    %get3A_195 = vector.shape_cast %get3A_194 : vector<16xi32> to vector<16xi32>
    %get3A_196 = arith.constant 38 : index
    %get3A_197 = tpu.vector_load %arg7[%get3A_196] {strides = array<i32>} : memref<320xi32, #tpu.memory_space<vmem>>, vector<16xi32>,
    %get3A_198 = vector.shape_cast %get3A_197 : vector<16xi32> to vector<16xi32>
    %get3A_199 = arith.constant 37 : index
    %get3A_200 = tpu.vector_load %arg7[%get3A_199] {strides = array<i32>} : memref<320xi32, #tpu.memory_space<vmem>>, vector<16xi32>,
    %get3A_201 = vector.shape_cast %get3A_200 : vector<16xi32> to vector<16xi32>
    %get3A_202 = arith.constant 36 : index
    %get3A_203 = tpu.vector_load %arg7[%get3A_202] {strides = array<i32>} : memref<320xi32, #tpu.memory_space<vmem>>, vector<16xi32>,
    %get3A_204 = vector.shape_cast %get3A_203 : vector<16xi32> to vector<16xi32>
    %get3A_205 = arith.constant 35 : index
    %get3A_206 = tpu.vector_load %arg7[%get3A_205] {strides = array<i32>} : memref<320xi32, #tpu.memory_space<vmem>>, vector<16xi32>,
    %get3A_207 = vector.shape_cast %get3A_206 : vector<16xi32> to vector<16xi32>
    %get3A_208 = arith.constant 34 : index
    %get3A_209 = tpu.vector_load %arg7[%get3A_208] {strides = array<i32>} : memref<320xi32, #tpu.memory_space<vmem>>, vector<16xi32>,
    %get3A_210 = vector.shape_cast %get3A_209 : vector<16xi32> to vector<16xi32>
    %get3A_211 = arith.constant 33 : index
    %get3A_212 = tpu.vector_load %arg7[%get3A_211] {strides = array<i32>} : memref<320xi32, #tpu.memory_space<vmem>>, vector<16xi32>,
    %get3A_213 = vector.shape_cast %get3A_212 : vector<16xi32> to vector<16xi32>
    %mul3A_214 = arith.constant 5 : i32
    %mul3A_215 = vector.broadcast %mul3A_214 : i32 to vector<16xi32>
    %mul3A_216 = arith.muli %get3A_195, %mul3A_215 : vector<16xi32>
    %add3A_217 = arith.addi %get3A_192, %mul3A_216 : vector<16xi32>
    %mul3A_218 = arith.constant 25 : i32
    %mul3A_219 = vector.broadcast %mul3A_218 : i32 to vector<16xi32>
    %mul3A_220 = arith.muli %get3A_198, %mul3A_219 : vector<16xi32>
    %add3A_221 = arith.addi %add3A_217, %mul3A_220 : vector<16xi32>
    %mul3A_222 = arith.constant 125 : i32
    %mul3A_223 = vector.broadcast %mul3A_222 : i32 to vector<16xi32>
    %mul3A_224 = arith.muli %get3A_201, %mul3A_223 : vector<16xi32>
    %add3A_225 = arith.addi %add3A_221, %mul3A_224 : vector<16xi32>
    %mul3A_226 = arith.constant 625 : i32
    %mul3A_227 = vector.broadcast %mul3A_226 : i32 to vector<16xi32>
    %mul3A_228 = arith.muli %get3A_204, %mul3A_227 : vector<16xi32>
    %add3A_229 = arith.addi %add3A_225, %mul3A_228 : vector<16xi32>
    %mul3A_230 = arith.constant 3125 : i32
    %mul3A_231 = vector.broadcast %mul3A_230 : i32 to vector<16xi32>
    %mul3A_232 = arith.muli %get3A_207, %mul3A_231 : vector<16xi32>
    %add3A_233 = arith.addi %add3A_229, %mul3A_232 : vector<16xi32>
    %mul3A_234 = arith.constant 15625 : i32
    %mul3A_235 = vector.broadcast %mul3A_234 : i32 to vector<16xi32>
    %mul3A_236 = arith.muli %get3A_210, %mul3A_235 : vector<16xi32>
    %add3A_237 = arith.addi %add3A_233, %mul3A_236 : vector<16xi32>
    %mul3A_238 = arith.constant 78125 : i32
    %mul3A_239 = vector.broadcast %mul3A_238 : i32 to vector<16xi32>
    %mul3A_240 = arith.muli %get3A_213, %mul3A_239 : vector<16xi32>
    %add3A_241 = arith.addi %add3A_237, %mul3A_240 : vector<16xi32>
    %swap3A_242 = arith.constant 0 : i32
    %swap3A_243 = arith.index_cast %swap3A_242 : i32 to index
    %swap3A_244 = arith.constant 32 : index
    %swap3A_245 = tpu.vector_load %arg8[%swap3A_243, %swap3A_244] {strides = array<i32>} : memref<3x128xi32, #tpu.memory_space<vmem>>, vector<1x16xi32>,
    %swap3A_246 = vector.shape_cast %swap3A_245 : vector<1x16xi32> to vector<16xi32>
    %swap3A_247 = vector.shape_cast %add3A_225 : vector<16xi32> to vector<1x16xi32>
    tpu.vector_store %arg8[%swap3A_243, %swap3A_244], %swap3A_247 {strides = array<i32>} : memref<3x128xi32, #tpu.memory_space<vmem>>, vector<1x16xi32>,
    %swap3A_248 = arith.constant 0 : i32
    %swap3A_249 = arith.index_cast %swap3A_248 : i32 to index
    %swap3A_250 = arith.constant 32 : index
    %swap3A_251 = tpu.vector_load %arg9[%swap3A_249, %swap3A_250] {strides = array<i32>} : memref<3x128xi32, #tpu.memory_space<vmem>>, vector<1x16xi32>,
    %swap3A_252 = vector.shape_cast %swap3A_251 : vector<1x16xi32> to vector<16xi32>
    %swap3A_253 = vector.shape_cast %add3A_233 : vector<16xi32> to vector<1x16xi32>
    tpu.vector_store %arg9[%swap3A_249, %swap3A_250], %swap3A_253 {strides = array<i32>} : memref<3x128xi32, #tpu.memory_space<vmem>>, vector<1x16xi32>,
    %swap3A_254 = arith.constant 0 : i32
    %swap3A_255 = arith.index_cast %swap3A_254 : i32 to index
    %swap3A_256 = arith.constant 32 : index
    %swap3A_257 = tpu.vector_load %arg10[%swap3A_255, %swap3A_256] {strides = array<i32>} : memref<3x128xi32, #tpu.memory_space<vmem>>, vector<1x16xi32>,
    %swap3A_258 = vector.shape_cast %swap3A_257 : vector<1x16xi32> to vector<16xi32>
    %swap3A_259 = vector.shape_cast %add3A_241 : vector<16xi32> to vector<1x16xi32>
    tpu.vector_store %arg10[%swap3A_255, %swap3A_256], %swap3A_259 {strides = array<i32>} : memref<3x128xi32, #tpu.memory_space<vmem>>, vector<1x16xi32>,
    %get3A_260 = arith.constant 56 : index
    %get3A_261 = tpu.vector_load %arg7[%get3A_260] {strides = array<i32>} : memref<320xi32, #tpu.memory_space<vmem>>, vector<16xi32>,
    %get3A_262 = vector.shape_cast %get3A_261 : vector<16xi32> to vector<16xi32>
    %get3A_263 = arith.constant 55 : index
    %get3A_264 = tpu.vector_load %arg7[%get3A_263] {strides = array<i32>} : memref<320xi32, #tpu.memory_space<vmem>>, vector<16xi32>,
    %get3A_265 = vector.shape_cast %get3A_264 : vector<16xi32> to vector<16xi32>
    %get3A_266 = arith.constant 54 : index
    %get3A_267 = tpu.vector_load %arg7[%get3A_266] {strides = array<i32>} : memref<320xi32, #tpu.memory_space<vmem>>, vector<16xi32>,
    %get3A_268 = vector.shape_cast %get3A_267 : vector<16xi32> to vector<16xi32>
    %get3A_269 = arith.constant 53 : index
    %get3A_270 = tpu.vector_load %arg7[%get3A_269] {strides = array<i32>} : memref<320xi32, #tpu.memory_space<vmem>>, vector<16xi32>,
    %get3A_271 = vector.shape_cast %get3A_270 : vector<16xi32> to vector<16xi32>
    %get3A_272 = arith.constant 52 : index
    %get3A_273 = tpu.vector_load %arg7[%get3A_272] {strides = array<i32>} : memref<320xi32, #tpu.memory_space<vmem>>, vector<16xi32>,
    %get3A_274 = vector.shape_cast %get3A_273 : vector<16xi32> to vector<16xi32>
    %get3A_275 = arith.constant 51 : index
    %get3A_276 = tpu.vector_load %arg7[%get3A_275] {strides = array<i32>} : memref<320xi32, #tpu.memory_space<vmem>>, vector<16xi32>,
    %get3A_277 = vector.shape_cast %get3A_276 : vector<16xi32> to vector<16xi32>
    %get3A_278 = arith.constant 50 : index
    %get3A_279 = tpu.vector_load %arg7[%get3A_278] {strides = array<i32>} : memref<320xi32, #tpu.memory_space<vmem>>, vector<16xi32>,
    %get3A_280 = vector.shape_cast %get3A_279 : vector<16xi32> to vector<16xi32>
    %get3A_281 = arith.constant 49 : index
    %get3A_282 = tpu.vector_load %arg7[%get3A_281] {strides = array<i32>} : memref<320xi32, #tpu.memory_space<vmem>>, vector<16xi32>,
    %get3A_283 = vector.shape_cast %get3A_282 : vector<16xi32> to vector<16xi32>
    %mul3A_284 = arith.constant 5 : i32
    %mul3A_285 = vector.broadcast %mul3A_284 : i32 to vector<16xi32>
    %mul3A_286 = arith.muli %get3A_265, %mul3A_285 : vector<16xi32>
    %add3A_287 = arith.addi %get3A_262, %mul3A_286 : vector<16xi32>
    %mul3A_288 = arith.constant 25 : i32
    %mul3A_289 = vector.broadcast %mul3A_288 : i32 to vector<16xi32>
    %mul3A_290 = arith.muli %get3A_268, %mul3A_289 : vector<16xi32>
    %add3A_291 = arith.addi %add3A_287, %mul3A_290 : vector<16xi32>
    %mul3A_292 = arith.constant 125 : i32
    %mul3A_293 = vector.broadcast %mul3A_292 : i32 to vector<16xi32>
    %mul3A_294 = arith.muli %get3A_271, %mul3A_293 : vector<16xi32>
    %add3A_295 = arith.addi %add3A_291, %mul3A_294 : vector<16xi32>
    %mul3A_296 = arith.constant 625 : i32
    %mul3A_297 = vector.broadcast %mul3A_296 : i32 to vector<16xi32>
    %mul3A_298 = arith.muli %get3A_274, %mul3A_297 : vector<16xi32>
    %add3A_299 = arith.addi %add3A_295, %mul3A_298 : vector<16xi32>
    %mul3A_300 = arith.constant 3125 : i32
    %mul3A_301 = vector.broadcast %mul3A_300 : i32 to vector<16xi32>
    %mul3A_302 = arith.muli %get3A_277, %mul3A_301 : vector<16xi32>
    %add3A_303 = arith.addi %add3A_299, %mul3A_302 : vector<16xi32>
    %mul3A_304 = arith.constant 15625 : i32
    %mul3A_305 = vector.broadcast %mul3A_304 : i32 to vector<16xi32>
    %mul3A_306 = arith.muli %get3A_280, %mul3A_305 : vector<16xi32>
    %add3A_307 = arith.addi %add3A_303, %mul3A_306 : vector<16xi32>
    %mul3A_308 = arith.constant 78125 : i32
    %mul3A_309 = vector.broadcast %mul3A_308 : i32 to vector<16xi32>
    %mul3A_310 = arith.muli %get3A_283, %mul3A_309 : vector<16xi32>
    %add3A_311 = arith.addi %add3A_307, %mul3A_310 : vector<16xi32>
    %swap3A_312 = arith.constant 0 : i32
    %swap3A_313 = arith.index_cast %swap3A_312 : i32 to index
    %swap3A_314 = arith.constant 48 : index
    %swap3A_315 = tpu.vector_load %arg8[%swap3A_313, %swap3A_314] {strides = array<i32>} : memref<3x128xi32, #tpu.memory_space<vmem>>, vector<1x16xi32>,
    %swap3A_316 = vector.shape_cast %swap3A_315 : vector<1x16xi32> to vector<16xi32>
    %swap3A_317 = vector.shape_cast %add3A_295 : vector<16xi32> to vector<1x16xi32>
    tpu.vector_store %arg8[%swap3A_313, %swap3A_314], %swap3A_317 {strides = array<i32>} : memref<3x128xi32, #tpu.memory_space<vmem>>, vector<1x16xi32>,
    %swap3A_318 = arith.constant 0 : i32
    %swap3A_319 = arith.index_cast %swap3A_318 : i32 to index
    %swap3A_320 = arith.constant 48 : index
    %swap3A_321 = tpu.vector_load %arg9[%swap3A_319, %swap3A_320] {strides = array<i32>} : memref<3x128xi32, #tpu.memory_space<vmem>>, vector<1x16xi32>,
    %swap3A_322 = vector.shape_cast %swap3A_321 : vector<1x16xi32> to vector<16xi32>
    %swap3A_323 = vector.shape_cast %add3A_303 : vector<16xi32> to vector<1x16xi32>
    tpu.vector_store %arg9[%swap3A_319, %swap3A_320], %swap3A_323 {strides = array<i32>} : memref<3x128xi32, #tpu.memory_space<vmem>>, vector<1x16xi32>,
    %swap3A_324 = arith.constant 0 : i32
    %swap3A_325 = arith.index_cast %swap3A_324 : i32 to index
    %swap3A_326 = arith.constant 48 : index
    %swap3A_327 = tpu.vector_load %arg10[%swap3A_325, %swap3A_326] {strides = array<i32>} : memref<3x128xi32, #tpu.memory_space<vmem>>, vector<1x16xi32>,
    %swap3A_328 = vector.shape_cast %swap3A_327 : vector<1x16xi32> to vector<16xi32>
    %swap3A_329 = vector.shape_cast %add3A_311 : vector<16xi32> to vector<1x16xi32>
    tpu.vector_store %arg10[%swap3A_325, %swap3A_326], %swap3A_329 {strides = array<i32>} : memref<3x128xi32, #tpu.memory_space<vmem>>, vector<1x16xi32>,
    %get3A_330 = arith.constant 72 : index
    %get3A_331 = tpu.vector_load %arg7[%get3A_330] {strides = array<i32>} : memref<320xi32, #tpu.memory_space<vmem>>, vector<16xi32>,
    %get3A_332 = vector.shape_cast %get3A_331 : vector<16xi32> to vector<16xi32>
    %get3A_333 = arith.constant 71 : index
    %get3A_334 = tpu.vector_load %arg7[%get3A_333] {strides = array<i32>} : memref<320xi32, #tpu.memory_space<vmem>>, vector<16xi32>,
    %get3A_335 = vector.shape_cast %get3A_334 : vector<16xi32> to vector<16xi32>
    %get3A_336 = arith.constant 70 : index
    %get3A_337 = tpu.vector_load %arg7[%get3A_336] {strides = array<i32>} : memref<320xi32, #tpu.memory_space<vmem>>, vector<16xi32>,
    %get3A_338 = vector.shape_cast %get3A_337 : vector<16xi32> to vector<16xi32>
    %get3A_339 = arith.constant 69 : index
    %get3A_340 = tpu.vector_load %arg7[%get3A_339] {strides = array<i32>} : memref<320xi32, #tpu.memory_space<vmem>>, vector<16xi32>,
    %get3A_341 = vector.shape_cast %get3A_340 : vector<16xi32> to vector<16xi32>
    %get3A_342 = arith.constant 68 : index
    %get3A_343 = tpu.vector_load %arg7[%get3A_342] {strides = array<i32>} : memref<320xi32, #tpu.memory_space<vmem>>, vector<16xi32>,
    %get3A_344 = vector.shape_cast %get3A_343 : vector<16xi32> to vector<16xi32>
    %get3A_345 = arith.constant 67 : index
    %get3A_346 = tpu.vector_load %arg7[%get3A_345] {strides = array<i32>} : memref<320xi32, #tpu.memory_space<vmem>>, vector<16xi32>,
    %get3A_347 = vector.shape_cast %get3A_346 : vector<16xi32> to vector<16xi32>
    %get3A_348 = arith.constant 66 : index
    %get3A_349 = tpu.vector_load %arg7[%get3A_348] {strides = array<i32>} : memref<320xi32, #tpu.memory_space<vmem>>, vector<16xi32>,
    %get3A_350 = vector.shape_cast %get3A_349 : vector<16xi32> to vector<16xi32>
    %get3A_351 = arith.constant 65 : index
    %get3A_352 = tpu.vector_load %arg7[%get3A_351] {strides = array<i32>} : memref<320xi32, #tpu.memory_space<vmem>>, vector<16xi32>,
    %get3A_353 = vector.shape_cast %get3A_352 : vector<16xi32> to vector<16xi32>
    %mul3A_354 = arith.constant 5 : i32
    %mul3A_355 = vector.broadcast %mul3A_354 : i32 to vector<16xi32>
    %mul3A_356 = arith.muli %get3A_335, %mul3A_355 : vector<16xi32>
    %add3A_357 = arith.addi %get3A_332, %mul3A_356 : vector<16xi32>
    %mul3A_358 = arith.constant 25 : i32
    %mul3A_359 = vector.broadcast %mul3A_358 : i32 to vector<16xi32>
    %mul3A_360 = arith.muli %get3A_338, %mul3A_359 : vector<16xi32>
    %add3A_361 = arith.addi %add3A_357, %mul3A_360 : vector<16xi32>
    %mul3A_362 = arith.constant 125 : i32
    %mul3A_363 = vector.broadcast %mul3A_362 : i32 to vector<16xi32>
    %mul3A_364 = arith.muli %get3A_341, %mul3A_363 : vector<16xi32>
    %add3A_365 = arith.addi %add3A_361, %mul3A_364 : vector<16xi32>
    %mul3A_366 = arith.constant 625 : i32
    %mul3A_367 = vector.broadcast %mul3A_366 : i32 to vector<16xi32>
    %mul3A_368 = arith.muli %get3A_344, %mul3A_367 : vector<16xi32>
    %add3A_369 = arith.addi %add3A_365, %mul3A_368 : vector<16xi32>
    %mul3A_370 = arith.constant 3125 : i32
    %mul3A_371 = vector.broadcast %mul3A_370 : i32 to vector<16xi32>
    %mul3A_372 = arith.muli %get3A_347, %mul3A_371 : vector<16xi32>
    %add3A_373 = arith.addi %add3A_369, %mul3A_372 : vector<16xi32>
    %mul3A_374 = arith.constant 15625 : i32
    %mul3A_375 = vector.broadcast %mul3A_374 : i32 to vector<16xi32>
    %mul3A_376 = arith.muli %get3A_350, %mul3A_375 : vector<16xi32>
    %add3A_377 = arith.addi %add3A_373, %mul3A_376 : vector<16xi32>
    %mul3A_378 = arith.constant 78125 : i32
    %mul3A_379 = vector.broadcast %mul3A_378 : i32 to vector<16xi32>
    %mul3A_380 = arith.muli %get3A_353, %mul3A_379 : vector<16xi32>
    %add3A_381 = arith.addi %add3A_377, %mul3A_380 : vector<16xi32>
    %swap3A_382 = arith.constant 0 : i32
    %swap3A_383 = arith.index_cast %swap3A_382 : i32 to index
    %swap3A_384 = arith.constant 64 : index
    %swap3A_385 = tpu.vector_load %arg8[%swap3A_383, %swap3A_384] {strides = array<i32>} : memref<3x128xi32, #tpu.memory_space<vmem>>, vector<1x16xi32>,
    %swap3A_386 = vector.shape_cast %swap3A_385 : vector<1x16xi32> to vector<16xi32>
    %swap3A_387 = vector.shape_cast %add3A_365 : vector<16xi32> to vector<1x16xi32>
    tpu.vector_store %arg8[%swap3A_383, %swap3A_384], %swap3A_387 {strides = array<i32>} : memref<3x128xi32, #tpu.memory_space<vmem>>, vector<1x16xi32>,
    %swap3A_388 = arith.constant 0 : i32
    %swap3A_389 = arith.index_cast %swap3A_388 : i32 to index
    %swap3A_390 = arith.constant 64 : index
    %swap3A_391 = tpu.vector_load %arg9[%swap3A_389, %swap3A_390] {strides = array<i32>} : memref<3x128xi32, #tpu.memory_space<vmem>>, vector<1x16xi32>,
    %swap3A_392 = vector.shape_cast %swap3A_391 : vector<1x16xi32> to vector<16xi32>
    %swap3A_393 = vector.shape_cast %add3A_373 : vector<16xi32> to vector<1x16xi32>
    tpu.vector_store %arg9[%swap3A_389, %swap3A_390], %swap3A_393 {strides = array<i32>} : memref<3x128xi32, #tpu.memory_space<vmem>>, vector<1x16xi32>,
    %swap3A_394 = arith.constant 0 : i32
    %swap3A_395 = arith.index_cast %swap3A_394 : i32 to index
    %swap3A_396 = arith.constant 64 : index
    %swap3A_397 = tpu.vector_load %arg10[%swap3A_395, %swap3A_396] {strides = array<i32>} : memref<3x128xi32, #tpu.memory_space<vmem>>, vector<1x16xi32>,
    %swap3A_398 = vector.shape_cast %swap3A_397 : vector<1x16xi32> to vector<16xi32>
    %swap3A_399 = vector.shape_cast %add3A_381 : vector<16xi32> to vector<1x16xi32>
    tpu.vector_store %arg10[%swap3A_395, %swap3A_396], %swap3A_399 {strides = array<i32>} : memref<3x128xi32, #tpu.memory_space<vmem>>, vector<1x16xi32>,
    %get3A_400 = arith.constant 88 : index
    %get3A_401 = tpu.vector_load %arg7[%get3A_400] {strides = array<i32>} : memref<320xi32, #tpu.memory_space<vmem>>, vector<16xi32>,
    %get3A_402 = vector.shape_cast %get3A_401 : vector<16xi32> to vector<16xi32>
    %get3A_403 = arith.constant 87 : index
    %get3A_404 = tpu.vector_load %arg7[%get3A_403] {strides = array<i32>} : memref<320xi32, #tpu.memory_space<vmem>>, vector<16xi32>,
    %get3A_405 = vector.shape_cast %get3A_404 : vector<16xi32> to vector<16xi32>
    %get3A_406 = arith.constant 86 : index
    %get3A_407 = tpu.vector_load %arg7[%get3A_406] {strides = array<i32>} : memref<320xi32, #tpu.memory_space<vmem>>, vector<16xi32>,
    %get3A_408 = vector.shape_cast %get3A_407 : vector<16xi32> to vector<16xi32>
    %get3A_409 = arith.constant 85 : index
    %get3A_410 = tpu.vector_load %arg7[%get3A_409] {strides = array<i32>} : memref<320xi32, #tpu.memory_space<vmem>>, vector<16xi32>,
    %get3A_411 = vector.shape_cast %get3A_410 : vector<16xi32> to vector<16xi32>
    %get3A_412 = arith.constant 84 : index
    %get3A_413 = tpu.vector_load %arg7[%get3A_412] {strides = array<i32>} : memref<320xi32, #tpu.memory_space<vmem>>, vector<16xi32>,
    %get3A_414 = vector.shape_cast %get3A_413 : vector<16xi32> to vector<16xi32>
    %get3A_415 = arith.constant 83 : index
    %get3A_416 = tpu.vector_load %arg7[%get3A_415] {strides = array<i32>} : memref<320xi32, #tpu.memory_space<vmem>>, vector<16xi32>,
    %get3A_417 = vector.shape_cast %get3A_416 : vector<16xi32> to vector<16xi32>
    %get3A_418 = arith.constant 82 : index
    %get3A_419 = tpu.vector_load %arg7[%get3A_418] {strides = array<i32>} : memref<320xi32, #tpu.memory_space<vmem>>, vector<16xi32>,
    %get3A_420 = vector.shape_cast %get3A_419 : vector<16xi32> to vector<16xi32>
    %get3A_421 = arith.constant 81 : index
    %get3A_422 = tpu.vector_load %arg7[%get3A_421] {strides = array<i32>} : memref<320xi32, #tpu.memory_space<vmem>>, vector<16xi32>,
    %get3A_423 = vector.shape_cast %get3A_422 : vector<16xi32> to vector<16xi32>
    %mul3A_424 = arith.constant 5 : i32
    %mul3A_425 = vector.broadcast %mul3A_424 : i32 to vector<16xi32>
    %mul3A_426 = arith.muli %get3A_405, %mul3A_425 : vector<16xi32>
    %add3A_427 = arith.addi %get3A_402, %mul3A_426 : vector<16xi32>
    %mul3A_428 = arith.constant 25 : i32
    %mul3A_429 = vector.broadcast %mul3A_428 : i32 to vector<16xi32>
    %mul3A_430 = arith.muli %get3A_408, %mul3A_429 : vector<16xi32>
    %add3A_431 = arith.addi %add3A_427, %mul3A_430 : vector<16xi32>
    %mul3A_432 = arith.constant 125 : i32
    %mul3A_433 = vector.broadcast %mul3A_432 : i32 to vector<16xi32>
    %mul3A_434 = arith.muli %get3A_411, %mul3A_433 : vector<16xi32>
    %add3A_435 = arith.addi %add3A_431, %mul3A_434 : vector<16xi32>
    %mul3A_436 = arith.constant 625 : i32
    %mul3A_437 = vector.broadcast %mul3A_436 : i32 to vector<16xi32>
    %mul3A_438 = arith.muli %get3A_414, %mul3A_437 : vector<16xi32>
    %add3A_439 = arith.addi %add3A_435, %mul3A_438 : vector<16xi32>
    %mul3A_440 = arith.constant 3125 : i32
    %mul3A_441 = vector.broadcast %mul3A_440 : i32 to vector<16xi32>
    %mul3A_442 = arith.muli %get3A_417, %mul3A_441 : vector<16xi32>
    %add3A_443 = arith.addi %add3A_439, %mul3A_442 : vector<16xi32>
    %mul3A_444 = arith.constant 15625 : i32
    %mul3A_445 = vector.broadcast %mul3A_444 : i32 to vector<16xi32>
    %mul3A_446 = arith.muli %get3A_420, %mul3A_445 : vector<16xi32>
    %add3A_447 = arith.addi %add3A_443, %mul3A_446 : vector<16xi32>
    %mul3A_448 = arith.constant 78125 : i32
    %mul3A_449 = vector.broadcast %mul3A_448 : i32 to vector<16xi32>
    %mul3A_450 = arith.muli %get3A_423, %mul3A_449 : vector<16xi32>
    %add3A_451 = arith.addi %add3A_447, %mul3A_450 : vector<16xi32>
    %swap3A_452 = arith.constant 0 : i32
    %swap3A_453 = arith.index_cast %swap3A_452 : i32 to index
    %swap3A_454 = arith.constant 80 : index
    %swap3A_455 = tpu.vector_load %arg8[%swap3A_453, %swap3A_454] {strides = array<i32>} : memref<3x128xi32, #tpu.memory_space<vmem>>, vector<1x16xi32>,
    %swap3A_456 = vector.shape_cast %swap3A_455 : vector<1x16xi32> to vector<16xi32>
    %swap3A_457 = vector.shape_cast %add3A_435 : vector<16xi32> to vector<1x16xi32>
    tpu.vector_store %arg8[%swap3A_453, %swap3A_454], %swap3A_457 {strides = array<i32>} : memref<3x128xi32, #tpu.memory_space<vmem>>, vector<1x16xi32>,
    %swap3A_458 = arith.constant 0 : i32
    %swap3A_459 = arith.index_cast %swap3A_458 : i32 to index
    %swap3A_460 = arith.constant 80 : index
    %swap3A_461 = tpu.vector_load %arg9[%swap3A_459, %swap3A_460] {strides = array<i32>} : memref<3x128xi32, #tpu.memory_space<vmem>>, vector<1x16xi32>,
    %swap3A_462 = vector.shape_cast %swap3A_461 : vector<1x16xi32> to vector<16xi32>
    %swap3A_463 = vector.shape_cast %add3A_443 : vector<16xi32> to vector<1x16xi32>
    tpu.vector_store %arg9[%swap3A_459, %swap3A_460], %swap3A_463 {strides = array<i32>} : memref<3x128xi32, #tpu.memory_space<vmem>>, vector<1x16xi32>,
    %swap3A_464 = arith.constant 0 : i32
    %swap3A_465 = arith.index_cast %swap3A_464 : i32 to index
    %swap3A_466 = arith.constant 80 : index
    %swap3A_467 = tpu.vector_load %arg10[%swap3A_465, %swap3A_466] {strides = array<i32>} : memref<3x128xi32, #tpu.memory_space<vmem>>, vector<1x16xi32>,
    %swap3A_468 = vector.shape_cast %swap3A_467 : vector<1x16xi32> to vector<16xi32>
    %swap3A_469 = vector.shape_cast %add3A_451 : vector<16xi32> to vector<1x16xi32>
    tpu.vector_store %arg10[%swap3A_465, %swap3A_466], %swap3A_469 {strides = array<i32>} : memref<3x128xi32, #tpu.memory_space<vmem>>, vector<1x16xi32>,
    %get3A_470 = arith.constant 104 : index
    %get3A_471 = tpu.vector_load %arg7[%get3A_470] {strides = array<i32>} : memref<320xi32, #tpu.memory_space<vmem>>, vector<16xi32>,
    %get3A_472 = vector.shape_cast %get3A_471 : vector<16xi32> to vector<16xi32>
    %get3A_473 = arith.constant 103 : index
    %get3A_474 = tpu.vector_load %arg7[%get3A_473] {strides = array<i32>} : memref<320xi32, #tpu.memory_space<vmem>>, vector<16xi32>,
    %get3A_475 = vector.shape_cast %get3A_474 : vector<16xi32> to vector<16xi32>
    %get3A_476 = arith.constant 102 : index
    %get3A_477 = tpu.vector_load %arg7[%get3A_476] {strides = array<i32>} : memref<320xi32, #tpu.memory_space<vmem>>, vector<16xi32>,
    %get3A_478 = vector.shape_cast %get3A_477 : vector<16xi32> to vector<16xi32>
    %get3A_479 = arith.constant 101 : index
    %get3A_480 = tpu.vector_load %arg7[%get3A_479] {strides = array<i32>} : memref<320xi32, #tpu.memory_space<vmem>>, vector<16xi32>,
    %get3A_481 = vector.shape_cast %get3A_480 : vector<16xi32> to vector<16xi32>
    %get3A_482 = arith.constant 100 : index
    %get3A_483 = tpu.vector_load %arg7[%get3A_482] {strides = array<i32>} : memref<320xi32, #tpu.memory_space<vmem>>, vector<16xi32>,
    %get3A_484 = vector.shape_cast %get3A_483 : vector<16xi32> to vector<16xi32>
    %get3A_485 = arith.constant 99 : index
    %get3A_486 = tpu.vector_load %arg7[%get3A_485] {strides = array<i32>} : memref<320xi32, #tpu.memory_space<vmem>>, vector<16xi32>,
    %get3A_487 = vector.shape_cast %get3A_486 : vector<16xi32> to vector<16xi32>
    %get3A_488 = arith.constant 98 : index
    %get3A_489 = tpu.vector_load %arg7[%get3A_488] {strides = array<i32>} : memref<320xi32, #tpu.memory_space<vmem>>, vector<16xi32>,
    %get3A_490 = vector.shape_cast %get3A_489 : vector<16xi32> to vector<16xi32>
    %get3A_491 = arith.constant 97 : index
    %get3A_492 = tpu.vector_load %arg7[%get3A_491] {strides = array<i32>} : memref<320xi32, #tpu.memory_space<vmem>>, vector<16xi32>,
    %get3A_493 = vector.shape_cast %get3A_492 : vector<16xi32> to vector<16xi32>
    %mul3A_494 = arith.constant 5 : i32
    %mul3A_495 = vector.broadcast %mul3A_494 : i32 to vector<16xi32>
    %mul3A_496 = arith.muli %get3A_475, %mul3A_495 : vector<16xi32>
    %add3A_497 = arith.addi %get3A_472, %mul3A_496 : vector<16xi32>
    %mul3A_498 = arith.constant 25 : i32
    %mul3A_499 = vector.broadcast %mul3A_498 : i32 to vector<16xi32>
    %mul3A_500 = arith.muli %get3A_478, %mul3A_499 : vector<16xi32>
    %add3A_501 = arith.addi %add3A_497, %mul3A_500 : vector<16xi32>
    %mul3A_502 = arith.constant 125 : i32
    %mul3A_503 = vector.broadcast %mul3A_502 : i32 to vector<16xi32>
    %mul3A_504 = arith.muli %get3A_481, %mul3A_503 : vector<16xi32>
    %add3A_505 = arith.addi %add3A_501, %mul3A_504 : vector<16xi32>
    %mul3A_506 = arith.constant 625 : i32
    %mul3A_507 = vector.broadcast %mul3A_506 : i32 to vector<16xi32>
    %mul3A_508 = arith.muli %get3A_484, %mul3A_507 : vector<16xi32>
    %add3A_509 = arith.addi %add3A_505, %mul3A_508 : vector<16xi32>
    %mul3A_510 = arith.constant 3125 : i32
    %mul3A_511 = vector.broadcast %mul3A_510 : i32 to vector<16xi32>
    %mul3A_512 = arith.muli %get3A_487, %mul3A_511 : vector<16xi32>
    %add3A_513 = arith.addi %add3A_509, %mul3A_512 : vector<16xi32>
    %mul3A_514 = arith.constant 15625 : i32
    %mul3A_515 = vector.broadcast %mul3A_514 : i32 to vector<16xi32>
    %mul3A_516 = arith.muli %get3A_490, %mul3A_515 : vector<16xi32>
    %add3A_517 = arith.addi %add3A_513, %mul3A_516 : vector<16xi32>
    %mul3A_518 = arith.constant 78125 : i32
    %mul3A_519 = vector.broadcast %mul3A_518 : i32 to vector<16xi32>
    %mul3A_520 = arith.muli %get3A_493, %mul3A_519 : vector<16xi32>
    %add3A_521 = arith.addi %add3A_517, %mul3A_520 : vector<16xi32>
    %swap3A_522 = arith.constant 0 : i32
    %swap3A_523 = arith.index_cast %swap3A_522 : i32 to index
    %swap3A_524 = arith.constant 96 : index
    %swap3A_525 = tpu.vector_load %arg8[%swap3A_523, %swap3A_524] {strides = array<i32>} : memref<3x128xi32, #tpu.memory_space<vmem>>, vector<1x16xi32>,
    %swap3A_526 = vector.shape_cast %swap3A_525 : vector<1x16xi32> to vector<16xi32>
    %swap3A_527 = vector.shape_cast %add3A_505 : vector<16xi32> to vector<1x16xi32>
    tpu.vector_store %arg8[%swap3A_523, %swap3A_524], %swap3A_527 {strides = array<i32>} : memref<3x128xi32, #tpu.memory_space<vmem>>, vector<1x16xi32>,
    %swap3A_528 = arith.constant 0 : i32
    %swap3A_529 = arith.index_cast %swap3A_528 : i32 to index
    %swap3A_530 = arith.constant 96 : index
    %swap3A_531 = tpu.vector_load %arg9[%swap3A_529, %swap3A_530] {strides = array<i32>} : memref<3x128xi32, #tpu.memory_space<vmem>>, vector<1x16xi32>,
    %swap3A_532 = vector.shape_cast %swap3A_531 : vector<1x16xi32> to vector<16xi32>
    %swap3A_533 = vector.shape_cast %add3A_513 : vector<16xi32> to vector<1x16xi32>
    tpu.vector_store %arg9[%swap3A_529, %swap3A_530], %swap3A_533 {strides = array<i32>} : memref<3x128xi32, #tpu.memory_space<vmem>>, vector<1x16xi32>,
    %swap3A_534 = arith.constant 0 : i32
    %swap3A_535 = arith.index_cast %swap3A_534 : i32 to index
    %swap3A_536 = arith.constant 96 : index
    %swap3A_537 = tpu.vector_load %arg10[%swap3A_535, %swap3A_536] {strides = array<i32>} : memref<3x128xi32, #tpu.memory_space<vmem>>, vector<1x16xi32>,
    %swap3A_538 = vector.shape_cast %swap3A_537 : vector<1x16xi32> to vector<16xi32>
    %swap3A_539 = vector.shape_cast %add3A_521 : vector<16xi32> to vector<1x16xi32>
    tpu.vector_store %arg10[%swap3A_535, %swap3A_536], %swap3A_539 {strides = array<i32>} : memref<3x128xi32, #tpu.memory_space<vmem>>, vector<1x16xi32>,
    %get3A_540 = arith.constant 120 : index
    %get3A_541 = tpu.vector_load %arg7[%get3A_540] {strides = array<i32>} : memref<320xi32, #tpu.memory_space<vmem>>, vector<16xi32>,
    %get3A_542 = vector.shape_cast %get3A_541 : vector<16xi32> to vector<16xi32>
    %get3A_543 = arith.constant 119 : index
    %get3A_544 = tpu.vector_load %arg7[%get3A_543] {strides = array<i32>} : memref<320xi32, #tpu.memory_space<vmem>>, vector<16xi32>,
    %get3A_545 = vector.shape_cast %get3A_544 : vector<16xi32> to vector<16xi32>
    %get3A_546 = arith.constant 118 : index
    %get3A_547 = tpu.vector_load %arg7[%get3A_546] {strides = array<i32>} : memref<320xi32, #tpu.memory_space<vmem>>, vector<16xi32>,
    %get3A_548 = vector.shape_cast %get3A_547 : vector<16xi32> to vector<16xi32>
    %get3A_549 = arith.constant 117 : index
    %get3A_550 = tpu.vector_load %arg7[%get3A_549] {strides = array<i32>} : memref<320xi32, #tpu.memory_space<vmem>>, vector<16xi32>,
    %get3A_551 = vector.shape_cast %get3A_550 : vector<16xi32> to vector<16xi32>
    %get3A_552 = arith.constant 116 : index
    %get3A_553 = tpu.vector_load %arg7[%get3A_552] {strides = array<i32>} : memref<320xi32, #tpu.memory_space<vmem>>, vector<16xi32>,
    %get3A_554 = vector.shape_cast %get3A_553 : vector<16xi32> to vector<16xi32>
    %get3A_555 = arith.constant 115 : index
    %get3A_556 = tpu.vector_load %arg7[%get3A_555] {strides = array<i32>} : memref<320xi32, #tpu.memory_space<vmem>>, vector<16xi32>,
    %get3A_557 = vector.shape_cast %get3A_556 : vector<16xi32> to vector<16xi32>
    %get3A_558 = arith.constant 114 : index
    %get3A_559 = tpu.vector_load %arg7[%get3A_558] {strides = array<i32>} : memref<320xi32, #tpu.memory_space<vmem>>, vector<16xi32>,
    %get3A_560 = vector.shape_cast %get3A_559 : vector<16xi32> to vector<16xi32>
    %get3A_561 = arith.constant 113 : index
    %get3A_562 = tpu.vector_load %arg7[%get3A_561] {strides = array<i32>} : memref<320xi32, #tpu.memory_space<vmem>>, vector<16xi32>,
    %get3A_563 = vector.shape_cast %get3A_562 : vector<16xi32> to vector<16xi32>
    %mul3A_564 = arith.constant 5 : i32
    %mul3A_565 = vector.broadcast %mul3A_564 : i32 to vector<16xi32>
    %mul3A_566 = arith.muli %get3A_545, %mul3A_565 : vector<16xi32>
    %add3A_567 = arith.addi %get3A_542, %mul3A_566 : vector<16xi32>
    %mul3A_568 = arith.constant 25 : i32
    %mul3A_569 = vector.broadcast %mul3A_568 : i32 to vector<16xi32>
    %mul3A_570 = arith.muli %get3A_548, %mul3A_569 : vector<16xi32>
    %add3A_571 = arith.addi %add3A_567, %mul3A_570 : vector<16xi32>
    %mul3A_572 = arith.constant 125 : i32
    %mul3A_573 = vector.broadcast %mul3A_572 : i32 to vector<16xi32>
    %mul3A_574 = arith.muli %get3A_551, %mul3A_573 : vector<16xi32>
    %add3A_575 = arith.addi %add3A_571, %mul3A_574 : vector<16xi32>
    %mul3A_576 = arith.constant 625 : i32
    %mul3A_577 = vector.broadcast %mul3A_576 : i32 to vector<16xi32>
    %mul3A_578 = arith.muli %get3A_554, %mul3A_577 : vector<16xi32>
    %add3A_579 = arith.addi %add3A_575, %mul3A_578 : vector<16xi32>
    %mul3A_580 = arith.constant 3125 : i32
    %mul3A_581 = vector.broadcast %mul3A_580 : i32 to vector<16xi32>
    %mul3A_582 = arith.muli %get3A_557, %mul3A_581 : vector<16xi32>
    %add3A_583 = arith.addi %add3A_579, %mul3A_582 : vector<16xi32>
    %mul3A_584 = arith.constant 15625 : i32
    %mul3A_585 = vector.broadcast %mul3A_584 : i32 to vector<16xi32>
    %mul3A_586 = arith.muli %get3A_560, %mul3A_585 : vector<16xi32>
    %add3A_587 = arith.addi %add3A_583, %mul3A_586 : vector<16xi32>
    %mul3A_588 = arith.constant 78125 : i32
    %mul3A_589 = vector.broadcast %mul3A_588 : i32 to vector<16xi32>
    %mul3A_590 = arith.muli %get3A_563, %mul3A_589 : vector<16xi32>
    %add3A_591 = arith.addi %add3A_587, %mul3A_590 : vector<16xi32>
    %swap3A_592 = arith.constant 0 : i32
    %swap3A_593 = arith.index_cast %swap3A_592 : i32 to index
    %swap3A_594 = arith.constant 112 : index
    %swap3A_595 = tpu.vector_load %arg8[%swap3A_593, %swap3A_594] {strides = array<i32>} : memref<3x128xi32, #tpu.memory_space<vmem>>, vector<1x16xi32>,
    %swap3A_596 = vector.shape_cast %swap3A_595 : vector<1x16xi32> to vector<16xi32>
    %swap3A_597 = vector.shape_cast %add3A_575 : vector<16xi32> to vector<1x16xi32>
    tpu.vector_store %arg8[%swap3A_593, %swap3A_594], %swap3A_597 {strides = array<i32>} : memref<3x128xi32, #tpu.memory_space<vmem>>, vector<1x16xi32>,
    %swap3A_598 = arith.constant 0 : i32
    %swap3A_599 = arith.index_cast %swap3A_598 : i32 to index
    %swap3A_600 = arith.constant 112 : index
    %swap3A_601 = tpu.vector_load %arg9[%swap3A_599, %swap3A_600] {strides = array<i32>} : memref<3x128xi32, #tpu.memory_space<vmem>>, vector<1x16xi32>,
    %swap3A_602 = vector.shape_cast %swap3A_601 : vector<1x16xi32> to vector<16xi32>
    %swap3A_603 = vector.shape_cast %add3A_583 : vector<16xi32> to vector<1x16xi32>
    tpu.vector_store %arg9[%swap3A_599, %swap3A_600], %swap3A_603 {strides = array<i32>} : memref<3x128xi32, #tpu.memory_space<vmem>>, vector<1x16xi32>,
    %swap3A_604 = arith.constant 0 : i32
    %swap3A_605 = arith.index_cast %swap3A_604 : i32 to index
    %swap3A_606 = arith.constant 112 : index
    %swap3A_607 = tpu.vector_load %arg10[%swap3A_605, %swap3A_606] {strides = array<i32>} : memref<3x128xi32, #tpu.memory_space<vmem>>, vector<1x16xi32>,
    %swap3A_608 = vector.shape_cast %swap3A_607 : vector<1x16xi32> to vector<16xi32>
    %swap3A_609 = vector.shape_cast %add3A_591 : vector<16xi32> to vector<1x16xi32>
    tpu.vector_store %arg10[%swap3A_605, %swap3A_606], %swap3A_609 {strides = array<i32>} : memref<3x128xi32, #tpu.memory_space<vmem>>, vector<1x16xi32>,
    %get3A_610 = arith.constant 136 : index
    %get3A_611 = tpu.vector_load %arg7[%get3A_610] {strides = array<i32>} : memref<320xi32, #tpu.memory_space<vmem>>, vector<16xi32>,
    %get3A_612 = vector.shape_cast %get3A_611 : vector<16xi32> to vector<16xi32>
    %get3A_613 = arith.constant 135 : index
    %get3A_614 = tpu.vector_load %arg7[%get3A_613] {strides = array<i32>} : memref<320xi32, #tpu.memory_space<vmem>>, vector<16xi32>,
    %get3A_615 = vector.shape_cast %get3A_614 : vector<16xi32> to vector<16xi32>
    %get3A_616 = arith.constant 134 : index
    %get3A_617 = tpu.vector_load %arg7[%get3A_616] {strides = array<i32>} : memref<320xi32, #tpu.memory_space<vmem>>, vector<16xi32>,
    %get3A_618 = vector.shape_cast %get3A_617 : vector<16xi32> to vector<16xi32>
    %get3A_619 = arith.constant 133 : index
    %get3A_620 = tpu.vector_load %arg7[%get3A_619] {strides = array<i32>} : memref<320xi32, #tpu.memory_space<vmem>>, vector<16xi32>,
    %get3A_621 = vector.shape_cast %get3A_620 : vector<16xi32> to vector<16xi32>
    %get3A_622 = arith.constant 132 : index
    %get3A_623 = tpu.vector_load %arg7[%get3A_622] {strides = array<i32>} : memref<320xi32, #tpu.memory_space<vmem>>, vector<16xi32>,
    %get3A_624 = vector.shape_cast %get3A_623 : vector<16xi32> to vector<16xi32>
    %get3A_625 = arith.constant 131 : index
    %get3A_626 = tpu.vector_load %arg7[%get3A_625] {strides = array<i32>} : memref<320xi32, #tpu.memory_space<vmem>>, vector<16xi32>,
    %get3A_627 = vector.shape_cast %get3A_626 : vector<16xi32> to vector<16xi32>
    %get3A_628 = arith.constant 130 : index
    %get3A_629 = tpu.vector_load %arg7[%get3A_628] {strides = array<i32>} : memref<320xi32, #tpu.memory_space<vmem>>, vector<16xi32>,
    %get3A_630 = vector.shape_cast %get3A_629 : vector<16xi32> to vector<16xi32>
    %get3A_631 = arith.constant 129 : index
    %get3A_632 = tpu.vector_load %arg7[%get3A_631] {strides = array<i32>} : memref<320xi32, #tpu.memory_space<vmem>>, vector<16xi32>,
    %get3A_633 = vector.shape_cast %get3A_632 : vector<16xi32> to vector<16xi32>
    %mul3A_634 = arith.constant 5 : i32
    %mul3A_635 = vector.broadcast %mul3A_634 : i32 to vector<16xi32>
    %mul3A_636 = arith.muli %get3A_615, %mul3A_635 : vector<16xi32>
    %add3A_637 = arith.addi %get3A_612, %mul3A_636 : vector<16xi32>
    %mul3A_638 = arith.constant 25 : i32
    %mul3A_639 = vector.broadcast %mul3A_638 : i32 to vector<16xi32>
    %mul3A_640 = arith.muli %get3A_618, %mul3A_639 : vector<16xi32>
    %add3A_641 = arith.addi %add3A_637, %mul3A_640 : vector<16xi32>
    %mul3A_642 = arith.constant 125 : i32
    %mul3A_643 = vector.broadcast %mul3A_642 : i32 to vector<16xi32>
    %mul3A_644 = arith.muli %get3A_621, %mul3A_643 : vector<16xi32>
    %add3A_645 = arith.addi %add3A_641, %mul3A_644 : vector<16xi32>
    %mul3A_646 = arith.constant 625 : i32
    %mul3A_647 = vector.broadcast %mul3A_646 : i32 to vector<16xi32>
    %mul3A_648 = arith.muli %get3A_624, %mul3A_647 : vector<16xi32>
    %add3A_649 = arith.addi %add3A_645, %mul3A_648 : vector<16xi32>
    %mul3A_650 = arith.constant 3125 : i32
    %mul3A_651 = vector.broadcast %mul3A_650 : i32 to vector<16xi32>
    %mul3A_652 = arith.muli %get3A_627, %mul3A_651 : vector<16xi32>
    %add3A_653 = arith.addi %add3A_649, %mul3A_652 : vector<16xi32>
    %mul3A_654 = arith.constant 15625 : i32
    %mul3A_655 = vector.broadcast %mul3A_654 : i32 to vector<16xi32>
    %mul3A_656 = arith.muli %get3A_630, %mul3A_655 : vector<16xi32>
    %add3A_657 = arith.addi %add3A_653, %mul3A_656 : vector<16xi32>
    %mul3A_658 = arith.constant 78125 : i32
    %mul3A_659 = vector.broadcast %mul3A_658 : i32 to vector<16xi32>
    %mul3A_660 = arith.muli %get3A_633, %mul3A_659 : vector<16xi32>
    %add3A_661 = arith.addi %add3A_657, %mul3A_660 : vector<16xi32>
    %swap3A_662 = arith.constant 1 : i32
    %swap3A_663 = arith.index_cast %swap3A_662 : i32 to index
    %swap3A_664 = arith.constant 0 : index
    %swap3A_665 = tpu.vector_load %arg8[%swap3A_663, %swap3A_664] {strides = array<i32>} : memref<3x128xi32, #tpu.memory_space<vmem>>, vector<1x16xi32>,
    %swap3A_666 = vector.shape_cast %swap3A_665 : vector<1x16xi32> to vector<16xi32>
    %swap3A_667 = vector.shape_cast %add3A_645 : vector<16xi32> to vector<1x16xi32>
    tpu.vector_store %arg8[%swap3A_663, %swap3A_664], %swap3A_667 {strides = array<i32>} : memref<3x128xi32, #tpu.memory_space<vmem>>, vector<1x16xi32>,
    %swap3A_668 = arith.constant 1 : i32
    %swap3A_669 = arith.index_cast %swap3A_668 : i32 to index
    %swap3A_670 = arith.constant 0 : index
    %swap3A_671 = tpu.vector_load %arg9[%swap3A_669, %swap3A_670] {strides = array<i32>} : memref<3x128xi32, #tpu.memory_space<vmem>>, vector<1x16xi32>,
    %swap3A_672 = vector.shape_cast %swap3A_671 : vector<1x16xi32> to vector<16xi32>
    %swap3A_673 = vector.shape_cast %add3A_653 : vector<16xi32> to vector<1x16xi32>
    tpu.vector_store %arg9[%swap3A_669, %swap3A_670], %swap3A_673 {strides = array<i32>} : memref<3x128xi32, #tpu.memory_space<vmem>>, vector<1x16xi32>,
    %swap3A_674 = arith.constant 1 : i32
    %swap3A_675 = arith.index_cast %swap3A_674 : i32 to index
    %swap3A_676 = arith.constant 0 : index
    %swap3A_677 = tpu.vector_load %arg10[%swap3A_675, %swap3A_676] {strides = array<i32>} : memref<3x128xi32, #tpu.memory_space<vmem>>, vector<1x16xi32>,
    %swap3A_678 = vector.shape_cast %swap3A_677 : vector<1x16xi32> to vector<16xi32>
    %swap3A_679 = vector.shape_cast %add3A_661 : vector<16xi32> to vector<1x16xi32>
    tpu.vector_store %arg10[%swap3A_675, %swap3A_676], %swap3A_679 {strides = array<i32>} : memref<3x128xi32, #tpu.memory_space<vmem>>, vector<1x16xi32>,
    %get3A_680 = arith.constant 152 : index
    %get3A_681 = tpu.vector_load %arg7[%get3A_680] {strides = array<i32>} : memref<320xi32, #tpu.memory_space<vmem>>, vector<16xi32>,
    %get3A_682 = vector.shape_cast %get3A_681 : vector<16xi32> to vector<16xi32>
    %get3A_683 = arith.constant 151 : index
    %get3A_684 = tpu.vector_load %arg7[%get3A_683] {strides = array<i32>} : memref<320xi32, #tpu.memory_space<vmem>>, vector<16xi32>,
    %get3A_685 = vector.shape_cast %get3A_684 : vector<16xi32> to vector<16xi32>
    %get3A_686 = arith.constant 150 : index
    %get3A_687 = tpu.vector_load %arg7[%get3A_686] {strides = array<i32>} : memref<320xi32, #tpu.memory_space<vmem>>, vector<16xi32>,
    %get3A_688 = vector.shape_cast %get3A_687 : vector<16xi32> to vector<16xi32>
    %get3A_689 = arith.constant 149 : index
    %get3A_690 = tpu.vector_load %arg7[%get3A_689] {strides = array<i32>} : memref<320xi32, #tpu.memory_space<vmem>>, vector<16xi32>,
    %get3A_691 = vector.shape_cast %get3A_690 : vector<16xi32> to vector<16xi32>
    %get3A_692 = arith.constant 148 : index
    %get3A_693 = tpu.vector_load %arg7[%get3A_692] {strides = array<i32>} : memref<320xi32, #tpu.memory_space<vmem>>, vector<16xi32>,
    %get3A_694 = vector.shape_cast %get3A_693 : vector<16xi32> to vector<16xi32>
    %get3A_695 = arith.constant 147 : index
    %get3A_696 = tpu.vector_load %arg7[%get3A_695] {strides = array<i32>} : memref<320xi32, #tpu.memory_space<vmem>>, vector<16xi32>,
    %get3A_697 = vector.shape_cast %get3A_696 : vector<16xi32> to vector<16xi32>
    %get3A_698 = arith.constant 146 : index
    %get3A_699 = tpu.vector_load %arg7[%get3A_698] {strides = array<i32>} : memref<320xi32, #tpu.memory_space<vmem>>, vector<16xi32>,
    %get3A_700 = vector.shape_cast %get3A_699 : vector<16xi32> to vector<16xi32>
    %get3A_701 = arith.constant 145 : index
    %get3A_702 = tpu.vector_load %arg7[%get3A_701] {strides = array<i32>} : memref<320xi32, #tpu.memory_space<vmem>>, vector<16xi32>,
    %get3A_703 = vector.shape_cast %get3A_702 : vector<16xi32> to vector<16xi32>
    %mul3A_704 = arith.constant 5 : i32
    %mul3A_705 = vector.broadcast %mul3A_704 : i32 to vector<16xi32>
    %mul3A_706 = arith.muli %get3A_685, %mul3A_705 : vector<16xi32>
    %add3A_707 = arith.addi %get3A_682, %mul3A_706 : vector<16xi32>
    %mul3A_708 = arith.constant 25 : i32
    %mul3A_709 = vector.broadcast %mul3A_708 : i32 to vector<16xi32>
    %mul3A_710 = arith.muli %get3A_688, %mul3A_709 : vector<16xi32>
    %add3A_711 = arith.addi %add3A_707, %mul3A_710 : vector<16xi32>
    %mul3A_712 = arith.constant 125 : i32
    %mul3A_713 = vector.broadcast %mul3A_712 : i32 to vector<16xi32>
    %mul3A_714 = arith.muli %get3A_691, %mul3A_713 : vector<16xi32>
    %add3A_715 = arith.addi %add3A_711, %mul3A_714 : vector<16xi32>
    %mul3A_716 = arith.constant 625 : i32
    %mul3A_717 = vector.broadcast %mul3A_716 : i32 to vector<16xi32>
    %mul3A_718 = arith.muli %get3A_694, %mul3A_717 : vector<16xi32>
    %add3A_719 = arith.addi %add3A_715, %mul3A_718 : vector<16xi32>
    %mul3A_720 = arith.constant 3125 : i32
    %mul3A_721 = vector.broadcast %mul3A_720 : i32 to vector<16xi32>
    %mul3A_722 = arith.muli %get3A_697, %mul3A_721 : vector<16xi32>
    %add3A_723 = arith.addi %add3A_719, %mul3A_722 : vector<16xi32>
    %mul3A_724 = arith.constant 15625 : i32
    %mul3A_725 = vector.broadcast %mul3A_724 : i32 to vector<16xi32>
    %mul3A_726 = arith.muli %get3A_700, %mul3A_725 : vector<16xi32>
    %add3A_727 = arith.addi %add3A_723, %mul3A_726 : vector<16xi32>
    %mul3A_728 = arith.constant 78125 : i32
    %mul3A_729 = vector.broadcast %mul3A_728 : i32 to vector<16xi32>
    %mul3A_730 = arith.muli %get3A_703, %mul3A_729 : vector<16xi32>
    %add3A_731 = arith.addi %add3A_727, %mul3A_730 : vector<16xi32>
    %swap3A_732 = arith.constant 1 : i32
    %swap3A_733 = arith.index_cast %swap3A_732 : i32 to index
    %swap3A_734 = arith.constant 16 : index
    %swap3A_735 = tpu.vector_load %arg8[%swap3A_733, %swap3A_734] {strides = array<i32>} : memref<3x128xi32, #tpu.memory_space<vmem>>, vector<1x16xi32>,
    %swap3A_736 = vector.shape_cast %swap3A_735 : vector<1x16xi32> to vector<16xi32>
    %swap3A_737 = vector.shape_cast %add3A_715 : vector<16xi32> to vector<1x16xi32>
    tpu.vector_store %arg8[%swap3A_733, %swap3A_734], %swap3A_737 {strides = array<i32>} : memref<3x128xi32, #tpu.memory_space<vmem>>, vector<1x16xi32>,
    %swap3A_738 = arith.constant 1 : i32
    %swap3A_739 = arith.index_cast %swap3A_738 : i32 to index
    %swap3A_740 = arith.constant 16 : index
    %swap3A_741 = tpu.vector_load %arg9[%swap3A_739, %swap3A_740] {strides = array<i32>} : memref<3x128xi32, #tpu.memory_space<vmem>>, vector<1x16xi32>,
    %swap3A_742 = vector.shape_cast %swap3A_741 : vector<1x16xi32> to vector<16xi32>
    %swap3A_743 = vector.shape_cast %add3A_723 : vector<16xi32> to vector<1x16xi32>
    tpu.vector_store %arg9[%swap3A_739, %swap3A_740], %swap3A_743 {strides = array<i32>} : memref<3x128xi32, #tpu.memory_space<vmem>>, vector<1x16xi32>,
    %swap3A_744 = arith.constant 1 : i32
    %swap3A_745 = arith.index_cast %swap3A_744 : i32 to index
    %swap3A_746 = arith.constant 16 : index
    %swap3A_747 = tpu.vector_load %arg10[%swap3A_745, %swap3A_746] {strides = array<i32>} : memref<3x128xi32, #tpu.memory_space<vmem>>, vector<1x16xi32>,
    %swap3A_748 = vector.shape_cast %swap3A_747 : vector<1x16xi32> to vector<16xi32>
    %swap3A_749 = vector.shape_cast %add3A_731 : vector<16xi32> to vector<1x16xi32>
    tpu.vector_store %arg10[%swap3A_745, %swap3A_746], %swap3A_749 {strides = array<i32>} : memref<3x128xi32, #tpu.memory_space<vmem>>, vector<1x16xi32>,
    %get3A_750 = arith.constant 168 : index
    %get3A_751 = tpu.vector_load %arg7[%get3A_750] {strides = array<i32>} : memref<320xi32, #tpu.memory_space<vmem>>, vector<16xi32>,
    %get3A_752 = vector.shape_cast %get3A_751 : vector<16xi32> to vector<16xi32>
    %get3A_753 = arith.constant 167 : index
    %get3A_754 = tpu.vector_load %arg7[%get3A_753] {strides = array<i32>} : memref<320xi32, #tpu.memory_space<vmem>>, vector<16xi32>,
    %get3A_755 = vector.shape_cast %get3A_754 : vector<16xi32> to vector<16xi32>
    %get3A_756 = arith.constant 166 : index
    %get3A_757 = tpu.vector_load %arg7[%get3A_756] {strides = array<i32>} : memref<320xi32, #tpu.memory_space<vmem>>, vector<16xi32>,
    %get3A_758 = vector.shape_cast %get3A_757 : vector<16xi32> to vector<16xi32>
    %get3A_759 = arith.constant 165 : index
    %get3A_760 = tpu.vector_load %arg7[%get3A_759] {strides = array<i32>} : memref<320xi32, #tpu.memory_space<vmem>>, vector<16xi32>,
    %get3A_761 = vector.shape_cast %get3A_760 : vector<16xi32> to vector<16xi32>
    %get3A_762 = arith.constant 164 : index
    %get3A_763 = tpu.vector_load %arg7[%get3A_762] {strides = array<i32>} : memref<320xi32, #tpu.memory_space<vmem>>, vector<16xi32>,
    %get3A_764 = vector.shape_cast %get3A_763 : vector<16xi32> to vector<16xi32>
    %get3A_765 = arith.constant 163 : index
    %get3A_766 = tpu.vector_load %arg7[%get3A_765] {strides = array<i32>} : memref<320xi32, #tpu.memory_space<vmem>>, vector<16xi32>,
    %get3A_767 = vector.shape_cast %get3A_766 : vector<16xi32> to vector<16xi32>
    %get3A_768 = arith.constant 162 : index
    %get3A_769 = tpu.vector_load %arg7[%get3A_768] {strides = array<i32>} : memref<320xi32, #tpu.memory_space<vmem>>, vector<16xi32>,
    %get3A_770 = vector.shape_cast %get3A_769 : vector<16xi32> to vector<16xi32>
    %get3A_771 = arith.constant 161 : index
    %get3A_772 = tpu.vector_load %arg7[%get3A_771] {strides = array<i32>} : memref<320xi32, #tpu.memory_space<vmem>>, vector<16xi32>,
    %get3A_773 = vector.shape_cast %get3A_772 : vector<16xi32> to vector<16xi32>
    %mul3A_774 = arith.constant 5 : i32
    %mul3A_775 = vector.broadcast %mul3A_774 : i32 to vector<16xi32>
    %mul3A_776 = arith.muli %get3A_755, %mul3A_775 : vector<16xi32>
    %add3A_777 = arith.addi %get3A_752, %mul3A_776 : vector<16xi32>
    %mul3A_778 = arith.constant 25 : i32
    %mul3A_779 = vector.broadcast %mul3A_778 : i32 to vector<16xi32>
    %mul3A_780 = arith.muli %get3A_758, %mul3A_779 : vector<16xi32>
    %add3A_781 = arith.addi %add3A_777, %mul3A_780 : vector<16xi32>
    %mul3A_782 = arith.constant 125 : i32
    %mul3A_783 = vector.broadcast %mul3A_782 : i32 to vector<16xi32>
    %mul3A_784 = arith.muli %get3A_761, %mul3A_783 : vector<16xi32>
    %add3A_785 = arith.addi %add3A_781, %mul3A_784 : vector<16xi32>
    %mul3A_786 = arith.constant 625 : i32
    %mul3A_787 = vector.broadcast %mul3A_786 : i32 to vector<16xi32>
    %mul3A_788 = arith.muli %get3A_764, %mul3A_787 : vector<16xi32>
    %add3A_789 = arith.addi %add3A_785, %mul3A_788 : vector<16xi32>
    %mul3A_790 = arith.constant 3125 : i32
    %mul3A_791 = vector.broadcast %mul3A_790 : i32 to vector<16xi32>
    %mul3A_792 = arith.muli %get3A_767, %mul3A_791 : vector<16xi32>
    %add3A_793 = arith.addi %add3A_789, %mul3A_792 : vector<16xi32>
    %mul3A_794 = arith.constant 15625 : i32
    %mul3A_795 = vector.broadcast %mul3A_794 : i32 to vector<16xi32>
    %mul3A_796 = arith.muli %get3A_770, %mul3A_795 : vector<16xi32>
    %add3A_797 = arith.addi %add3A_793, %mul3A_796 : vector<16xi32>
    %mul3A_798 = arith.constant 78125 : i32
    %mul3A_799 = vector.broadcast %mul3A_798 : i32 to vector<16xi32>
    %mul3A_800 = arith.muli %get3A_773, %mul3A_799 : vector<16xi32>
    %add3A_801 = arith.addi %add3A_797, %mul3A_800 : vector<16xi32>
    %swap3A_802 = arith.constant 1 : i32
    %swap3A_803 = arith.index_cast %swap3A_802 : i32 to index
    %swap3A_804 = arith.constant 32 : index
    %swap3A_805 = tpu.vector_load %arg8[%swap3A_803, %swap3A_804] {strides = array<i32>} : memref<3x128xi32, #tpu.memory_space<vmem>>, vector<1x16xi32>,
    %swap3A_806 = vector.shape_cast %swap3A_805 : vector<1x16xi32> to vector<16xi32>
    %swap3A_807 = vector.shape_cast %add3A_785 : vector<16xi32> to vector<1x16xi32>
    tpu.vector_store %arg8[%swap3A_803, %swap3A_804], %swap3A_807 {strides = array<i32>} : memref<3x128xi32, #tpu.memory_space<vmem>>, vector<1x16xi32>,
    %swap3A_808 = arith.constant 1 : i32
    %swap3A_809 = arith.index_cast %swap3A_808 : i32 to index
    %swap3A_810 = arith.constant 32 : index
    %swap3A_811 = tpu.vector_load %arg9[%swap3A_809, %swap3A_810] {strides = array<i32>} : memref<3x128xi32, #tpu.memory_space<vmem>>, vector<1x16xi32>,
    %swap3A_812 = vector.shape_cast %swap3A_811 : vector<1x16xi32> to vector<16xi32>
    %swap3A_813 = vector.shape_cast %add3A_793 : vector<16xi32> to vector<1x16xi32>
    tpu.vector_store %arg9[%swap3A_809, %swap3A_810], %swap3A_813 {strides = array<i32>} : memref<3x128xi32, #tpu.memory_space<vmem>>, vector<1x16xi32>,
    %swap3A_814 = arith.constant 1 : i32
    %swap3A_815 = arith.index_cast %swap3A_814 : i32 to index
    %swap3A_816 = arith.constant 32 : index
    %swap3A_817 = tpu.vector_load %arg10[%swap3A_815, %swap3A_816] {strides = array<i32>} : memref<3x128xi32, #tpu.memory_space<vmem>>, vector<1x16xi32>,
    %swap3A_818 = vector.shape_cast %swap3A_817 : vector<1x16xi32> to vector<16xi32>
    %swap3A_819 = vector.shape_cast %add3A_801 : vector<16xi32> to vector<1x16xi32>
    tpu.vector_store %arg10[%swap3A_815, %swap3A_816], %swap3A_819 {strides = array<i32>} : memref<3x128xi32, #tpu.memory_space<vmem>>, vector<1x16xi32>,
    %get3A_820 = arith.constant 184 : index
    %get3A_821 = tpu.vector_load %arg7[%get3A_820] {strides = array<i32>} : memref<320xi32, #tpu.memory_space<vmem>>, vector<16xi32>,
    %get3A_822 = vector.shape_cast %get3A_821 : vector<16xi32> to vector<16xi32>
    %get3A_823 = arith.constant 183 : index
    %get3A_824 = tpu.vector_load %arg7[%get3A_823] {strides = array<i32>} : memref<320xi32, #tpu.memory_space<vmem>>, vector<16xi32>,
    %get3A_825 = vector.shape_cast %get3A_824 : vector<16xi32> to vector<16xi32>
    %get3A_826 = arith.constant 182 : index
    %get3A_827 = tpu.vector_load %arg7[%get3A_826] {strides = array<i32>} : memref<320xi32, #tpu.memory_space<vmem>>, vector<16xi32>,
    %get3A_828 = vector.shape_cast %get3A_827 : vector<16xi32> to vector<16xi32>
    %get3A_829 = arith.constant 181 : index
    %get3A_830 = tpu.vector_load %arg7[%get3A_829] {strides = array<i32>} : memref<320xi32, #tpu.memory_space<vmem>>, vector<16xi32>,
    %get3A_831 = vector.shape_cast %get3A_830 : vector<16xi32> to vector<16xi32>
    %get3A_832 = arith.constant 180 : index
    %get3A_833 = tpu.vector_load %arg7[%get3A_832] {strides = array<i32>} : memref<320xi32, #tpu.memory_space<vmem>>, vector<16xi32>,
    %get3A_834 = vector.shape_cast %get3A_833 : vector<16xi32> to vector<16xi32>
    %get3A_835 = arith.constant 179 : index
    %get3A_836 = tpu.vector_load %arg7[%get3A_835] {strides = array<i32>} : memref<320xi32, #tpu.memory_space<vmem>>, vector<16xi32>,
    %get3A_837 = vector.shape_cast %get3A_836 : vector<16xi32> to vector<16xi32>
    %get3A_838 = arith.constant 178 : index
    %get3A_839 = tpu.vector_load %arg7[%get3A_838] {strides = array<i32>} : memref<320xi32, #tpu.memory_space<vmem>>, vector<16xi32>,
    %get3A_840 = vector.shape_cast %get3A_839 : vector<16xi32> to vector<16xi32>
    %get3A_841 = arith.constant 177 : index
    %get3A_842 = tpu.vector_load %arg7[%get3A_841] {strides = array<i32>} : memref<320xi32, #tpu.memory_space<vmem>>, vector<16xi32>,
    %get3A_843 = vector.shape_cast %get3A_842 : vector<16xi32> to vector<16xi32>
    %mul3A_844 = arith.constant 5 : i32
    %mul3A_845 = vector.broadcast %mul3A_844 : i32 to vector<16xi32>
    %mul3A_846 = arith.muli %get3A_825, %mul3A_845 : vector<16xi32>
    %add3A_847 = arith.addi %get3A_822, %mul3A_846 : vector<16xi32>
    %mul3A_848 = arith.constant 25 : i32
    %mul3A_849 = vector.broadcast %mul3A_848 : i32 to vector<16xi32>
    %mul3A_850 = arith.muli %get3A_828, %mul3A_849 : vector<16xi32>
    %add3A_851 = arith.addi %add3A_847, %mul3A_850 : vector<16xi32>
    %mul3A_852 = arith.constant 125 : i32
    %mul3A_853 = vector.broadcast %mul3A_852 : i32 to vector<16xi32>
    %mul3A_854 = arith.muli %get3A_831, %mul3A_853 : vector<16xi32>
    %add3A_855 = arith.addi %add3A_851, %mul3A_854 : vector<16xi32>
    %mul3A_856 = arith.constant 625 : i32
    %mul3A_857 = vector.broadcast %mul3A_856 : i32 to vector<16xi32>
    %mul3A_858 = arith.muli %get3A_834, %mul3A_857 : vector<16xi32>
    %add3A_859 = arith.addi %add3A_855, %mul3A_858 : vector<16xi32>
    %mul3A_860 = arith.constant 3125 : i32
    %mul3A_861 = vector.broadcast %mul3A_860 : i32 to vector<16xi32>
    %mul3A_862 = arith.muli %get3A_837, %mul3A_861 : vector<16xi32>
    %add3A_863 = arith.addi %add3A_859, %mul3A_862 : vector<16xi32>
    %mul3A_864 = arith.constant 15625 : i32
    %mul3A_865 = vector.broadcast %mul3A_864 : i32 to vector<16xi32>
    %mul3A_866 = arith.muli %get3A_840, %mul3A_865 : vector<16xi32>
    %add3A_867 = arith.addi %add3A_863, %mul3A_866 : vector<16xi32>
    %mul3A_868 = arith.constant 78125 : i32
    %mul3A_869 = vector.broadcast %mul3A_868 : i32 to vector<16xi32>
    %mul3A_870 = arith.muli %get3A_843, %mul3A_869 : vector<16xi32>
    %add3A_871 = arith.addi %add3A_867, %mul3A_870 : vector<16xi32>
    %swap3A_872 = arith.constant 1 : i32
    %swap3A_873 = arith.index_cast %swap3A_872 : i32 to index
    %swap3A_874 = arith.constant 48 : index
    %swap3A_875 = tpu.vector_load %arg8[%swap3A_873, %swap3A_874] {strides = array<i32>} : memref<3x128xi32, #tpu.memory_space<vmem>>, vector<1x16xi32>,
    %swap3A_876 = vector.shape_cast %swap3A_875 : vector<1x16xi32> to vector<16xi32>
    %swap3A_877 = vector.shape_cast %add3A_855 : vector<16xi32> to vector<1x16xi32>
    tpu.vector_store %arg8[%swap3A_873, %swap3A_874], %swap3A_877 {strides = array<i32>} : memref<3x128xi32, #tpu.memory_space<vmem>>, vector<1x16xi32>,
    %swap3A_878 = arith.constant 1 : i32
    %swap3A_879 = arith.index_cast %swap3A_878 : i32 to index
    %swap3A_880 = arith.constant 48 : index
    %swap3A_881 = tpu.vector_load %arg9[%swap3A_879, %swap3A_880] {strides = array<i32>} : memref<3x128xi32, #tpu.memory_space<vmem>>, vector<1x16xi32>,
    %swap3A_882 = vector.shape_cast %swap3A_881 : vector<1x16xi32> to vector<16xi32>
    %swap3A_883 = vector.shape_cast %add3A_863 : vector<16xi32> to vector<1x16xi32>
    tpu.vector_store %arg9[%swap3A_879, %swap3A_880], %swap3A_883 {strides = array<i32>} : memref<3x128xi32, #tpu.memory_space<vmem>>, vector<1x16xi32>,
    %swap3A_884 = arith.constant 1 : i32
    %swap3A_885 = arith.index_cast %swap3A_884 : i32 to index
    %swap3A_886 = arith.constant 48 : index
    %swap3A_887 = tpu.vector_load %arg10[%swap3A_885, %swap3A_886] {strides = array<i32>} : memref<3x128xi32, #tpu.memory_space<vmem>>, vector<1x16xi32>,
    %swap3A_888 = vector.shape_cast %swap3A_887 : vector<1x16xi32> to vector<16xi32>
    %swap3A_889 = vector.shape_cast %add3A_871 : vector<16xi32> to vector<1x16xi32>
    tpu.vector_store %arg10[%swap3A_885, %swap3A_886], %swap3A_889 {strides = array<i32>} : memref<3x128xi32, #tpu.memory_space<vmem>>, vector<1x16xi32>,
    %get3A_890 = arith.constant 200 : index
    %get3A_891 = tpu.vector_load %arg7[%get3A_890] {strides = array<i32>} : memref<320xi32, #tpu.memory_space<vmem>>, vector<16xi32>,
    %get3A_892 = vector.shape_cast %get3A_891 : vector<16xi32> to vector<16xi32>
    %get3A_893 = arith.constant 199 : index
    %get3A_894 = tpu.vector_load %arg7[%get3A_893] {strides = array<i32>} : memref<320xi32, #tpu.memory_space<vmem>>, vector<16xi32>,
    %get3A_895 = vector.shape_cast %get3A_894 : vector<16xi32> to vector<16xi32>
    %get3A_896 = arith.constant 198 : index
    %get3A_897 = tpu.vector_load %arg7[%get3A_896] {strides = array<i32>} : memref<320xi32, #tpu.memory_space<vmem>>, vector<16xi32>,
    %get3A_898 = vector.shape_cast %get3A_897 : vector<16xi32> to vector<16xi32>
    %get3A_899 = arith.constant 197 : index
    %get3A_900 = tpu.vector_load %arg7[%get3A_899] {strides = array<i32>} : memref<320xi32, #tpu.memory_space<vmem>>, vector<16xi32>,
    %get3A_901 = vector.shape_cast %get3A_900 : vector<16xi32> to vector<16xi32>
    %get3A_902 = arith.constant 196 : index
    %get3A_903 = tpu.vector_load %arg7[%get3A_902] {strides = array<i32>} : memref<320xi32, #tpu.memory_space<vmem>>, vector<16xi32>,
    %get3A_904 = vector.shape_cast %get3A_903 : vector<16xi32> to vector<16xi32>
    %get3A_905 = arith.constant 195 : index
    %get3A_906 = tpu.vector_load %arg7[%get3A_905] {strides = array<i32>} : memref<320xi32, #tpu.memory_space<vmem>>, vector<16xi32>,
    %get3A_907 = vector.shape_cast %get3A_906 : vector<16xi32> to vector<16xi32>
    %get3A_908 = arith.constant 194 : index
    %get3A_909 = tpu.vector_load %arg7[%get3A_908] {strides = array<i32>} : memref<320xi32, #tpu.memory_space<vmem>>, vector<16xi32>,
    %get3A_910 = vector.shape_cast %get3A_909 : vector<16xi32> to vector<16xi32>
    %get3A_911 = arith.constant 193 : index
    %get3A_912 = tpu.vector_load %arg7[%get3A_911] {strides = array<i32>} : memref<320xi32, #tpu.memory_space<vmem>>, vector<16xi32>,
    %get3A_913 = vector.shape_cast %get3A_912 : vector<16xi32> to vector<16xi32>
    %mul3A_914 = arith.constant 5 : i32
    %mul3A_915 = vector.broadcast %mul3A_914 : i32 to vector<16xi32>
    %mul3A_916 = arith.muli %get3A_895, %mul3A_915 : vector<16xi32>
    %add3A_917 = arith.addi %get3A_892, %mul3A_916 : vector<16xi32>
    %mul3A_918 = arith.constant 25 : i32
    %mul3A_919 = vector.broadcast %mul3A_918 : i32 to vector<16xi32>
    %mul3A_920 = arith.muli %get3A_898, %mul3A_919 : vector<16xi32>
    %add3A_921 = arith.addi %add3A_917, %mul3A_920 : vector<16xi32>
    %mul3A_922 = arith.constant 125 : i32
    %mul3A_923 = vector.broadcast %mul3A_922 : i32 to vector<16xi32>
    %mul3A_924 = arith.muli %get3A_901, %mul3A_923 : vector<16xi32>
    %add3A_925 = arith.addi %add3A_921, %mul3A_924 : vector<16xi32>
    %mul3A_926 = arith.constant 625 : i32
    %mul3A_927 = vector.broadcast %mul3A_926 : i32 to vector<16xi32>
    %mul3A_928 = arith.muli %get3A_904, %mul3A_927 : vector<16xi32>
    %add3A_929 = arith.addi %add3A_925, %mul3A_928 : vector<16xi32>
    %mul3A_930 = arith.constant 3125 : i32
    %mul3A_931 = vector.broadcast %mul3A_930 : i32 to vector<16xi32>
    %mul3A_932 = arith.muli %get3A_907, %mul3A_931 : vector<16xi32>
    %add3A_933 = arith.addi %add3A_929, %mul3A_932 : vector<16xi32>
    %mul3A_934 = arith.constant 15625 : i32
    %mul3A_935 = vector.broadcast %mul3A_934 : i32 to vector<16xi32>
    %mul3A_936 = arith.muli %get3A_910, %mul3A_935 : vector<16xi32>
    %add3A_937 = arith.addi %add3A_933, %mul3A_936 : vector<16xi32>
    %mul3A_938 = arith.constant 78125 : i32
    %mul3A_939 = vector.broadcast %mul3A_938 : i32 to vector<16xi32>
    %mul3A_940 = arith.muli %get3A_913, %mul3A_939 : vector<16xi32>
    %add3A_941 = arith.addi %add3A_937, %mul3A_940 : vector<16xi32>
    %swap3A_942 = arith.constant 1 : i32
    %swap3A_943 = arith.index_cast %swap3A_942 : i32 to index
    %swap3A_944 = arith.constant 64 : index
    %swap3A_945 = tpu.vector_load %arg8[%swap3A_943, %swap3A_944] {strides = array<i32>} : memref<3x128xi32, #tpu.memory_space<vmem>>, vector<1x16xi32>,
    %swap3A_946 = vector.shape_cast %swap3A_945 : vector<1x16xi32> to vector<16xi32>
    %swap3A_947 = vector.shape_cast %add3A_925 : vector<16xi32> to vector<1x16xi32>
    tpu.vector_store %arg8[%swap3A_943, %swap3A_944], %swap3A_947 {strides = array<i32>} : memref<3x128xi32, #tpu.memory_space<vmem>>, vector<1x16xi32>,
    %swap3A_948 = arith.constant 1 : i32
    %swap3A_949 = arith.index_cast %swap3A_948 : i32 to index
    %swap3A_950 = arith.constant 64 : index
    %swap3A_951 = tpu.vector_load %arg9[%swap3A_949, %swap3A_950] {strides = array<i32>} : memref<3x128xi32, #tpu.memory_space<vmem>>, vector<1x16xi32>,
    %swap3A_952 = vector.shape_cast %swap3A_951 : vector<1x16xi32> to vector<16xi32>
    %swap3A_953 = vector.shape_cast %add3A_933 : vector<16xi32> to vector<1x16xi32>
    tpu.vector_store %arg9[%swap3A_949, %swap3A_950], %swap3A_953 {strides = array<i32>} : memref<3x128xi32, #tpu.memory_space<vmem>>, vector<1x16xi32>,
    %swap3A_954 = arith.constant 1 : i32
    %swap3A_955 = arith.index_cast %swap3A_954 : i32 to index
    %swap3A_956 = arith.constant 64 : index
    %swap3A_957 = tpu.vector_load %arg10[%swap3A_955, %swap3A_956] {strides = array<i32>} : memref<3x128xi32, #tpu.memory_space<vmem>>, vector<1x16xi32>,
    %swap3A_958 = vector.shape_cast %swap3A_957 : vector<1x16xi32> to vector<16xi32>
    %swap3A_959 = vector.shape_cast %add3A_941 : vector<16xi32> to vector<1x16xi32>
    tpu.vector_store %arg10[%swap3A_955, %swap3A_956], %swap3A_959 {strides = array<i32>} : memref<3x128xi32, #tpu.memory_space<vmem>>, vector<1x16xi32>,
    %get3A_960 = arith.constant 216 : index
    %get3A_961 = tpu.vector_load %arg7[%get3A_960] {strides = array<i32>} : memref<320xi32, #tpu.memory_space<vmem>>, vector<16xi32>,
    %get3A_962 = vector.shape_cast %get3A_961 : vector<16xi32> to vector<16xi32>
    %get3A_963 = arith.constant 215 : index
    %get3A_964 = tpu.vector_load %arg7[%get3A_963] {strides = array<i32>} : memref<320xi32, #tpu.memory_space<vmem>>, vector<16xi32>,
    %get3A_965 = vector.shape_cast %get3A_964 : vector<16xi32> to vector<16xi32>
    %get3A_966 = arith.constant 214 : index
    %get3A_967 = tpu.vector_load %arg7[%get3A_966] {strides = array<i32>} : memref<320xi32, #tpu.memory_space<vmem>>, vector<16xi32>,
    %get3A_968 = vector.shape_cast %get3A_967 : vector<16xi32> to vector<16xi32>
    %get3A_969 = arith.constant 213 : index
    %get3A_970 = tpu.vector_load %arg7[%get3A_969] {strides = array<i32>} : memref<320xi32, #tpu.memory_space<vmem>>, vector<16xi32>,
    %get3A_971 = vector.shape_cast %get3A_970 : vector<16xi32> to vector<16xi32>
    %get3A_972 = arith.constant 212 : index
    %get3A_973 = tpu.vector_load %arg7[%get3A_972] {strides = array<i32>} : memref<320xi32, #tpu.memory_space<vmem>>, vector<16xi32>,
    %get3A_974 = vector.shape_cast %get3A_973 : vector<16xi32> to vector<16xi32>
    %get3A_975 = arith.constant 211 : index
    %get3A_976 = tpu.vector_load %arg7[%get3A_975] {strides = array<i32>} : memref<320xi32, #tpu.memory_space<vmem>>, vector<16xi32>,
    %get3A_977 = vector.shape_cast %get3A_976 : vector<16xi32> to vector<16xi32>
    %get3A_978 = arith.constant 210 : index
    %get3A_979 = tpu.vector_load %arg7[%get3A_978] {strides = array<i32>} : memref<320xi32, #tpu.memory_space<vmem>>, vector<16xi32>,
    %get3A_980 = vector.shape_cast %get3A_979 : vector<16xi32> to vector<16xi32>
    %get3A_981 = arith.constant 209 : index
    %get3A_982 = tpu.vector_load %arg7[%get3A_981] {strides = array<i32>} : memref<320xi32, #tpu.memory_space<vmem>>, vector<16xi32>,
    %get3A_983 = vector.shape_cast %get3A_982 : vector<16xi32> to vector<16xi32>
    %mul3A_984 = arith.constant 5 : i32
    %mul3A_985 = vector.broadcast %mul3A_984 : i32 to vector<16xi32>
    %mul3A_986 = arith.muli %get3A_965, %mul3A_985 : vector<16xi32>
    %add3A_987 = arith.addi %get3A_962, %mul3A_986 : vector<16xi32>
    %mul3A_988 = arith.constant 25 : i32
    %mul3A_989 = vector.broadcast %mul3A_988 : i32 to vector<16xi32>
    %mul3A_990 = arith.muli %get3A_968, %mul3A_989 : vector<16xi32>
    %add3A_991 = arith.addi %add3A_987, %mul3A_990 : vector<16xi32>
    %mul3A_992 = arith.constant 125 : i32
    %mul3A_993 = vector.broadcast %mul3A_992 : i32 to vector<16xi32>
    %mul3A_994 = arith.muli %get3A_971, %mul3A_993 : vector<16xi32>
    %add3A_995 = arith.addi %add3A_991, %mul3A_994 : vector<16xi32>
    %mul3A_996 = arith.constant 625 : i32
    %mul3A_997 = vector.broadcast %mul3A_996 : i32 to vector<16xi32>
    %mul3A_998 = arith.muli %get3A_974, %mul3A_997 : vector<16xi32>
    %add3A_999 = arith.addi %add3A_995, %mul3A_998 : vector<16xi32>
    %mul3A_1000 = arith.constant 3125 : i32
    %mul3A_1001 = vector.broadcast %mul3A_1000 : i32 to vector<16xi32>
    %mul3A_1002 = arith.muli %get3A_977, %mul3A_1001 : vector<16xi32>
    %add3A_1003 = arith.addi %add3A_999, %mul3A_1002 : vector<16xi32>
    %mul3A_1004 = arith.constant 15625 : i32
    %mul3A_1005 = vector.broadcast %mul3A_1004 : i32 to vector<16xi32>
    %mul3A_1006 = arith.muli %get3A_980, %mul3A_1005 : vector<16xi32>
    %add3A_1007 = arith.addi %add3A_1003, %mul3A_1006 : vector<16xi32>
    %mul3A_1008 = arith.constant 78125 : i32
    %mul3A_1009 = vector.broadcast %mul3A_1008 : i32 to vector<16xi32>
    %mul3A_1010 = arith.muli %get3A_983, %mul3A_1009 : vector<16xi32>
    %add3A_1011 = arith.addi %add3A_1007, %mul3A_1010 : vector<16xi32>
    %swap3A_1012 = arith.constant 1 : i32
    %swap3A_1013 = arith.index_cast %swap3A_1012 : i32 to index
    %swap3A_1014 = arith.constant 80 : index
    %swap3A_1015 = tpu.vector_load %arg8[%swap3A_1013, %swap3A_1014] {strides = array<i32>} : memref<3x128xi32, #tpu.memory_space<vmem>>, vector<1x16xi32>,
    %swap3A_1016 = vector.shape_cast %swap3A_1015 : vector<1x16xi32> to vector<16xi32>
    %swap3A_1017 = vector.shape_cast %add3A_995 : vector<16xi32> to vector<1x16xi32>
    tpu.vector_store %arg8[%swap3A_1013, %swap3A_1014], %swap3A_1017 {strides = array<i32>} : memref<3x128xi32, #tpu.memory_space<vmem>>, vector<1x16xi32>,
    %swap3A_1018 = arith.constant 1 : i32
    %swap3A_1019 = arith.index_cast %swap3A_1018 : i32 to index
    %swap3A_1020 = arith.constant 80 : index
    %swap3A_1021 = tpu.vector_load %arg9[%swap3A_1019, %swap3A_1020] {strides = array<i32>} : memref<3x128xi32, #tpu.memory_space<vmem>>, vector<1x16xi32>,
    %swap3A_1022 = vector.shape_cast %swap3A_1021 : vector<1x16xi32> to vector<16xi32>
    %swap3A_1023 = vector.shape_cast %add3A_1003 : vector<16xi32> to vector<1x16xi32>
    tpu.vector_store %arg9[%swap3A_1019, %swap3A_1020], %swap3A_1023 {strides = array<i32>} : memref<3x128xi32, #tpu.memory_space<vmem>>, vector<1x16xi32>,
    %swap3A_1024 = arith.constant 1 : i32
    %swap3A_1025 = arith.index_cast %swap3A_1024 : i32 to index
    %swap3A_1026 = arith.constant 80 : index
    %swap3A_1027 = tpu.vector_load %arg10[%swap3A_1025, %swap3A_1026] {strides = array<i32>} : memref<3x128xi32, #tpu.memory_space<vmem>>, vector<1x16xi32>,
    %swap3A_1028 = vector.shape_cast %swap3A_1027 : vector<1x16xi32> to vector<16xi32>
    %swap3A_1029 = vector.shape_cast %add3A_1011 : vector<16xi32> to vector<1x16xi32>
    tpu.vector_store %arg10[%swap3A_1025, %swap3A_1026], %swap3A_1029 {strides = array<i32>} : memref<3x128xi32, #tpu.memory_space<vmem>>, vector<1x16xi32>,
    %get3A_1030 = arith.constant 232 : index
    %get3A_1031 = tpu.vector_load %arg7[%get3A_1030] {strides = array<i32>} : memref<320xi32, #tpu.memory_space<vmem>>, vector<16xi32>,
    %get3A_1032 = vector.shape_cast %get3A_1031 : vector<16xi32> to vector<16xi32>
    %get3A_1033 = arith.constant 231 : index
    %get3A_1034 = tpu.vector_load %arg7[%get3A_1033] {strides = array<i32>} : memref<320xi32, #tpu.memory_space<vmem>>, vector<16xi32>,
    %get3A_1035 = vector.shape_cast %get3A_1034 : vector<16xi32> to vector<16xi32>
    %get3A_1036 = arith.constant 230 : index
    %get3A_1037 = tpu.vector_load %arg7[%get3A_1036] {strides = array<i32>} : memref<320xi32, #tpu.memory_space<vmem>>, vector<16xi32>,
    %get3A_1038 = vector.shape_cast %get3A_1037 : vector<16xi32> to vector<16xi32>
    %get3A_1039 = arith.constant 229 : index
    %get3A_1040 = tpu.vector_load %arg7[%get3A_1039] {strides = array<i32>} : memref<320xi32, #tpu.memory_space<vmem>>, vector<16xi32>,
    %get3A_1041 = vector.shape_cast %get3A_1040 : vector<16xi32> to vector<16xi32>
    %get3A_1042 = arith.constant 228 : index
    %get3A_1043 = tpu.vector_load %arg7[%get3A_1042] {strides = array<i32>} : memref<320xi32, #tpu.memory_space<vmem>>, vector<16xi32>,
    %get3A_1044 = vector.shape_cast %get3A_1043 : vector<16xi32> to vector<16xi32>
    %get3A_1045 = arith.constant 227 : index
    %get3A_1046 = tpu.vector_load %arg7[%get3A_1045] {strides = array<i32>} : memref<320xi32, #tpu.memory_space<vmem>>, vector<16xi32>,
    %get3A_1047 = vector.shape_cast %get3A_1046 : vector<16xi32> to vector<16xi32>
    %get3A_1048 = arith.constant 226 : index
    %get3A_1049 = tpu.vector_load %arg7[%get3A_1048] {strides = array<i32>} : memref<320xi32, #tpu.memory_space<vmem>>, vector<16xi32>,
    %get3A_1050 = vector.shape_cast %get3A_1049 : vector<16xi32> to vector<16xi32>
    %get3A_1051 = arith.constant 225 : index
    %get3A_1052 = tpu.vector_load %arg7[%get3A_1051] {strides = array<i32>} : memref<320xi32, #tpu.memory_space<vmem>>, vector<16xi32>,
    %get3A_1053 = vector.shape_cast %get3A_1052 : vector<16xi32> to vector<16xi32>
    %mul3A_1054 = arith.constant 5 : i32
    %mul3A_1055 = vector.broadcast %mul3A_1054 : i32 to vector<16xi32>
    %mul3A_1056 = arith.muli %get3A_1035, %mul3A_1055 : vector<16xi32>
    %add3A_1057 = arith.addi %get3A_1032, %mul3A_1056 : vector<16xi32>
    %mul3A_1058 = arith.constant 25 : i32
    %mul3A_1059 = vector.broadcast %mul3A_1058 : i32 to vector<16xi32>
    %mul3A_1060 = arith.muli %get3A_1038, %mul3A_1059 : vector<16xi32>
    %add3A_1061 = arith.addi %add3A_1057, %mul3A_1060 : vector<16xi32>
    %mul3A_1062 = arith.constant 125 : i32
    %mul3A_1063 = vector.broadcast %mul3A_1062 : i32 to vector<16xi32>
    %mul3A_1064 = arith.muli %get3A_1041, %mul3A_1063 : vector<16xi32>
    %add3A_1065 = arith.addi %add3A_1061, %mul3A_1064 : vector<16xi32>
    %mul3A_1066 = arith.constant 625 : i32
    %mul3A_1067 = vector.broadcast %mul3A_1066 : i32 to vector<16xi32>
    %mul3A_1068 = arith.muli %get3A_1044, %mul3A_1067 : vector<16xi32>
    %add3A_1069 = arith.addi %add3A_1065, %mul3A_1068 : vector<16xi32>
    %mul3A_1070 = arith.constant 3125 : i32
    %mul3A_1071 = vector.broadcast %mul3A_1070 : i32 to vector<16xi32>
    %mul3A_1072 = arith.muli %get3A_1047, %mul3A_1071 : vector<16xi32>
    %add3A_1073 = arith.addi %add3A_1069, %mul3A_1072 : vector<16xi32>
    %mul3A_1074 = arith.constant 15625 : i32
    %mul3A_1075 = vector.broadcast %mul3A_1074 : i32 to vector<16xi32>
    %mul3A_1076 = arith.muli %get3A_1050, %mul3A_1075 : vector<16xi32>
    %add3A_1077 = arith.addi %add3A_1073, %mul3A_1076 : vector<16xi32>
    %mul3A_1078 = arith.constant 78125 : i32
    %mul3A_1079 = vector.broadcast %mul3A_1078 : i32 to vector<16xi32>
    %mul3A_1080 = arith.muli %get3A_1053, %mul3A_1079 : vector<16xi32>
    %add3A_1081 = arith.addi %add3A_1077, %mul3A_1080 : vector<16xi32>
    %swap3A_1082 = arith.constant 1 : i32
    %swap3A_1083 = arith.index_cast %swap3A_1082 : i32 to index
    %swap3A_1084 = arith.constant 96 : index
    %swap3A_1085 = tpu.vector_load %arg8[%swap3A_1083, %swap3A_1084] {strides = array<i32>} : memref<3x128xi32, #tpu.memory_space<vmem>>, vector<1x16xi32>,
    %swap3A_1086 = vector.shape_cast %swap3A_1085 : vector<1x16xi32> to vector<16xi32>
    %swap3A_1087 = vector.shape_cast %add3A_1065 : vector<16xi32> to vector<1x16xi32>
    tpu.vector_store %arg8[%swap3A_1083, %swap3A_1084], %swap3A_1087 {strides = array<i32>} : memref<3x128xi32, #tpu.memory_space<vmem>>, vector<1x16xi32>,
    %swap3A_1088 = arith.constant 1 : i32
    %swap3A_1089 = arith.index_cast %swap3A_1088 : i32 to index
    %swap3A_1090 = arith.constant 96 : index
    %swap3A_1091 = tpu.vector_load %arg9[%swap3A_1089, %swap3A_1090] {strides = array<i32>} : memref<3x128xi32, #tpu.memory_space<vmem>>, vector<1x16xi32>,
    %swap3A_1092 = vector.shape_cast %swap3A_1091 : vector<1x16xi32> to vector<16xi32>
    %swap3A_1093 = vector.shape_cast %add3A_1073 : vector<16xi32> to vector<1x16xi32>
    tpu.vector_store %arg9[%swap3A_1089, %swap3A_1090], %swap3A_1093 {strides = array<i32>} : memref<3x128xi32, #tpu.memory_space<vmem>>, vector<1x16xi32>,
    %swap3A_1094 = arith.constant 1 : i32
    %swap3A_1095 = arith.index_cast %swap3A_1094 : i32 to index
    %swap3A_1096 = arith.constant 96 : index
    %swap3A_1097 = tpu.vector_load %arg10[%swap3A_1095, %swap3A_1096] {strides = array<i32>} : memref<3x128xi32, #tpu.memory_space<vmem>>, vector<1x16xi32>,
    %swap3A_1098 = vector.shape_cast %swap3A_1097 : vector<1x16xi32> to vector<16xi32>
    %swap3A_1099 = vector.shape_cast %add3A_1081 : vector<16xi32> to vector<1x16xi32>
    tpu.vector_store %arg10[%swap3A_1095, %swap3A_1096], %swap3A_1099 {strides = array<i32>} : memref<3x128xi32, #tpu.memory_space<vmem>>, vector<1x16xi32>,
    %get3A_1100 = arith.constant 248 : index
    %get3A_1101 = tpu.vector_load %arg7[%get3A_1100] {strides = array<i32>} : memref<320xi32, #tpu.memory_space<vmem>>, vector<16xi32>,
    %get3A_1102 = vector.shape_cast %get3A_1101 : vector<16xi32> to vector<16xi32>
    %get3A_1103 = arith.constant 247 : index
    %get3A_1104 = tpu.vector_load %arg7[%get3A_1103] {strides = array<i32>} : memref<320xi32, #tpu.memory_space<vmem>>, vector<16xi32>,
    %get3A_1105 = vector.shape_cast %get3A_1104 : vector<16xi32> to vector<16xi32>
    %get3A_1106 = arith.constant 246 : index
    %get3A_1107 = tpu.vector_load %arg7[%get3A_1106] {strides = array<i32>} : memref<320xi32, #tpu.memory_space<vmem>>, vector<16xi32>,
    %get3A_1108 = vector.shape_cast %get3A_1107 : vector<16xi32> to vector<16xi32>
    %get3A_1109 = arith.constant 245 : index
    %get3A_1110 = tpu.vector_load %arg7[%get3A_1109] {strides = array<i32>} : memref<320xi32, #tpu.memory_space<vmem>>, vector<16xi32>,
    %get3A_1111 = vector.shape_cast %get3A_1110 : vector<16xi32> to vector<16xi32>
    %get3A_1112 = arith.constant 244 : index
    %get3A_1113 = tpu.vector_load %arg7[%get3A_1112] {strides = array<i32>} : memref<320xi32, #tpu.memory_space<vmem>>, vector<16xi32>,
    %get3A_1114 = vector.shape_cast %get3A_1113 : vector<16xi32> to vector<16xi32>
    %get3A_1115 = arith.constant 243 : index
    %get3A_1116 = tpu.vector_load %arg7[%get3A_1115] {strides = array<i32>} : memref<320xi32, #tpu.memory_space<vmem>>, vector<16xi32>,
    %get3A_1117 = vector.shape_cast %get3A_1116 : vector<16xi32> to vector<16xi32>
    %get3A_1118 = arith.constant 242 : index
    %get3A_1119 = tpu.vector_load %arg7[%get3A_1118] {strides = array<i32>} : memref<320xi32, #tpu.memory_space<vmem>>, vector<16xi32>,
    %get3A_1120 = vector.shape_cast %get3A_1119 : vector<16xi32> to vector<16xi32>
    %get3A_1121 = arith.constant 241 : index
    %get3A_1122 = tpu.vector_load %arg7[%get3A_1121] {strides = array<i32>} : memref<320xi32, #tpu.memory_space<vmem>>, vector<16xi32>,
    %get3A_1123 = vector.shape_cast %get3A_1122 : vector<16xi32> to vector<16xi32>
    %mul3A_1124 = arith.constant 5 : i32
    %mul3A_1125 = vector.broadcast %mul3A_1124 : i32 to vector<16xi32>
    %mul3A_1126 = arith.muli %get3A_1105, %mul3A_1125 : vector<16xi32>
    %add3A_1127 = arith.addi %get3A_1102, %mul3A_1126 : vector<16xi32>
    %mul3A_1128 = arith.constant 25 : i32
    %mul3A_1129 = vector.broadcast %mul3A_1128 : i32 to vector<16xi32>
    %mul3A_1130 = arith.muli %get3A_1108, %mul3A_1129 : vector<16xi32>
    %add3A_1131 = arith.addi %add3A_1127, %mul3A_1130 : vector<16xi32>
    %mul3A_1132 = arith.constant 125 : i32
    %mul3A_1133 = vector.broadcast %mul3A_1132 : i32 to vector<16xi32>
    %mul3A_1134 = arith.muli %get3A_1111, %mul3A_1133 : vector<16xi32>
    %add3A_1135 = arith.addi %add3A_1131, %mul3A_1134 : vector<16xi32>
    %mul3A_1136 = arith.constant 625 : i32
    %mul3A_1137 = vector.broadcast %mul3A_1136 : i32 to vector<16xi32>
    %mul3A_1138 = arith.muli %get3A_1114, %mul3A_1137 : vector<16xi32>
    %add3A_1139 = arith.addi %add3A_1135, %mul3A_1138 : vector<16xi32>
    %mul3A_1140 = arith.constant 3125 : i32
    %mul3A_1141 = vector.broadcast %mul3A_1140 : i32 to vector<16xi32>
    %mul3A_1142 = arith.muli %get3A_1117, %mul3A_1141 : vector<16xi32>
    %add3A_1143 = arith.addi %add3A_1139, %mul3A_1142 : vector<16xi32>
    %mul3A_1144 = arith.constant 15625 : i32
    %mul3A_1145 = vector.broadcast %mul3A_1144 : i32 to vector<16xi32>
    %mul3A_1146 = arith.muli %get3A_1120, %mul3A_1145 : vector<16xi32>
    %add3A_1147 = arith.addi %add3A_1143, %mul3A_1146 : vector<16xi32>
    %mul3A_1148 = arith.constant 78125 : i32
    %mul3A_1149 = vector.broadcast %mul3A_1148 : i32 to vector<16xi32>
    %mul3A_1150 = arith.muli %get3A_1123, %mul3A_1149 : vector<16xi32>
    %add3A_1151 = arith.addi %add3A_1147, %mul3A_1150 : vector<16xi32>
    %swap3A_1152 = arith.constant 1 : i32
    %swap3A_1153 = arith.index_cast %swap3A_1152 : i32 to index
    %swap3A_1154 = arith.constant 112 : index
    %swap3A_1155 = tpu.vector_load %arg8[%swap3A_1153, %swap3A_1154] {strides = array<i32>} : memref<3x128xi32, #tpu.memory_space<vmem>>, vector<1x16xi32>,
    %swap3A_1156 = vector.shape_cast %swap3A_1155 : vector<1x16xi32> to vector<16xi32>
    %swap3A_1157 = vector.shape_cast %add3A_1135 : vector<16xi32> to vector<1x16xi32>
    tpu.vector_store %arg8[%swap3A_1153, %swap3A_1154], %swap3A_1157 {strides = array<i32>} : memref<3x128xi32, #tpu.memory_space<vmem>>, vector<1x16xi32>,
    %swap3A_1158 = arith.constant 1 : i32
    %swap3A_1159 = arith.index_cast %swap3A_1158 : i32 to index
    %swap3A_1160 = arith.constant 112 : index
    %swap3A_1161 = tpu.vector_load %arg9[%swap3A_1159, %swap3A_1160] {strides = array<i32>} : memref<3x128xi32, #tpu.memory_space<vmem>>, vector<1x16xi32>,
    %swap3A_1162 = vector.shape_cast %swap3A_1161 : vector<1x16xi32> to vector<16xi32>
    %swap3A_1163 = vector.shape_cast %add3A_1143 : vector<16xi32> to vector<1x16xi32>
    tpu.vector_store %arg9[%swap3A_1159, %swap3A_1160], %swap3A_1163 {strides = array<i32>} : memref<3x128xi32, #tpu.memory_space<vmem>>, vector<1x16xi32>,
    %swap3A_1164 = arith.constant 1 : i32
    %swap3A_1165 = arith.index_cast %swap3A_1164 : i32 to index
    %swap3A_1166 = arith.constant 112 : index
    %swap3A_1167 = tpu.vector_load %arg10[%swap3A_1165, %swap3A_1166] {strides = array<i32>} : memref<3x128xi32, #tpu.memory_space<vmem>>, vector<1x16xi32>,
    %swap3A_1168 = vector.shape_cast %swap3A_1167 : vector<1x16xi32> to vector<16xi32>
    %swap3A_1169 = vector.shape_cast %add3A_1151 : vector<16xi32> to vector<1x16xi32>
    tpu.vector_store %arg10[%swap3A_1165, %swap3A_1166], %swap3A_1169 {strides = array<i32>} : memref<3x128xi32, #tpu.memory_space<vmem>>, vector<1x16xi32>,
    %get3A_1170 = arith.constant 264 : index
    %get3A_1171 = tpu.vector_load %arg7[%get3A_1170] {strides = array<i32>} : memref<320xi32, #tpu.memory_space<vmem>>, vector<16xi32>,
    %get3A_1172 = vector.shape_cast %get3A_1171 : vector<16xi32> to vector<16xi32>
    %get3A_1173 = arith.constant 263 : index
    %get3A_1174 = tpu.vector_load %arg7[%get3A_1173] {strides = array<i32>} : memref<320xi32, #tpu.memory_space<vmem>>, vector<16xi32>,
    %get3A_1175 = vector.shape_cast %get3A_1174 : vector<16xi32> to vector<16xi32>
    %get3A_1176 = arith.constant 262 : index
    %get3A_1177 = tpu.vector_load %arg7[%get3A_1176] {strides = array<i32>} : memref<320xi32, #tpu.memory_space<vmem>>, vector<16xi32>,
    %get3A_1178 = vector.shape_cast %get3A_1177 : vector<16xi32> to vector<16xi32>
    %get3A_1179 = arith.constant 261 : index
    %get3A_1180 = tpu.vector_load %arg7[%get3A_1179] {strides = array<i32>} : memref<320xi32, #tpu.memory_space<vmem>>, vector<16xi32>,
    %get3A_1181 = vector.shape_cast %get3A_1180 : vector<16xi32> to vector<16xi32>
    %get3A_1182 = arith.constant 260 : index
    %get3A_1183 = tpu.vector_load %arg7[%get3A_1182] {strides = array<i32>} : memref<320xi32, #tpu.memory_space<vmem>>, vector<16xi32>,
    %get3A_1184 = vector.shape_cast %get3A_1183 : vector<16xi32> to vector<16xi32>
    %get3A_1185 = arith.constant 259 : index
    %get3A_1186 = tpu.vector_load %arg7[%get3A_1185] {strides = array<i32>} : memref<320xi32, #tpu.memory_space<vmem>>, vector<16xi32>,
    %get3A_1187 = vector.shape_cast %get3A_1186 : vector<16xi32> to vector<16xi32>
    %get3A_1188 = arith.constant 258 : index
    %get3A_1189 = tpu.vector_load %arg7[%get3A_1188] {strides = array<i32>} : memref<320xi32, #tpu.memory_space<vmem>>, vector<16xi32>,
    %get3A_1190 = vector.shape_cast %get3A_1189 : vector<16xi32> to vector<16xi32>
    %get3A_1191 = arith.constant 257 : index
    %get3A_1192 = tpu.vector_load %arg7[%get3A_1191] {strides = array<i32>} : memref<320xi32, #tpu.memory_space<vmem>>, vector<16xi32>,
    %get3A_1193 = vector.shape_cast %get3A_1192 : vector<16xi32> to vector<16xi32>
    %mul3A_1194 = arith.constant 5 : i32
    %mul3A_1195 = vector.broadcast %mul3A_1194 : i32 to vector<16xi32>
    %mul3A_1196 = arith.muli %get3A_1175, %mul3A_1195 : vector<16xi32>
    %add3A_1197 = arith.addi %get3A_1172, %mul3A_1196 : vector<16xi32>
    %mul3A_1198 = arith.constant 25 : i32
    %mul3A_1199 = vector.broadcast %mul3A_1198 : i32 to vector<16xi32>
    %mul3A_1200 = arith.muli %get3A_1178, %mul3A_1199 : vector<16xi32>
    %add3A_1201 = arith.addi %add3A_1197, %mul3A_1200 : vector<16xi32>
    %mul3A_1202 = arith.constant 125 : i32
    %mul3A_1203 = vector.broadcast %mul3A_1202 : i32 to vector<16xi32>
    %mul3A_1204 = arith.muli %get3A_1181, %mul3A_1203 : vector<16xi32>
    %add3A_1205 = arith.addi %add3A_1201, %mul3A_1204 : vector<16xi32>
    %mul3A_1206 = arith.constant 625 : i32
    %mul3A_1207 = vector.broadcast %mul3A_1206 : i32 to vector<16xi32>
    %mul3A_1208 = arith.muli %get3A_1184, %mul3A_1207 : vector<16xi32>
    %add3A_1209 = arith.addi %add3A_1205, %mul3A_1208 : vector<16xi32>
    %mul3A_1210 = arith.constant 3125 : i32
    %mul3A_1211 = vector.broadcast %mul3A_1210 : i32 to vector<16xi32>
    %mul3A_1212 = arith.muli %get3A_1187, %mul3A_1211 : vector<16xi32>
    %add3A_1213 = arith.addi %add3A_1209, %mul3A_1212 : vector<16xi32>
    %mul3A_1214 = arith.constant 15625 : i32
    %mul3A_1215 = vector.broadcast %mul3A_1214 : i32 to vector<16xi32>
    %mul3A_1216 = arith.muli %get3A_1190, %mul3A_1215 : vector<16xi32>
    %add3A_1217 = arith.addi %add3A_1213, %mul3A_1216 : vector<16xi32>
    %mul3A_1218 = arith.constant 78125 : i32
    %mul3A_1219 = vector.broadcast %mul3A_1218 : i32 to vector<16xi32>
    %mul3A_1220 = arith.muli %get3A_1193, %mul3A_1219 : vector<16xi32>
    %add3A_1221 = arith.addi %add3A_1217, %mul3A_1220 : vector<16xi32>
    %swap3A_1222 = arith.constant 2 : i32
    %swap3A_1223 = arith.index_cast %swap3A_1222 : i32 to index
    %swap3A_1224 = arith.constant 0 : index
    %swap3A_1225 = tpu.vector_load %arg8[%swap3A_1223, %swap3A_1224] {strides = array<i32>} : memref<3x128xi32, #tpu.memory_space<vmem>>, vector<1x16xi32>,
    %swap3A_1226 = vector.shape_cast %swap3A_1225 : vector<1x16xi32> to vector<16xi32>
    %swap3A_1227 = vector.shape_cast %add3A_1205 : vector<16xi32> to vector<1x16xi32>
    tpu.vector_store %arg8[%swap3A_1223, %swap3A_1224], %swap3A_1227 {strides = array<i32>} : memref<3x128xi32, #tpu.memory_space<vmem>>, vector<1x16xi32>,
    %swap3A_1228 = arith.constant 2 : i32
    %swap3A_1229 = arith.index_cast %swap3A_1228 : i32 to index
    %swap3A_1230 = arith.constant 0 : index
    %swap3A_1231 = tpu.vector_load %arg9[%swap3A_1229, %swap3A_1230] {strides = array<i32>} : memref<3x128xi32, #tpu.memory_space<vmem>>, vector<1x16xi32>,
    %swap3A_1232 = vector.shape_cast %swap3A_1231 : vector<1x16xi32> to vector<16xi32>
    %swap3A_1233 = vector.shape_cast %add3A_1213 : vector<16xi32> to vector<1x16xi32>
    tpu.vector_store %arg9[%swap3A_1229, %swap3A_1230], %swap3A_1233 {strides = array<i32>} : memref<3x128xi32, #tpu.memory_space<vmem>>, vector<1x16xi32>,
    %swap3A_1234 = arith.constant 2 : i32
    %swap3A_1235 = arith.index_cast %swap3A_1234 : i32 to index
    %swap3A_1236 = arith.constant 0 : index
    %swap3A_1237 = tpu.vector_load %arg10[%swap3A_1235, %swap3A_1236] {strides = array<i32>} : memref<3x128xi32, #tpu.memory_space<vmem>>, vector<1x16xi32>,
    %swap3A_1238 = vector.shape_cast %swap3A_1237 : vector<1x16xi32> to vector<16xi32>
    %swap3A_1239 = vector.shape_cast %add3A_1221 : vector<16xi32> to vector<1x16xi32>
    tpu.vector_store %arg10[%swap3A_1235, %swap3A_1236], %swap3A_1239 {strides = array<i32>} : memref<3x128xi32, #tpu.memory_space<vmem>>, vector<1x16xi32>,
    %dma_start3A = arith.constant 0 : i32
    %dma_start3A_1240 = arith.constant 0 : i32
    %dma_start3A_1241 = arith.constant 0 : i32
    %dma_start3A_1242 = tpu.memref_slice %arg11[%dma_start3A_1240, %dma_start3A_1241] : memref<272x64xf32, #tpu.memory_space<vmem>> -> memref<128x64xf32, #tpu.memory_space<vmem>>
    %dma_start3A_1243 = arith.constant 0 : i32
    %dma_start3A_1244 = tpu.memref_slice %arg8[%dma_start3A, %dma_start3A_1243] : memref<3x128xi32, #tpu.memory_space<vmem>> -> memref<1x128xi32, #tpu.memory_space<vmem>>
    %dma_start3A_1245 = tpu.memref_squeeze %dma_start3A_1244 : memref<1x128xi32, #tpu.memory_space<vmem>> -> memref<128xi32, #tpu.memory_space<vmem>>
    %dma_start3A_1246 = arith.constant 0 : i32
    %dma_start3A_1247 = arith.constant 0 : i32
    %dma_start3A_1248 = tpu.memref_slice %arg3[%dma_start3A_1246, %dma_start3A_1247] : memref<625x64xf32, #tpu.memory_space<hbm>> -> memref<625x64xf32, #tpu.memory_space<hbm>>
    tpu.enqueue_indirect_dma source(%dma_start3A_1248 : memref<625x64xf32, #tpu.memory_space<hbm>>) target(%dma_start3A_1242 : memref<128x64xf32, #tpu.memory_space<vmem>>) offsets(%dma_start3A_1245 : memref<128xi32, #tpu.memory_space<vmem>>) semaphore(%arg15 : memref<!tpu.dma_semaphore, #tpu.memory_space<semaphore_mem>>)
    %dma_start3A_1249 = arith.constant 1 : i32
    %dma_start3A_1250 = arith.constant 128 : i32
    %dma_start3A_1251 = arith.constant 0 : i32
    %dma_start3A_1252 = tpu.memref_slice %arg11[%dma_start3A_1250, %dma_start3A_1251] : memref<272x64xf32, #tpu.memory_space<vmem>> -> memref<128x64xf32, #tpu.memory_space<vmem>>
    %dma_start3A_1253 = arith.constant 0 : i32
    %dma_start3A_1254 = tpu.memref_slice %arg8[%dma_start3A_1249, %dma_start3A_1253] : memref<3x128xi32, #tpu.memory_space<vmem>> -> memref<1x128xi32, #tpu.memory_space<vmem>>
    %dma_start3A_1255 = tpu.memref_squeeze %dma_start3A_1254 : memref<1x128xi32, #tpu.memory_space<vmem>> -> memref<128xi32, #tpu.memory_space<vmem>>
    %dma_start3A_1256 = arith.constant 0 : i32
    %dma_start3A_1257 = arith.constant 0 : i32
    %dma_start3A_1258 = tpu.memref_slice %arg3[%dma_start3A_1256, %dma_start3A_1257] : memref<625x64xf32, #tpu.memory_space<hbm>> -> memref<625x64xf32, #tpu.memory_space<hbm>>
    tpu.enqueue_indirect_dma source(%dma_start3A_1258 : memref<625x64xf32, #tpu.memory_space<hbm>>) target(%dma_start3A_1252 : memref<128x64xf32, #tpu.memory_space<vmem>>) offsets(%dma_start3A_1255 : memref<128xi32, #tpu.memory_space<vmem>>) semaphore(%arg15 : memref<!tpu.dma_semaphore, #tpu.memory_space<semaphore_mem>>)
    %dma_start3A_1259 = arith.constant 2 : i32
    %dma_start3A_1260 = arith.constant 256 : i32
    %dma_start3A_1261 = arith.constant 0 : i32
    %dma_start3A_1262 = tpu.memref_slice %arg11[%dma_start3A_1260, %dma_start3A_1261] : memref<272x64xf32, #tpu.memory_space<vmem>> -> memref<16x64xf32, #tpu.memory_space<vmem>>
    %dma_start3A_1263 = arith.constant 0 : i32
    %dma_start3A_1264 = tpu.memref_slice %arg8[%dma_start3A_1259, %dma_start3A_1263] : memref<3x128xi32, #tpu.memory_space<vmem>> -> memref<1x16xi32, #tpu.memory_space<vmem>>
    %dma_start3A_1265 = tpu.memref_squeeze %dma_start3A_1264 : memref<1x16xi32, #tpu.memory_space<vmem>> -> memref<16xi32, #tpu.memory_space<vmem>>
    %dma_start3A_1266 = arith.constant 0 : i32
    %dma_start3A_1267 = arith.constant 0 : i32
    %dma_start3A_1268 = tpu.memref_slice %arg3[%dma_start3A_1266, %dma_start3A_1267] : memref<625x64xf32, #tpu.memory_space<hbm>> -> memref<625x64xf32, #tpu.memory_space<hbm>>
    tpu.enqueue_indirect_dma source(%dma_start3A_1268 : memref<625x64xf32, #tpu.memory_space<hbm>>) target(%dma_start3A_1262 : memref<16x64xf32, #tpu.memory_space<vmem>>) offsets(%dma_start3A_1265 : memref<16xi32, #tpu.memory_space<vmem>>) semaphore(%arg15 : memref<!tpu.dma_semaphore, #tpu.memory_space<semaphore_mem>>)
    %dma_start3A_1269 = arith.constant 0 : i32
    %dma_start3A_1270 = arith.constant 0 : i32
    %dma_start3A_1271 = arith.constant 0 : i32
    %dma_start3A_1272 = tpu.memref_slice %arg12[%dma_start3A_1270, %dma_start3A_1271] : memref<272x64xf32, #tpu.memory_space<vmem>> -> memref<128x64xf32, #tpu.memory_space<vmem>>
    %dma_start3A_1273 = arith.constant 0 : i32
    %dma_start3A_1274 = tpu.memref_slice %arg9[%dma_start3A_1269, %dma_start3A_1273] : memref<3x128xi32, #tpu.memory_space<vmem>> -> memref<1x128xi32, #tpu.memory_space<vmem>>
    %dma_start3A_1275 = tpu.memref_squeeze %dma_start3A_1274 : memref<1x128xi32, #tpu.memory_space<vmem>> -> memref<128xi32, #tpu.memory_space<vmem>>
    %dma_start3A_1276 = arith.constant 0 : i32
    %dma_start3A_1277 = arith.constant 0 : i32
    %dma_start3A_1278 = tpu.memref_slice %arg4[%dma_start3A_1276, %dma_start3A_1277] : memref<15625x64xf32, #tpu.memory_space<hbm>> -> memref<15625x64xf32, #tpu.memory_space<hbm>>
    tpu.enqueue_indirect_dma source(%dma_start3A_1278 : memref<15625x64xf32, #tpu.memory_space<hbm>>) target(%dma_start3A_1272 : memref<128x64xf32, #tpu.memory_space<vmem>>) offsets(%dma_start3A_1275 : memref<128xi32, #tpu.memory_space<vmem>>) semaphore(%arg16 : memref<!tpu.dma_semaphore, #tpu.memory_space<semaphore_mem>>)
    %dma_start3A_1279 = arith.constant 1 : i32
    %dma_start3A_1280 = arith.constant 128 : i32
    %dma_start3A_1281 = arith.constant 0 : i32
    %dma_start3A_1282 = tpu.memref_slice %arg12[%dma_start3A_1280, %dma_start3A_1281] : memref<272x64xf32, #tpu.memory_space<vmem>> -> memref<128x64xf32, #tpu.memory_space<vmem>>
    %dma_start3A_1283 = arith.constant 0 : i32
    %dma_start3A_1284 = tpu.memref_slice %arg9[%dma_start3A_1279, %dma_start3A_1283] : memref<3x128xi32, #tpu.memory_space<vmem>> -> memref<1x128xi32, #tpu.memory_space<vmem>>
    %dma_start3A_1285 = tpu.memref_squeeze %dma_start3A_1284 : memref<1x128xi32, #tpu.memory_space<vmem>> -> memref<128xi32, #tpu.memory_space<vmem>>
    %dma_start3A_1286 = arith.constant 0 : i32
    %dma_start3A_1287 = arith.constant 0 : i32
    %dma_start3A_1288 = tpu.memref_slice %arg4[%dma_start3A_1286, %dma_start3A_1287] : memref<15625x64xf32, #tpu.memory_space<hbm>> -> memref<15625x64xf32, #tpu.memory_space<hbm>>
    tpu.enqueue_indirect_dma source(%dma_start3A_1288 : memref<15625x64xf32, #tpu.memory_space<hbm>>) target(%dma_start3A_1282 : memref<128x64xf32, #tpu.memory_space<vmem>>) offsets(%dma_start3A_1285 : memref<128xi32, #tpu.memory_space<vmem>>) semaphore(%arg16 : memref<!tpu.dma_semaphore, #tpu.memory_space<semaphore_mem>>)
    %dma_start3A_1289 = arith.constant 2 : i32
    %dma_start3A_1290 = arith.constant 256 : i32
    %dma_start3A_1291 = arith.constant 0 : i32
    %dma_start3A_1292 = tpu.memref_slice %arg12[%dma_start3A_1290, %dma_start3A_1291] : memref<272x64xf32, #tpu.memory_space<vmem>> -> memref<16x64xf32, #tpu.memory_space<vmem>>
    %dma_start3A_1293 = arith.constant 0 : i32
    %dma_start3A_1294 = tpu.memref_slice %arg9[%dma_start3A_1289, %dma_start3A_1293] : memref<3x128xi32, #tpu.memory_space<vmem>> -> memref<1x16xi32, #tpu.memory_space<vmem>>
    %dma_start3A_1295 = tpu.memref_squeeze %dma_start3A_1294 : memref<1x16xi32, #tpu.memory_space<vmem>> -> memref<16xi32, #tpu.memory_space<vmem>>
    %dma_start3A_1296 = arith.constant 0 : i32
    %dma_start3A_1297 = arith.constant 0 : i32
    %dma_start3A_1298 = tpu.memref_slice %arg4[%dma_start3A_1296, %dma_start3A_1297] : memref<15625x64xf32, #tpu.memory_space<hbm>> -> memref<15625x64xf32, #tpu.memory_space<hbm>>
    tpu.enqueue_indirect_dma source(%dma_start3A_1298 : memref<15625x64xf32, #tpu.memory_space<hbm>>) target(%dma_start3A_1292 : memref<16x64xf32, #tpu.memory_space<vmem>>) offsets(%dma_start3A_1295 : memref<16xi32, #tpu.memory_space<vmem>>) semaphore(%arg16 : memref<!tpu.dma_semaphore, #tpu.memory_space<semaphore_mem>>)
    %dma_start3A_1299 = arith.constant 0 : i32
    %dma_start3A_1300 = arith.constant 0 : i32
    %dma_start3A_1301 = arith.constant 0 : i32
    %dma_start3A_1302 = tpu.memref_slice %arg13[%dma_start3A_1300, %dma_start3A_1301] : memref<272x64xf32, #tpu.memory_space<vmem>> -> memref<128x64xf32, #tpu.memory_space<vmem>>
    %dma_start3A_1303 = arith.constant 0 : i32
    %dma_start3A_1304 = tpu.memref_slice %arg10[%dma_start3A_1299, %dma_start3A_1303] : memref<3x128xi32, #tpu.memory_space<vmem>> -> memref<1x128xi32, #tpu.memory_space<vmem>>
    %dma_start3A_1305 = tpu.memref_squeeze %dma_start3A_1304 : memref<1x128xi32, #tpu.memory_space<vmem>> -> memref<128xi32, #tpu.memory_space<vmem>>
    %dma_start3A_1306 = arith.constant 0 : i32
    %dma_start3A_1307 = arith.constant 0 : i32
    %dma_start3A_1308 = tpu.memref_slice %arg5[%dma_start3A_1306, %dma_start3A_1307] : memref<390625x64xf32, #tpu.memory_space<hbm>> -> memref<390625x64xf32, #tpu.memory_space<hbm>>
    tpu.enqueue_indirect_dma source(%dma_start3A_1308 : memref<390625x64xf32, #tpu.memory_space<hbm>>) target(%dma_start3A_1302 : memref<128x64xf32, #tpu.memory_space<vmem>>) offsets(%dma_start3A_1305 : memref<128xi32, #tpu.memory_space<vmem>>) semaphore(%arg17 : memref<!tpu.dma_semaphore, #tpu.memory_space<semaphore_mem>>)
    %dma_start3A_1309 = arith.constant 1 : i32
    %dma_start3A_1310 = arith.constant 128 : i32
    %dma_start3A_1311 = arith.constant 0 : i32
    %dma_start3A_1312 = tpu.memref_slice %arg13[%dma_start3A_1310, %dma_start3A_1311] : memref<272x64xf32, #tpu.memory_space<vmem>> -> memref<128x64xf32, #tpu.memory_space<vmem>>
    %dma_start3A_1313 = arith.constant 0 : i32
    %dma_start3A_1314 = tpu.memref_slice %arg10[%dma_start3A_1309, %dma_start3A_1313] : memref<3x128xi32, #tpu.memory_space<vmem>> -> memref<1x128xi32, #tpu.memory_space<vmem>>
    %dma_start3A_1315 = tpu.memref_squeeze %dma_start3A_1314 : memref<1x128xi32, #tpu.memory_space<vmem>> -> memref<128xi32, #tpu.memory_space<vmem>>
    %dma_start3A_1316 = arith.constant 0 : i32
    %dma_start3A_1317 = arith.constant 0 : i32
    %dma_start3A_1318 = tpu.memref_slice %arg5[%dma_start3A_1316, %dma_start3A_1317] : memref<390625x64xf32, #tpu.memory_space<hbm>> -> memref<390625x64xf32, #tpu.memory_space<hbm>>
    tpu.enqueue_indirect_dma source(%dma_start3A_1318 : memref<390625x64xf32, #tpu.memory_space<hbm>>) target(%dma_start3A_1312 : memref<128x64xf32, #tpu.memory_space<vmem>>) offsets(%dma_start3A_1315 : memref<128xi32, #tpu.memory_space<vmem>>) semaphore(%arg17 : memref<!tpu.dma_semaphore, #tpu.memory_space<semaphore_mem>>)
    %dma_start3A_1319 = arith.constant 2 : i32
    %dma_start3A_1320 = arith.constant 256 : i32
    %dma_start3A_1321 = arith.constant 0 : i32
    %dma_start3A_1322 = tpu.memref_slice %arg13[%dma_start3A_1320, %dma_start3A_1321] : memref<272x64xf32, #tpu.memory_space<vmem>> -> memref<16x64xf32, #tpu.memory_space<vmem>>
    %dma_start3A_1323 = arith.constant 0 : i32
    %dma_start3A_1324 = tpu.memref_slice %arg10[%dma_start3A_1319, %dma_start3A_1323] : memref<3x128xi32, #tpu.memory_space<vmem>> -> memref<1x16xi32, #tpu.memory_space<vmem>>
    %dma_start3A_1325 = tpu.memref_squeeze %dma_start3A_1324 : memref<1x16xi32, #tpu.memory_space<vmem>> -> memref<16xi32, #tpu.memory_space<vmem>>
    %dma_start3A_1326 = arith.constant 0 : i32
    %dma_start3A_1327 = arith.constant 0 : i32
    %dma_start3A_1328 = tpu.memref_slice %arg5[%dma_start3A_1326, %dma_start3A_1327] : memref<390625x64xf32, #tpu.memory_space<hbm>> -> memref<390625x64xf32, #tpu.memory_space<hbm>>
    tpu.enqueue_indirect_dma source(%dma_start3A_1328 : memref<390625x64xf32, #tpu.memory_space<hbm>>) target(%dma_start3A_1322 : memref<16x64xf32, #tpu.memory_space<vmem>>) offsets(%dma_start3A_1325 : memref<16xi32, #tpu.memory_space<vmem>>) semaphore(%arg17 : memref<!tpu.dma_semaphore, #tpu.memory_space<semaphore_mem>>)
    %dma_wait3A = arith.constant 0 : i32
    %dma_wait3A_1329 = arith.constant 0 : i32
    %dma_wait3A_1330 = arith.constant 0 : i32
    %dma_wait3A_1331 = tpu.memref_slice %arg11[%dma_wait3A_1329, %dma_wait3A_1330] : memref<272x64xf32, #tpu.memory_space<vmem>> -> memref<128x64xf32, #tpu.memory_space<vmem>>
    %dma_wait3A_1332 = arith.constant 0 : i32
    %dma_wait3A_1333 = tpu.memref_slice %arg8[%dma_wait3A, %dma_wait3A_1332] : memref<3x128xi32, #tpu.memory_space<vmem>> -> memref<1x128xi32, #tpu.memory_space<vmem>>
    %dma_wait3A_1334 = tpu.memref_squeeze %dma_wait3A_1333 : memref<1x128xi32, #tpu.memory_space<vmem>> -> memref<128xi32, #tpu.memory_space<vmem>>
    %dma_wait3A_1335 = arith.constant 0 : i32
    %dma_wait3A_1336 = arith.constant 0 : i32
    %dma_wait3A_1337 = tpu.memref_slice %arg3[%dma_wait3A_1335, %dma_wait3A_1336] : memref<625x64xf32, #tpu.memory_space<hbm>> -> memref<625x64xf32, #tpu.memory_space<hbm>>
    tpu.wait_indirect_dma semaphore(%arg15 : memref<!tpu.dma_semaphore, #tpu.memory_space<semaphore_mem>>) src(%dma_wait3A_1337 : memref<625x64xf32, #tpu.memory_space<hbm>>) dst(%dma_wait3A_1331 : memref<128x64xf32, #tpu.memory_space<vmem>>)
    %dma_wait3A_1338 = arith.constant 1 : i32
    %dma_wait3A_1339 = arith.constant 128 : i32
    %dma_wait3A_1340 = arith.constant 0 : i32
    %dma_wait3A_1341 = tpu.memref_slice %arg11[%dma_wait3A_1339, %dma_wait3A_1340] : memref<272x64xf32, #tpu.memory_space<vmem>> -> memref<128x64xf32, #tpu.memory_space<vmem>>
    %dma_wait3A_1342 = arith.constant 0 : i32
    %dma_wait3A_1343 = tpu.memref_slice %arg8[%dma_wait3A_1338, %dma_wait3A_1342] : memref<3x128xi32, #tpu.memory_space<vmem>> -> memref<1x128xi32, #tpu.memory_space<vmem>>
    %dma_wait3A_1344 = tpu.memref_squeeze %dma_wait3A_1343 : memref<1x128xi32, #tpu.memory_space<vmem>> -> memref<128xi32, #tpu.memory_space<vmem>>
    %dma_wait3A_1345 = arith.constant 0 : i32
    %dma_wait3A_1346 = arith.constant 0 : i32
    %dma_wait3A_1347 = tpu.memref_slice %arg3[%dma_wait3A_1345, %dma_wait3A_1346] : memref<625x64xf32, #tpu.memory_space<hbm>> -> memref<625x64xf32, #tpu.memory_space<hbm>>
    tpu.wait_indirect_dma semaphore(%arg15 : memref<!tpu.dma_semaphore, #tpu.memory_space<semaphore_mem>>) src(%dma_wait3A_1347 : memref<625x64xf32, #tpu.memory_space<hbm>>) dst(%dma_wait3A_1341 : memref<128x64xf32, #tpu.memory_space<vmem>>)
    %dma_wait3A_1348 = arith.constant 2 : i32
    %dma_wait3A_1349 = arith.constant 256 : i32
    %dma_wait3A_1350 = arith.constant 0 : i32
    %dma_wait3A_1351 = tpu.memref_slice %arg11[%dma_wait3A_1349, %dma_wait3A_1350] : memref<272x64xf32, #tpu.memory_space<vmem>> -> memref<16x64xf32, #tpu.memory_space<vmem>>
    %dma_wait3A_1352 = arith.constant 0 : i32
    %dma_wait3A_1353 = tpu.memref_slice %arg8[%dma_wait3A_1348, %dma_wait3A_1352] : memref<3x128xi32, #tpu.memory_space<vmem>> -> memref<1x16xi32, #tpu.memory_space<vmem>>
    %dma_wait3A_1354 = tpu.memref_squeeze %dma_wait3A_1353 : memref<1x16xi32, #tpu.memory_space<vmem>> -> memref<16xi32, #tpu.memory_space<vmem>>
    %dma_wait3A_1355 = arith.constant 0 : i32
    %dma_wait3A_1356 = arith.constant 0 : i32
    %dma_wait3A_1357 = tpu.memref_slice %arg3[%dma_wait3A_1355, %dma_wait3A_1356] : memref<625x64xf32, #tpu.memory_space<hbm>> -> memref<625x64xf32, #tpu.memory_space<hbm>>
    tpu.wait_indirect_dma semaphore(%arg15 : memref<!tpu.dma_semaphore, #tpu.memory_space<semaphore_mem>>) src(%dma_wait3A_1357 : memref<625x64xf32, #tpu.memory_space<hbm>>) dst(%dma_wait3A_1351 : memref<16x64xf32, #tpu.memory_space<vmem>>)
    %eq3A_1358 = arith.constant 0 : i32
    %eq3A_1359 = arith.cmpi eq, %mul3A_32, %eq3A_1358 : i32
    %convert_element_type3A_1360 = arith.extui %eq3A_1359 : i1 to i32
    %cond3A_1361 = arith.constant 0 : i32
    %cond3A_1362 = arith.cmpi ne, %convert_element_type3A_1360, %cond3A_1361 : i32
    scf.if %cond3A_1362 {
      %swap3A_2242 = arith.constant 0 : i32
      %swap3A_2243 = arith.index_cast %swap3A_2242 : i32 to index
      %swap3A_2244 = arith.constant 0 : index
      %swap3A_2245 = tpu.vector_load %arg11[%swap3A_2243, %swap3A_2244] {strides = array<i32>} : memref<272x64xf32, #tpu.memory_space<vmem>>, vector<1x16xf32>,
      %swap3A_2246 = vector.shape_cast %swap3A_2245 : vector<1x16xf32> to vector<16xf32>
      %swap3A_2247 = vector.shape_cast %broadcast_in_dim3A_35 : vector<16xf32> to vector<1x16xf32>
      tpu.vector_store %arg11[%swap3A_2243, %swap3A_2244], %swap3A_2247 {strides = array<i32>} : memref<272x64xf32, #tpu.memory_space<vmem>>, vector<1x16xf32>,
      %swap3A_2248 = arith.constant 0 : i32
      %swap3A_2249 = arith.index_cast %swap3A_2248 : i32 to index
      %swap3A_2250 = arith.constant 16 : index
      %swap3A_2251 = tpu.vector_load %arg11[%swap3A_2249, %swap3A_2250] {strides = array<i32>} : memref<272x64xf32, #tpu.memory_space<vmem>>, vector<1x16xf32>,
      %swap3A_2252 = vector.shape_cast %swap3A_2251 : vector<1x16xf32> to vector<16xf32>
      %swap3A_2253 = vector.shape_cast %broadcast_in_dim3A_35 : vector<16xf32> to vector<1x16xf32>
      tpu.vector_store %arg11[%swap3A_2249, %swap3A_2250], %swap3A_2253 {strides = array<i32>} : memref<272x64xf32, #tpu.memory_space<vmem>>, vector<1x16xf32>,
      %swap3A_2254 = arith.constant 0 : i32
      %swap3A_2255 = arith.index_cast %swap3A_2254 : i32 to index
      %swap3A_2256 = arith.constant 32 : index
      %swap3A_2257 = tpu.vector_load %arg11[%swap3A_2255, %swap3A_2256] {strides = array<i32>} : memref<272x64xf32, #tpu.memory_space<vmem>>, vector<1x16xf32>,
      %swap3A_2258 = vector.shape_cast %swap3A_2257 : vector<1x16xf32> to vector<16xf32>
      %swap3A_2259 = vector.shape_cast %broadcast_in_dim3A_35 : vector<16xf32> to vector<1x16xf32>
      tpu.vector_store %arg11[%swap3A_2255, %swap3A_2256], %swap3A_2259 {strides = array<i32>} : memref<272x64xf32, #tpu.memory_space<vmem>>, vector<1x16xf32>,
      %swap3A_2260 = arith.constant 0 : i32
      %swap3A_2261 = arith.index_cast %swap3A_2260 : i32 to index
      %swap3A_2262 = arith.constant 48 : index
      %swap3A_2263 = tpu.vector_load %arg11[%swap3A_2261, %swap3A_2262] {strides = array<i32>} : memref<272x64xf32, #tpu.memory_space<vmem>>, vector<1x16xf32>,
      %swap3A_2264 = vector.shape_cast %swap3A_2263 : vector<1x16xf32> to vector<16xf32>
      %swap3A_2265 = vector.shape_cast %broadcast_in_dim3A_35 : vector<16xf32> to vector<1x16xf32>
      tpu.vector_store %arg11[%swap3A_2261, %swap3A_2262], %swap3A_2265 {strides = array<i32>} : memref<272x64xf32, #tpu.memory_space<vmem>>, vector<1x16xf32>,
      %swap3A_2266 = arith.constant 1 : i32
      %swap3A_2267 = arith.index_cast %swap3A_2266 : i32 to index
      %swap3A_2268 = arith.constant 0 : index
      %swap3A_2269 = tpu.vector_load %arg11[%swap3A_2267, %swap3A_2268] {strides = array<i32>} : memref<272x64xf32, #tpu.memory_space<vmem>>, vector<1x16xf32>,
      %swap3A_2270 = vector.shape_cast %swap3A_2269 : vector<1x16xf32> to vector<16xf32>
      %swap3A_2271 = vector.shape_cast %broadcast_in_dim3A_35 : vector<16xf32> to vector<1x16xf32>
      tpu.vector_store %arg11[%swap3A_2267, %swap3A_2268], %swap3A_2271 {strides = array<i32>} : memref<272x64xf32, #tpu.memory_space<vmem>>, vector<1x16xf32>,
      %swap3A_2272 = arith.constant 1 : i32
      %swap3A_2273 = arith.index_cast %swap3A_2272 : i32 to index
      %swap3A_2274 = arith.constant 16 : index
      %swap3A_2275 = tpu.vector_load %arg11[%swap3A_2273, %swap3A_2274] {strides = array<i32>} : memref<272x64xf32, #tpu.memory_space<vmem>>, vector<1x16xf32>,
      %swap3A_2276 = vector.shape_cast %swap3A_2275 : vector<1x16xf32> to vector<16xf32>
      %swap3A_2277 = vector.shape_cast %broadcast_in_dim3A_35 : vector<16xf32> to vector<1x16xf32>
      tpu.vector_store %arg11[%swap3A_2273, %swap3A_2274], %swap3A_2277 {strides = array<i32>} : memref<272x64xf32, #tpu.memory_space<vmem>>, vector<1x16xf32>,
      %swap3A_2278 = arith.constant 1 : i32
      %swap3A_2279 = arith.index_cast %swap3A_2278 : i32 to index
      %swap3A_2280 = arith.constant 32 : index
      %swap3A_2281 = tpu.vector_load %arg11[%swap3A_2279, %swap3A_2280] {strides = array<i32>} : memref<272x64xf32, #tpu.memory_space<vmem>>, vector<1x16xf32>,
      %swap3A_2282 = vector.shape_cast %swap3A_2281 : vector<1x16xf32> to vector<16xf32>
      %swap3A_2283 = vector.shape_cast %broadcast_in_dim3A_35 : vector<16xf32> to vector<1x16xf32>
      tpu.vector_store %arg11[%swap3A_2279, %swap3A_2280], %swap3A_2283 {strides = array<i32>} : memref<272x64xf32, #tpu.memory_space<vmem>>, vector<1x16xf32>,
      %swap3A_2284 = arith.constant 1 : i32
      %swap3A_2285 = arith.index_cast %swap3A_2284 : i32 to index
      %swap3A_2286 = arith.constant 48 : index
      %swap3A_2287 = tpu.vector_load %arg11[%swap3A_2285, %swap3A_2286] {strides = array<i32>} : memref<272x64xf32, #tpu.memory_space<vmem>>, vector<1x16xf32>,
      %swap3A_2288 = vector.shape_cast %swap3A_2287 : vector<1x16xf32> to vector<16xf32>
      %swap3A_2289 = vector.shape_cast %broadcast_in_dim3A_35 : vector<16xf32> to vector<1x16xf32>
      tpu.vector_store %arg11[%swap3A_2285, %swap3A_2286], %swap3A_2289 {strides = array<i32>} : memref<272x64xf32, #tpu.memory_space<vmem>>, vector<1x16xf32>,
      %swap3A_2290 = arith.constant 2 : i32
      %swap3A_2291 = arith.index_cast %swap3A_2290 : i32 to index
      %swap3A_2292 = arith.constant 0 : index
      %swap3A_2293 = tpu.vector_load %arg11[%swap3A_2291, %swap3A_2292] {strides = array<i32>} : memref<272x64xf32, #tpu.memory_space<vmem>>, vector<1x16xf32>,
      %swap3A_2294 = vector.shape_cast %swap3A_2293 : vector<1x16xf32> to vector<16xf32>
      %swap3A_2295 = vector.shape_cast %broadcast_in_dim3A_35 : vector<16xf32> to vector<1x16xf32>
      tpu.vector_store %arg11[%swap3A_2291, %swap3A_2292], %swap3A_2295 {strides = array<i32>} : memref<272x64xf32, #tpu.memory_space<vmem>>, vector<1x16xf32>,
      %swap3A_2296 = arith.constant 2 : i32
      %swap3A_2297 = arith.index_cast %swap3A_2296 : i32 to index
      %swap3A_2298 = arith.constant 16 : index
      %swap3A_2299 = tpu.vector_load %arg11[%swap3A_2297, %swap3A_2298] {strides = array<i32>} : memref<272x64xf32, #tpu.memory_space<vmem>>, vector<1x16xf32>,
      %swap3A_2300 = vector.shape_cast %swap3A_2299 : vector<1x16xf32> to vector<16xf32>
      %swap3A_2301 = vector.shape_cast %broadcast_in_dim3A_35 : vector<16xf32> to vector<1x16xf32>
      tpu.vector_store %arg11[%swap3A_2297, %swap3A_2298], %swap3A_2301 {strides = array<i32>} : memref<272x64xf32, #tpu.memory_space<vmem>>, vector<1x16xf32>,
      %swap3A_2302 = arith.constant 2 : i32
      %swap3A_2303 = arith.index_cast %swap3A_2302 : i32 to index
      %swap3A_2304 = arith.constant 32 : index
      %swap3A_2305 = tpu.vector_load %arg11[%swap3A_2303, %swap3A_2304] {strides = array<i32>} : memref<272x64xf32, #tpu.memory_space<vmem>>, vector<1x16xf32>,
      %swap3A_2306 = vector.shape_cast %swap3A_2305 : vector<1x16xf32> to vector<16xf32>
      %swap3A_2307 = vector.shape_cast %broadcast_in_dim3A_35 : vector<16xf32> to vector<1x16xf32>
      tpu.vector_store %arg11[%swap3A_2303, %swap3A_2304], %swap3A_2307 {strides = array<i32>} : memref<272x64xf32, #tpu.memory_space<vmem>>, vector<1x16xf32>,
      %swap3A_2308 = arith.constant 2 : i32
      %swap3A_2309 = arith.index_cast %swap3A_2308 : i32 to index
      %swap3A_2310 = arith.constant 48 : index
      %swap3A_2311 = tpu.vector_load %arg11[%swap3A_2309, %swap3A_2310] {strides = array<i32>} : memref<272x64xf32, #tpu.memory_space<vmem>>, vector<1x16xf32>,
      %swap3A_2312 = vector.shape_cast %swap3A_2311 : vector<1x16xf32> to vector<16xf32>
      %swap3A_2313 = vector.shape_cast %broadcast_in_dim3A_35 : vector<16xf32> to vector<1x16xf32>
      tpu.vector_store %arg11[%swap3A_2309, %swap3A_2310], %swap3A_2313 {strides = array<i32>} : memref<272x64xf32, #tpu.memory_space<vmem>>, vector<1x16xf32>,
      %swap3A_2314 = arith.constant 3 : i32
      %swap3A_2315 = arith.index_cast %swap3A_2314 : i32 to index
      %swap3A_2316 = arith.constant 0 : index
      %swap3A_2317 = tpu.vector_load %arg11[%swap3A_2315, %swap3A_2316] {strides = array<i32>} : memref<272x64xf32, #tpu.memory_space<vmem>>, vector<1x16xf32>,
      %swap3A_2318 = vector.shape_cast %swap3A_2317 : vector<1x16xf32> to vector<16xf32>
      %swap3A_2319 = vector.shape_cast %broadcast_in_dim3A_35 : vector<16xf32> to vector<1x16xf32>
      tpu.vector_store %arg11[%swap3A_2315, %swap3A_2316], %swap3A_2319 {strides = array<i32>} : memref<272x64xf32, #tpu.memory_space<vmem>>, vector<1x16xf32>,
      %swap3A_2320 = arith.constant 3 : i32
      %swap3A_2321 = arith.index_cast %swap3A_2320 : i32 to index
      %swap3A_2322 = arith.constant 16 : index
      %swap3A_2323 = tpu.vector_load %arg11[%swap3A_2321, %swap3A_2322] {strides = array<i32>} : memref<272x64xf32, #tpu.memory_space<vmem>>, vector<1x16xf32>,
      %swap3A_2324 = vector.shape_cast %swap3A_2323 : vector<1x16xf32> to vector<16xf32>
      %swap3A_2325 = vector.shape_cast %broadcast_in_dim3A_35 : vector<16xf32> to vector<1x16xf32>
      tpu.vector_store %arg11[%swap3A_2321, %swap3A_2322], %swap3A_2325 {strides = array<i32>} : memref<272x64xf32, #tpu.memory_space<vmem>>, vector<1x16xf32>,
      %swap3A_2326 = arith.constant 3 : i32
      %swap3A_2327 = arith.index_cast %swap3A_2326 : i32 to index
      %swap3A_2328 = arith.constant 32 : index
      %swap3A_2329 = tpu.vector_load %arg11[%swap3A_2327, %swap3A_2328] {strides = array<i32>} : memref<272x64xf32, #tpu.memory_space<vmem>>, vector<1x16xf32>,
      %swap3A_2330 = vector.shape_cast %swap3A_2329 : vector<1x16xf32> to vector<16xf32>
      %swap3A_2331 = vector.shape_cast %broadcast_in_dim3A_35 : vector<16xf32> to vector<1x16xf32>
      tpu.vector_store %arg11[%swap3A_2327, %swap3A_2328], %swap3A_2331 {strides = array<i32>} : memref<272x64xf32, #tpu.memory_space<vmem>>, vector<1x16xf32>,
      %swap3A_2332 = arith.constant 3 : i32
      %swap3A_2333 = arith.index_cast %swap3A_2332 : i32 to index
      %swap3A_2334 = arith.constant 48 : index
      %swap3A_2335 = tpu.vector_load %arg11[%swap3A_2333, %swap3A_2334] {strides = array<i32>} : memref<272x64xf32, #tpu.memory_space<vmem>>, vector<1x16xf32>,
      %swap3A_2336 = vector.shape_cast %swap3A_2335 : vector<1x16xf32> to vector<16xf32>
      %swap3A_2337 = vector.shape_cast %broadcast_in_dim3A_35 : vector<16xf32> to vector<1x16xf32>
      tpu.vector_store %arg11[%swap3A_2333, %swap3A_2334], %swap3A_2337 {strides = array<i32>} : memref<272x64xf32, #tpu.memory_space<vmem>>, vector<1x16xf32>,
      %swap3A_2338 = arith.constant 4 : i32
      %swap3A_2339 = arith.index_cast %swap3A_2338 : i32 to index
      %swap3A_2340 = arith.constant 0 : index
      %swap3A_2341 = tpu.vector_load %arg11[%swap3A_2339, %swap3A_2340] {strides = array<i32>} : memref<272x64xf32, #tpu.memory_space<vmem>>, vector<1x16xf32>,
      %swap3A_2342 = vector.shape_cast %swap3A_2341 : vector<1x16xf32> to vector<16xf32>
      %swap3A_2343 = vector.shape_cast %broadcast_in_dim3A_35 : vector<16xf32> to vector<1x16xf32>
      tpu.vector_store %arg11[%swap3A_2339, %swap3A_2340], %swap3A_2343 {strides = array<i32>} : memref<272x64xf32, #tpu.memory_space<vmem>>, vector<1x16xf32>,
      %swap3A_2344 = arith.constant 4 : i32
      %swap3A_2345 = arith.index_cast %swap3A_2344 : i32 to index
      %swap3A_2346 = arith.constant 16 : index
      %swap3A_2347 = tpu.vector_load %arg11[%swap3A_2345, %swap3A_2346] {strides = array<i32>} : memref<272x64xf32, #tpu.memory_space<vmem>>, vector<1x16xf32>,
      %swap3A_2348 = vector.shape_cast %swap3A_2347 : vector<1x16xf32> to vector<16xf32>
      %swap3A_2349 = vector.shape_cast %broadcast_in_dim3A_35 : vector<16xf32> to vector<1x16xf32>
      tpu.vector_store %arg11[%swap3A_2345, %swap3A_2346], %swap3A_2349 {strides = array<i32>} : memref<272x64xf32, #tpu.memory_space<vmem>>, vector<1x16xf32>,
      %swap3A_2350 = arith.constant 4 : i32
      %swap3A_2351 = arith.index_cast %swap3A_2350 : i32 to index
      %swap3A_2352 = arith.constant 32 : index
      %swap3A_2353 = tpu.vector_load %arg11[%swap3A_2351, %swap3A_2352] {strides = array<i32>} : memref<272x64xf32, #tpu.memory_space<vmem>>, vector<1x16xf32>,
      %swap3A_2354 = vector.shape_cast %swap3A_2353 : vector<1x16xf32> to vector<16xf32>
      %swap3A_2355 = vector.shape_cast %broadcast_in_dim3A_35 : vector<16xf32> to vector<1x16xf32>
      tpu.vector_store %arg11[%swap3A_2351, %swap3A_2352], %swap3A_2355 {strides = array<i32>} : memref<272x64xf32, #tpu.memory_space<vmem>>, vector<1x16xf32>,
      %swap3A_2356 = arith.constant 4 : i32
      %swap3A_2357 = arith.index_cast %swap3A_2356 : i32 to index
      %swap3A_2358 = arith.constant 48 : index
      %swap3A_2359 = tpu.vector_load %arg11[%swap3A_2357, %swap3A_2358] {strides = array<i32>} : memref<272x64xf32, #tpu.memory_space<vmem>>, vector<1x16xf32>,
      %swap3A_2360 = vector.shape_cast %swap3A_2359 : vector<1x16xf32> to vector<16xf32>
      %swap3A_2361 = vector.shape_cast %broadcast_in_dim3A_35 : vector<16xf32> to vector<1x16xf32>
      tpu.vector_store %arg11[%swap3A_2357, %swap3A_2358], %swap3A_2361 {strides = array<i32>} : memref<272x64xf32, #tpu.memory_space<vmem>>, vector<1x16xf32>,
      %swap3A_2362 = arith.constant 5 : i32
      %swap3A_2363 = arith.index_cast %swap3A_2362 : i32 to index
      %swap3A_2364 = arith.constant 0 : index
      %swap3A_2365 = tpu.vector_load %arg11[%swap3A_2363, %swap3A_2364] {strides = array<i32>} : memref<272x64xf32, #tpu.memory_space<vmem>>, vector<1x16xf32>,
      %swap3A_2366 = vector.shape_cast %swap3A_2365 : vector<1x16xf32> to vector<16xf32>
      %swap3A_2367 = vector.shape_cast %broadcast_in_dim3A_35 : vector<16xf32> to vector<1x16xf32>
      tpu.vector_store %arg11[%swap3A_2363, %swap3A_2364], %swap3A_2367 {strides = array<i32>} : memref<272x64xf32, #tpu.memory_space<vmem>>, vector<1x16xf32>,
      %swap3A_2368 = arith.constant 5 : i32
      %swap3A_2369 = arith.index_cast %swap3A_2368 : i32 to index
      %swap3A_2370 = arith.constant 16 : index
      %swap3A_2371 = tpu.vector_load %arg11[%swap3A_2369, %swap3A_2370] {strides = array<i32>} : memref<272x64xf32, #tpu.memory_space<vmem>>, vector<1x16xf32>,
      %swap3A_2372 = vector.shape_cast %swap3A_2371 : vector<1x16xf32> to vector<16xf32>
      %swap3A_2373 = vector.shape_cast %broadcast_in_dim3A_35 : vector<16xf32> to vector<1x16xf32>
      tpu.vector_store %arg11[%swap3A_2369, %swap3A_2370], %swap3A_2373 {strides = array<i32>} : memref<272x64xf32, #tpu.memory_space<vmem>>, vector<1x16xf32>,
      %swap3A_2374 = arith.constant 5 : i32
      %swap3A_2375 = arith.index_cast %swap3A_2374 : i32 to index
      %swap3A_2376 = arith.constant 32 : index
      %swap3A_2377 = tpu.vector_load %arg11[%swap3A_2375, %swap3A_2376] {strides = array<i32>} : memref<272x64xf32, #tpu.memory_space<vmem>>, vector<1x16xf32>,
      %swap3A_2378 = vector.shape_cast %swap3A_2377 : vector<1x16xf32> to vector<16xf32>
      %swap3A_2379 = vector.shape_cast %broadcast_in_dim3A_35 : vector<16xf32> to vector<1x16xf32>
      tpu.vector_store %arg11[%swap3A_2375, %swap3A_2376], %swap3A_2379 {strides = array<i32>} : memref<272x64xf32, #tpu.memory_space<vmem>>, vector<1x16xf32>,
      %swap3A_2380 = arith.constant 5 : i32
      %swap3A_2381 = arith.index_cast %swap3A_2380 : i32 to index
      %swap3A_2382 = arith.constant 48 : index
      %swap3A_2383 = tpu.vector_load %arg11[%swap3A_2381, %swap3A_2382] {strides = array<i32>} : memref<272x64xf32, #tpu.memory_space<vmem>>, vector<1x16xf32>,
      %swap3A_2384 = vector.shape_cast %swap3A_2383 : vector<1x16xf32> to vector<16xf32>
      %swap3A_2385 = vector.shape_cast %broadcast_in_dim3A_35 : vector<16xf32> to vector<1x16xf32>
      tpu.vector_store %arg11[%swap3A_2381, %swap3A_2382], %swap3A_2385 {strides = array<i32>} : memref<272x64xf32, #tpu.memory_space<vmem>>, vector<1x16xf32>,
      %swap3A_2386 = arith.constant 6 : i32
      %swap3A_2387 = arith.index_cast %swap3A_2386 : i32 to index
      %swap3A_2388 = arith.constant 0 : index
      %swap3A_2389 = tpu.vector_load %arg11[%swap3A_2387, %swap3A_2388] {strides = array<i32>} : memref<272x64xf32, #tpu.memory_space<vmem>>, vector<1x16xf32>,
      %swap3A_2390 = vector.shape_cast %swap3A_2389 : vector<1x16xf32> to vector<16xf32>
      %swap3A_2391 = vector.shape_cast %broadcast_in_dim3A_35 : vector<16xf32> to vector<1x16xf32>
      tpu.vector_store %arg11[%swap3A_2387, %swap3A_2388], %swap3A_2391 {strides = array<i32>} : memref<272x64xf32, #tpu.memory_space<vmem>>, vector<1x16xf32>,
      %swap3A_2392 = arith.constant 6 : i32
      %swap3A_2393 = arith.index_cast %swap3A_2392 : i32 to index
      %swap3A_2394 = arith.constant 16 : index
      %swap3A_2395 = tpu.vector_load %arg11[%swap3A_2393, %swap3A_2394] {strides = array<i32>} : memref<272x64xf32, #tpu.memory_space<vmem>>, vector<1x16xf32>,
      %swap3A_2396 = vector.shape_cast %swap3A_2395 : vector<1x16xf32> to vector<16xf32>
      %swap3A_2397 = vector.shape_cast %broadcast_in_dim3A_35 : vector<16xf32> to vector<1x16xf32>
      tpu.vector_store %arg11[%swap3A_2393, %swap3A_2394], %swap3A_2397 {strides = array<i32>} : memref<272x64xf32, #tpu.memory_space<vmem>>, vector<1x16xf32>,
      %swap3A_2398 = arith.constant 6 : i32
      %swap3A_2399 = arith.index_cast %swap3A_2398 : i32 to index
      %swap3A_2400 = arith.constant 32 : index
      %swap3A_2401 = tpu.vector_load %arg11[%swap3A_2399, %swap3A_2400] {strides = array<i32>} : memref<272x64xf32, #tpu.memory_space<vmem>>, vector<1x16xf32>,
      %swap3A_2402 = vector.shape_cast %swap3A_2401 : vector<1x16xf32> to vector<16xf32>
      %swap3A_2403 = vector.shape_cast %broadcast_in_dim3A_35 : vector<16xf32> to vector<1x16xf32>
      tpu.vector_store %arg11[%swap3A_2399, %swap3A_2400], %swap3A_2403 {strides = array<i32>} : memref<272x64xf32, #tpu.memory_space<vmem>>, vector<1x16xf32>,
      %swap3A_2404 = arith.constant 6 : i32
      %swap3A_2405 = arith.index_cast %swap3A_2404 : i32 to index
      %swap3A_2406 = arith.constant 48 : index
      %swap3A_2407 = tpu.vector_load %arg11[%swap3A_2405, %swap3A_2406] {strides = array<i32>} : memref<272x64xf32, #tpu.memory_space<vmem>>, vector<1x16xf32>,
      %swap3A_2408 = vector.shape_cast %swap3A_2407 : vector<1x16xf32> to vector<16xf32>
      %swap3A_2409 = vector.shape_cast %broadcast_in_dim3A_35 : vector<16xf32> to vector<1x16xf32>
      tpu.vector_store %arg11[%swap3A_2405, %swap3A_2406], %swap3A_2409 {strides = array<i32>} : memref<272x64xf32, #tpu.memory_space<vmem>>, vector<1x16xf32>,
      %swap3A_2410 = arith.constant 7 : i32
      %swap3A_2411 = arith.index_cast %swap3A_2410 : i32 to index
      %swap3A_2412 = arith.constant 0 : index
      %swap3A_2413 = tpu.vector_load %arg11[%swap3A_2411, %swap3A_2412] {strides = array<i32>} : memref<272x64xf32, #tpu.memory_space<vmem>>, vector<1x16xf32>,
      %swap3A_2414 = vector.shape_cast %swap3A_2413 : vector<1x16xf32> to vector<16xf32>
      %swap3A_2415 = vector.shape_cast %broadcast_in_dim3A_35 : vector<16xf32> to vector<1x16xf32>
      tpu.vector_store %arg11[%swap3A_2411, %swap3A_2412], %swap3A_2415 {strides = array<i32>} : memref<272x64xf32, #tpu.memory_space<vmem>>, vector<1x16xf32>,
      %swap3A_2416 = arith.constant 7 : i32
      %swap3A_2417 = arith.index_cast %swap3A_2416 : i32 to index
      %swap3A_2418 = arith.constant 16 : index
      %swap3A_2419 = tpu.vector_load %arg11[%swap3A_2417, %swap3A_2418] {strides = array<i32>} : memref<272x64xf32, #tpu.memory_space<vmem>>, vector<1x16xf32>,
      %swap3A_2420 = vector.shape_cast %swap3A_2419 : vector<1x16xf32> to vector<16xf32>
      %swap3A_2421 = vector.shape_cast %broadcast_in_dim3A_35 : vector<16xf32> to vector<1x16xf32>
      tpu.vector_store %arg11[%swap3A_2417, %swap3A_2418], %swap3A_2421 {strides = array<i32>} : memref<272x64xf32, #tpu.memory_space<vmem>>, vector<1x16xf32>,
      %swap3A_2422 = arith.constant 7 : i32
      %swap3A_2423 = arith.index_cast %swap3A_2422 : i32 to index
      %swap3A_2424 = arith.constant 32 : index
      %swap3A_2425 = tpu.vector_load %arg11[%swap3A_2423, %swap3A_2424] {strides = array<i32>} : memref<272x64xf32, #tpu.memory_space<vmem>>, vector<1x16xf32>,
      %swap3A_2426 = vector.shape_cast %swap3A_2425 : vector<1x16xf32> to vector<16xf32>
      %swap3A_2427 = vector.shape_cast %broadcast_in_dim3A_35 : vector<16xf32> to vector<1x16xf32>
      tpu.vector_store %arg11[%swap3A_2423, %swap3A_2424], %swap3A_2427 {strides = array<i32>} : memref<272x64xf32, #tpu.memory_space<vmem>>, vector<1x16xf32>,
      %swap3A_2428 = arith.constant 7 : i32
      %swap3A_2429 = arith.index_cast %swap3A_2428 : i32 to index
      %swap3A_2430 = arith.constant 48 : index
      %swap3A_2431 = tpu.vector_load %arg11[%swap3A_2429, %swap3A_2430] {strides = array<i32>} : memref<272x64xf32, #tpu.memory_space<vmem>>, vector<1x16xf32>,
      %swap3A_2432 = vector.shape_cast %swap3A_2431 : vector<1x16xf32> to vector<16xf32>
      %swap3A_2433 = vector.shape_cast %broadcast_in_dim3A_35 : vector<16xf32> to vector<1x16xf32>
      tpu.vector_store %arg11[%swap3A_2429, %swap3A_2430], %swap3A_2433 {strides = array<i32>} : memref<272x64xf32, #tpu.memory_space<vmem>>, vector<1x16xf32>,
      %swap3A_2434 = arith.constant 8 : i32
      %swap3A_2435 = arith.index_cast %swap3A_2434 : i32 to index
      %swap3A_2436 = arith.constant 0 : index
      %swap3A_2437 = tpu.vector_load %arg11[%swap3A_2435, %swap3A_2436] {strides = array<i32>} : memref<272x64xf32, #tpu.memory_space<vmem>>, vector<1x16xf32>,
      %swap3A_2438 = vector.shape_cast %swap3A_2437 : vector<1x16xf32> to vector<16xf32>
      %swap3A_2439 = vector.shape_cast %broadcast_in_dim3A_35 : vector<16xf32> to vector<1x16xf32>
      tpu.vector_store %arg11[%swap3A_2435, %swap3A_2436], %swap3A_2439 {strides = array<i32>} : memref<272x64xf32, #tpu.memory_space<vmem>>, vector<1x16xf32>,
      %swap3A_2440 = arith.constant 8 : i32
      %swap3A_2441 = arith.index_cast %swap3A_2440 : i32 to index
      %swap3A_2442 = arith.constant 16 : index
      %swap3A_2443 = tpu.vector_load %arg11[%swap3A_2441, %swap3A_2442] {strides = array<i32>} : memref<272x64xf32, #tpu.memory_space<vmem>>, vector<1x16xf32>,
      %swap3A_2444 = vector.shape_cast %swap3A_2443 : vector<1x16xf32> to vector<16xf32>
      %swap3A_2445 = vector.shape_cast %broadcast_in_dim3A_35 : vector<16xf32> to vector<1x16xf32>
      tpu.vector_store %arg11[%swap3A_2441, %swap3A_2442], %swap3A_2445 {strides = array<i32>} : memref<272x64xf32, #tpu.memory_space<vmem>>, vector<1x16xf32>,
      %swap3A_2446 = arith.constant 8 : i32
      %swap3A_2447 = arith.index_cast %swap3A_2446 : i32 to index
      %swap3A_2448 = arith.constant 32 : index
      %swap3A_2449 = tpu.vector_load %arg11[%swap3A_2447, %swap3A_2448] {strides = array<i32>} : memref<272x64xf32, #tpu.memory_space<vmem>>, vector<1x16xf32>,
      %swap3A_2450 = vector.shape_cast %swap3A_2449 : vector<1x16xf32> to vector<16xf32>
      %swap3A_2451 = vector.shape_cast %broadcast_in_dim3A_35 : vector<16xf32> to vector<1x16xf32>
      tpu.vector_store %arg11[%swap3A_2447, %swap3A_2448], %swap3A_2451 {strides = array<i32>} : memref<272x64xf32, #tpu.memory_space<vmem>>, vector<1x16xf32>,
      %swap3A_2452 = arith.constant 8 : i32
      %swap3A_2453 = arith.index_cast %swap3A_2452 : i32 to index
      %swap3A_2454 = arith.constant 48 : index
      %swap3A_2455 = tpu.vector_load %arg11[%swap3A_2453, %swap3A_2454] {strides = array<i32>} : memref<272x64xf32, #tpu.memory_space<vmem>>, vector<1x16xf32>,
      %swap3A_2456 = vector.shape_cast %swap3A_2455 : vector<1x16xf32> to vector<16xf32>
      %swap3A_2457 = vector.shape_cast %broadcast_in_dim3A_35 : vector<16xf32> to vector<1x16xf32>
      tpu.vector_store %arg11[%swap3A_2453, %swap3A_2454], %swap3A_2457 {strides = array<i32>} : memref<272x64xf32, #tpu.memory_space<vmem>>, vector<1x16xf32>,
      %swap3A_2458 = arith.constant 9 : i32
      %swap3A_2459 = arith.index_cast %swap3A_2458 : i32 to index
      %swap3A_2460 = arith.constant 0 : index
      %swap3A_2461 = tpu.vector_load %arg11[%swap3A_2459, %swap3A_2460] {strides = array<i32>} : memref<272x64xf32, #tpu.memory_space<vmem>>, vector<1x16xf32>,
      %swap3A_2462 = vector.shape_cast %swap3A_2461 : vector<1x16xf32> to vector<16xf32>
      %swap3A_2463 = vector.shape_cast %broadcast_in_dim3A_35 : vector<16xf32> to vector<1x16xf32>
      tpu.vector_store %arg11[%swap3A_2459, %swap3A_2460], %swap3A_2463 {strides = array<i32>} : memref<272x64xf32, #tpu.memory_space<vmem>>, vector<1x16xf32>,
      %swap3A_2464 = arith.constant 9 : i32
      %swap3A_2465 = arith.index_cast %swap3A_2464 : i32 to index
      %swap3A_2466 = arith.constant 16 : index
      %swap3A_2467 = tpu.vector_load %arg11[%swap3A_2465, %swap3A_2466] {strides = array<i32>} : memref<272x64xf32, #tpu.memory_space<vmem>>, vector<1x16xf32>,
      %swap3A_2468 = vector.shape_cast %swap3A_2467 : vector<1x16xf32> to vector<16xf32>
      %swap3A_2469 = vector.shape_cast %broadcast_in_dim3A_35 : vector<16xf32> to vector<1x16xf32>
      tpu.vector_store %arg11[%swap3A_2465, %swap3A_2466], %swap3A_2469 {strides = array<i32>} : memref<272x64xf32, #tpu.memory_space<vmem>>, vector<1x16xf32>,
      %swap3A_2470 = arith.constant 9 : i32
      %swap3A_2471 = arith.index_cast %swap3A_2470 : i32 to index
      %swap3A_2472 = arith.constant 32 : index
      %swap3A_2473 = tpu.vector_load %arg11[%swap3A_2471, %swap3A_2472] {strides = array<i32>} : memref<272x64xf32, #tpu.memory_space<vmem>>, vector<1x16xf32>,
      %swap3A_2474 = vector.shape_cast %swap3A_2473 : vector<1x16xf32> to vector<16xf32>
      %swap3A_2475 = vector.shape_cast %broadcast_in_dim3A_35 : vector<16xf32> to vector<1x16xf32>
      tpu.vector_store %arg11[%swap3A_2471, %swap3A_2472], %swap3A_2475 {strides = array<i32>} : memref<272x64xf32, #tpu.memory_space<vmem>>, vector<1x16xf32>,
      %swap3A_2476 = arith.constant 9 : i32
      %swap3A_2477 = arith.index_cast %swap3A_2476 : i32 to index
      %swap3A_2478 = arith.constant 48 : index
      %swap3A_2479 = tpu.vector_load %arg11[%swap3A_2477, %swap3A_2478] {strides = array<i32>} : memref<272x64xf32, #tpu.memory_space<vmem>>, vector<1x16xf32>,
      %swap3A_2480 = vector.shape_cast %swap3A_2479 : vector<1x16xf32> to vector<16xf32>
      %swap3A_2481 = vector.shape_cast %broadcast_in_dim3A_35 : vector<16xf32> to vector<1x16xf32>
      tpu.vector_store %arg11[%swap3A_2477, %swap3A_2478], %swap3A_2481 {strides = array<i32>} : memref<272x64xf32, #tpu.memory_space<vmem>>, vector<1x16xf32>,
      %swap3A_2482 = arith.constant 10 : i32
      %swap3A_2483 = arith.index_cast %swap3A_2482 : i32 to index
      %swap3A_2484 = arith.constant 0 : index
      %swap3A_2485 = tpu.vector_load %arg11[%swap3A_2483, %swap3A_2484] {strides = array<i32>} : memref<272x64xf32, #tpu.memory_space<vmem>>, vector<1x16xf32>,
      %swap3A_2486 = vector.shape_cast %swap3A_2485 : vector<1x16xf32> to vector<16xf32>
      %swap3A_2487 = vector.shape_cast %broadcast_in_dim3A_35 : vector<16xf32> to vector<1x16xf32>
      tpu.vector_store %arg11[%swap3A_2483, %swap3A_2484], %swap3A_2487 {strides = array<i32>} : memref<272x64xf32, #tpu.memory_space<vmem>>, vector<1x16xf32>,
      %swap3A_2488 = arith.constant 10 : i32
      %swap3A_2489 = arith.index_cast %swap3A_2488 : i32 to index
      %swap3A_2490 = arith.constant 16 : index
      %swap3A_2491 = tpu.vector_load %arg11[%swap3A_2489, %swap3A_2490] {strides = array<i32>} : memref<272x64xf32, #tpu.memory_space<vmem>>, vector<1x16xf32>,
      %swap3A_2492 = vector.shape_cast %swap3A_2491 : vector<1x16xf32> to vector<16xf32>
      %swap3A_2493 = vector.shape_cast %broadcast_in_dim3A_35 : vector<16xf32> to vector<1x16xf32>
      tpu.vector_store %arg11[%swap3A_2489, %swap3A_2490], %swap3A_2493 {strides = array<i32>} : memref<272x64xf32, #tpu.memory_space<vmem>>, vector<1x16xf32>,
      %swap3A_2494 = arith.constant 10 : i32
      %swap3A_2495 = arith.index_cast %swap3A_2494 : i32 to index
      %swap3A_2496 = arith.constant 32 : index
      %swap3A_2497 = tpu.vector_load %arg11[%swap3A_2495, %swap3A_2496] {strides = array<i32>} : memref<272x64xf32, #tpu.memory_space<vmem>>, vector<1x16xf32>,
      %swap3A_2498 = vector.shape_cast %swap3A_2497 : vector<1x16xf32> to vector<16xf32>
      %swap3A_2499 = vector.shape_cast %broadcast_in_dim3A_35 : vector<16xf32> to vector<1x16xf32>
      tpu.vector_store %arg11[%swap3A_2495, %swap3A_2496], %swap3A_2499 {strides = array<i32>} : memref<272x64xf32, #tpu.memory_space<vmem>>, vector<1x16xf32>,
      %swap3A_2500 = arith.constant 10 : i32
      %swap3A_2501 = arith.index_cast %swap3A_2500 : i32 to index
      %swap3A_2502 = arith.constant 48 : index
      %swap3A_2503 = tpu.vector_load %arg11[%swap3A_2501, %swap3A_2502] {strides = array<i32>} : memref<272x64xf32, #tpu.memory_space<vmem>>, vector<1x16xf32>,
      %swap3A_2504 = vector.shape_cast %swap3A_2503 : vector<1x16xf32> to vector<16xf32>
      %swap3A_2505 = vector.shape_cast %broadcast_in_dim3A_35 : vector<16xf32> to vector<1x16xf32>
      tpu.vector_store %arg11[%swap3A_2501, %swap3A_2502], %swap3A_2505 {strides = array<i32>} : memref<272x64xf32, #tpu.memory_space<vmem>>, vector<1x16xf32>,
      %swap3A_2506 = arith.constant 11 : i32
      %swap3A_2507 = arith.index_cast %swap3A_2506 : i32 to index
      %swap3A_2508 = arith.constant 0 : index
      %swap3A_2509 = tpu.vector_load %arg11[%swap3A_2507, %swap3A_2508] {strides = array<i32>} : memref<272x64xf32, #tpu.memory_space<vmem>>, vector<1x16xf32>,
      %swap3A_2510 = vector.shape_cast %swap3A_2509 : vector<1x16xf32> to vector<16xf32>
      %swap3A_2511 = vector.shape_cast %broadcast_in_dim3A_35 : vector<16xf32> to vector<1x16xf32>
      tpu.vector_store %arg11[%swap3A_2507, %swap3A_2508], %swap3A_2511 {strides = array<i32>} : memref<272x64xf32, #tpu.memory_space<vmem>>, vector<1x16xf32>,
      %swap3A_2512 = arith.constant 11 : i32
      %swap3A_2513 = arith.index_cast %swap3A_2512 : i32 to index
      %swap3A_2514 = arith.constant 16 : index
      %swap3A_2515 = tpu.vector_load %arg11[%swap3A_2513, %swap3A_2514] {strides = array<i32>} : memref<272x64xf32, #tpu.memory_space<vmem>>, vector<1x16xf32>,
      %swap3A_2516 = vector.shape_cast %swap3A_2515 : vector<1x16xf32> to vector<16xf32>
      %swap3A_2517 = vector.shape_cast %broadcast_in_dim3A_35 : vector<16xf32> to vector<1x16xf32>
      tpu.vector_store %arg11[%swap3A_2513, %swap3A_2514], %swap3A_2517 {strides = array<i32>} : memref<272x64xf32, #tpu.memory_space<vmem>>, vector<1x16xf32>,
      %swap3A_2518 = arith.constant 11 : i32
      %swap3A_2519 = arith.index_cast %swap3A_2518 : i32 to index
      %swap3A_2520 = arith.constant 32 : index
      %swap3A_2521 = tpu.vector_load %arg11[%swap3A_2519, %swap3A_2520] {strides = array<i32>} : memref<272x64xf32, #tpu.memory_space<vmem>>, vector<1x16xf32>,
      %swap3A_2522 = vector.shape_cast %swap3A_2521 : vector<1x16xf32> to vector<16xf32>
      %swap3A_2523 = vector.shape_cast %broadcast_in_dim3A_35 : vector<16xf32> to vector<1x16xf32>
      tpu.vector_store %arg11[%swap3A_2519, %swap3A_2520], %swap3A_2523 {strides = array<i32>} : memref<272x64xf32, #tpu.memory_space<vmem>>, vector<1x16xf32>,
      %swap3A_2524 = arith.constant 11 : i32
      %swap3A_2525 = arith.index_cast %swap3A_2524 : i32 to index
      %swap3A_2526 = arith.constant 48 : index
      %swap3A_2527 = tpu.vector_load %arg11[%swap3A_2525, %swap3A_2526] {strides = array<i32>} : memref<272x64xf32, #tpu.memory_space<vmem>>, vector<1x16xf32>,
      %swap3A_2528 = vector.shape_cast %swap3A_2527 : vector<1x16xf32> to vector<16xf32>
      %swap3A_2529 = vector.shape_cast %broadcast_in_dim3A_35 : vector<16xf32> to vector<1x16xf32>
      tpu.vector_store %arg11[%swap3A_2525, %swap3A_2526], %swap3A_2529 {strides = array<i32>} : memref<272x64xf32, #tpu.memory_space<vmem>>, vector<1x16xf32>,
      %swap3A_2530 = arith.constant 12 : i32
      %swap3A_2531 = arith.index_cast %swap3A_2530 : i32 to index
      %swap3A_2532 = arith.constant 0 : index
      %swap3A_2533 = tpu.vector_load %arg11[%swap3A_2531, %swap3A_2532] {strides = array<i32>} : memref<272x64xf32, #tpu.memory_space<vmem>>, vector<1x16xf32>,
      %swap3A_2534 = vector.shape_cast %swap3A_2533 : vector<1x16xf32> to vector<16xf32>
      %swap3A_2535 = vector.shape_cast %broadcast_in_dim3A_35 : vector<16xf32> to vector<1x16xf32>
      tpu.vector_store %arg11[%swap3A_2531, %swap3A_2532], %swap3A_2535 {strides = array<i32>} : memref<272x64xf32, #tpu.memory_space<vmem>>, vector<1x16xf32>,
      %swap3A_2536 = arith.constant 12 : i32
      %swap3A_2537 = arith.index_cast %swap3A_2536 : i32 to index
      %swap3A_2538 = arith.constant 16 : index
      %swap3A_2539 = tpu.vector_load %arg11[%swap3A_2537, %swap3A_2538] {strides = array<i32>} : memref<272x64xf32, #tpu.memory_space<vmem>>, vector<1x16xf32>,
      %swap3A_2540 = vector.shape_cast %swap3A_2539 : vector<1x16xf32> to vector<16xf32>
      %swap3A_2541 = vector.shape_cast %broadcast_in_dim3A_35 : vector<16xf32> to vector<1x16xf32>
      tpu.vector_store %arg11[%swap3A_2537, %swap3A_2538], %swap3A_2541 {strides = array<i32>} : memref<272x64xf32, #tpu.memory_space<vmem>>, vector<1x16xf32>,
      %swap3A_2542 = arith.constant 12 : i32
      %swap3A_2543 = arith.index_cast %swap3A_2542 : i32 to index
      %swap3A_2544 = arith.constant 32 : index
      %swap3A_2545 = tpu.vector_load %arg11[%swap3A_2543, %swap3A_2544] {strides = array<i32>} : memref<272x64xf32, #tpu.memory_space<vmem>>, vector<1x16xf32>,
      %swap3A_2546 = vector.shape_cast %swap3A_2545 : vector<1x16xf32> to vector<16xf32>
      %swap3A_2547 = vector.shape_cast %broadcast_in_dim3A_35 : vector<16xf32> to vector<1x16xf32>
      tpu.vector_store %arg11[%swap3A_2543, %swap3A_2544], %swap3A_2547 {strides = array<i32>} : memref<272x64xf32, #tpu.memory_space<vmem>>, vector<1x16xf32>,
      %swap3A_2548 = arith.constant 12 : i32
      %swap3A_2549 = arith.index_cast %swap3A_2548 : i32 to index
      %swap3A_2550 = arith.constant 48 : index
      %swap3A_2551 = tpu.vector_load %arg11[%swap3A_2549, %swap3A_2550] {strides = array<i32>} : memref<272x64xf32, #tpu.memory_space<vmem>>, vector<1x16xf32>,
      %swap3A_2552 = vector.shape_cast %swap3A_2551 : vector<1x16xf32> to vector<16xf32>
      %swap3A_2553 = vector.shape_cast %broadcast_in_dim3A_35 : vector<16xf32> to vector<1x16xf32>
      tpu.vector_store %arg11[%swap3A_2549, %swap3A_2550], %swap3A_2553 {strides = array<i32>} : memref<272x64xf32, #tpu.memory_space<vmem>>, vector<1x16xf32>,
      %swap3A_2554 = arith.constant 13 : i32
      %swap3A_2555 = arith.index_cast %swap3A_2554 : i32 to index
      %swap3A_2556 = arith.constant 0 : index
      %swap3A_2557 = tpu.vector_load %arg11[%swap3A_2555, %swap3A_2556] {strides = array<i32>} : memref<272x64xf32, #tpu.memory_space<vmem>>, vector<1x16xf32>,
      %swap3A_2558 = vector.shape_cast %swap3A_2557 : vector<1x16xf32> to vector<16xf32>
      %swap3A_2559 = vector.shape_cast %broadcast_in_dim3A_35 : vector<16xf32> to vector<1x16xf32>
      tpu.vector_store %arg11[%swap3A_2555, %swap3A_2556], %swap3A_2559 {strides = array<i32>} : memref<272x64xf32, #tpu.memory_space<vmem>>, vector<1x16xf32>,
      %swap3A_2560 = arith.constant 13 : i32
      %swap3A_2561 = arith.index_cast %swap3A_2560 : i32 to index
      %swap3A_2562 = arith.constant 16 : index
      %swap3A_2563 = tpu.vector_load %arg11[%swap3A_2561, %swap3A_2562] {strides = array<i32>} : memref<272x64xf32, #tpu.memory_space<vmem>>, vector<1x16xf32>,
      %swap3A_2564 = vector.shape_cast %swap3A_2563 : vector<1x16xf32> to vector<16xf32>
      %swap3A_2565 = vector.shape_cast %broadcast_in_dim3A_35 : vector<16xf32> to vector<1x16xf32>
      tpu.vector_store %arg11[%swap3A_2561, %swap3A_2562], %swap3A_2565 {strides = array<i32>} : memref<272x64xf32, #tpu.memory_space<vmem>>, vector<1x16xf32>,
      %swap3A_2566 = arith.constant 13 : i32
      %swap3A_2567 = arith.index_cast %swap3A_2566 : i32 to index
      %swap3A_2568 = arith.constant 32 : index
      %swap3A_2569 = tpu.vector_load %arg11[%swap3A_2567, %swap3A_2568] {strides = array<i32>} : memref<272x64xf32, #tpu.memory_space<vmem>>, vector<1x16xf32>,
      %swap3A_2570 = vector.shape_cast %swap3A_2569 : vector<1x16xf32> to vector<16xf32>
      %swap3A_2571 = vector.shape_cast %broadcast_in_dim3A_35 : vector<16xf32> to vector<1x16xf32>
      tpu.vector_store %arg11[%swap3A_2567, %swap3A_2568], %swap3A_2571 {strides = array<i32>} : memref<272x64xf32, #tpu.memory_space<vmem>>, vector<1x16xf32>,
      %swap3A_2572 = arith.constant 13 : i32
      %swap3A_2573 = arith.index_cast %swap3A_2572 : i32 to index
      %swap3A_2574 = arith.constant 48 : index
      %swap3A_2575 = tpu.vector_load %arg11[%swap3A_2573, %swap3A_2574] {strides = array<i32>} : memref<272x64xf32, #tpu.memory_space<vmem>>, vector<1x16xf32>,
      %swap3A_2576 = vector.shape_cast %swap3A_2575 : vector<1x16xf32> to vector<16xf32>
      %swap3A_2577 = vector.shape_cast %broadcast_in_dim3A_35 : vector<16xf32> to vector<1x16xf32>
      tpu.vector_store %arg11[%swap3A_2573, %swap3A_2574], %swap3A_2577 {strides = array<i32>} : memref<272x64xf32, #tpu.memory_space<vmem>>, vector<1x16xf32>,
      %swap3A_2578 = arith.constant 14 : i32
      %swap3A_2579 = arith.index_cast %swap3A_2578 : i32 to index
      %swap3A_2580 = arith.constant 0 : index
      %swap3A_2581 = tpu.vector_load %arg11[%swap3A_2579, %swap3A_2580] {strides = array<i32>} : memref<272x64xf32, #tpu.memory_space<vmem>>, vector<1x16xf32>,
      %swap3A_2582 = vector.shape_cast %swap3A_2581 : vector<1x16xf32> to vector<16xf32>
      %swap3A_2583 = vector.shape_cast %broadcast_in_dim3A_35 : vector<16xf32> to vector<1x16xf32>
      tpu.vector_store %arg11[%swap3A_2579, %swap3A_2580], %swap3A_2583 {strides = array<i32>} : memref<272x64xf32, #tpu.memory_space<vmem>>, vector<1x16xf32>,
      %swap3A_2584 = arith.constant 14 : i32
      %swap3A_2585 = arith.index_cast %swap3A_2584 : i32 to index
      %swap3A_2586 = arith.constant 16 : index
      %swap3A_2587 = tpu.vector_load %arg11[%swap3A_2585, %swap3A_2586] {strides = array<i32>} : memref<272x64xf32, #tpu.memory_space<vmem>>, vector<1x16xf32>,
      %swap3A_2588 = vector.shape_cast %swap3A_2587 : vector<1x16xf32> to vector<16xf32>
      %swap3A_2589 = vector.shape_cast %broadcast_in_dim3A_35 : vector<16xf32> to vector<1x16xf32>
      tpu.vector_store %arg11[%swap3A_2585, %swap3A_2586], %swap3A_2589 {strides = array<i32>} : memref<272x64xf32, #tpu.memory_space<vmem>>, vector<1x16xf32>,
      %swap3A_2590 = arith.constant 14 : i32
      %swap3A_2591 = arith.index_cast %swap3A_2590 : i32 to index
      %swap3A_2592 = arith.constant 32 : index
      %swap3A_2593 = tpu.vector_load %arg11[%swap3A_2591, %swap3A_2592] {strides = array<i32>} : memref<272x64xf32, #tpu.memory_space<vmem>>, vector<1x16xf32>,
      %swap3A_2594 = vector.shape_cast %swap3A_2593 : vector<1x16xf32> to vector<16xf32>
      %swap3A_2595 = vector.shape_cast %broadcast_in_dim3A_35 : vector<16xf32> to vector<1x16xf32>
      tpu.vector_store %arg11[%swap3A_2591, %swap3A_2592], %swap3A_2595 {strides = array<i32>} : memref<272x64xf32, #tpu.memory_space<vmem>>, vector<1x16xf32>,
      %swap3A_2596 = arith.constant 14 : i32
      %swap3A_2597 = arith.index_cast %swap3A_2596 : i32 to index
      %swap3A_2598 = arith.constant 48 : index
      %swap3A_2599 = tpu.vector_load %arg11[%swap3A_2597, %swap3A_2598] {strides = array<i32>} : memref<272x64xf32, #tpu.memory_space<vmem>>, vector<1x16xf32>,
      %swap3A_2600 = vector.shape_cast %swap3A_2599 : vector<1x16xf32> to vector<16xf32>
      %swap3A_2601 = vector.shape_cast %broadcast_in_dim3A_35 : vector<16xf32> to vector<1x16xf32>
      tpu.vector_store %arg11[%swap3A_2597, %swap3A_2598], %swap3A_2601 {strides = array<i32>} : memref<272x64xf32, #tpu.memory_space<vmem>>, vector<1x16xf32>,
      %swap3A_2602 = arith.constant 15 : i32
      %swap3A_2603 = arith.index_cast %swap3A_2602 : i32 to index
      %swap3A_2604 = arith.constant 0 : index
      %swap3A_2605 = tpu.vector_load %arg11[%swap3A_2603, %swap3A_2604] {strides = array<i32>} : memref<272x64xf32, #tpu.memory_space<vmem>>, vector<1x16xf32>,
      %swap3A_2606 = vector.shape_cast %swap3A_2605 : vector<1x16xf32> to vector<16xf32>
      %swap3A_2607 = vector.shape_cast %broadcast_in_dim3A_35 : vector<16xf32> to vector<1x16xf32>
      tpu.vector_store %arg11[%swap3A_2603, %swap3A_2604], %swap3A_2607 {strides = array<i32>} : memref<272x64xf32, #tpu.memory_space<vmem>>, vector<1x16xf32>,
      %swap3A_2608 = arith.constant 15 : i32
      %swap3A_2609 = arith.index_cast %swap3A_2608 : i32 to index
      %swap3A_2610 = arith.constant 16 : index
      %swap3A_2611 = tpu.vector_load %arg11[%swap3A_2609, %swap3A_2610] {strides = array<i32>} : memref<272x64xf32, #tpu.memory_space<vmem>>, vector<1x16xf32>,
      %swap3A_2612 = vector.shape_cast %swap3A_2611 : vector<1x16xf32> to vector<16xf32>
      %swap3A_2613 = vector.shape_cast %broadcast_in_dim3A_35 : vector<16xf32> to vector<1x16xf32>
      tpu.vector_store %arg11[%swap3A_2609, %swap3A_2610], %swap3A_2613 {strides = array<i32>} : memref<272x64xf32, #tpu.memory_space<vmem>>, vector<1x16xf32>,
      %swap3A_2614 = arith.constant 15 : i32
      %swap3A_2615 = arith.index_cast %swap3A_2614 : i32 to index
      %swap3A_2616 = arith.constant 32 : index
      %swap3A_2617 = tpu.vector_load %arg11[%swap3A_2615, %swap3A_2616] {strides = array<i32>} : memref<272x64xf32, #tpu.memory_space<vmem>>, vector<1x16xf32>,
      %swap3A_2618 = vector.shape_cast %swap3A_2617 : vector<1x16xf32> to vector<16xf32>
      %swap3A_2619 = vector.shape_cast %broadcast_in_dim3A_35 : vector<16xf32> to vector<1x16xf32>
      tpu.vector_store %arg11[%swap3A_2615, %swap3A_2616], %swap3A_2619 {strides = array<i32>} : memref<272x64xf32, #tpu.memory_space<vmem>>, vector<1x16xf32>,
      %swap3A_2620 = arith.constant 15 : i32
      %swap3A_2621 = arith.index_cast %swap3A_2620 : i32 to index
      %swap3A_2622 = arith.constant 48 : index
      %swap3A_2623 = tpu.vector_load %arg11[%swap3A_2621, %swap3A_2622] {strides = array<i32>} : memref<272x64xf32, #tpu.memory_space<vmem>>, vector<1x16xf32>,
      %swap3A_2624 = vector.shape_cast %swap3A_2623 : vector<1x16xf32> to vector<16xf32>
      %swap3A_2625 = vector.shape_cast %broadcast_in_dim3A_35 : vector<16xf32> to vector<1x16xf32>
      tpu.vector_store %arg11[%swap3A_2621, %swap3A_2622], %swap3A_2625 {strides = array<i32>} : memref<272x64xf32, #tpu.memory_space<vmem>>, vector<1x16xf32>,
      %swap3A_2626 = arith.constant 16 : i32
      %swap3A_2627 = arith.index_cast %swap3A_2626 : i32 to index
      %swap3A_2628 = arith.constant 0 : index
      %swap3A_2629 = tpu.vector_load %arg11[%swap3A_2627, %swap3A_2628] {strides = array<i32>} : memref<272x64xf32, #tpu.memory_space<vmem>>, vector<1x16xf32>,
      %swap3A_2630 = vector.shape_cast %swap3A_2629 : vector<1x16xf32> to vector<16xf32>
      %swap3A_2631 = vector.shape_cast %broadcast_in_dim3A_35 : vector<16xf32> to vector<1x16xf32>
      tpu.vector_store %arg11[%swap3A_2627, %swap3A_2628], %swap3A_2631 {strides = array<i32>} : memref<272x64xf32, #tpu.memory_space<vmem>>, vector<1x16xf32>,
      %swap3A_2632 = arith.constant 16 : i32
      %swap3A_2633 = arith.index_cast %swap3A_2632 : i32 to index
      %swap3A_2634 = arith.constant 16 : index
      %swap3A_2635 = tpu.vector_load %arg11[%swap3A_2633, %swap3A_2634] {strides = array<i32>} : memref<272x64xf32, #tpu.memory_space<vmem>>, vector<1x16xf32>,
      %swap3A_2636 = vector.shape_cast %swap3A_2635 : vector<1x16xf32> to vector<16xf32>
      %swap3A_2637 = vector.shape_cast %broadcast_in_dim3A_35 : vector<16xf32> to vector<1x16xf32>
      tpu.vector_store %arg11[%swap3A_2633, %swap3A_2634], %swap3A_2637 {strides = array<i32>} : memref<272x64xf32, #tpu.memory_space<vmem>>, vector<1x16xf32>,
      %swap3A_2638 = arith.constant 16 : i32
      %swap3A_2639 = arith.index_cast %swap3A_2638 : i32 to index
      %swap3A_2640 = arith.constant 32 : index
      %swap3A_2641 = tpu.vector_load %arg11[%swap3A_2639, %swap3A_2640] {strides = array<i32>} : memref<272x64xf32, #tpu.memory_space<vmem>>, vector<1x16xf32>,
      %swap3A_2642 = vector.shape_cast %swap3A_2641 : vector<1x16xf32> to vector<16xf32>
      %swap3A_2643 = vector.shape_cast %broadcast_in_dim3A_35 : vector<16xf32> to vector<1x16xf32>
      tpu.vector_store %arg11[%swap3A_2639, %swap3A_2640], %swap3A_2643 {strides = array<i32>} : memref<272x64xf32, #tpu.memory_space<vmem>>, vector<1x16xf32>,
      %swap3A_2644 = arith.constant 16 : i32
      %swap3A_2645 = arith.index_cast %swap3A_2644 : i32 to index
      %swap3A_2646 = arith.constant 48 : index
      %swap3A_2647 = tpu.vector_load %arg11[%swap3A_2645, %swap3A_2646] {strides = array<i32>} : memref<272x64xf32, #tpu.memory_space<vmem>>, vector<1x16xf32>,
      %swap3A_2648 = vector.shape_cast %swap3A_2647 : vector<1x16xf32> to vector<16xf32>
      %swap3A_2649 = vector.shape_cast %broadcast_in_dim3A_35 : vector<16xf32> to vector<1x16xf32>
      tpu.vector_store %arg11[%swap3A_2645, %swap3A_2646], %swap3A_2649 {strides = array<i32>} : memref<272x64xf32, #tpu.memory_space<vmem>>, vector<1x16xf32>,
      %swap3A_2650 = arith.constant 17 : i32
      %swap3A_2651 = arith.index_cast %swap3A_2650 : i32 to index
      %swap3A_2652 = arith.constant 0 : index
      %swap3A_2653 = tpu.vector_load %arg11[%swap3A_2651, %swap3A_2652] {strides = array<i32>} : memref<272x64xf32, #tpu.memory_space<vmem>>, vector<1x16xf32>,
      %swap3A_2654 = vector.shape_cast %swap3A_2653 : vector<1x16xf32> to vector<16xf32>
      %swap3A_2655 = vector.shape_cast %broadcast_in_dim3A_35 : vector<16xf32> to vector<1x16xf32>
      tpu.vector_store %arg11[%swap3A_2651, %swap3A_2652], %swap3A_2655 {strides = array<i32>} : memref<272x64xf32, #tpu.memory_space<vmem>>, vector<1x16xf32>,
      %swap3A_2656 = arith.constant 17 : i32
      %swap3A_2657 = arith.index_cast %swap3A_2656 : i32 to index
      %swap3A_2658 = arith.constant 16 : index
      %swap3A_2659 = tpu.vector_load %arg11[%swap3A_2657, %swap3A_2658] {strides = array<i32>} : memref<272x64xf32, #tpu.memory_space<vmem>>, vector<1x16xf32>,
      %swap3A_2660 = vector.shape_cast %swap3A_2659 : vector<1x16xf32> to vector<16xf32>
      %swap3A_2661 = vector.shape_cast %broadcast_in_dim3A_35 : vector<16xf32> to vector<1x16xf32>
      tpu.vector_store %arg11[%swap3A_2657, %swap3A_2658], %swap3A_2661 {strides = array<i32>} : memref<272x64xf32, #tpu.memory_space<vmem>>, vector<1x16xf32>,
      %swap3A_2662 = arith.constant 17 : i32
      %swap3A_2663 = arith.index_cast %swap3A_2662 : i32 to index
      %swap3A_2664 = arith.constant 32 : index
      %swap3A_2665 = tpu.vector_load %arg11[%swap3A_2663, %swap3A_2664] {strides = array<i32>} : memref<272x64xf32, #tpu.memory_space<vmem>>, vector<1x16xf32>,
      %swap3A_2666 = vector.shape_cast %swap3A_2665 : vector<1x16xf32> to vector<16xf32>
      %swap3A_2667 = vector.shape_cast %broadcast_in_dim3A_35 : vector<16xf32> to vector<1x16xf32>
      tpu.vector_store %arg11[%swap3A_2663, %swap3A_2664], %swap3A_2667 {strides = array<i32>} : memref<272x64xf32, #tpu.memory_space<vmem>>, vector<1x16xf32>,
      %swap3A_2668 = arith.constant 17 : i32
      %swap3A_2669 = arith.index_cast %swap3A_2668 : i32 to index
      %swap3A_2670 = arith.constant 48 : index
      %swap3A_2671 = tpu.vector_load %arg11[%swap3A_2669, %swap3A_2670] {strides = array<i32>} : memref<272x64xf32, #tpu.memory_space<vmem>>, vector<1x16xf32>,
      %swap3A_2672 = vector.shape_cast %swap3A_2671 : vector<1x16xf32> to vector<16xf32>
      %swap3A_2673 = vector.shape_cast %broadcast_in_dim3A_35 : vector<16xf32> to vector<1x16xf32>
      tpu.vector_store %arg11[%swap3A_2669, %swap3A_2670], %swap3A_2673 {strides = array<i32>} : memref<272x64xf32, #tpu.memory_space<vmem>>, vector<1x16xf32>,
      %swap3A_2674 = arith.constant 18 : i32
      %swap3A_2675 = arith.index_cast %swap3A_2674 : i32 to index
      %swap3A_2676 = arith.constant 0 : index
      %swap3A_2677 = tpu.vector_load %arg11[%swap3A_2675, %swap3A_2676] {strides = array<i32>} : memref<272x64xf32, #tpu.memory_space<vmem>>, vector<1x16xf32>,
      %swap3A_2678 = vector.shape_cast %swap3A_2677 : vector<1x16xf32> to vector<16xf32>
      %swap3A_2679 = vector.shape_cast %broadcast_in_dim3A_35 : vector<16xf32> to vector<1x16xf32>
      tpu.vector_store %arg11[%swap3A_2675, %swap3A_2676], %swap3A_2679 {strides = array<i32>} : memref<272x64xf32, #tpu.memory_space<vmem>>, vector<1x16xf32>,
      %swap3A_2680 = arith.constant 18 : i32
      %swap3A_2681 = arith.index_cast %swap3A_2680 : i32 to index
      %swap3A_2682 = arith.constant 16 : index
      %swap3A_2683 = tpu.vector_load %arg11[%swap3A_2681, %swap3A_2682] {strides = array<i32>} : memref<272x64xf32, #tpu.memory_space<vmem>>, vector<1x16xf32>,
      %swap3A_2684 = vector.shape_cast %swap3A_2683 : vector<1x16xf32> to vector<16xf32>
      %swap3A_2685 = vector.shape_cast %broadcast_in_dim3A_35 : vector<16xf32> to vector<1x16xf32>
      tpu.vector_store %arg11[%swap3A_2681, %swap3A_2682], %swap3A_2685 {strides = array<i32>} : memref<272x64xf32, #tpu.memory_space<vmem>>, vector<1x16xf32>,
      %swap3A_2686 = arith.constant 18 : i32
      %swap3A_2687 = arith.index_cast %swap3A_2686 : i32 to index
      %swap3A_2688 = arith.constant 32 : index
      %swap3A_2689 = tpu.vector_load %arg11[%swap3A_2687, %swap3A_2688] {strides = array<i32>} : memref<272x64xf32, #tpu.memory_space<vmem>>, vector<1x16xf32>,
      %swap3A_2690 = vector.shape_cast %swap3A_2689 : vector<1x16xf32> to vector<16xf32>
      %swap3A_2691 = vector.shape_cast %broadcast_in_dim3A_35 : vector<16xf32> to vector<1x16xf32>
      tpu.vector_store %arg11[%swap3A_2687, %swap3A_2688], %swap3A_2691 {strides = array<i32>} : memref<272x64xf32, #tpu.memory_space<vmem>>, vector<1x16xf32>,
      %swap3A_2692 = arith.constant 18 : i32
      %swap3A_2693 = arith.index_cast %swap3A_2692 : i32 to index
      %swap3A_2694 = arith.constant 48 : index
      %swap3A_2695 = tpu.vector_load %arg11[%swap3A_2693, %swap3A_2694] {strides = array<i32>} : memref<272x64xf32, #tpu.memory_space<vmem>>, vector<1x16xf32>,
      %swap3A_2696 = vector.shape_cast %swap3A_2695 : vector<1x16xf32> to vector<16xf32>
      %swap3A_2697 = vector.shape_cast %broadcast_in_dim3A_35 : vector<16xf32> to vector<1x16xf32>
      tpu.vector_store %arg11[%swap3A_2693, %swap3A_2694], %swap3A_2697 {strides = array<i32>} : memref<272x64xf32, #tpu.memory_space<vmem>>, vector<1x16xf32>,
    } else {
    }
    %get3A_1363 = arith.constant 3 : i32
    %get3A_1364 = arith.index_cast %get3A_1363 : i32 to index
    %get3A_1365 = arith.constant 0 : index
    %get3A_1366 = tpu.vector_load %arg11[%get3A_1364, %get3A_1365] {strides = array<i32>} : memref<272x64xf32, #tpu.memory_space<vmem>>, vector<1x16xf32>,
    %get3A_1367 = vector.shape_cast %get3A_1366 : vector<1x16xf32> to vector<16xf32>
    %add3A_1368 = arith.addf %broadcast_in_dim3A_35, %get3A_1367 : vector<16xf32>
    %get3A_1369 = arith.constant 3 : i32
    %get3A_1370 = arith.index_cast %get3A_1369 : i32 to index
    %get3A_1371 = arith.constant 16 : index
    %get3A_1372 = tpu.vector_load %arg11[%get3A_1370, %get3A_1371] {strides = array<i32>} : memref<272x64xf32, #tpu.memory_space<vmem>>, vector<1x16xf32>,
    %get3A_1373 = vector.shape_cast %get3A_1372 : vector<1x16xf32> to vector<16xf32>
    %add3A_1374 = arith.addf %broadcast_in_dim3A_35, %get3A_1373 : vector<16xf32>
    %get3A_1375 = arith.constant 3 : i32
    %get3A_1376 = arith.index_cast %get3A_1375 : i32 to index
    %get3A_1377 = arith.constant 32 : index
    %get3A_1378 = tpu.vector_load %arg11[%get3A_1376, %get3A_1377] {strides = array<i32>} : memref<272x64xf32, #tpu.memory_space<vmem>>, vector<1x16xf32>,
    %get3A_1379 = vector.shape_cast %get3A_1378 : vector<1x16xf32> to vector<16xf32>
    %add3A_1380 = arith.addf %broadcast_in_dim3A_35, %get3A_1379 : vector<16xf32>
    %get3A_1381 = arith.constant 3 : i32
    %get3A_1382 = arith.index_cast %get3A_1381 : i32 to index
    %get3A_1383 = arith.constant 48 : index
    %get3A_1384 = tpu.vector_load %arg11[%get3A_1382, %get3A_1383] {strides = array<i32>} : memref<272x64xf32, #tpu.memory_space<vmem>>, vector<1x16xf32>,
    %get3A_1385 = vector.shape_cast %get3A_1384 : vector<1x16xf32> to vector<16xf32>
    %add3A_1386 = arith.addf %broadcast_in_dim3A_35, %get3A_1385 : vector<16xf32>
    %get3A_1387 = arith.constant 4 : i32
    %get3A_1388 = arith.index_cast %get3A_1387 : i32 to index
    %get3A_1389 = arith.constant 0 : index
    %get3A_1390 = tpu.vector_load %arg11[%get3A_1388, %get3A_1389] {strides = array<i32>} : memref<272x64xf32, #tpu.memory_space<vmem>>, vector<1x16xf32>,
    %get3A_1391 = vector.shape_cast %get3A_1390 : vector<1x16xf32> to vector<16xf32>
    %add3A_1392 = arith.addf %add3A_1368, %get3A_1391 : vector<16xf32>
    %get3A_1393 = arith.constant 4 : i32
    %get3A_1394 = arith.index_cast %get3A_1393 : i32 to index
    %get3A_1395 = arith.constant 16 : index
    %get3A_1396 = tpu.vector_load %arg11[%get3A_1394, %get3A_1395] {strides = array<i32>} : memref<272x64xf32, #tpu.memory_space<vmem>>, vector<1x16xf32>,
    %get3A_1397 = vector.shape_cast %get3A_1396 : vector<1x16xf32> to vector<16xf32>
    %add3A_1398 = arith.addf %add3A_1374, %get3A_1397 : vector<16xf32>
    %get3A_1399 = arith.constant 4 : i32
    %get3A_1400 = arith.index_cast %get3A_1399 : i32 to index
    %get3A_1401 = arith.constant 32 : index
    %get3A_1402 = tpu.vector_load %arg11[%get3A_1400, %get3A_1401] {strides = array<i32>} : memref<272x64xf32, #tpu.memory_space<vmem>>, vector<1x16xf32>,
    %get3A_1403 = vector.shape_cast %get3A_1402 : vector<1x16xf32> to vector<16xf32>
    %add3A_1404 = arith.addf %add3A_1380, %get3A_1403 : vector<16xf32>
    %get3A_1405 = arith.constant 4 : i32
    %get3A_1406 = arith.index_cast %get3A_1405 : i32 to index
    %get3A_1407 = arith.constant 48 : index
    %get3A_1408 = tpu.vector_load %arg11[%get3A_1406, %get3A_1407] {strides = array<i32>} : memref<272x64xf32, #tpu.memory_space<vmem>>, vector<1x16xf32>,
    %get3A_1409 = vector.shape_cast %get3A_1408 : vector<1x16xf32> to vector<16xf32>
    %add3A_1410 = arith.addf %add3A_1386, %get3A_1409 : vector<16xf32>
    %get3A_1411 = arith.constant 5 : i32
    %get3A_1412 = arith.index_cast %get3A_1411 : i32 to index
    %get3A_1413 = arith.constant 0 : index
    %get3A_1414 = tpu.vector_load %arg11[%get3A_1412, %get3A_1413] {strides = array<i32>} : memref<272x64xf32, #tpu.memory_space<vmem>>, vector<1x16xf32>,
    %get3A_1415 = vector.shape_cast %get3A_1414 : vector<1x16xf32> to vector<16xf32>
    %add3A_1416 = arith.addf %add3A_1392, %get3A_1415 : vector<16xf32>
    %get3A_1417 = arith.constant 5 : i32
    %get3A_1418 = arith.index_cast %get3A_1417 : i32 to index
    %get3A_1419 = arith.constant 16 : index
    %get3A_1420 = tpu.vector_load %arg11[%get3A_1418, %get3A_1419] {strides = array<i32>} : memref<272x64xf32, #tpu.memory_space<vmem>>, vector<1x16xf32>,
    %get3A_1421 = vector.shape_cast %get3A_1420 : vector<1x16xf32> to vector<16xf32>
    %add3A_1422 = arith.addf %add3A_1398, %get3A_1421 : vector<16xf32>
    %get3A_1423 = arith.constant 5 : i32
    %get3A_1424 = arith.index_cast %get3A_1423 : i32 to index
    %get3A_1425 = arith.constant 32 : index
    %get3A_1426 = tpu.vector_load %arg11[%get3A_1424, %get3A_1425] {strides = array<i32>} : memref<272x64xf32, #tpu.memory_space<vmem>>, vector<1x16xf32>,
    %get3A_1427 = vector.shape_cast %get3A_1426 : vector<1x16xf32> to vector<16xf32>
    %add3A_1428 = arith.addf %add3A_1404, %get3A_1427 : vector<16xf32>
    %get3A_1429 = arith.constant 5 : i32
    %get3A_1430 = arith.index_cast %get3A_1429 : i32 to index
    %get3A_1431 = arith.constant 48 : index
    %get3A_1432 = tpu.vector_load %arg11[%get3A_1430, %get3A_1431] {strides = array<i32>} : memref<272x64xf32, #tpu.memory_space<vmem>>, vector<1x16xf32>,
    %get3A_1433 = vector.shape_cast %get3A_1432 : vector<1x16xf32> to vector<16xf32>
    %add3A_1434 = arith.addf %add3A_1410, %get3A_1433 : vector<16xf32>
    %get3A_1435 = arith.constant 6 : i32
    %get3A_1436 = arith.index_cast %get3A_1435 : i32 to index
    %get3A_1437 = arith.constant 0 : index
    %get3A_1438 = tpu.vector_load %arg11[%get3A_1436, %get3A_1437] {strides = array<i32>} : memref<272x64xf32, #tpu.memory_space<vmem>>, vector<1x16xf32>,
    %get3A_1439 = vector.shape_cast %get3A_1438 : vector<1x16xf32> to vector<16xf32>
    %add3A_1440 = arith.addf %add3A_1416, %get3A_1439 : vector<16xf32>
    %get3A_1441 = arith.constant 6 : i32
    %get3A_1442 = arith.index_cast %get3A_1441 : i32 to index
    %get3A_1443 = arith.constant 16 : index
    %get3A_1444 = tpu.vector_load %arg11[%get3A_1442, %get3A_1443] {strides = array<i32>} : memref<272x64xf32, #tpu.memory_space<vmem>>, vector<1x16xf32>,
    %get3A_1445 = vector.shape_cast %get3A_1444 : vector<1x16xf32> to vector<16xf32>
    %add3A_1446 = arith.addf %add3A_1422, %get3A_1445 : vector<16xf32>
    %get3A_1447 = arith.constant 6 : i32
    %get3A_1448 = arith.index_cast %get3A_1447 : i32 to index
    %get3A_1449 = arith.constant 32 : index
    %get3A_1450 = tpu.vector_load %arg11[%get3A_1448, %get3A_1449] {strides = array<i32>} : memref<272x64xf32, #tpu.memory_space<vmem>>, vector<1x16xf32>,
    %get3A_1451 = vector.shape_cast %get3A_1450 : vector<1x16xf32> to vector<16xf32>
    %add3A_1452 = arith.addf %add3A_1428, %get3A_1451 : vector<16xf32>
    %get3A_1453 = arith.constant 6 : i32
    %get3A_1454 = arith.index_cast %get3A_1453 : i32 to index
    %get3A_1455 = arith.constant 48 : index
    %get3A_1456 = tpu.vector_load %arg11[%get3A_1454, %get3A_1455] {strides = array<i32>} : memref<272x64xf32, #tpu.memory_space<vmem>>, vector<1x16xf32>,
    %get3A_1457 = vector.shape_cast %get3A_1456 : vector<1x16xf32> to vector<16xf32>
    %add3A_1458 = arith.addf %add3A_1434, %get3A_1457 : vector<16xf32>
    %get3A_1459 = arith.constant 7 : i32
    %get3A_1460 = arith.index_cast %get3A_1459 : i32 to index
    %get3A_1461 = arith.constant 0 : index
    %get3A_1462 = tpu.vector_load %arg11[%get3A_1460, %get3A_1461] {strides = array<i32>} : memref<272x64xf32, #tpu.memory_space<vmem>>, vector<1x16xf32>,
    %get3A_1463 = vector.shape_cast %get3A_1462 : vector<1x16xf32> to vector<16xf32>
    %add3A_1464 = arith.addf %add3A_1440, %get3A_1463 : vector<16xf32>
    %get3A_1465 = arith.constant 7 : i32
    %get3A_1466 = arith.index_cast %get3A_1465 : i32 to index
    %get3A_1467 = arith.constant 16 : index
    %get3A_1468 = tpu.vector_load %arg11[%get3A_1466, %get3A_1467] {strides = array<i32>} : memref<272x64xf32, #tpu.memory_space<vmem>>, vector<1x16xf32>,
    %get3A_1469 = vector.shape_cast %get3A_1468 : vector<1x16xf32> to vector<16xf32>
    %add3A_1470 = arith.addf %add3A_1446, %get3A_1469 : vector<16xf32>
    %get3A_1471 = arith.constant 7 : i32
    %get3A_1472 = arith.index_cast %get3A_1471 : i32 to index
    %get3A_1473 = arith.constant 32 : index
    %get3A_1474 = tpu.vector_load %arg11[%get3A_1472, %get3A_1473] {strides = array<i32>} : memref<272x64xf32, #tpu.memory_space<vmem>>, vector<1x16xf32>,
    %get3A_1475 = vector.shape_cast %get3A_1474 : vector<1x16xf32> to vector<16xf32>
    %add3A_1476 = arith.addf %add3A_1452, %get3A_1475 : vector<16xf32>
    %get3A_1477 = arith.constant 7 : i32
    %get3A_1478 = arith.index_cast %get3A_1477 : i32 to index
    %get3A_1479 = arith.constant 48 : index
    %get3A_1480 = tpu.vector_load %arg11[%get3A_1478, %get3A_1479] {strides = array<i32>} : memref<272x64xf32, #tpu.memory_space<vmem>>, vector<1x16xf32>,
    %get3A_1481 = vector.shape_cast %get3A_1480 : vector<1x16xf32> to vector<16xf32>
    %add3A_1482 = arith.addf %add3A_1458, %get3A_1481 : vector<16xf32>
    %get3A_1483 = arith.constant 8 : i32
    %get3A_1484 = arith.index_cast %get3A_1483 : i32 to index
    %get3A_1485 = arith.constant 0 : index
    %get3A_1486 = tpu.vector_load %arg11[%get3A_1484, %get3A_1485] {strides = array<i32>} : memref<272x64xf32, #tpu.memory_space<vmem>>, vector<1x16xf32>,
    %get3A_1487 = vector.shape_cast %get3A_1486 : vector<1x16xf32> to vector<16xf32>
    %add3A_1488 = arith.addf %add3A_1464, %get3A_1487 : vector<16xf32>
    %get3A_1489 = arith.constant 8 : i32
    %get3A_1490 = arith.index_cast %get3A_1489 : i32 to index
    %get3A_1491 = arith.constant 16 : index
    %get3A_1492 = tpu.vector_load %arg11[%get3A_1490, %get3A_1491] {strides = array<i32>} : memref<272x64xf32, #tpu.memory_space<vmem>>, vector<1x16xf32>,
    %get3A_1493 = vector.shape_cast %get3A_1492 : vector<1x16xf32> to vector<16xf32>
    %add3A_1494 = arith.addf %add3A_1470, %get3A_1493 : vector<16xf32>
    %get3A_1495 = arith.constant 8 : i32
    %get3A_1496 = arith.index_cast %get3A_1495 : i32 to index
    %get3A_1497 = arith.constant 32 : index
    %get3A_1498 = tpu.vector_load %arg11[%get3A_1496, %get3A_1497] {strides = array<i32>} : memref<272x64xf32, #tpu.memory_space<vmem>>, vector<1x16xf32>,
    %get3A_1499 = vector.shape_cast %get3A_1498 : vector<1x16xf32> to vector<16xf32>
    %add3A_1500 = arith.addf %add3A_1476, %get3A_1499 : vector<16xf32>
    %get3A_1501 = arith.constant 8 : i32
    %get3A_1502 = arith.index_cast %get3A_1501 : i32 to index
    %get3A_1503 = arith.constant 48 : index
    %get3A_1504 = tpu.vector_load %arg11[%get3A_1502, %get3A_1503] {strides = array<i32>} : memref<272x64xf32, #tpu.memory_space<vmem>>, vector<1x16xf32>,
    %get3A_1505 = vector.shape_cast %get3A_1504 : vector<1x16xf32> to vector<16xf32>
    %add3A_1506 = arith.addf %add3A_1482, %get3A_1505 : vector<16xf32>
    %get3A_1507 = arith.constant 9 : i32
    %get3A_1508 = arith.index_cast %get3A_1507 : i32 to index
    %get3A_1509 = arith.constant 0 : index
    %get3A_1510 = tpu.vector_load %arg11[%get3A_1508, %get3A_1509] {strides = array<i32>} : memref<272x64xf32, #tpu.memory_space<vmem>>, vector<1x16xf32>,
    %get3A_1511 = vector.shape_cast %get3A_1510 : vector<1x16xf32> to vector<16xf32>
    %add3A_1512 = arith.addf %add3A_1488, %get3A_1511 : vector<16xf32>
    %get3A_1513 = arith.constant 9 : i32
    %get3A_1514 = arith.index_cast %get3A_1513 : i32 to index
    %get3A_1515 = arith.constant 16 : index
    %get3A_1516 = tpu.vector_load %arg11[%get3A_1514, %get3A_1515] {strides = array<i32>} : memref<272x64xf32, #tpu.memory_space<vmem>>, vector<1x16xf32>,
    %get3A_1517 = vector.shape_cast %get3A_1516 : vector<1x16xf32> to vector<16xf32>
    %add3A_1518 = arith.addf %add3A_1494, %get3A_1517 : vector<16xf32>
    %get3A_1519 = arith.constant 9 : i32
    %get3A_1520 = arith.index_cast %get3A_1519 : i32 to index
    %get3A_1521 = arith.constant 32 : index
    %get3A_1522 = tpu.vector_load %arg11[%get3A_1520, %get3A_1521] {strides = array<i32>} : memref<272x64xf32, #tpu.memory_space<vmem>>, vector<1x16xf32>,
    %get3A_1523 = vector.shape_cast %get3A_1522 : vector<1x16xf32> to vector<16xf32>
    %add3A_1524 = arith.addf %add3A_1500, %get3A_1523 : vector<16xf32>
    %get3A_1525 = arith.constant 9 : i32
    %get3A_1526 = arith.index_cast %get3A_1525 : i32 to index
    %get3A_1527 = arith.constant 48 : index
    %get3A_1528 = tpu.vector_load %arg11[%get3A_1526, %get3A_1527] {strides = array<i32>} : memref<272x64xf32, #tpu.memory_space<vmem>>, vector<1x16xf32>,
    %get3A_1529 = vector.shape_cast %get3A_1528 : vector<1x16xf32> to vector<16xf32>
    %add3A_1530 = arith.addf %add3A_1506, %get3A_1529 : vector<16xf32>
    %get3A_1531 = arith.constant 10 : i32
    %get3A_1532 = arith.index_cast %get3A_1531 : i32 to index
    %get3A_1533 = arith.constant 0 : index
    %get3A_1534 = tpu.vector_load %arg11[%get3A_1532, %get3A_1533] {strides = array<i32>} : memref<272x64xf32, #tpu.memory_space<vmem>>, vector<1x16xf32>,
    %get3A_1535 = vector.shape_cast %get3A_1534 : vector<1x16xf32> to vector<16xf32>
    %add3A_1536 = arith.addf %add3A_1512, %get3A_1535 : vector<16xf32>
    %get3A_1537 = arith.constant 10 : i32
    %get3A_1538 = arith.index_cast %get3A_1537 : i32 to index
    %get3A_1539 = arith.constant 16 : index
    %get3A_1540 = tpu.vector_load %arg11[%get3A_1538, %get3A_1539] {strides = array<i32>} : memref<272x64xf32, #tpu.memory_space<vmem>>, vector<1x16xf32>,
    %get3A_1541 = vector.shape_cast %get3A_1540 : vector<1x16xf32> to vector<16xf32>
    %add3A_1542 = arith.addf %add3A_1518, %get3A_1541 : vector<16xf32>
    %get3A_1543 = arith.constant 10 : i32
    %get3A_1544 = arith.index_cast %get3A_1543 : i32 to index
    %get3A_1545 = arith.constant 32 : index
    %get3A_1546 = tpu.vector_load %arg11[%get3A_1544, %get3A_1545] {strides = array<i32>} : memref<272x64xf32, #tpu.memory_space<vmem>>, vector<1x16xf32>,
    %get3A_1547 = vector.shape_cast %get3A_1546 : vector<1x16xf32> to vector<16xf32>
    %add3A_1548 = arith.addf %add3A_1524, %get3A_1547 : vector<16xf32>
    %get3A_1549 = arith.constant 10 : i32
    %get3A_1550 = arith.index_cast %get3A_1549 : i32 to index
    %get3A_1551 = arith.constant 48 : index
    %get3A_1552 = tpu.vector_load %arg11[%get3A_1550, %get3A_1551] {strides = array<i32>} : memref<272x64xf32, #tpu.memory_space<vmem>>, vector<1x16xf32>,
    %get3A_1553 = vector.shape_cast %get3A_1552 : vector<1x16xf32> to vector<16xf32>
    %add3A_1554 = arith.addf %add3A_1530, %get3A_1553 : vector<16xf32>
    %get3A_1555 = arith.constant 11 : i32
    %get3A_1556 = arith.index_cast %get3A_1555 : i32 to index
    %get3A_1557 = arith.constant 0 : index
    %get3A_1558 = tpu.vector_load %arg11[%get3A_1556, %get3A_1557] {strides = array<i32>} : memref<272x64xf32, #tpu.memory_space<vmem>>, vector<1x16xf32>,
    %get3A_1559 = vector.shape_cast %get3A_1558 : vector<1x16xf32> to vector<16xf32>
    %add3A_1560 = arith.addf %add3A_1536, %get3A_1559 : vector<16xf32>
    %get3A_1561 = arith.constant 11 : i32
    %get3A_1562 = arith.index_cast %get3A_1561 : i32 to index
    %get3A_1563 = arith.constant 16 : index
    %get3A_1564 = tpu.vector_load %arg11[%get3A_1562, %get3A_1563] {strides = array<i32>} : memref<272x64xf32, #tpu.memory_space<vmem>>, vector<1x16xf32>,
    %get3A_1565 = vector.shape_cast %get3A_1564 : vector<1x16xf32> to vector<16xf32>
    %add3A_1566 = arith.addf %add3A_1542, %get3A_1565 : vector<16xf32>
    %get3A_1567 = arith.constant 11 : i32
    %get3A_1568 = arith.index_cast %get3A_1567 : i32 to index
    %get3A_1569 = arith.constant 32 : index
    %get3A_1570 = tpu.vector_load %arg11[%get3A_1568, %get3A_1569] {strides = array<i32>} : memref<272x64xf32, #tpu.memory_space<vmem>>, vector<1x16xf32>,
    %get3A_1571 = vector.shape_cast %get3A_1570 : vector<1x16xf32> to vector<16xf32>
    %add3A_1572 = arith.addf %add3A_1548, %get3A_1571 : vector<16xf32>
    %get3A_1573 = arith.constant 11 : i32
    %get3A_1574 = arith.index_cast %get3A_1573 : i32 to index
    %get3A_1575 = arith.constant 48 : index
    %get3A_1576 = tpu.vector_load %arg11[%get3A_1574, %get3A_1575] {strides = array<i32>} : memref<272x64xf32, #tpu.memory_space<vmem>>, vector<1x16xf32>,
    %get3A_1577 = vector.shape_cast %get3A_1576 : vector<1x16xf32> to vector<16xf32>
    %add3A_1578 = arith.addf %add3A_1554, %get3A_1577 : vector<16xf32>
    %get3A_1579 = arith.constant 12 : i32
    %get3A_1580 = arith.index_cast %get3A_1579 : i32 to index
    %get3A_1581 = arith.constant 0 : index
    %get3A_1582 = tpu.vector_load %arg11[%get3A_1580, %get3A_1581] {strides = array<i32>} : memref<272x64xf32, #tpu.memory_space<vmem>>, vector<1x16xf32>,
    %get3A_1583 = vector.shape_cast %get3A_1582 : vector<1x16xf32> to vector<16xf32>
    %add3A_1584 = arith.addf %add3A_1560, %get3A_1583 : vector<16xf32>
    %get3A_1585 = arith.constant 12 : i32
    %get3A_1586 = arith.index_cast %get3A_1585 : i32 to index
    %get3A_1587 = arith.constant 16 : index
    %get3A_1588 = tpu.vector_load %arg11[%get3A_1586, %get3A_1587] {strides = array<i32>} : memref<272x64xf32, #tpu.memory_space<vmem>>, vector<1x16xf32>,
    %get3A_1589 = vector.shape_cast %get3A_1588 : vector<1x16xf32> to vector<16xf32>
    %add3A_1590 = arith.addf %add3A_1566, %get3A_1589 : vector<16xf32>
    %get3A_1591 = arith.constant 12 : i32
    %get3A_1592 = arith.index_cast %get3A_1591 : i32 to index
    %get3A_1593 = arith.constant 32 : index
    %get3A_1594 = tpu.vector_load %arg11[%get3A_1592, %get3A_1593] {strides = array<i32>} : memref<272x64xf32, #tpu.memory_space<vmem>>, vector<1x16xf32>,
    %get3A_1595 = vector.shape_cast %get3A_1594 : vector<1x16xf32> to vector<16xf32>
    %add3A_1596 = arith.addf %add3A_1572, %get3A_1595 : vector<16xf32>
    %get3A_1597 = arith.constant 12 : i32
    %get3A_1598 = arith.index_cast %get3A_1597 : i32 to index
    %get3A_1599 = arith.constant 48 : index
    %get3A_1600 = tpu.vector_load %arg11[%get3A_1598, %get3A_1599] {strides = array<i32>} : memref<272x64xf32, #tpu.memory_space<vmem>>, vector<1x16xf32>,
    %get3A_1601 = vector.shape_cast %get3A_1600 : vector<1x16xf32> to vector<16xf32>
    %add3A_1602 = arith.addf %add3A_1578, %get3A_1601 : vector<16xf32>
    %get3A_1603 = arith.constant 13 : i32
    %get3A_1604 = arith.index_cast %get3A_1603 : i32 to index
    %get3A_1605 = arith.constant 0 : index
    %get3A_1606 = tpu.vector_load %arg11[%get3A_1604, %get3A_1605] {strides = array<i32>} : memref<272x64xf32, #tpu.memory_space<vmem>>, vector<1x16xf32>,
    %get3A_1607 = vector.shape_cast %get3A_1606 : vector<1x16xf32> to vector<16xf32>
    %add3A_1608 = arith.addf %add3A_1584, %get3A_1607 : vector<16xf32>
    %get3A_1609 = arith.constant 13 : i32
    %get3A_1610 = arith.index_cast %get3A_1609 : i32 to index
    %get3A_1611 = arith.constant 16 : index
    %get3A_1612 = tpu.vector_load %arg11[%get3A_1610, %get3A_1611] {strides = array<i32>} : memref<272x64xf32, #tpu.memory_space<vmem>>, vector<1x16xf32>,
    %get3A_1613 = vector.shape_cast %get3A_1612 : vector<1x16xf32> to vector<16xf32>
    %add3A_1614 = arith.addf %add3A_1590, %get3A_1613 : vector<16xf32>
    %get3A_1615 = arith.constant 13 : i32
    %get3A_1616 = arith.index_cast %get3A_1615 : i32 to index
    %get3A_1617 = arith.constant 32 : index
    %get3A_1618 = tpu.vector_load %arg11[%get3A_1616, %get3A_1617] {strides = array<i32>} : memref<272x64xf32, #tpu.memory_space<vmem>>, vector<1x16xf32>,
    %get3A_1619 = vector.shape_cast %get3A_1618 : vector<1x16xf32> to vector<16xf32>
    %add3A_1620 = arith.addf %add3A_1596, %get3A_1619 : vector<16xf32>
    %get3A_1621 = arith.constant 13 : i32
    %get3A_1622 = arith.index_cast %get3A_1621 : i32 to index
    %get3A_1623 = arith.constant 48 : index
    %get3A_1624 = tpu.vector_load %arg11[%get3A_1622, %get3A_1623] {strides = array<i32>} : memref<272x64xf32, #tpu.memory_space<vmem>>, vector<1x16xf32>,
    %get3A_1625 = vector.shape_cast %get3A_1624 : vector<1x16xf32> to vector<16xf32>
    %add3A_1626 = arith.addf %add3A_1602, %get3A_1625 : vector<16xf32>
    %get3A_1627 = arith.constant 14 : i32
    %get3A_1628 = arith.index_cast %get3A_1627 : i32 to index
    %get3A_1629 = arith.constant 0 : index
    %get3A_1630 = tpu.vector_load %arg11[%get3A_1628, %get3A_1629] {strides = array<i32>} : memref<272x64xf32, #tpu.memory_space<vmem>>, vector<1x16xf32>,
    %get3A_1631 = vector.shape_cast %get3A_1630 : vector<1x16xf32> to vector<16xf32>
    %add3A_1632 = arith.addf %add3A_1608, %get3A_1631 : vector<16xf32>
    %get3A_1633 = arith.constant 14 : i32
    %get3A_1634 = arith.index_cast %get3A_1633 : i32 to index
    %get3A_1635 = arith.constant 16 : index
    %get3A_1636 = tpu.vector_load %arg11[%get3A_1634, %get3A_1635] {strides = array<i32>} : memref<272x64xf32, #tpu.memory_space<vmem>>, vector<1x16xf32>,
    %get3A_1637 = vector.shape_cast %get3A_1636 : vector<1x16xf32> to vector<16xf32>
    %add3A_1638 = arith.addf %add3A_1614, %get3A_1637 : vector<16xf32>
    %get3A_1639 = arith.constant 14 : i32
    %get3A_1640 = arith.index_cast %get3A_1639 : i32 to index
    %get3A_1641 = arith.constant 32 : index
    %get3A_1642 = tpu.vector_load %arg11[%get3A_1640, %get3A_1641] {strides = array<i32>} : memref<272x64xf32, #tpu.memory_space<vmem>>, vector<1x16xf32>,
    %get3A_1643 = vector.shape_cast %get3A_1642 : vector<1x16xf32> to vector<16xf32>
    %add3A_1644 = arith.addf %add3A_1620, %get3A_1643 : vector<16xf32>
    %get3A_1645 = arith.constant 14 : i32
    %get3A_1646 = arith.index_cast %get3A_1645 : i32 to index
    %get3A_1647 = arith.constant 48 : index
    %get3A_1648 = tpu.vector_load %arg11[%get3A_1646, %get3A_1647] {strides = array<i32>} : memref<272x64xf32, #tpu.memory_space<vmem>>, vector<1x16xf32>,
    %get3A_1649 = vector.shape_cast %get3A_1648 : vector<1x16xf32> to vector<16xf32>
    %add3A_1650 = arith.addf %add3A_1626, %get3A_1649 : vector<16xf32>
    %get3A_1651 = arith.constant 15 : i32
    %get3A_1652 = arith.index_cast %get3A_1651 : i32 to index
    %get3A_1653 = arith.constant 0 : index
    %get3A_1654 = tpu.vector_load %arg11[%get3A_1652, %get3A_1653] {strides = array<i32>} : memref<272x64xf32, #tpu.memory_space<vmem>>, vector<1x16xf32>,
    %get3A_1655 = vector.shape_cast %get3A_1654 : vector<1x16xf32> to vector<16xf32>
    %add3A_1656 = arith.addf %add3A_1632, %get3A_1655 : vector<16xf32>
    %get3A_1657 = arith.constant 15 : i32
    %get3A_1658 = arith.index_cast %get3A_1657 : i32 to index
    %get3A_1659 = arith.constant 16 : index
    %get3A_1660 = tpu.vector_load %arg11[%get3A_1658, %get3A_1659] {strides = array<i32>} : memref<272x64xf32, #tpu.memory_space<vmem>>, vector<1x16xf32>,
    %get3A_1661 = vector.shape_cast %get3A_1660 : vector<1x16xf32> to vector<16xf32>
    %add3A_1662 = arith.addf %add3A_1638, %get3A_1661 : vector<16xf32>
    %get3A_1663 = arith.constant 15 : i32
    %get3A_1664 = arith.index_cast %get3A_1663 : i32 to index
    %get3A_1665 = arith.constant 32 : index
    %get3A_1666 = tpu.vector_load %arg11[%get3A_1664, %get3A_1665] {strides = array<i32>} : memref<272x64xf32, #tpu.memory_space<vmem>>, vector<1x16xf32>,
    %get3A_1667 = vector.shape_cast %get3A_1666 : vector<1x16xf32> to vector<16xf32>
    %add3A_1668 = arith.addf %add3A_1644, %get3A_1667 : vector<16xf32>
    %get3A_1669 = arith.constant 15 : i32
    %get3A_1670 = arith.index_cast %get3A_1669 : i32 to index
    %get3A_1671 = arith.constant 48 : index
    %get3A_1672 = tpu.vector_load %arg11[%get3A_1670, %get3A_1671] {strides = array<i32>} : memref<272x64xf32, #tpu.memory_space<vmem>>, vector<1x16xf32>,
    %get3A_1673 = vector.shape_cast %get3A_1672 : vector<1x16xf32> to vector<16xf32>
    %add3A_1674 = arith.addf %add3A_1650, %get3A_1673 : vector<16xf32>
    %scan3A = arith.constant 0 : i32
    %scan3A_1675 = arith.constant 128 : i32
    %scan3A_1676 = arith.addi %scan3A, %scan3A_1675 : i32
    %scan3A_1677 = arith.constant 1 : i32
    %scan3A_1678:4 = scf.for %scan3A_2242 = %scan3A to %scan3A_1676 step %scan3A_1677 iter_args(%scan3A_2243 = %add3A_1656, %scan3A_2244 = %add3A_1662, %scan3A_2245 = %add3A_1668, %scan3A_2246 = %add3A_1674) -> (vector<16xf32>, vector<16xf32>, vector<16xf32>, vector<16xf32>)  : i32 {
      %mul3A_2247 = arith.constant 2 : i32
      %mul3A_2248 = arith.muli %scan3A_2242, %mul3A_2247 : i32
      %add3A_2249 = arith.constant 0 : i32
      %add3A_2250 = arith.addi %mul3A_2248, %add3A_2249 : i32
      %add3A_2251 = arith.constant 16 : i32
      %add3A_2252 = arith.addi %add3A_2250, %add3A_2251 : i32
      %get3A_2253 = arith.index_cast %add3A_2252 : i32 to index
      %get3A_2254 = arith.constant 0 : index
      %get3A_2255 = tpu.vector_load %arg11[%get3A_2253, %get3A_2254] {strides = array<i32>} : memref<272x64xf32, #tpu.memory_space<vmem>>, vector<1x16xf32>,
      %get3A_2256 = vector.shape_cast %get3A_2255 : vector<1x16xf32> to vector<16xf32>
      %add3A_2257 = arith.addf %scan3A_2243, %get3A_2256 : vector<16xf32>
      %add3A_2258 = arith.constant 16 : i32
      %add3A_2259 = arith.addi %add3A_2250, %add3A_2258 : i32
      %sub3A_2260 = arith.constant 13 : i32
      %sub3A_2261 = arith.subi %add3A_2259, %sub3A_2260 : i32
      %get3A_2262 = arith.index_cast %sub3A_2261 : i32 to index
      %get3A_2263 = arith.constant 0 : index
      %get3A_2264 = tpu.vector_load %arg11[%get3A_2262, %get3A_2263] {strides = array<i32>} : memref<272x64xf32, #tpu.memory_space<vmem>>, vector<1x16xf32>,
      %get3A_2265 = vector.shape_cast %get3A_2264 : vector<1x16xf32> to vector<16xf32>
      %sub3A_2266 = arith.subf %add3A_2257, %get3A_2265 : vector<16xf32>
      %swap3A_2267 = arith.index_cast %add3A_2250 : i32 to index
      %swap3A_2268 = arith.constant 0 : index
      %swap3A_2269 = tpu.vector_load %arg14[%swap3A_2267, %swap3A_2268] {strides = array<i32>} : memref<256x192xf32, #tpu.memory_space<vmem>>, vector<1x16xf32>,
      %swap3A_2270 = vector.shape_cast %swap3A_2269 : vector<1x16xf32> to vector<16xf32>
      %swap3A_2271 = vector.shape_cast %sub3A_2266 : vector<16xf32> to vector<1x16xf32>
      tpu.vector_store %arg14[%swap3A_2267, %swap3A_2268], %swap3A_2271 {strides = array<i32>} : memref<256x192xf32, #tpu.memory_space<vmem>>, vector<1x16xf32>,
      %add3A_2272 = arith.constant 16 : i32
      %add3A_2273 = arith.addi %add3A_2250, %add3A_2272 : i32
      %get3A_2274 = arith.index_cast %add3A_2273 : i32 to index
      %get3A_2275 = arith.constant 16 : index
      %get3A_2276 = tpu.vector_load %arg11[%get3A_2274, %get3A_2275] {strides = array<i32>} : memref<272x64xf32, #tpu.memory_space<vmem>>, vector<1x16xf32>,
      %get3A_2277 = vector.shape_cast %get3A_2276 : vector<1x16xf32> to vector<16xf32>
      %add3A_2278 = arith.addf %scan3A_2244, %get3A_2277 : vector<16xf32>
      %add3A_2279 = arith.constant 16 : i32
      %add3A_2280 = arith.addi %add3A_2250, %add3A_2279 : i32
      %sub3A_2281 = arith.constant 13 : i32
      %sub3A_2282 = arith.subi %add3A_2280, %sub3A_2281 : i32
      %get3A_2283 = arith.index_cast %sub3A_2282 : i32 to index
      %get3A_2284 = arith.constant 16 : index
      %get3A_2285 = tpu.vector_load %arg11[%get3A_2283, %get3A_2284] {strides = array<i32>} : memref<272x64xf32, #tpu.memory_space<vmem>>, vector<1x16xf32>,
      %get3A_2286 = vector.shape_cast %get3A_2285 : vector<1x16xf32> to vector<16xf32>
      %sub3A_2287 = arith.subf %add3A_2278, %get3A_2286 : vector<16xf32>
      %swap3A_2288 = arith.index_cast %add3A_2250 : i32 to index
      %swap3A_2289 = arith.constant 16 : index
      %swap3A_2290 = tpu.vector_load %arg14[%swap3A_2288, %swap3A_2289] {strides = array<i32>} : memref<256x192xf32, #tpu.memory_space<vmem>>, vector<1x16xf32>,
      %swap3A_2291 = vector.shape_cast %swap3A_2290 : vector<1x16xf32> to vector<16xf32>
      %swap3A_2292 = vector.shape_cast %sub3A_2287 : vector<16xf32> to vector<1x16xf32>
      tpu.vector_store %arg14[%swap3A_2288, %swap3A_2289], %swap3A_2292 {strides = array<i32>} : memref<256x192xf32, #tpu.memory_space<vmem>>, vector<1x16xf32>,
      %add3A_2293 = arith.constant 16 : i32
      %add3A_2294 = arith.addi %add3A_2250, %add3A_2293 : i32
      %get3A_2295 = arith.index_cast %add3A_2294 : i32 to index
      %get3A_2296 = arith.constant 32 : index
      %get3A_2297 = tpu.vector_load %arg11[%get3A_2295, %get3A_2296] {strides = array<i32>} : memref<272x64xf32, #tpu.memory_space<vmem>>, vector<1x16xf32>,
      %get3A_2298 = vector.shape_cast %get3A_2297 : vector<1x16xf32> to vector<16xf32>
      %add3A_2299 = arith.addf %scan3A_2245, %get3A_2298 : vector<16xf32>
      %add3A_2300 = arith.constant 16 : i32
      %add3A_2301 = arith.addi %add3A_2250, %add3A_2300 : i32
      %sub3A_2302 = arith.constant 13 : i32
      %sub3A_2303 = arith.subi %add3A_2301, %sub3A_2302 : i32
      %get3A_2304 = arith.index_cast %sub3A_2303 : i32 to index
      %get3A_2305 = arith.constant 32 : index
      %get3A_2306 = tpu.vector_load %arg11[%get3A_2304, %get3A_2305] {strides = array<i32>} : memref<272x64xf32, #tpu.memory_space<vmem>>, vector<1x16xf32>,
      %get3A_2307 = vector.shape_cast %get3A_2306 : vector<1x16xf32> to vector<16xf32>
      %sub3A_2308 = arith.subf %add3A_2299, %get3A_2307 : vector<16xf32>
      %swap3A_2309 = arith.index_cast %add3A_2250 : i32 to index
      %swap3A_2310 = arith.constant 32 : index
      %swap3A_2311 = tpu.vector_load %arg14[%swap3A_2309, %swap3A_2310] {strides = array<i32>} : memref<256x192xf32, #tpu.memory_space<vmem>>, vector<1x16xf32>,
      %swap3A_2312 = vector.shape_cast %swap3A_2311 : vector<1x16xf32> to vector<16xf32>
      %swap3A_2313 = vector.shape_cast %sub3A_2308 : vector<16xf32> to vector<1x16xf32>
      tpu.vector_store %arg14[%swap3A_2309, %swap3A_2310], %swap3A_2313 {strides = array<i32>} : memref<256x192xf32, #tpu.memory_space<vmem>>, vector<1x16xf32>,
      %add3A_2314 = arith.constant 16 : i32
      %add3A_2315 = arith.addi %add3A_2250, %add3A_2314 : i32
      %get3A_2316 = arith.index_cast %add3A_2315 : i32 to index
      %get3A_2317 = arith.constant 48 : index
      %get3A_2318 = tpu.vector_load %arg11[%get3A_2316, %get3A_2317] {strides = array<i32>} : memref<272x64xf32, #tpu.memory_space<vmem>>, vector<1x16xf32>,
      %get3A_2319 = vector.shape_cast %get3A_2318 : vector<1x16xf32> to vector<16xf32>
      %add3A_2320 = arith.addf %scan3A_2246, %get3A_2319 : vector<16xf32>
      %add3A_2321 = arith.constant 16 : i32
      %add3A_2322 = arith.addi %add3A_2250, %add3A_2321 : i32
      %sub3A_2323 = arith.constant 13 : i32
      %sub3A_2324 = arith.subi %add3A_2322, %sub3A_2323 : i32
      %get3A_2325 = arith.index_cast %sub3A_2324 : i32 to index
      %get3A_2326 = arith.constant 48 : index
      %get3A_2327 = tpu.vector_load %arg11[%get3A_2325, %get3A_2326] {strides = array<i32>} : memref<272x64xf32, #tpu.memory_space<vmem>>, vector<1x16xf32>,
      %get3A_2328 = vector.shape_cast %get3A_2327 : vector<1x16xf32> to vector<16xf32>
      %sub3A_2329 = arith.subf %add3A_2320, %get3A_2328 : vector<16xf32>
      %swap3A_2330 = arith.index_cast %add3A_2250 : i32 to index
      %swap3A_2331 = arith.constant 48 : index
      %swap3A_2332 = tpu.vector_load %arg14[%swap3A_2330, %swap3A_2331] {strides = array<i32>} : memref<256x192xf32, #tpu.memory_space<vmem>>, vector<1x16xf32>,
      %swap3A_2333 = vector.shape_cast %swap3A_2332 : vector<1x16xf32> to vector<16xf32>
      %swap3A_2334 = vector.shape_cast %sub3A_2329 : vector<16xf32> to vector<1x16xf32>
      tpu.vector_store %arg14[%swap3A_2330, %swap3A_2331], %swap3A_2334 {strides = array<i32>} : memref<256x192xf32, #tpu.memory_space<vmem>>, vector<1x16xf32>,
      %mul3A_2335 = arith.constant 2 : i32
      %mul3A_2336 = arith.muli %scan3A_2242, %mul3A_2335 : i32
      %add3A_2337 = arith.constant 1 : i32
      %add3A_2338 = arith.addi %mul3A_2336, %add3A_2337 : i32
      %add3A_2339 = arith.constant 16 : i32
      %add3A_2340 = arith.addi %add3A_2338, %add3A_2339 : i32
      %get3A_2341 = arith.index_cast %add3A_2340 : i32 to index
      %get3A_2342 = arith.constant 0 : index
      %get3A_2343 = tpu.vector_load %arg11[%get3A_2341, %get3A_2342] {strides = array<i32>} : memref<272x64xf32, #tpu.memory_space<vmem>>, vector<1x16xf32>,
      %get3A_2344 = vector.shape_cast %get3A_2343 : vector<1x16xf32> to vector<16xf32>
      %add3A_2345 = arith.addf %sub3A_2266, %get3A_2344 : vector<16xf32>
      %add3A_2346 = arith.constant 16 : i32
      %add3A_2347 = arith.addi %add3A_2338, %add3A_2346 : i32
      %sub3A_2348 = arith.constant 13 : i32
      %sub3A_2349 = arith.subi %add3A_2347, %sub3A_2348 : i32
      %get3A_2350 = arith.index_cast %sub3A_2349 : i32 to index
      %get3A_2351 = arith.constant 0 : index
      %get3A_2352 = tpu.vector_load %arg11[%get3A_2350, %get3A_2351] {strides = array<i32>} : memref<272x64xf32, #tpu.memory_space<vmem>>, vector<1x16xf32>,
      %get3A_2353 = vector.shape_cast %get3A_2352 : vector<1x16xf32> to vector<16xf32>
      %sub3A_2354 = arith.subf %add3A_2345, %get3A_2353 : vector<16xf32>
      %swap3A_2355 = arith.index_cast %add3A_2338 : i32 to index
      %swap3A_2356 = arith.constant 0 : index
      %swap3A_2357 = tpu.vector_load %arg14[%swap3A_2355, %swap3A_2356] {strides = array<i32>} : memref<256x192xf32, #tpu.memory_space<vmem>>, vector<1x16xf32>,
      %swap3A_2358 = vector.shape_cast %swap3A_2357 : vector<1x16xf32> to vector<16xf32>
      %swap3A_2359 = vector.shape_cast %sub3A_2354 : vector<16xf32> to vector<1x16xf32>
      tpu.vector_store %arg14[%swap3A_2355, %swap3A_2356], %swap3A_2359 {strides = array<i32>} : memref<256x192xf32, #tpu.memory_space<vmem>>, vector<1x16xf32>,
      %add3A_2360 = arith.constant 16 : i32
      %add3A_2361 = arith.addi %add3A_2338, %add3A_2360 : i32
      %get3A_2362 = arith.index_cast %add3A_2361 : i32 to index
      %get3A_2363 = arith.constant 16 : index
      %get3A_2364 = tpu.vector_load %arg11[%get3A_2362, %get3A_2363] {strides = array<i32>} : memref<272x64xf32, #tpu.memory_space<vmem>>, vector<1x16xf32>,
      %get3A_2365 = vector.shape_cast %get3A_2364 : vector<1x16xf32> to vector<16xf32>
      %add3A_2366 = arith.addf %sub3A_2287, %get3A_2365 : vector<16xf32>
      %add3A_2367 = arith.constant 16 : i32
      %add3A_2368 = arith.addi %add3A_2338, %add3A_2367 : i32
      %sub3A_2369 = arith.constant 13 : i32
      %sub3A_2370 = arith.subi %add3A_2368, %sub3A_2369 : i32
      %get3A_2371 = arith.index_cast %sub3A_2370 : i32 to index
      %get3A_2372 = arith.constant 16 : index
      %get3A_2373 = tpu.vector_load %arg11[%get3A_2371, %get3A_2372] {strides = array<i32>} : memref<272x64xf32, #tpu.memory_space<vmem>>, vector<1x16xf32>,
      %get3A_2374 = vector.shape_cast %get3A_2373 : vector<1x16xf32> to vector<16xf32>
      %sub3A_2375 = arith.subf %add3A_2366, %get3A_2374 : vector<16xf32>
      %swap3A_2376 = arith.index_cast %add3A_2338 : i32 to index
      %swap3A_2377 = arith.constant 16 : index
      %swap3A_2378 = tpu.vector_load %arg14[%swap3A_2376, %swap3A_2377] {strides = array<i32>} : memref<256x192xf32, #tpu.memory_space<vmem>>, vector<1x16xf32>,
      %swap3A_2379 = vector.shape_cast %swap3A_2378 : vector<1x16xf32> to vector<16xf32>
      %swap3A_2380 = vector.shape_cast %sub3A_2375 : vector<16xf32> to vector<1x16xf32>
      tpu.vector_store %arg14[%swap3A_2376, %swap3A_2377], %swap3A_2380 {strides = array<i32>} : memref<256x192xf32, #tpu.memory_space<vmem>>, vector<1x16xf32>,
      %add3A_2381 = arith.constant 16 : i32
      %add3A_2382 = arith.addi %add3A_2338, %add3A_2381 : i32
      %get3A_2383 = arith.index_cast %add3A_2382 : i32 to index
      %get3A_2384 = arith.constant 32 : index
      %get3A_2385 = tpu.vector_load %arg11[%get3A_2383, %get3A_2384] {strides = array<i32>} : memref<272x64xf32, #tpu.memory_space<vmem>>, vector<1x16xf32>,
      %get3A_2386 = vector.shape_cast %get3A_2385 : vector<1x16xf32> to vector<16xf32>
      %add3A_2387 = arith.addf %sub3A_2308, %get3A_2386 : vector<16xf32>
      %add3A_2388 = arith.constant 16 : i32
      %add3A_2389 = arith.addi %add3A_2338, %add3A_2388 : i32
      %sub3A_2390 = arith.constant 13 : i32
      %sub3A_2391 = arith.subi %add3A_2389, %sub3A_2390 : i32
      %get3A_2392 = arith.index_cast %sub3A_2391 : i32 to index
      %get3A_2393 = arith.constant 32 : index
      %get3A_2394 = tpu.vector_load %arg11[%get3A_2392, %get3A_2393] {strides = array<i32>} : memref<272x64xf32, #tpu.memory_space<vmem>>, vector<1x16xf32>,
      %get3A_2395 = vector.shape_cast %get3A_2394 : vector<1x16xf32> to vector<16xf32>
      %sub3A_2396 = arith.subf %add3A_2387, %get3A_2395 : vector<16xf32>
      %swap3A_2397 = arith.index_cast %add3A_2338 : i32 to index
      %swap3A_2398 = arith.constant 32 : index
      %swap3A_2399 = tpu.vector_load %arg14[%swap3A_2397, %swap3A_2398] {strides = array<i32>} : memref<256x192xf32, #tpu.memory_space<vmem>>, vector<1x16xf32>,
      %swap3A_2400 = vector.shape_cast %swap3A_2399 : vector<1x16xf32> to vector<16xf32>
      %swap3A_2401 = vector.shape_cast %sub3A_2396 : vector<16xf32> to vector<1x16xf32>
      tpu.vector_store %arg14[%swap3A_2397, %swap3A_2398], %swap3A_2401 {strides = array<i32>} : memref<256x192xf32, #tpu.memory_space<vmem>>, vector<1x16xf32>,
      %add3A_2402 = arith.constant 16 : i32
      %add3A_2403 = arith.addi %add3A_2338, %add3A_2402 : i32
      %get3A_2404 = arith.index_cast %add3A_2403 : i32 to index
      %get3A_2405 = arith.constant 48 : index
      %get3A_2406 = tpu.vector_load %arg11[%get3A_2404, %get3A_2405] {strides = array<i32>} : memref<272x64xf32, #tpu.memory_space<vmem>>, vector<1x16xf32>,
      %get3A_2407 = vector.shape_cast %get3A_2406 : vector<1x16xf32> to vector<16xf32>
      %add3A_2408 = arith.addf %sub3A_2329, %get3A_2407 : vector<16xf32>
      %add3A_2409 = arith.constant 16 : i32
      %add3A_2410 = arith.addi %add3A_2338, %add3A_2409 : i32
      %sub3A_2411 = arith.constant 13 : i32
      %sub3A_2412 = arith.subi %add3A_2410, %sub3A_2411 : i32
      %get3A_2413 = arith.index_cast %sub3A_2412 : i32 to index
      %get3A_2414 = arith.constant 48 : index
      %get3A_2415 = tpu.vector_load %arg11[%get3A_2413, %get3A_2414] {strides = array<i32>} : memref<272x64xf32, #tpu.memory_space<vmem>>, vector<1x16xf32>,
      %get3A_2416 = vector.shape_cast %get3A_2415 : vector<1x16xf32> to vector<16xf32>
      %sub3A_2417 = arith.subf %add3A_2408, %get3A_2416 : vector<16xf32>
      %swap3A_2418 = arith.index_cast %add3A_2338 : i32 to index
      %swap3A_2419 = arith.constant 48 : index
      %swap3A_2420 = tpu.vector_load %arg14[%swap3A_2418, %swap3A_2419] {strides = array<i32>} : memref<256x192xf32, #tpu.memory_space<vmem>>, vector<1x16xf32>,
      %swap3A_2421 = vector.shape_cast %swap3A_2420 : vector<1x16xf32> to vector<16xf32>
      %swap3A_2422 = vector.shape_cast %sub3A_2417 : vector<16xf32> to vector<1x16xf32>
      tpu.vector_store %arg14[%swap3A_2418, %swap3A_2419], %swap3A_2422 {strides = array<i32>} : memref<256x192xf32, #tpu.memory_space<vmem>>, vector<1x16xf32>,
      scf.yield %sub3A_2354, %sub3A_2375, %sub3A_2396, %sub3A_2417 : vector<16xf32>, vector<16xf32>, vector<16xf32>, vector<16xf32>
    }
    %scan3A_1679 = arith.constant 128 : i32
    %dma_wait3A_1680 = arith.constant 0 : i32
    %dma_wait3A_1681 = arith.constant 0 : i32
    %dma_wait3A_1682 = arith.constant 0 : i32
    %dma_wait3A_1683 = tpu.memref_slice %arg12[%dma_wait3A_1681, %dma_wait3A_1682] : memref<272x64xf32, #tpu.memory_space<vmem>> -> memref<128x64xf32, #tpu.memory_space<vmem>>
    %dma_wait3A_1684 = arith.constant 0 : i32
    %dma_wait3A_1685 = tpu.memref_slice %arg9[%dma_wait3A_1680, %dma_wait3A_1684] : memref<3x128xi32, #tpu.memory_space<vmem>> -> memref<1x128xi32, #tpu.memory_space<vmem>>
    %dma_wait3A_1686 = tpu.memref_squeeze %dma_wait3A_1685 : memref<1x128xi32, #tpu.memory_space<vmem>> -> memref<128xi32, #tpu.memory_space<vmem>>
    %dma_wait3A_1687 = arith.constant 0 : i32
    %dma_wait3A_1688 = arith.constant 0 : i32
    %dma_wait3A_1689 = tpu.memref_slice %arg4[%dma_wait3A_1687, %dma_wait3A_1688] : memref<15625x64xf32, #tpu.memory_space<hbm>> -> memref<15625x64xf32, #tpu.memory_space<hbm>>
    tpu.wait_indirect_dma semaphore(%arg16 : memref<!tpu.dma_semaphore, #tpu.memory_space<semaphore_mem>>) src(%dma_wait3A_1689 : memref<15625x64xf32, #tpu.memory_space<hbm>>) dst(%dma_wait3A_1683 : memref<128x64xf32, #tpu.memory_space<vmem>>)
    %dma_wait3A_1690 = arith.constant 1 : i32
    %dma_wait3A_1691 = arith.constant 128 : i32
    %dma_wait3A_1692 = arith.constant 0 : i32
    %dma_wait3A_1693 = tpu.memref_slice %arg12[%dma_wait3A_1691, %dma_wait3A_1692] : memref<272x64xf32, #tpu.memory_space<vmem>> -> memref<128x64xf32, #tpu.memory_space<vmem>>
    %dma_wait3A_1694 = arith.constant 0 : i32
    %dma_wait3A_1695 = tpu.memref_slice %arg9[%dma_wait3A_1690, %dma_wait3A_1694] : memref<3x128xi32, #tpu.memory_space<vmem>> -> memref<1x128xi32, #tpu.memory_space<vmem>>
    %dma_wait3A_1696 = tpu.memref_squeeze %dma_wait3A_1695 : memref<1x128xi32, #tpu.memory_space<vmem>> -> memref<128xi32, #tpu.memory_space<vmem>>
    %dma_wait3A_1697 = arith.constant 0 : i32
    %dma_wait3A_1698 = arith.constant 0 : i32
    %dma_wait3A_1699 = tpu.memref_slice %arg4[%dma_wait3A_1697, %dma_wait3A_1698] : memref<15625x64xf32, #tpu.memory_space<hbm>> -> memref<15625x64xf32, #tpu.memory_space<hbm>>
    tpu.wait_indirect_dma semaphore(%arg16 : memref<!tpu.dma_semaphore, #tpu.memory_space<semaphore_mem>>) src(%dma_wait3A_1699 : memref<15625x64xf32, #tpu.memory_space<hbm>>) dst(%dma_wait3A_1693 : memref<128x64xf32, #tpu.memory_space<vmem>>)
    %dma_wait3A_1700 = arith.constant 2 : i32
    %dma_wait3A_1701 = arith.constant 256 : i32
    %dma_wait3A_1702 = arith.constant 0 : i32
    %dma_wait3A_1703 = tpu.memref_slice %arg12[%dma_wait3A_1701, %dma_wait3A_1702] : memref<272x64xf32, #tpu.memory_space<vmem>> -> memref<16x64xf32, #tpu.memory_space<vmem>>
    %dma_wait3A_1704 = arith.constant 0 : i32
    %dma_wait3A_1705 = tpu.memref_slice %arg9[%dma_wait3A_1700, %dma_wait3A_1704] : memref<3x128xi32, #tpu.memory_space<vmem>> -> memref<1x16xi32, #tpu.memory_space<vmem>>
    %dma_wait3A_1706 = tpu.memref_squeeze %dma_wait3A_1705 : memref<1x16xi32, #tpu.memory_space<vmem>> -> memref<16xi32, #tpu.memory_space<vmem>>
    %dma_wait3A_1707 = arith.constant 0 : i32
    %dma_wait3A_1708 = arith.constant 0 : i32
    %dma_wait3A_1709 = tpu.memref_slice %arg4[%dma_wait3A_1707, %dma_wait3A_1708] : memref<15625x64xf32, #tpu.memory_space<hbm>> -> memref<15625x64xf32, #tpu.memory_space<hbm>>
    tpu.wait_indirect_dma semaphore(%arg16 : memref<!tpu.dma_semaphore, #tpu.memory_space<semaphore_mem>>) src(%dma_wait3A_1709 : memref<15625x64xf32, #tpu.memory_space<hbm>>) dst(%dma_wait3A_1703 : memref<16x64xf32, #tpu.memory_space<vmem>>)
    %eq3A_1710 = arith.constant 0 : i32
    %eq3A_1711 = arith.cmpi eq, %mul3A_32, %eq3A_1710 : i32
    %convert_element_type3A_1712 = arith.extui %eq3A_1711 : i1 to i32
    %cond3A_1713 = arith.constant 0 : i32
    %cond3A_1714 = arith.cmpi ne, %convert_element_type3A_1712, %cond3A_1713 : i32
    scf.if %cond3A_1714 {
      %swap3A_2242 = arith.constant 0 : i32
      %swap3A_2243 = arith.index_cast %swap3A_2242 : i32 to index
      %swap3A_2244 = arith.constant 0 : index
      %swap3A_2245 = tpu.vector_load %arg12[%swap3A_2243, %swap3A_2244] {strides = array<i32>} : memref<272x64xf32, #tpu.memory_space<vmem>>, vector<1x16xf32>,
      %swap3A_2246 = vector.shape_cast %swap3A_2245 : vector<1x16xf32> to vector<16xf32>
      %swap3A_2247 = vector.shape_cast %broadcast_in_dim3A_35 : vector<16xf32> to vector<1x16xf32>
      tpu.vector_store %arg12[%swap3A_2243, %swap3A_2244], %swap3A_2247 {strides = array<i32>} : memref<272x64xf32, #tpu.memory_space<vmem>>, vector<1x16xf32>,
      %swap3A_2248 = arith.constant 0 : i32
      %swap3A_2249 = arith.index_cast %swap3A_2248 : i32 to index
      %swap3A_2250 = arith.constant 16 : index
      %swap3A_2251 = tpu.vector_load %arg12[%swap3A_2249, %swap3A_2250] {strides = array<i32>} : memref<272x64xf32, #tpu.memory_space<vmem>>, vector<1x16xf32>,
      %swap3A_2252 = vector.shape_cast %swap3A_2251 : vector<1x16xf32> to vector<16xf32>
      %swap3A_2253 = vector.shape_cast %broadcast_in_dim3A_35 : vector<16xf32> to vector<1x16xf32>
      tpu.vector_store %arg12[%swap3A_2249, %swap3A_2250], %swap3A_2253 {strides = array<i32>} : memref<272x64xf32, #tpu.memory_space<vmem>>, vector<1x16xf32>,
      %swap3A_2254 = arith.constant 0 : i32
      %swap3A_2255 = arith.index_cast %swap3A_2254 : i32 to index
      %swap3A_2256 = arith.constant 32 : index
      %swap3A_2257 = tpu.vector_load %arg12[%swap3A_2255, %swap3A_2256] {strides = array<i32>} : memref<272x64xf32, #tpu.memory_space<vmem>>, vector<1x16xf32>,
      %swap3A_2258 = vector.shape_cast %swap3A_2257 : vector<1x16xf32> to vector<16xf32>
      %swap3A_2259 = vector.shape_cast %broadcast_in_dim3A_35 : vector<16xf32> to vector<1x16xf32>
      tpu.vector_store %arg12[%swap3A_2255, %swap3A_2256], %swap3A_2259 {strides = array<i32>} : memref<272x64xf32, #tpu.memory_space<vmem>>, vector<1x16xf32>,
      %swap3A_2260 = arith.constant 0 : i32
      %swap3A_2261 = arith.index_cast %swap3A_2260 : i32 to index
      %swap3A_2262 = arith.constant 48 : index
      %swap3A_2263 = tpu.vector_load %arg12[%swap3A_2261, %swap3A_2262] {strides = array<i32>} : memref<272x64xf32, #tpu.memory_space<vmem>>, vector<1x16xf32>,
      %swap3A_2264 = vector.shape_cast %swap3A_2263 : vector<1x16xf32> to vector<16xf32>
      %swap3A_2265 = vector.shape_cast %broadcast_in_dim3A_35 : vector<16xf32> to vector<1x16xf32>
      tpu.vector_store %arg12[%swap3A_2261, %swap3A_2262], %swap3A_2265 {strides = array<i32>} : memref<272x64xf32, #tpu.memory_space<vmem>>, vector<1x16xf32>,
      %swap3A_2266 = arith.constant 1 : i32
      %swap3A_2267 = arith.index_cast %swap3A_2266 : i32 to index
      %swap3A_2268 = arith.constant 0 : index
      %swap3A_2269 = tpu.vector_load %arg12[%swap3A_2267, %swap3A_2268] {strides = array<i32>} : memref<272x64xf32, #tpu.memory_space<vmem>>, vector<1x16xf32>,
      %swap3A_2270 = vector.shape_cast %swap3A_2269 : vector<1x16xf32> to vector<16xf32>
      %swap3A_2271 = vector.shape_cast %broadcast_in_dim3A_35 : vector<16xf32> to vector<1x16xf32>
      tpu.vector_store %arg12[%swap3A_2267, %swap3A_2268], %swap3A_2271 {strides = array<i32>} : memref<272x64xf32, #tpu.memory_space<vmem>>, vector<1x16xf32>,
      %swap3A_2272 = arith.constant 1 : i32
      %swap3A_2273 = arith.index_cast %swap3A_2272 : i32 to index
      %swap3A_2274 = arith.constant 16 : index
      %swap3A_2275 = tpu.vector_load %arg12[%swap3A_2273, %swap3A_2274] {strides = array<i32>} : memref<272x64xf32, #tpu.memory_space<vmem>>, vector<1x16xf32>,
      %swap3A_2276 = vector.shape_cast %swap3A_2275 : vector<1x16xf32> to vector<16xf32>
      %swap3A_2277 = vector.shape_cast %broadcast_in_dim3A_35 : vector<16xf32> to vector<1x16xf32>
      tpu.vector_store %arg12[%swap3A_2273, %swap3A_2274], %swap3A_2277 {strides = array<i32>} : memref<272x64xf32, #tpu.memory_space<vmem>>, vector<1x16xf32>,
      %swap3A_2278 = arith.constant 1 : i32
      %swap3A_2279 = arith.index_cast %swap3A_2278 : i32 to index
      %swap3A_2280 = arith.constant 32 : index
      %swap3A_2281 = tpu.vector_load %arg12[%swap3A_2279, %swap3A_2280] {strides = array<i32>} : memref<272x64xf32, #tpu.memory_space<vmem>>, vector<1x16xf32>,
      %swap3A_2282 = vector.shape_cast %swap3A_2281 : vector<1x16xf32> to vector<16xf32>
      %swap3A_2283 = vector.shape_cast %broadcast_in_dim3A_35 : vector<16xf32> to vector<1x16xf32>
      tpu.vector_store %arg12[%swap3A_2279, %swap3A_2280], %swap3A_2283 {strides = array<i32>} : memref<272x64xf32, #tpu.memory_space<vmem>>, vector<1x16xf32>,
      %swap3A_2284 = arith.constant 1 : i32
      %swap3A_2285 = arith.index_cast %swap3A_2284 : i32 to index
      %swap3A_2286 = arith.constant 48 : index
      %swap3A_2287 = tpu.vector_load %arg12[%swap3A_2285, %swap3A_2286] {strides = array<i32>} : memref<272x64xf32, #tpu.memory_space<vmem>>, vector<1x16xf32>,
      %swap3A_2288 = vector.shape_cast %swap3A_2287 : vector<1x16xf32> to vector<16xf32>
      %swap3A_2289 = vector.shape_cast %broadcast_in_dim3A_35 : vector<16xf32> to vector<1x16xf32>
      tpu.vector_store %arg12[%swap3A_2285, %swap3A_2286], %swap3A_2289 {strides = array<i32>} : memref<272x64xf32, #tpu.memory_space<vmem>>, vector<1x16xf32>,
      %swap3A_2290 = arith.constant 2 : i32
      %swap3A_2291 = arith.index_cast %swap3A_2290 : i32 to index
      %swap3A_2292 = arith.constant 0 : index
      %swap3A_2293 = tpu.vector_load %arg12[%swap3A_2291, %swap3A_2292] {strides = array<i32>} : memref<272x64xf32, #tpu.memory_space<vmem>>, vector<1x16xf32>,
      %swap3A_2294 = vector.shape_cast %swap3A_2293 : vector<1x16xf32> to vector<16xf32>
      %swap3A_2295 = vector.shape_cast %broadcast_in_dim3A_35 : vector<16xf32> to vector<1x16xf32>
      tpu.vector_store %arg12[%swap3A_2291, %swap3A_2292], %swap3A_2295 {strides = array<i32>} : memref<272x64xf32, #tpu.memory_space<vmem>>, vector<1x16xf32>,
      %swap3A_2296 = arith.constant 2 : i32
      %swap3A_2297 = arith.index_cast %swap3A_2296 : i32 to index
      %swap3A_2298 = arith.constant 16 : index
      %swap3A_2299 = tpu.vector_load %arg12[%swap3A_2297, %swap3A_2298] {strides = array<i32>} : memref<272x64xf32, #tpu.memory_space<vmem>>, vector<1x16xf32>,
      %swap3A_2300 = vector.shape_cast %swap3A_2299 : vector<1x16xf32> to vector<16xf32>
      %swap3A_2301 = vector.shape_cast %broadcast_in_dim3A_35 : vector<16xf32> to vector<1x16xf32>
      tpu.vector_store %arg12[%swap3A_2297, %swap3A_2298], %swap3A_2301 {strides = array<i32>} : memref<272x64xf32, #tpu.memory_space<vmem>>, vector<1x16xf32>,
      %swap3A_2302 = arith.constant 2 : i32
      %swap3A_2303 = arith.index_cast %swap3A_2302 : i32 to index
      %swap3A_2304 = arith.constant 32 : index
      %swap3A_2305 = tpu.vector_load %arg12[%swap3A_2303, %swap3A_2304] {strides = array<i32>} : memref<272x64xf32, #tpu.memory_space<vmem>>, vector<1x16xf32>,
      %swap3A_2306 = vector.shape_cast %swap3A_2305 : vector<1x16xf32> to vector<16xf32>
      %swap3A_2307 = vector.shape_cast %broadcast_in_dim3A_35 : vector<16xf32> to vector<1x16xf32>
      tpu.vector_store %arg12[%swap3A_2303, %swap3A_2304], %swap3A_2307 {strides = array<i32>} : memref<272x64xf32, #tpu.memory_space<vmem>>, vector<1x16xf32>,
      %swap3A_2308 = arith.constant 2 : i32
      %swap3A_2309 = arith.index_cast %swap3A_2308 : i32 to index
      %swap3A_2310 = arith.constant 48 : index
      %swap3A_2311 = tpu.vector_load %arg12[%swap3A_2309, %swap3A_2310] {strides = array<i32>} : memref<272x64xf32, #tpu.memory_space<vmem>>, vector<1x16xf32>,
      %swap3A_2312 = vector.shape_cast %swap3A_2311 : vector<1x16xf32> to vector<16xf32>
      %swap3A_2313 = vector.shape_cast %broadcast_in_dim3A_35 : vector<16xf32> to vector<1x16xf32>
      tpu.vector_store %arg12[%swap3A_2309, %swap3A_2310], %swap3A_2313 {strides = array<i32>} : memref<272x64xf32, #tpu.memory_space<vmem>>, vector<1x16xf32>,
      %swap3A_2314 = arith.constant 3 : i32
      %swap3A_2315 = arith.index_cast %swap3A_2314 : i32 to index
      %swap3A_2316 = arith.constant 0 : index
      %swap3A_2317 = tpu.vector_load %arg12[%swap3A_2315, %swap3A_2316] {strides = array<i32>} : memref<272x64xf32, #tpu.memory_space<vmem>>, vector<1x16xf32>,
      %swap3A_2318 = vector.shape_cast %swap3A_2317 : vector<1x16xf32> to vector<16xf32>
      %swap3A_2319 = vector.shape_cast %broadcast_in_dim3A_35 : vector<16xf32> to vector<1x16xf32>
      tpu.vector_store %arg12[%swap3A_2315, %swap3A_2316], %swap3A_2319 {strides = array<i32>} : memref<272x64xf32, #tpu.memory_space<vmem>>, vector<1x16xf32>,
      %swap3A_2320 = arith.constant 3 : i32
      %swap3A_2321 = arith.index_cast %swap3A_2320 : i32 to index
      %swap3A_2322 = arith.constant 16 : index
      %swap3A_2323 = tpu.vector_load %arg12[%swap3A_2321, %swap3A_2322] {strides = array<i32>} : memref<272x64xf32, #tpu.memory_space<vmem>>, vector<1x16xf32>,
      %swap3A_2324 = vector.shape_cast %swap3A_2323 : vector<1x16xf32> to vector<16xf32>
      %swap3A_2325 = vector.shape_cast %broadcast_in_dim3A_35 : vector<16xf32> to vector<1x16xf32>
      tpu.vector_store %arg12[%swap3A_2321, %swap3A_2322], %swap3A_2325 {strides = array<i32>} : memref<272x64xf32, #tpu.memory_space<vmem>>, vector<1x16xf32>,
      %swap3A_2326 = arith.constant 3 : i32
      %swap3A_2327 = arith.index_cast %swap3A_2326 : i32 to index
      %swap3A_2328 = arith.constant 32 : index
      %swap3A_2329 = tpu.vector_load %arg12[%swap3A_2327, %swap3A_2328] {strides = array<i32>} : memref<272x64xf32, #tpu.memory_space<vmem>>, vector<1x16xf32>,
      %swap3A_2330 = vector.shape_cast %swap3A_2329 : vector<1x16xf32> to vector<16xf32>
      %swap3A_2331 = vector.shape_cast %broadcast_in_dim3A_35 : vector<16xf32> to vector<1x16xf32>
      tpu.vector_store %arg12[%swap3A_2327, %swap3A_2328], %swap3A_2331 {strides = array<i32>} : memref<272x64xf32, #tpu.memory_space<vmem>>, vector<1x16xf32>,
      %swap3A_2332 = arith.constant 3 : i32
      %swap3A_2333 = arith.index_cast %swap3A_2332 : i32 to index
      %swap3A_2334 = arith.constant 48 : index
      %swap3A_2335 = tpu.vector_load %arg12[%swap3A_2333, %swap3A_2334] {strides = array<i32>} : memref<272x64xf32, #tpu.memory_space<vmem>>, vector<1x16xf32>,
      %swap3A_2336 = vector.shape_cast %swap3A_2335 : vector<1x16xf32> to vector<16xf32>
      %swap3A_2337 = vector.shape_cast %broadcast_in_dim3A_35 : vector<16xf32> to vector<1x16xf32>
      tpu.vector_store %arg12[%swap3A_2333, %swap3A_2334], %swap3A_2337 {strides = array<i32>} : memref<272x64xf32, #tpu.memory_space<vmem>>, vector<1x16xf32>,
      %swap3A_2338 = arith.constant 4 : i32
      %swap3A_2339 = arith.index_cast %swap3A_2338 : i32 to index
      %swap3A_2340 = arith.constant 0 : index
      %swap3A_2341 = tpu.vector_load %arg12[%swap3A_2339, %swap3A_2340] {strides = array<i32>} : memref<272x64xf32, #tpu.memory_space<vmem>>, vector<1x16xf32>,
      %swap3A_2342 = vector.shape_cast %swap3A_2341 : vector<1x16xf32> to vector<16xf32>
      %swap3A_2343 = vector.shape_cast %broadcast_in_dim3A_35 : vector<16xf32> to vector<1x16xf32>
      tpu.vector_store %arg12[%swap3A_2339, %swap3A_2340], %swap3A_2343 {strides = array<i32>} : memref<272x64xf32, #tpu.memory_space<vmem>>, vector<1x16xf32>,
      %swap3A_2344 = arith.constant 4 : i32
      %swap3A_2345 = arith.index_cast %swap3A_2344 : i32 to index
      %swap3A_2346 = arith.constant 16 : index
      %swap3A_2347 = tpu.vector_load %arg12[%swap3A_2345, %swap3A_2346] {strides = array<i32>} : memref<272x64xf32, #tpu.memory_space<vmem>>, vector<1x16xf32>,
      %swap3A_2348 = vector.shape_cast %swap3A_2347 : vector<1x16xf32> to vector<16xf32>
      %swap3A_2349 = vector.shape_cast %broadcast_in_dim3A_35 : vector<16xf32> to vector<1x16xf32>
      tpu.vector_store %arg12[%swap3A_2345, %swap3A_2346], %swap3A_2349 {strides = array<i32>} : memref<272x64xf32, #tpu.memory_space<vmem>>, vector<1x16xf32>,
      %swap3A_2350 = arith.constant 4 : i32
      %swap3A_2351 = arith.index_cast %swap3A_2350 : i32 to index
      %swap3A_2352 = arith.constant 32 : index
      %swap3A_2353 = tpu.vector_load %arg12[%swap3A_2351, %swap3A_2352] {strides = array<i32>} : memref<272x64xf32, #tpu.memory_space<vmem>>, vector<1x16xf32>,
      %swap3A_2354 = vector.shape_cast %swap3A_2353 : vector<1x16xf32> to vector<16xf32>
      %swap3A_2355 = vector.shape_cast %broadcast_in_dim3A_35 : vector<16xf32> to vector<1x16xf32>
      tpu.vector_store %arg12[%swap3A_2351, %swap3A_2352], %swap3A_2355 {strides = array<i32>} : memref<272x64xf32, #tpu.memory_space<vmem>>, vector<1x16xf32>,
      %swap3A_2356 = arith.constant 4 : i32
      %swap3A_2357 = arith.index_cast %swap3A_2356 : i32 to index
      %swap3A_2358 = arith.constant 48 : index
      %swap3A_2359 = tpu.vector_load %arg12[%swap3A_2357, %swap3A_2358] {strides = array<i32>} : memref<272x64xf32, #tpu.memory_space<vmem>>, vector<1x16xf32>,
      %swap3A_2360 = vector.shape_cast %swap3A_2359 : vector<1x16xf32> to vector<16xf32>
      %swap3A_2361 = vector.shape_cast %broadcast_in_dim3A_35 : vector<16xf32> to vector<1x16xf32>
      tpu.vector_store %arg12[%swap3A_2357, %swap3A_2358], %swap3A_2361 {strides = array<i32>} : memref<272x64xf32, #tpu.memory_space<vmem>>, vector<1x16xf32>,
      %swap3A_2362 = arith.constant 5 : i32
      %swap3A_2363 = arith.index_cast %swap3A_2362 : i32 to index
      %swap3A_2364 = arith.constant 0 : index
      %swap3A_2365 = tpu.vector_load %arg12[%swap3A_2363, %swap3A_2364] {strides = array<i32>} : memref<272x64xf32, #tpu.memory_space<vmem>>, vector<1x16xf32>,
      %swap3A_2366 = vector.shape_cast %swap3A_2365 : vector<1x16xf32> to vector<16xf32>
      %swap3A_2367 = vector.shape_cast %broadcast_in_dim3A_35 : vector<16xf32> to vector<1x16xf32>
      tpu.vector_store %arg12[%swap3A_2363, %swap3A_2364], %swap3A_2367 {strides = array<i32>} : memref<272x64xf32, #tpu.memory_space<vmem>>, vector<1x16xf32>,
      %swap3A_2368 = arith.constant 5 : i32
      %swap3A_2369 = arith.index_cast %swap3A_2368 : i32 to index
      %swap3A_2370 = arith.constant 16 : index
      %swap3A_2371 = tpu.vector_load %arg12[%swap3A_2369, %swap3A_2370] {strides = array<i32>} : memref<272x64xf32, #tpu.memory_space<vmem>>, vector<1x16xf32>,
      %swap3A_2372 = vector.shape_cast %swap3A_2371 : vector<1x16xf32> to vector<16xf32>
      %swap3A_2373 = vector.shape_cast %broadcast_in_dim3A_35 : vector<16xf32> to vector<1x16xf32>
      tpu.vector_store %arg12[%swap3A_2369, %swap3A_2370], %swap3A_2373 {strides = array<i32>} : memref<272x64xf32, #tpu.memory_space<vmem>>, vector<1x16xf32>,
      %swap3A_2374 = arith.constant 5 : i32
      %swap3A_2375 = arith.index_cast %swap3A_2374 : i32 to index
      %swap3A_2376 = arith.constant 32 : index
      %swap3A_2377 = tpu.vector_load %arg12[%swap3A_2375, %swap3A_2376] {strides = array<i32>} : memref<272x64xf32, #tpu.memory_space<vmem>>, vector<1x16xf32>,
      %swap3A_2378 = vector.shape_cast %swap3A_2377 : vector<1x16xf32> to vector<16xf32>
      %swap3A_2379 = vector.shape_cast %broadcast_in_dim3A_35 : vector<16xf32> to vector<1x16xf32>
      tpu.vector_store %arg12[%swap3A_2375, %swap3A_2376], %swap3A_2379 {strides = array<i32>} : memref<272x64xf32, #tpu.memory_space<vmem>>, vector<1x16xf32>,
      %swap3A_2380 = arith.constant 5 : i32
      %swap3A_2381 = arith.index_cast %swap3A_2380 : i32 to index
      %swap3A_2382 = arith.constant 48 : index
      %swap3A_2383 = tpu.vector_load %arg12[%swap3A_2381, %swap3A_2382] {strides = array<i32>} : memref<272x64xf32, #tpu.memory_space<vmem>>, vector<1x16xf32>,
      %swap3A_2384 = vector.shape_cast %swap3A_2383 : vector<1x16xf32> to vector<16xf32>
      %swap3A_2385 = vector.shape_cast %broadcast_in_dim3A_35 : vector<16xf32> to vector<1x16xf32>
      tpu.vector_store %arg12[%swap3A_2381, %swap3A_2382], %swap3A_2385 {strides = array<i32>} : memref<272x64xf32, #tpu.memory_space<vmem>>, vector<1x16xf32>,
      %swap3A_2386 = arith.constant 6 : i32
      %swap3A_2387 = arith.index_cast %swap3A_2386 : i32 to index
      %swap3A_2388 = arith.constant 0 : index
      %swap3A_2389 = tpu.vector_load %arg12[%swap3A_2387, %swap3A_2388] {strides = array<i32>} : memref<272x64xf32, #tpu.memory_space<vmem>>, vector<1x16xf32>,
      %swap3A_2390 = vector.shape_cast %swap3A_2389 : vector<1x16xf32> to vector<16xf32>
      %swap3A_2391 = vector.shape_cast %broadcast_in_dim3A_35 : vector<16xf32> to vector<1x16xf32>
      tpu.vector_store %arg12[%swap3A_2387, %swap3A_2388], %swap3A_2391 {strides = array<i32>} : memref<272x64xf32, #tpu.memory_space<vmem>>, vector<1x16xf32>,
      %swap3A_2392 = arith.constant 6 : i32
      %swap3A_2393 = arith.index_cast %swap3A_2392 : i32 to index
      %swap3A_2394 = arith.constant 16 : index
      %swap3A_2395 = tpu.vector_load %arg12[%swap3A_2393, %swap3A_2394] {strides = array<i32>} : memref<272x64xf32, #tpu.memory_space<vmem>>, vector<1x16xf32>,
      %swap3A_2396 = vector.shape_cast %swap3A_2395 : vector<1x16xf32> to vector<16xf32>
      %swap3A_2397 = vector.shape_cast %broadcast_in_dim3A_35 : vector<16xf32> to vector<1x16xf32>
      tpu.vector_store %arg12[%swap3A_2393, %swap3A_2394], %swap3A_2397 {strides = array<i32>} : memref<272x64xf32, #tpu.memory_space<vmem>>, vector<1x16xf32>,
      %swap3A_2398 = arith.constant 6 : i32
      %swap3A_2399 = arith.index_cast %swap3A_2398 : i32 to index
      %swap3A_2400 = arith.constant 32 : index
      %swap3A_2401 = tpu.vector_load %arg12[%swap3A_2399, %swap3A_2400] {strides = array<i32>} : memref<272x64xf32, #tpu.memory_space<vmem>>, vector<1x16xf32>,
      %swap3A_2402 = vector.shape_cast %swap3A_2401 : vector<1x16xf32> to vector<16xf32>
      %swap3A_2403 = vector.shape_cast %broadcast_in_dim3A_35 : vector<16xf32> to vector<1x16xf32>
      tpu.vector_store %arg12[%swap3A_2399, %swap3A_2400], %swap3A_2403 {strides = array<i32>} : memref<272x64xf32, #tpu.memory_space<vmem>>, vector<1x16xf32>,
      %swap3A_2404 = arith.constant 6 : i32
      %swap3A_2405 = arith.index_cast %swap3A_2404 : i32 to index
      %swap3A_2406 = arith.constant 48 : index
      %swap3A_2407 = tpu.vector_load %arg12[%swap3A_2405, %swap3A_2406] {strides = array<i32>} : memref<272x64xf32, #tpu.memory_space<vmem>>, vector<1x16xf32>,
      %swap3A_2408 = vector.shape_cast %swap3A_2407 : vector<1x16xf32> to vector<16xf32>
      %swap3A_2409 = vector.shape_cast %broadcast_in_dim3A_35 : vector<16xf32> to vector<1x16xf32>
      tpu.vector_store %arg12[%swap3A_2405, %swap3A_2406], %swap3A_2409 {strides = array<i32>} : memref<272x64xf32, #tpu.memory_space<vmem>>, vector<1x16xf32>,
      %swap3A_2410 = arith.constant 7 : i32
      %swap3A_2411 = arith.index_cast %swap3A_2410 : i32 to index
      %swap3A_2412 = arith.constant 0 : index
      %swap3A_2413 = tpu.vector_load %arg12[%swap3A_2411, %swap3A_2412] {strides = array<i32>} : memref<272x64xf32, #tpu.memory_space<vmem>>, vector<1x16xf32>,
      %swap3A_2414 = vector.shape_cast %swap3A_2413 : vector<1x16xf32> to vector<16xf32>
      %swap3A_2415 = vector.shape_cast %broadcast_in_dim3A_35 : vector<16xf32> to vector<1x16xf32>
      tpu.vector_store %arg12[%swap3A_2411, %swap3A_2412], %swap3A_2415 {strides = array<i32>} : memref<272x64xf32, #tpu.memory_space<vmem>>, vector<1x16xf32>,
      %swap3A_2416 = arith.constant 7 : i32
      %swap3A_2417 = arith.index_cast %swap3A_2416 : i32 to index
      %swap3A_2418 = arith.constant 16 : index
      %swap3A_2419 = tpu.vector_load %arg12[%swap3A_2417, %swap3A_2418] {strides = array<i32>} : memref<272x64xf32, #tpu.memory_space<vmem>>, vector<1x16xf32>,
      %swap3A_2420 = vector.shape_cast %swap3A_2419 : vector<1x16xf32> to vector<16xf32>
      %swap3A_2421 = vector.shape_cast %broadcast_in_dim3A_35 : vector<16xf32> to vector<1x16xf32>
      tpu.vector_store %arg12[%swap3A_2417, %swap3A_2418], %swap3A_2421 {strides = array<i32>} : memref<272x64xf32, #tpu.memory_space<vmem>>, vector<1x16xf32>,
      %swap3A_2422 = arith.constant 7 : i32
      %swap3A_2423 = arith.index_cast %swap3A_2422 : i32 to index
      %swap3A_2424 = arith.constant 32 : index
      %swap3A_2425 = tpu.vector_load %arg12[%swap3A_2423, %swap3A_2424] {strides = array<i32>} : memref<272x64xf32, #tpu.memory_space<vmem>>, vector<1x16xf32>,
      %swap3A_2426 = vector.shape_cast %swap3A_2425 : vector<1x16xf32> to vector<16xf32>
      %swap3A_2427 = vector.shape_cast %broadcast_in_dim3A_35 : vector<16xf32> to vector<1x16xf32>
      tpu.vector_store %arg12[%swap3A_2423, %swap3A_2424], %swap3A_2427 {strides = array<i32>} : memref<272x64xf32, #tpu.memory_space<vmem>>, vector<1x16xf32>,
      %swap3A_2428 = arith.constant 7 : i32
      %swap3A_2429 = arith.index_cast %swap3A_2428 : i32 to index
      %swap3A_2430 = arith.constant 48 : index
      %swap3A_2431 = tpu.vector_load %arg12[%swap3A_2429, %swap3A_2430] {strides = array<i32>} : memref<272x64xf32, #tpu.memory_space<vmem>>, vector<1x16xf32>,
      %swap3A_2432 = vector.shape_cast %swap3A_2431 : vector<1x16xf32> to vector<16xf32>
      %swap3A_2433 = vector.shape_cast %broadcast_in_dim3A_35 : vector<16xf32> to vector<1x16xf32>
      tpu.vector_store %arg12[%swap3A_2429, %swap3A_2430], %swap3A_2433 {strides = array<i32>} : memref<272x64xf32, #tpu.memory_space<vmem>>, vector<1x16xf32>,
      %swap3A_2434 = arith.constant 8 : i32
      %swap3A_2435 = arith.index_cast %swap3A_2434 : i32 to index
      %swap3A_2436 = arith.constant 0 : index
      %swap3A_2437 = tpu.vector_load %arg12[%swap3A_2435, %swap3A_2436] {strides = array<i32>} : memref<272x64xf32, #tpu.memory_space<vmem>>, vector<1x16xf32>,
      %swap3A_2438 = vector.shape_cast %swap3A_2437 : vector<1x16xf32> to vector<16xf32>
      %swap3A_2439 = vector.shape_cast %broadcast_in_dim3A_35 : vector<16xf32> to vector<1x16xf32>
      tpu.vector_store %arg12[%swap3A_2435, %swap3A_2436], %swap3A_2439 {strides = array<i32>} : memref<272x64xf32, #tpu.memory_space<vmem>>, vector<1x16xf32>,
      %swap3A_2440 = arith.constant 8 : i32
      %swap3A_2441 = arith.index_cast %swap3A_2440 : i32 to index
      %swap3A_2442 = arith.constant 16 : index
      %swap3A_2443 = tpu.vector_load %arg12[%swap3A_2441, %swap3A_2442] {strides = array<i32>} : memref<272x64xf32, #tpu.memory_space<vmem>>, vector<1x16xf32>,
      %swap3A_2444 = vector.shape_cast %swap3A_2443 : vector<1x16xf32> to vector<16xf32>
      %swap3A_2445 = vector.shape_cast %broadcast_in_dim3A_35 : vector<16xf32> to vector<1x16xf32>
      tpu.vector_store %arg12[%swap3A_2441, %swap3A_2442], %swap3A_2445 {strides = array<i32>} : memref<272x64xf32, #tpu.memory_space<vmem>>, vector<1x16xf32>,
      %swap3A_2446 = arith.constant 8 : i32
      %swap3A_2447 = arith.index_cast %swap3A_2446 : i32 to index
      %swap3A_2448 = arith.constant 32 : index
      %swap3A_2449 = tpu.vector_load %arg12[%swap3A_2447, %swap3A_2448] {strides = array<i32>} : memref<272x64xf32, #tpu.memory_space<vmem>>, vector<1x16xf32>,
      %swap3A_2450 = vector.shape_cast %swap3A_2449 : vector<1x16xf32> to vector<16xf32>
      %swap3A_2451 = vector.shape_cast %broadcast_in_dim3A_35 : vector<16xf32> to vector<1x16xf32>
      tpu.vector_store %arg12[%swap3A_2447, %swap3A_2448], %swap3A_2451 {strides = array<i32>} : memref<272x64xf32, #tpu.memory_space<vmem>>, vector<1x16xf32>,
      %swap3A_2452 = arith.constant 8 : i32
      %swap3A_2453 = arith.index_cast %swap3A_2452 : i32 to index
      %swap3A_2454 = arith.constant 48 : index
      %swap3A_2455 = tpu.vector_load %arg12[%swap3A_2453, %swap3A_2454] {strides = array<i32>} : memref<272x64xf32, #tpu.memory_space<vmem>>, vector<1x16xf32>,
      %swap3A_2456 = vector.shape_cast %swap3A_2455 : vector<1x16xf32> to vector<16xf32>
      %swap3A_2457 = vector.shape_cast %broadcast_in_dim3A_35 : vector<16xf32> to vector<1x16xf32>
      tpu.vector_store %arg12[%swap3A_2453, %swap3A_2454], %swap3A_2457 {strides = array<i32>} : memref<272x64xf32, #tpu.memory_space<vmem>>, vector<1x16xf32>,
      %swap3A_2458 = arith.constant 9 : i32
      %swap3A_2459 = arith.index_cast %swap3A_2458 : i32 to index
      %swap3A_2460 = arith.constant 0 : index
      %swap3A_2461 = tpu.vector_load %arg12[%swap3A_2459, %swap3A_2460] {strides = array<i32>} : memref<272x64xf32, #tpu.memory_space<vmem>>, vector<1x16xf32>,
      %swap3A_2462 = vector.shape_cast %swap3A_2461 : vector<1x16xf32> to vector<16xf32>
      %swap3A_2463 = vector.shape_cast %broadcast_in_dim3A_35 : vector<16xf32> to vector<1x16xf32>
      tpu.vector_store %arg12[%swap3A_2459, %swap3A_2460], %swap3A_2463 {strides = array<i32>} : memref<272x64xf32, #tpu.memory_space<vmem>>, vector<1x16xf32>,
      %swap3A_2464 = arith.constant 9 : i32
      %swap3A_2465 = arith.index_cast %swap3A_2464 : i32 to index
      %swap3A_2466 = arith.constant 16 : index
      %swap3A_2467 = tpu.vector_load %arg12[%swap3A_2465, %swap3A_2466] {strides = array<i32>} : memref<272x64xf32, #tpu.memory_space<vmem>>, vector<1x16xf32>,
      %swap3A_2468 = vector.shape_cast %swap3A_2467 : vector<1x16xf32> to vector<16xf32>
      %swap3A_2469 = vector.shape_cast %broadcast_in_dim3A_35 : vector<16xf32> to vector<1x16xf32>
      tpu.vector_store %arg12[%swap3A_2465, %swap3A_2466], %swap3A_2469 {strides = array<i32>} : memref<272x64xf32, #tpu.memory_space<vmem>>, vector<1x16xf32>,
      %swap3A_2470 = arith.constant 9 : i32
      %swap3A_2471 = arith.index_cast %swap3A_2470 : i32 to index
      %swap3A_2472 = arith.constant 32 : index
      %swap3A_2473 = tpu.vector_load %arg12[%swap3A_2471, %swap3A_2472] {strides = array<i32>} : memref<272x64xf32, #tpu.memory_space<vmem>>, vector<1x16xf32>,
      %swap3A_2474 = vector.shape_cast %swap3A_2473 : vector<1x16xf32> to vector<16xf32>
      %swap3A_2475 = vector.shape_cast %broadcast_in_dim3A_35 : vector<16xf32> to vector<1x16xf32>
      tpu.vector_store %arg12[%swap3A_2471, %swap3A_2472], %swap3A_2475 {strides = array<i32>} : memref<272x64xf32, #tpu.memory_space<vmem>>, vector<1x16xf32>,
      %swap3A_2476 = arith.constant 9 : i32
      %swap3A_2477 = arith.index_cast %swap3A_2476 : i32 to index
      %swap3A_2478 = arith.constant 48 : index
      %swap3A_2479 = tpu.vector_load %arg12[%swap3A_2477, %swap3A_2478] {strides = array<i32>} : memref<272x64xf32, #tpu.memory_space<vmem>>, vector<1x16xf32>,
      %swap3A_2480 = vector.shape_cast %swap3A_2479 : vector<1x16xf32> to vector<16xf32>
      %swap3A_2481 = vector.shape_cast %broadcast_in_dim3A_35 : vector<16xf32> to vector<1x16xf32>
      tpu.vector_store %arg12[%swap3A_2477, %swap3A_2478], %swap3A_2481 {strides = array<i32>} : memref<272x64xf32, #tpu.memory_space<vmem>>, vector<1x16xf32>,
      %swap3A_2482 = arith.constant 10 : i32
      %swap3A_2483 = arith.index_cast %swap3A_2482 : i32 to index
      %swap3A_2484 = arith.constant 0 : index
      %swap3A_2485 = tpu.vector_load %arg12[%swap3A_2483, %swap3A_2484] {strides = array<i32>} : memref<272x64xf32, #tpu.memory_space<vmem>>, vector<1x16xf32>,
      %swap3A_2486 = vector.shape_cast %swap3A_2485 : vector<1x16xf32> to vector<16xf32>
      %swap3A_2487 = vector.shape_cast %broadcast_in_dim3A_35 : vector<16xf32> to vector<1x16xf32>
      tpu.vector_store %arg12[%swap3A_2483, %swap3A_2484], %swap3A_2487 {strides = array<i32>} : memref<272x64xf32, #tpu.memory_space<vmem>>, vector<1x16xf32>,
      %swap3A_2488 = arith.constant 10 : i32
      %swap3A_2489 = arith.index_cast %swap3A_2488 : i32 to index
      %swap3A_2490 = arith.constant 16 : index
      %swap3A_2491 = tpu.vector_load %arg12[%swap3A_2489, %swap3A_2490] {strides = array<i32>} : memref<272x64xf32, #tpu.memory_space<vmem>>, vector<1x16xf32>,
      %swap3A_2492 = vector.shape_cast %swap3A_2491 : vector<1x16xf32> to vector<16xf32>
      %swap3A_2493 = vector.shape_cast %broadcast_in_dim3A_35 : vector<16xf32> to vector<1x16xf32>
      tpu.vector_store %arg12[%swap3A_2489, %swap3A_2490], %swap3A_2493 {strides = array<i32>} : memref<272x64xf32, #tpu.memory_space<vmem>>, vector<1x16xf32>,
      %swap3A_2494 = arith.constant 10 : i32
      %swap3A_2495 = arith.index_cast %swap3A_2494 : i32 to index
      %swap3A_2496 = arith.constant 32 : index
      %swap3A_2497 = tpu.vector_load %arg12[%swap3A_2495, %swap3A_2496] {strides = array<i32>} : memref<272x64xf32, #tpu.memory_space<vmem>>, vector<1x16xf32>,
      %swap3A_2498 = vector.shape_cast %swap3A_2497 : vector<1x16xf32> to vector<16xf32>
      %swap3A_2499 = vector.shape_cast %broadcast_in_dim3A_35 : vector<16xf32> to vector<1x16xf32>
      tpu.vector_store %arg12[%swap3A_2495, %swap3A_2496], %swap3A_2499 {strides = array<i32>} : memref<272x64xf32, #tpu.memory_space<vmem>>, vector<1x16xf32>,
      %swap3A_2500 = arith.constant 10 : i32
      %swap3A_2501 = arith.index_cast %swap3A_2500 : i32 to index
      %swap3A_2502 = arith.constant 48 : index
      %swap3A_2503 = tpu.vector_load %arg12[%swap3A_2501, %swap3A_2502] {strides = array<i32>} : memref<272x64xf32, #tpu.memory_space<vmem>>, vector<1x16xf32>,
      %swap3A_2504 = vector.shape_cast %swap3A_2503 : vector<1x16xf32> to vector<16xf32>
      %swap3A_2505 = vector.shape_cast %broadcast_in_dim3A_35 : vector<16xf32> to vector<1x16xf32>
      tpu.vector_store %arg12[%swap3A_2501, %swap3A_2502], %swap3A_2505 {strides = array<i32>} : memref<272x64xf32, #tpu.memory_space<vmem>>, vector<1x16xf32>,
      %swap3A_2506 = arith.constant 11 : i32
      %swap3A_2507 = arith.index_cast %swap3A_2506 : i32 to index
      %swap3A_2508 = arith.constant 0 : index
      %swap3A_2509 = tpu.vector_load %arg12[%swap3A_2507, %swap3A_2508] {strides = array<i32>} : memref<272x64xf32, #tpu.memory_space<vmem>>, vector<1x16xf32>,
      %swap3A_2510 = vector.shape_cast %swap3A_2509 : vector<1x16xf32> to vector<16xf32>
      %swap3A_2511 = vector.shape_cast %broadcast_in_dim3A_35 : vector<16xf32> to vector<1x16xf32>
      tpu.vector_store %arg12[%swap3A_2507, %swap3A_2508], %swap3A_2511 {strides = array<i32>} : memref<272x64xf32, #tpu.memory_space<vmem>>, vector<1x16xf32>,
      %swap3A_2512 = arith.constant 11 : i32
      %swap3A_2513 = arith.index_cast %swap3A_2512 : i32 to index
      %swap3A_2514 = arith.constant 16 : index
      %swap3A_2515 = tpu.vector_load %arg12[%swap3A_2513, %swap3A_2514] {strides = array<i32>} : memref<272x64xf32, #tpu.memory_space<vmem>>, vector<1x16xf32>,
      %swap3A_2516 = vector.shape_cast %swap3A_2515 : vector<1x16xf32> to vector<16xf32>
      %swap3A_2517 = vector.shape_cast %broadcast_in_dim3A_35 : vector<16xf32> to vector<1x16xf32>
      tpu.vector_store %arg12[%swap3A_2513, %swap3A_2514], %swap3A_2517 {strides = array<i32>} : memref<272x64xf32, #tpu.memory_space<vmem>>, vector<1x16xf32>,
      %swap3A_2518 = arith.constant 11 : i32
      %swap3A_2519 = arith.index_cast %swap3A_2518 : i32 to index
      %swap3A_2520 = arith.constant 32 : index
      %swap3A_2521 = tpu.vector_load %arg12[%swap3A_2519, %swap3A_2520] {strides = array<i32>} : memref<272x64xf32, #tpu.memory_space<vmem>>, vector<1x16xf32>,
      %swap3A_2522 = vector.shape_cast %swap3A_2521 : vector<1x16xf32> to vector<16xf32>
      %swap3A_2523 = vector.shape_cast %broadcast_in_dim3A_35 : vector<16xf32> to vector<1x16xf32>
      tpu.vector_store %arg12[%swap3A_2519, %swap3A_2520], %swap3A_2523 {strides = array<i32>} : memref<272x64xf32, #tpu.memory_space<vmem>>, vector<1x16xf32>,
      %swap3A_2524 = arith.constant 11 : i32
      %swap3A_2525 = arith.index_cast %swap3A_2524 : i32 to index
      %swap3A_2526 = arith.constant 48 : index
      %swap3A_2527 = tpu.vector_load %arg12[%swap3A_2525, %swap3A_2526] {strides = array<i32>} : memref<272x64xf32, #tpu.memory_space<vmem>>, vector<1x16xf32>,
      %swap3A_2528 = vector.shape_cast %swap3A_2527 : vector<1x16xf32> to vector<16xf32>
      %swap3A_2529 = vector.shape_cast %broadcast_in_dim3A_35 : vector<16xf32> to vector<1x16xf32>
      tpu.vector_store %arg12[%swap3A_2525, %swap3A_2526], %swap3A_2529 {strides = array<i32>} : memref<272x64xf32, #tpu.memory_space<vmem>>, vector<1x16xf32>,
      %swap3A_2530 = arith.constant 12 : i32
      %swap3A_2531 = arith.index_cast %swap3A_2530 : i32 to index
      %swap3A_2532 = arith.constant 0 : index
      %swap3A_2533 = tpu.vector_load %arg12[%swap3A_2531, %swap3A_2532] {strides = array<i32>} : memref<272x64xf32, #tpu.memory_space<vmem>>, vector<1x16xf32>,
      %swap3A_2534 = vector.shape_cast %swap3A_2533 : vector<1x16xf32> to vector<16xf32>
      %swap3A_2535 = vector.shape_cast %broadcast_in_dim3A_35 : vector<16xf32> to vector<1x16xf32>
      tpu.vector_store %arg12[%swap3A_2531, %swap3A_2532], %swap3A_2535 {strides = array<i32>} : memref<272x64xf32, #tpu.memory_space<vmem>>, vector<1x16xf32>,
      %swap3A_2536 = arith.constant 12 : i32
      %swap3A_2537 = arith.index_cast %swap3A_2536 : i32 to index
      %swap3A_2538 = arith.constant 16 : index
      %swap3A_2539 = tpu.vector_load %arg12[%swap3A_2537, %swap3A_2538] {strides = array<i32>} : memref<272x64xf32, #tpu.memory_space<vmem>>, vector<1x16xf32>,
      %swap3A_2540 = vector.shape_cast %swap3A_2539 : vector<1x16xf32> to vector<16xf32>
      %swap3A_2541 = vector.shape_cast %broadcast_in_dim3A_35 : vector<16xf32> to vector<1x16xf32>
      tpu.vector_store %arg12[%swap3A_2537, %swap3A_2538], %swap3A_2541 {strides = array<i32>} : memref<272x64xf32, #tpu.memory_space<vmem>>, vector<1x16xf32>,
      %swap3A_2542 = arith.constant 12 : i32
      %swap3A_2543 = arith.index_cast %swap3A_2542 : i32 to index
      %swap3A_2544 = arith.constant 32 : index
      %swap3A_2545 = tpu.vector_load %arg12[%swap3A_2543, %swap3A_2544] {strides = array<i32>} : memref<272x64xf32, #tpu.memory_space<vmem>>, vector<1x16xf32>,
      %swap3A_2546 = vector.shape_cast %swap3A_2545 : vector<1x16xf32> to vector<16xf32>
      %swap3A_2547 = vector.shape_cast %broadcast_in_dim3A_35 : vector<16xf32> to vector<1x16xf32>
      tpu.vector_store %arg12[%swap3A_2543, %swap3A_2544], %swap3A_2547 {strides = array<i32>} : memref<272x64xf32, #tpu.memory_space<vmem>>, vector<1x16xf32>,
      %swap3A_2548 = arith.constant 12 : i32
      %swap3A_2549 = arith.index_cast %swap3A_2548 : i32 to index
      %swap3A_2550 = arith.constant 48 : index
      %swap3A_2551 = tpu.vector_load %arg12[%swap3A_2549, %swap3A_2550] {strides = array<i32>} : memref<272x64xf32, #tpu.memory_space<vmem>>, vector<1x16xf32>,
      %swap3A_2552 = vector.shape_cast %swap3A_2551 : vector<1x16xf32> to vector<16xf32>
      %swap3A_2553 = vector.shape_cast %broadcast_in_dim3A_35 : vector<16xf32> to vector<1x16xf32>
      tpu.vector_store %arg12[%swap3A_2549, %swap3A_2550], %swap3A_2553 {strides = array<i32>} : memref<272x64xf32, #tpu.memory_space<vmem>>, vector<1x16xf32>,
      %swap3A_2554 = arith.constant 13 : i32
      %swap3A_2555 = arith.index_cast %swap3A_2554 : i32 to index
      %swap3A_2556 = arith.constant 0 : index
      %swap3A_2557 = tpu.vector_load %arg12[%swap3A_2555, %swap3A_2556] {strides = array<i32>} : memref<272x64xf32, #tpu.memory_space<vmem>>, vector<1x16xf32>,
      %swap3A_2558 = vector.shape_cast %swap3A_2557 : vector<1x16xf32> to vector<16xf32>
      %swap3A_2559 = vector.shape_cast %broadcast_in_dim3A_35 : vector<16xf32> to vector<1x16xf32>
      tpu.vector_store %arg12[%swap3A_2555, %swap3A_2556], %swap3A_2559 {strides = array<i32>} : memref<272x64xf32, #tpu.memory_space<vmem>>, vector<1x16xf32>,
      %swap3A_2560 = arith.constant 13 : i32
      %swap3A_2561 = arith.index_cast %swap3A_2560 : i32 to index
      %swap3A_2562 = arith.constant 16 : index
      %swap3A_2563 = tpu.vector_load %arg12[%swap3A_2561, %swap3A_2562] {strides = array<i32>} : memref<272x64xf32, #tpu.memory_space<vmem>>, vector<1x16xf32>,
      %swap3A_2564 = vector.shape_cast %swap3A_2563 : vector<1x16xf32> to vector<16xf32>
      %swap3A_2565 = vector.shape_cast %broadcast_in_dim3A_35 : vector<16xf32> to vector<1x16xf32>
      tpu.vector_store %arg12[%swap3A_2561, %swap3A_2562], %swap3A_2565 {strides = array<i32>} : memref<272x64xf32, #tpu.memory_space<vmem>>, vector<1x16xf32>,
      %swap3A_2566 = arith.constant 13 : i32
      %swap3A_2567 = arith.index_cast %swap3A_2566 : i32 to index
      %swap3A_2568 = arith.constant 32 : index
      %swap3A_2569 = tpu.vector_load %arg12[%swap3A_2567, %swap3A_2568] {strides = array<i32>} : memref<272x64xf32, #tpu.memory_space<vmem>>, vector<1x16xf32>,
      %swap3A_2570 = vector.shape_cast %swap3A_2569 : vector<1x16xf32> to vector<16xf32>
      %swap3A_2571 = vector.shape_cast %broadcast_in_dim3A_35 : vector<16xf32> to vector<1x16xf32>
      tpu.vector_store %arg12[%swap3A_2567, %swap3A_2568], %swap3A_2571 {strides = array<i32>} : memref<272x64xf32, #tpu.memory_space<vmem>>, vector<1x16xf32>,
      %swap3A_2572 = arith.constant 13 : i32
      %swap3A_2573 = arith.index_cast %swap3A_2572 : i32 to index
      %swap3A_2574 = arith.constant 48 : index
      %swap3A_2575 = tpu.vector_load %arg12[%swap3A_2573, %swap3A_2574] {strides = array<i32>} : memref<272x64xf32, #tpu.memory_space<vmem>>, vector<1x16xf32>,
      %swap3A_2576 = vector.shape_cast %swap3A_2575 : vector<1x16xf32> to vector<16xf32>
      %swap3A_2577 = vector.shape_cast %broadcast_in_dim3A_35 : vector<16xf32> to vector<1x16xf32>
      tpu.vector_store %arg12[%swap3A_2573, %swap3A_2574], %swap3A_2577 {strides = array<i32>} : memref<272x64xf32, #tpu.memory_space<vmem>>, vector<1x16xf32>,
      %swap3A_2578 = arith.constant 14 : i32
      %swap3A_2579 = arith.index_cast %swap3A_2578 : i32 to index
      %swap3A_2580 = arith.constant 0 : index
      %swap3A_2581 = tpu.vector_load %arg12[%swap3A_2579, %swap3A_2580] {strides = array<i32>} : memref<272x64xf32, #tpu.memory_space<vmem>>, vector<1x16xf32>,
      %swap3A_2582 = vector.shape_cast %swap3A_2581 : vector<1x16xf32> to vector<16xf32>
      %swap3A_2583 = vector.shape_cast %broadcast_in_dim3A_35 : vector<16xf32> to vector<1x16xf32>
      tpu.vector_store %arg12[%swap3A_2579, %swap3A_2580], %swap3A_2583 {strides = array<i32>} : memref<272x64xf32, #tpu.memory_space<vmem>>, vector<1x16xf32>,
      %swap3A_2584 = arith.constant 14 : i32
      %swap3A_2585 = arith.index_cast %swap3A_2584 : i32 to index
      %swap3A_2586 = arith.constant 16 : index
      %swap3A_2587 = tpu.vector_load %arg12[%swap3A_2585, %swap3A_2586] {strides = array<i32>} : memref<272x64xf32, #tpu.memory_space<vmem>>, vector<1x16xf32>,
      %swap3A_2588 = vector.shape_cast %swap3A_2587 : vector<1x16xf32> to vector<16xf32>
      %swap3A_2589 = vector.shape_cast %broadcast_in_dim3A_35 : vector<16xf32> to vector<1x16xf32>
      tpu.vector_store %arg12[%swap3A_2585, %swap3A_2586], %swap3A_2589 {strides = array<i32>} : memref<272x64xf32, #tpu.memory_space<vmem>>, vector<1x16xf32>,
      %swap3A_2590 = arith.constant 14 : i32
      %swap3A_2591 = arith.index_cast %swap3A_2590 : i32 to index
      %swap3A_2592 = arith.constant 32 : index
      %swap3A_2593 = tpu.vector_load %arg12[%swap3A_2591, %swap3A_2592] {strides = array<i32>} : memref<272x64xf32, #tpu.memory_space<vmem>>, vector<1x16xf32>,
      %swap3A_2594 = vector.shape_cast %swap3A_2593 : vector<1x16xf32> to vector<16xf32>
      %swap3A_2595 = vector.shape_cast %broadcast_in_dim3A_35 : vector<16xf32> to vector<1x16xf32>
      tpu.vector_store %arg12[%swap3A_2591, %swap3A_2592], %swap3A_2595 {strides = array<i32>} : memref<272x64xf32, #tpu.memory_space<vmem>>, vector<1x16xf32>,
      %swap3A_2596 = arith.constant 14 : i32
      %swap3A_2597 = arith.index_cast %swap3A_2596 : i32 to index
      %swap3A_2598 = arith.constant 48 : index
      %swap3A_2599 = tpu.vector_load %arg12[%swap3A_2597, %swap3A_2598] {strides = array<i32>} : memref<272x64xf32, #tpu.memory_space<vmem>>, vector<1x16xf32>,
      %swap3A_2600 = vector.shape_cast %swap3A_2599 : vector<1x16xf32> to vector<16xf32>
      %swap3A_2601 = vector.shape_cast %broadcast_in_dim3A_35 : vector<16xf32> to vector<1x16xf32>
      tpu.vector_store %arg12[%swap3A_2597, %swap3A_2598], %swap3A_2601 {strides = array<i32>} : memref<272x64xf32, #tpu.memory_space<vmem>>, vector<1x16xf32>,
      %swap3A_2602 = arith.constant 15 : i32
      %swap3A_2603 = arith.index_cast %swap3A_2602 : i32 to index
      %swap3A_2604 = arith.constant 0 : index
      %swap3A_2605 = tpu.vector_load %arg12[%swap3A_2603, %swap3A_2604] {strides = array<i32>} : memref<272x64xf32, #tpu.memory_space<vmem>>, vector<1x16xf32>,
      %swap3A_2606 = vector.shape_cast %swap3A_2605 : vector<1x16xf32> to vector<16xf32>
      %swap3A_2607 = vector.shape_cast %broadcast_in_dim3A_35 : vector<16xf32> to vector<1x16xf32>
      tpu.vector_store %arg12[%swap3A_2603, %swap3A_2604], %swap3A_2607 {strides = array<i32>} : memref<272x64xf32, #tpu.memory_space<vmem>>, vector<1x16xf32>,
      %swap3A_2608 = arith.constant 15 : i32
      %swap3A_2609 = arith.index_cast %swap3A_2608 : i32 to index
      %swap3A_2610 = arith.constant 16 : index
      %swap3A_2611 = tpu.vector_load %arg12[%swap3A_2609, %swap3A_2610] {strides = array<i32>} : memref<272x64xf32, #tpu.memory_space<vmem>>, vector<1x16xf32>,
      %swap3A_2612 = vector.shape_cast %swap3A_2611 : vector<1x16xf32> to vector<16xf32>
      %swap3A_2613 = vector.shape_cast %broadcast_in_dim3A_35 : vector<16xf32> to vector<1x16xf32>
      tpu.vector_store %arg12[%swap3A_2609, %swap3A_2610], %swap3A_2613 {strides = array<i32>} : memref<272x64xf32, #tpu.memory_space<vmem>>, vector<1x16xf32>,
      %swap3A_2614 = arith.constant 15 : i32
      %swap3A_2615 = arith.index_cast %swap3A_2614 : i32 to index
      %swap3A_2616 = arith.constant 32 : index
      %swap3A_2617 = tpu.vector_load %arg12[%swap3A_2615, %swap3A_2616] {strides = array<i32>} : memref<272x64xf32, #tpu.memory_space<vmem>>, vector<1x16xf32>,
      %swap3A_2618 = vector.shape_cast %swap3A_2617 : vector<1x16xf32> to vector<16xf32>
      %swap3A_2619 = vector.shape_cast %broadcast_in_dim3A_35 : vector<16xf32> to vector<1x16xf32>
      tpu.vector_store %arg12[%swap3A_2615, %swap3A_2616], %swap3A_2619 {strides = array<i32>} : memref<272x64xf32, #tpu.memory_space<vmem>>, vector<1x16xf32>,
      %swap3A_2620 = arith.constant 15 : i32
      %swap3A_2621 = arith.index_cast %swap3A_2620 : i32 to index
      %swap3A_2622 = arith.constant 48 : index
      %swap3A_2623 = tpu.vector_load %arg12[%swap3A_2621, %swap3A_2622] {strides = array<i32>} : memref<272x64xf32, #tpu.memory_space<vmem>>, vector<1x16xf32>,
      %swap3A_2624 = vector.shape_cast %swap3A_2623 : vector<1x16xf32> to vector<16xf32>
      %swap3A_2625 = vector.shape_cast %broadcast_in_dim3A_35 : vector<16xf32> to vector<1x16xf32>
      tpu.vector_store %arg12[%swap3A_2621, %swap3A_2622], %swap3A_2625 {strides = array<i32>} : memref<272x64xf32, #tpu.memory_space<vmem>>, vector<1x16xf32>,
      %swap3A_2626 = arith.constant 16 : i32
      %swap3A_2627 = arith.index_cast %swap3A_2626 : i32 to index
      %swap3A_2628 = arith.constant 0 : index
      %swap3A_2629 = tpu.vector_load %arg12[%swap3A_2627, %swap3A_2628] {strides = array<i32>} : memref<272x64xf32, #tpu.memory_space<vmem>>, vector<1x16xf32>,
      %swap3A_2630 = vector.shape_cast %swap3A_2629 : vector<1x16xf32> to vector<16xf32>
      %swap3A_2631 = vector.shape_cast %broadcast_in_dim3A_35 : vector<16xf32> to vector<1x16xf32>
      tpu.vector_store %arg12[%swap3A_2627, %swap3A_2628], %swap3A_2631 {strides = array<i32>} : memref<272x64xf32, #tpu.memory_space<vmem>>, vector<1x16xf32>,
      %swap3A_2632 = arith.constant 16 : i32
      %swap3A_2633 = arith.index_cast %swap3A_2632 : i32 to index
      %swap3A_2634 = arith.constant 16 : index
      %swap3A_2635 = tpu.vector_load %arg12[%swap3A_2633, %swap3A_2634] {strides = array<i32>} : memref<272x64xf32, #tpu.memory_space<vmem>>, vector<1x16xf32>,
      %swap3A_2636 = vector.shape_cast %swap3A_2635 : vector<1x16xf32> to vector<16xf32>
      %swap3A_2637 = vector.shape_cast %broadcast_in_dim3A_35 : vector<16xf32> to vector<1x16xf32>
      tpu.vector_store %arg12[%swap3A_2633, %swap3A_2634], %swap3A_2637 {strides = array<i32>} : memref<272x64xf32, #tpu.memory_space<vmem>>, vector<1x16xf32>,
      %swap3A_2638 = arith.constant 16 : i32
      %swap3A_2639 = arith.index_cast %swap3A_2638 : i32 to index
      %swap3A_2640 = arith.constant 32 : index
      %swap3A_2641 = tpu.vector_load %arg12[%swap3A_2639, %swap3A_2640] {strides = array<i32>} : memref<272x64xf32, #tpu.memory_space<vmem>>, vector<1x16xf32>,
      %swap3A_2642 = vector.shape_cast %swap3A_2641 : vector<1x16xf32> to vector<16xf32>
      %swap3A_2643 = vector.shape_cast %broadcast_in_dim3A_35 : vector<16xf32> to vector<1x16xf32>
      tpu.vector_store %arg12[%swap3A_2639, %swap3A_2640], %swap3A_2643 {strides = array<i32>} : memref<272x64xf32, #tpu.memory_space<vmem>>, vector<1x16xf32>,
      %swap3A_2644 = arith.constant 16 : i32
      %swap3A_2645 = arith.index_cast %swap3A_2644 : i32 to index
      %swap3A_2646 = arith.constant 48 : index
      %swap3A_2647 = tpu.vector_load %arg12[%swap3A_2645, %swap3A_2646] {strides = array<i32>} : memref<272x64xf32, #tpu.memory_space<vmem>>, vector<1x16xf32>,
      %swap3A_2648 = vector.shape_cast %swap3A_2647 : vector<1x16xf32> to vector<16xf32>
      %swap3A_2649 = vector.shape_cast %broadcast_in_dim3A_35 : vector<16xf32> to vector<1x16xf32>
      tpu.vector_store %arg12[%swap3A_2645, %swap3A_2646], %swap3A_2649 {strides = array<i32>} : memref<272x64xf32, #tpu.memory_space<vmem>>, vector<1x16xf32>,
      %swap3A_2650 = arith.constant 17 : i32
      %swap3A_2651 = arith.index_cast %swap3A_2650 : i32 to index
      %swap3A_2652 = arith.constant 0 : index
      %swap3A_2653 = tpu.vector_load %arg12[%swap3A_2651, %swap3A_2652] {strides = array<i32>} : memref<272x64xf32, #tpu.memory_space<vmem>>, vector<1x16xf32>,
      %swap3A_2654 = vector.shape_cast %swap3A_2653 : vector<1x16xf32> to vector<16xf32>
      %swap3A_2655 = vector.shape_cast %broadcast_in_dim3A_35 : vector<16xf32> to vector<1x16xf32>
      tpu.vector_store %arg12[%swap3A_2651, %swap3A_2652], %swap3A_2655 {strides = array<i32>} : memref<272x64xf32, #tpu.memory_space<vmem>>, vector<1x16xf32>,
      %swap3A_2656 = arith.constant 17 : i32
      %swap3A_2657 = arith.index_cast %swap3A_2656 : i32 to index
      %swap3A_2658 = arith.constant 16 : index
      %swap3A_2659 = tpu.vector_load %arg12[%swap3A_2657, %swap3A_2658] {strides = array<i32>} : memref<272x64xf32, #tpu.memory_space<vmem>>, vector<1x16xf32>,
      %swap3A_2660 = vector.shape_cast %swap3A_2659 : vector<1x16xf32> to vector<16xf32>
      %swap3A_2661 = vector.shape_cast %broadcast_in_dim3A_35 : vector<16xf32> to vector<1x16xf32>
      tpu.vector_store %arg12[%swap3A_2657, %swap3A_2658], %swap3A_2661 {strides = array<i32>} : memref<272x64xf32, #tpu.memory_space<vmem>>, vector<1x16xf32>,
      %swap3A_2662 = arith.constant 17 : i32
      %swap3A_2663 = arith.index_cast %swap3A_2662 : i32 to index
      %swap3A_2664 = arith.constant 32 : index
      %swap3A_2665 = tpu.vector_load %arg12[%swap3A_2663, %swap3A_2664] {strides = array<i32>} : memref<272x64xf32, #tpu.memory_space<vmem>>, vector<1x16xf32>,
      %swap3A_2666 = vector.shape_cast %swap3A_2665 : vector<1x16xf32> to vector<16xf32>
      %swap3A_2667 = vector.shape_cast %broadcast_in_dim3A_35 : vector<16xf32> to vector<1x16xf32>
      tpu.vector_store %arg12[%swap3A_2663, %swap3A_2664], %swap3A_2667 {strides = array<i32>} : memref<272x64xf32, #tpu.memory_space<vmem>>, vector<1x16xf32>,
      %swap3A_2668 = arith.constant 17 : i32
      %swap3A_2669 = arith.index_cast %swap3A_2668 : i32 to index
      %swap3A_2670 = arith.constant 48 : index
      %swap3A_2671 = tpu.vector_load %arg12[%swap3A_2669, %swap3A_2670] {strides = array<i32>} : memref<272x64xf32, #tpu.memory_space<vmem>>, vector<1x16xf32>,
      %swap3A_2672 = vector.shape_cast %swap3A_2671 : vector<1x16xf32> to vector<16xf32>
      %swap3A_2673 = vector.shape_cast %broadcast_in_dim3A_35 : vector<16xf32> to vector<1x16xf32>
      tpu.vector_store %arg12[%swap3A_2669, %swap3A_2670], %swap3A_2673 {strides = array<i32>} : memref<272x64xf32, #tpu.memory_space<vmem>>, vector<1x16xf32>,
      %swap3A_2674 = arith.constant 18 : i32
      %swap3A_2675 = arith.index_cast %swap3A_2674 : i32 to index
      %swap3A_2676 = arith.constant 0 : index
      %swap3A_2677 = tpu.vector_load %arg12[%swap3A_2675, %swap3A_2676] {strides = array<i32>} : memref<272x64xf32, #tpu.memory_space<vmem>>, vector<1x16xf32>,
      %swap3A_2678 = vector.shape_cast %swap3A_2677 : vector<1x16xf32> to vector<16xf32>
      %swap3A_2679 = vector.shape_cast %broadcast_in_dim3A_35 : vector<16xf32> to vector<1x16xf32>
      tpu.vector_store %arg12[%swap3A_2675, %swap3A_2676], %swap3A_2679 {strides = array<i32>} : memref<272x64xf32, #tpu.memory_space<vmem>>, vector<1x16xf32>,
      %swap3A_2680 = arith.constant 18 : i32
      %swap3A_2681 = arith.index_cast %swap3A_2680 : i32 to index
      %swap3A_2682 = arith.constant 16 : index
      %swap3A_2683 = tpu.vector_load %arg12[%swap3A_2681, %swap3A_2682] {strides = array<i32>} : memref<272x64xf32, #tpu.memory_space<vmem>>, vector<1x16xf32>,
      %swap3A_2684 = vector.shape_cast %swap3A_2683 : vector<1x16xf32> to vector<16xf32>
      %swap3A_2685 = vector.shape_cast %broadcast_in_dim3A_35 : vector<16xf32> to vector<1x16xf32>
      tpu.vector_store %arg12[%swap3A_2681, %swap3A_2682], %swap3A_2685 {strides = array<i32>} : memref<272x64xf32, #tpu.memory_space<vmem>>, vector<1x16xf32>,
      %swap3A_2686 = arith.constant 18 : i32
      %swap3A_2687 = arith.index_cast %swap3A_2686 : i32 to index
      %swap3A_2688 = arith.constant 32 : index
      %swap3A_2689 = tpu.vector_load %arg12[%swap3A_2687, %swap3A_2688] {strides = array<i32>} : memref<272x64xf32, #tpu.memory_space<vmem>>, vector<1x16xf32>,
      %swap3A_2690 = vector.shape_cast %swap3A_2689 : vector<1x16xf32> to vector<16xf32>
      %swap3A_2691 = vector.shape_cast %broadcast_in_dim3A_35 : vector<16xf32> to vector<1x16xf32>
      tpu.vector_store %arg12[%swap3A_2687, %swap3A_2688], %swap3A_2691 {strides = array<i32>} : memref<272x64xf32, #tpu.memory_space<vmem>>, vector<1x16xf32>,
      %swap3A_2692 = arith.constant 18 : i32
      %swap3A_2693 = arith.index_cast %swap3A_2692 : i32 to index
      %swap3A_2694 = arith.constant 48 : index
      %swap3A_2695 = tpu.vector_load %arg12[%swap3A_2693, %swap3A_2694] {strides = array<i32>} : memref<272x64xf32, #tpu.memory_space<vmem>>, vector<1x16xf32>,
      %swap3A_2696 = vector.shape_cast %swap3A_2695 : vector<1x16xf32> to vector<16xf32>
      %swap3A_2697 = vector.shape_cast %broadcast_in_dim3A_35 : vector<16xf32> to vector<1x16xf32>
      tpu.vector_store %arg12[%swap3A_2693, %swap3A_2694], %swap3A_2697 {strides = array<i32>} : memref<272x64xf32, #tpu.memory_space<vmem>>, vector<1x16xf32>,
      %swap3A_2698 = arith.constant 19 : i32
      %swap3A_2699 = arith.index_cast %swap3A_2698 : i32 to index
      %swap3A_2700 = arith.constant 0 : index
      %swap3A_2701 = tpu.vector_load %arg12[%swap3A_2699, %swap3A_2700] {strides = array<i32>} : memref<272x64xf32, #tpu.memory_space<vmem>>, vector<1x16xf32>,
      %swap3A_2702 = vector.shape_cast %swap3A_2701 : vector<1x16xf32> to vector<16xf32>
      %swap3A_2703 = vector.shape_cast %broadcast_in_dim3A_35 : vector<16xf32> to vector<1x16xf32>
      tpu.vector_store %arg12[%swap3A_2699, %swap3A_2700], %swap3A_2703 {strides = array<i32>} : memref<272x64xf32, #tpu.memory_space<vmem>>, vector<1x16xf32>,
      %swap3A_2704 = arith.constant 19 : i32
      %swap3A_2705 = arith.index_cast %swap3A_2704 : i32 to index
      %swap3A_2706 = arith.constant 16 : index
      %swap3A_2707 = tpu.vector_load %arg12[%swap3A_2705, %swap3A_2706] {strides = array<i32>} : memref<272x64xf32, #tpu.memory_space<vmem>>, vector<1x16xf32>,
      %swap3A_2708 = vector.shape_cast %swap3A_2707 : vector<1x16xf32> to vector<16xf32>
      %swap3A_2709 = vector.shape_cast %broadcast_in_dim3A_35 : vector<16xf32> to vector<1x16xf32>
      tpu.vector_store %arg12[%swap3A_2705, %swap3A_2706], %swap3A_2709 {strides = array<i32>} : memref<272x64xf32, #tpu.memory_space<vmem>>, vector<1x16xf32>,
      %swap3A_2710 = arith.constant 19 : i32
      %swap3A_2711 = arith.index_cast %swap3A_2710 : i32 to index
      %swap3A_2712 = arith.constant 32 : index
      %swap3A_2713 = tpu.vector_load %arg12[%swap3A_2711, %swap3A_2712] {strides = array<i32>} : memref<272x64xf32, #tpu.memory_space<vmem>>, vector<1x16xf32>,
      %swap3A_2714 = vector.shape_cast %swap3A_2713 : vector<1x16xf32> to vector<16xf32>
      %swap3A_2715 = vector.shape_cast %broadcast_in_dim3A_35 : vector<16xf32> to vector<1x16xf32>
      tpu.vector_store %arg12[%swap3A_2711, %swap3A_2712], %swap3A_2715 {strides = array<i32>} : memref<272x64xf32, #tpu.memory_space<vmem>>, vector<1x16xf32>,
      %swap3A_2716 = arith.constant 19 : i32
      %swap3A_2717 = arith.index_cast %swap3A_2716 : i32 to index
      %swap3A_2718 = arith.constant 48 : index
      %swap3A_2719 = tpu.vector_load %arg12[%swap3A_2717, %swap3A_2718] {strides = array<i32>} : memref<272x64xf32, #tpu.memory_space<vmem>>, vector<1x16xf32>,
      %swap3A_2720 = vector.shape_cast %swap3A_2719 : vector<1x16xf32> to vector<16xf32>
      %swap3A_2721 = vector.shape_cast %broadcast_in_dim3A_35 : vector<16xf32> to vector<1x16xf32>
      tpu.vector_store %arg12[%swap3A_2717, %swap3A_2718], %swap3A_2721 {strides = array<i32>} : memref<272x64xf32, #tpu.memory_space<vmem>>, vector<1x16xf32>,
      %swap3A_2722 = arith.constant 20 : i32
      %swap3A_2723 = arith.index_cast %swap3A_2722 : i32 to index
      %swap3A_2724 = arith.constant 0 : index
      %swap3A_2725 = tpu.vector_load %arg12[%swap3A_2723, %swap3A_2724] {strides = array<i32>} : memref<272x64xf32, #tpu.memory_space<vmem>>, vector<1x16xf32>,
      %swap3A_2726 = vector.shape_cast %swap3A_2725 : vector<1x16xf32> to vector<16xf32>
      %swap3A_2727 = vector.shape_cast %broadcast_in_dim3A_35 : vector<16xf32> to vector<1x16xf32>
      tpu.vector_store %arg12[%swap3A_2723, %swap3A_2724], %swap3A_2727 {strides = array<i32>} : memref<272x64xf32, #tpu.memory_space<vmem>>, vector<1x16xf32>,
      %swap3A_2728 = arith.constant 20 : i32
      %swap3A_2729 = arith.index_cast %swap3A_2728 : i32 to index
      %swap3A_2730 = arith.constant 16 : index
      %swap3A_2731 = tpu.vector_load %arg12[%swap3A_2729, %swap3A_2730] {strides = array<i32>} : memref<272x64xf32, #tpu.memory_space<vmem>>, vector<1x16xf32>,
      %swap3A_2732 = vector.shape_cast %swap3A_2731 : vector<1x16xf32> to vector<16xf32>
      %swap3A_2733 = vector.shape_cast %broadcast_in_dim3A_35 : vector<16xf32> to vector<1x16xf32>
      tpu.vector_store %arg12[%swap3A_2729, %swap3A_2730], %swap3A_2733 {strides = array<i32>} : memref<272x64xf32, #tpu.memory_space<vmem>>, vector<1x16xf32>,
      %swap3A_2734 = arith.constant 20 : i32
      %swap3A_2735 = arith.index_cast %swap3A_2734 : i32 to index
      %swap3A_2736 = arith.constant 32 : index
      %swap3A_2737 = tpu.vector_load %arg12[%swap3A_2735, %swap3A_2736] {strides = array<i32>} : memref<272x64xf32, #tpu.memory_space<vmem>>, vector<1x16xf32>,
      %swap3A_2738 = vector.shape_cast %swap3A_2737 : vector<1x16xf32> to vector<16xf32>
      %swap3A_2739 = vector.shape_cast %broadcast_in_dim3A_35 : vector<16xf32> to vector<1x16xf32>
      tpu.vector_store %arg12[%swap3A_2735, %swap3A_2736], %swap3A_2739 {strides = array<i32>} : memref<272x64xf32, #tpu.memory_space<vmem>>, vector<1x16xf32>,
      %swap3A_2740 = arith.constant 20 : i32
      %swap3A_2741 = arith.index_cast %swap3A_2740 : i32 to index
      %swap3A_2742 = arith.constant 48 : index
      %swap3A_2743 = tpu.vector_load %arg12[%swap3A_2741, %swap3A_2742] {strides = array<i32>} : memref<272x64xf32, #tpu.memory_space<vmem>>, vector<1x16xf32>,
      %swap3A_2744 = vector.shape_cast %swap3A_2743 : vector<1x16xf32> to vector<16xf32>
      %swap3A_2745 = vector.shape_cast %broadcast_in_dim3A_35 : vector<16xf32> to vector<1x16xf32>
      tpu.vector_store %arg12[%swap3A_2741, %swap3A_2742], %swap3A_2745 {strides = array<i32>} : memref<272x64xf32, #tpu.memory_space<vmem>>, vector<1x16xf32>,
    } else {
    }
    %get3A_1715 = arith.constant 5 : i32
    %get3A_1716 = arith.index_cast %get3A_1715 : i32 to index
    %get3A_1717 = arith.constant 0 : index
    %get3A_1718 = tpu.vector_load %arg12[%get3A_1716, %get3A_1717] {strides = array<i32>} : memref<272x64xf32, #tpu.memory_space<vmem>>, vector<1x16xf32>,
    %get3A_1719 = vector.shape_cast %get3A_1718 : vector<1x16xf32> to vector<16xf32>
    %add3A_1720 = arith.addf %broadcast_in_dim3A_35, %get3A_1719 : vector<16xf32>
    %get3A_1721 = arith.constant 5 : i32
    %get3A_1722 = arith.index_cast %get3A_1721 : i32 to index
    %get3A_1723 = arith.constant 16 : index
    %get3A_1724 = tpu.vector_load %arg12[%get3A_1722, %get3A_1723] {strides = array<i32>} : memref<272x64xf32, #tpu.memory_space<vmem>>, vector<1x16xf32>,
    %get3A_1725 = vector.shape_cast %get3A_1724 : vector<1x16xf32> to vector<16xf32>
    %add3A_1726 = arith.addf %broadcast_in_dim3A_35, %get3A_1725 : vector<16xf32>
    %get3A_1727 = arith.constant 5 : i32
    %get3A_1728 = arith.index_cast %get3A_1727 : i32 to index
    %get3A_1729 = arith.constant 32 : index
    %get3A_1730 = tpu.vector_load %arg12[%get3A_1728, %get3A_1729] {strides = array<i32>} : memref<272x64xf32, #tpu.memory_space<vmem>>, vector<1x16xf32>,
    %get3A_1731 = vector.shape_cast %get3A_1730 : vector<1x16xf32> to vector<16xf32>
    %add3A_1732 = arith.addf %broadcast_in_dim3A_35, %get3A_1731 : vector<16xf32>
    %get3A_1733 = arith.constant 5 : i32
    %get3A_1734 = arith.index_cast %get3A_1733 : i32 to index
    %get3A_1735 = arith.constant 48 : index
    %get3A_1736 = tpu.vector_load %arg12[%get3A_1734, %get3A_1735] {strides = array<i32>} : memref<272x64xf32, #tpu.memory_space<vmem>>, vector<1x16xf32>,
    %get3A_1737 = vector.shape_cast %get3A_1736 : vector<1x16xf32> to vector<16xf32>
    %add3A_1738 = arith.addf %broadcast_in_dim3A_35, %get3A_1737 : vector<16xf32>
    %get3A_1739 = arith.constant 6 : i32
    %get3A_1740 = arith.index_cast %get3A_1739 : i32 to index
    %get3A_1741 = arith.constant 0 : index
    %get3A_1742 = tpu.vector_load %arg12[%get3A_1740, %get3A_1741] {strides = array<i32>} : memref<272x64xf32, #tpu.memory_space<vmem>>, vector<1x16xf32>,
    %get3A_1743 = vector.shape_cast %get3A_1742 : vector<1x16xf32> to vector<16xf32>
    %add3A_1744 = arith.addf %add3A_1720, %get3A_1743 : vector<16xf32>
    %get3A_1745 = arith.constant 6 : i32
    %get3A_1746 = arith.index_cast %get3A_1745 : i32 to index
    %get3A_1747 = arith.constant 16 : index
    %get3A_1748 = tpu.vector_load %arg12[%get3A_1746, %get3A_1747] {strides = array<i32>} : memref<272x64xf32, #tpu.memory_space<vmem>>, vector<1x16xf32>,
    %get3A_1749 = vector.shape_cast %get3A_1748 : vector<1x16xf32> to vector<16xf32>
    %add3A_1750 = arith.addf %add3A_1726, %get3A_1749 : vector<16xf32>
    %get3A_1751 = arith.constant 6 : i32
    %get3A_1752 = arith.index_cast %get3A_1751 : i32 to index
    %get3A_1753 = arith.constant 32 : index
    %get3A_1754 = tpu.vector_load %arg12[%get3A_1752, %get3A_1753] {strides = array<i32>} : memref<272x64xf32, #tpu.memory_space<vmem>>, vector<1x16xf32>,
    %get3A_1755 = vector.shape_cast %get3A_1754 : vector<1x16xf32> to vector<16xf32>
    %add3A_1756 = arith.addf %add3A_1732, %get3A_1755 : vector<16xf32>
    %get3A_1757 = arith.constant 6 : i32
    %get3A_1758 = arith.index_cast %get3A_1757 : i32 to index
    %get3A_1759 = arith.constant 48 : index
    %get3A_1760 = tpu.vector_load %arg12[%get3A_1758, %get3A_1759] {strides = array<i32>} : memref<272x64xf32, #tpu.memory_space<vmem>>, vector<1x16xf32>,
    %get3A_1761 = vector.shape_cast %get3A_1760 : vector<1x16xf32> to vector<16xf32>
    %add3A_1762 = arith.addf %add3A_1738, %get3A_1761 : vector<16xf32>
    %get3A_1763 = arith.constant 7 : i32
    %get3A_1764 = arith.index_cast %get3A_1763 : i32 to index
    %get3A_1765 = arith.constant 0 : index
    %get3A_1766 = tpu.vector_load %arg12[%get3A_1764, %get3A_1765] {strides = array<i32>} : memref<272x64xf32, #tpu.memory_space<vmem>>, vector<1x16xf32>,
    %get3A_1767 = vector.shape_cast %get3A_1766 : vector<1x16xf32> to vector<16xf32>
    %add3A_1768 = arith.addf %add3A_1744, %get3A_1767 : vector<16xf32>
    %get3A_1769 = arith.constant 7 : i32
    %get3A_1770 = arith.index_cast %get3A_1769 : i32 to index
    %get3A_1771 = arith.constant 16 : index
    %get3A_1772 = tpu.vector_load %arg12[%get3A_1770, %get3A_1771] {strides = array<i32>} : memref<272x64xf32, #tpu.memory_space<vmem>>, vector<1x16xf32>,
    %get3A_1773 = vector.shape_cast %get3A_1772 : vector<1x16xf32> to vector<16xf32>
    %add3A_1774 = arith.addf %add3A_1750, %get3A_1773 : vector<16xf32>
    %get3A_1775 = arith.constant 7 : i32
    %get3A_1776 = arith.index_cast %get3A_1775 : i32 to index
    %get3A_1777 = arith.constant 32 : index
    %get3A_1778 = tpu.vector_load %arg12[%get3A_1776, %get3A_1777] {strides = array<i32>} : memref<272x64xf32, #tpu.memory_space<vmem>>, vector<1x16xf32>,
    %get3A_1779 = vector.shape_cast %get3A_1778 : vector<1x16xf32> to vector<16xf32>
    %add3A_1780 = arith.addf %add3A_1756, %get3A_1779 : vector<16xf32>
    %get3A_1781 = arith.constant 7 : i32
    %get3A_1782 = arith.index_cast %get3A_1781 : i32 to index
    %get3A_1783 = arith.constant 48 : index
    %get3A_1784 = tpu.vector_load %arg12[%get3A_1782, %get3A_1783] {strides = array<i32>} : memref<272x64xf32, #tpu.memory_space<vmem>>, vector<1x16xf32>,
    %get3A_1785 = vector.shape_cast %get3A_1784 : vector<1x16xf32> to vector<16xf32>
    %add3A_1786 = arith.addf %add3A_1762, %get3A_1785 : vector<16xf32>
    %get3A_1787 = arith.constant 8 : i32
    %get3A_1788 = arith.index_cast %get3A_1787 : i32 to index
    %get3A_1789 = arith.constant 0 : index
    %get3A_1790 = tpu.vector_load %arg12[%get3A_1788, %get3A_1789] {strides = array<i32>} : memref<272x64xf32, #tpu.memory_space<vmem>>, vector<1x16xf32>,
    %get3A_1791 = vector.shape_cast %get3A_1790 : vector<1x16xf32> to vector<16xf32>
    %add3A_1792 = arith.addf %add3A_1768, %get3A_1791 : vector<16xf32>
    %get3A_1793 = arith.constant 8 : i32
    %get3A_1794 = arith.index_cast %get3A_1793 : i32 to index
    %get3A_1795 = arith.constant 16 : index
    %get3A_1796 = tpu.vector_load %arg12[%get3A_1794, %get3A_1795] {strides = array<i32>} : memref<272x64xf32, #tpu.memory_space<vmem>>, vector<1x16xf32>,
    %get3A_1797 = vector.shape_cast %get3A_1796 : vector<1x16xf32> to vector<16xf32>
    %add3A_1798 = arith.addf %add3A_1774, %get3A_1797 : vector<16xf32>
    %get3A_1799 = arith.constant 8 : i32
    %get3A_1800 = arith.index_cast %get3A_1799 : i32 to index
    %get3A_1801 = arith.constant 32 : index
    %get3A_1802 = tpu.vector_load %arg12[%get3A_1800, %get3A_1801] {strides = array<i32>} : memref<272x64xf32, #tpu.memory_space<vmem>>, vector<1x16xf32>,
    %get3A_1803 = vector.shape_cast %get3A_1802 : vector<1x16xf32> to vector<16xf32>
    %add3A_1804 = arith.addf %add3A_1780, %get3A_1803 : vector<16xf32>
    %get3A_1805 = arith.constant 8 : i32
    %get3A_1806 = arith.index_cast %get3A_1805 : i32 to index
    %get3A_1807 = arith.constant 48 : index
    %get3A_1808 = tpu.vector_load %arg12[%get3A_1806, %get3A_1807] {strides = array<i32>} : memref<272x64xf32, #tpu.memory_space<vmem>>, vector<1x16xf32>,
    %get3A_1809 = vector.shape_cast %get3A_1808 : vector<1x16xf32> to vector<16xf32>
    %add3A_1810 = arith.addf %add3A_1786, %get3A_1809 : vector<16xf32>
    %get3A_1811 = arith.constant 9 : i32
    %get3A_1812 = arith.index_cast %get3A_1811 : i32 to index
    %get3A_1813 = arith.constant 0 : index
    %get3A_1814 = tpu.vector_load %arg12[%get3A_1812, %get3A_1813] {strides = array<i32>} : memref<272x64xf32, #tpu.memory_space<vmem>>, vector<1x16xf32>,
    %get3A_1815 = vector.shape_cast %get3A_1814 : vector<1x16xf32> to vector<16xf32>
    %add3A_1816 = arith.addf %add3A_1792, %get3A_1815 : vector<16xf32>
    %get3A_1817 = arith.constant 9 : i32
    %get3A_1818 = arith.index_cast %get3A_1817 : i32 to index
    %get3A_1819 = arith.constant 16 : index
    %get3A_1820 = tpu.vector_load %arg12[%get3A_1818, %get3A_1819] {strides = array<i32>} : memref<272x64xf32, #tpu.memory_space<vmem>>, vector<1x16xf32>,
    %get3A_1821 = vector.shape_cast %get3A_1820 : vector<1x16xf32> to vector<16xf32>
    %add3A_1822 = arith.addf %add3A_1798, %get3A_1821 : vector<16xf32>
    %get3A_1823 = arith.constant 9 : i32
    %get3A_1824 = arith.index_cast %get3A_1823 : i32 to index
    %get3A_1825 = arith.constant 32 : index
    %get3A_1826 = tpu.vector_load %arg12[%get3A_1824, %get3A_1825] {strides = array<i32>} : memref<272x64xf32, #tpu.memory_space<vmem>>, vector<1x16xf32>,
    %get3A_1827 = vector.shape_cast %get3A_1826 : vector<1x16xf32> to vector<16xf32>
    %add3A_1828 = arith.addf %add3A_1804, %get3A_1827 : vector<16xf32>
    %get3A_1829 = arith.constant 9 : i32
    %get3A_1830 = arith.index_cast %get3A_1829 : i32 to index
    %get3A_1831 = arith.constant 48 : index
    %get3A_1832 = tpu.vector_load %arg12[%get3A_1830, %get3A_1831] {strides = array<i32>} : memref<272x64xf32, #tpu.memory_space<vmem>>, vector<1x16xf32>,
    %get3A_1833 = vector.shape_cast %get3A_1832 : vector<1x16xf32> to vector<16xf32>
    %add3A_1834 = arith.addf %add3A_1810, %get3A_1833 : vector<16xf32>
    %get3A_1835 = arith.constant 10 : i32
    %get3A_1836 = arith.index_cast %get3A_1835 : i32 to index
    %get3A_1837 = arith.constant 0 : index
    %get3A_1838 = tpu.vector_load %arg12[%get3A_1836, %get3A_1837] {strides = array<i32>} : memref<272x64xf32, #tpu.memory_space<vmem>>, vector<1x16xf32>,
    %get3A_1839 = vector.shape_cast %get3A_1838 : vector<1x16xf32> to vector<16xf32>
    %add3A_1840 = arith.addf %add3A_1816, %get3A_1839 : vector<16xf32>
    %get3A_1841 = arith.constant 10 : i32
    %get3A_1842 = arith.index_cast %get3A_1841 : i32 to index
    %get3A_1843 = arith.constant 16 : index
    %get3A_1844 = tpu.vector_load %arg12[%get3A_1842, %get3A_1843] {strides = array<i32>} : memref<272x64xf32, #tpu.memory_space<vmem>>, vector<1x16xf32>,
    %get3A_1845 = vector.shape_cast %get3A_1844 : vector<1x16xf32> to vector<16xf32>
    %add3A_1846 = arith.addf %add3A_1822, %get3A_1845 : vector<16xf32>
    %get3A_1847 = arith.constant 10 : i32
    %get3A_1848 = arith.index_cast %get3A_1847 : i32 to index
    %get3A_1849 = arith.constant 32 : index
    %get3A_1850 = tpu.vector_load %arg12[%get3A_1848, %get3A_1849] {strides = array<i32>} : memref<272x64xf32, #tpu.memory_space<vmem>>, vector<1x16xf32>,
    %get3A_1851 = vector.shape_cast %get3A_1850 : vector<1x16xf32> to vector<16xf32>
    %add3A_1852 = arith.addf %add3A_1828, %get3A_1851 : vector<16xf32>
    %get3A_1853 = arith.constant 10 : i32
    %get3A_1854 = arith.index_cast %get3A_1853 : i32 to index
    %get3A_1855 = arith.constant 48 : index
    %get3A_1856 = tpu.vector_load %arg12[%get3A_1854, %get3A_1855] {strides = array<i32>} : memref<272x64xf32, #tpu.memory_space<vmem>>, vector<1x16xf32>,
    %get3A_1857 = vector.shape_cast %get3A_1856 : vector<1x16xf32> to vector<16xf32>
    %add3A_1858 = arith.addf %add3A_1834, %get3A_1857 : vector<16xf32>
    %get3A_1859 = arith.constant 11 : i32
    %get3A_1860 = arith.index_cast %get3A_1859 : i32 to index
    %get3A_1861 = arith.constant 0 : index
    %get3A_1862 = tpu.vector_load %arg12[%get3A_1860, %get3A_1861] {strides = array<i32>} : memref<272x64xf32, #tpu.memory_space<vmem>>, vector<1x16xf32>,
    %get3A_1863 = vector.shape_cast %get3A_1862 : vector<1x16xf32> to vector<16xf32>
    %add3A_1864 = arith.addf %add3A_1840, %get3A_1863 : vector<16xf32>
    %get3A_1865 = arith.constant 11 : i32
    %get3A_1866 = arith.index_cast %get3A_1865 : i32 to index
    %get3A_1867 = arith.constant 16 : index
    %get3A_1868 = tpu.vector_load %arg12[%get3A_1866, %get3A_1867] {strides = array<i32>} : memref<272x64xf32, #tpu.memory_space<vmem>>, vector<1x16xf32>,
    %get3A_1869 = vector.shape_cast %get3A_1868 : vector<1x16xf32> to vector<16xf32>
    %add3A_1870 = arith.addf %add3A_1846, %get3A_1869 : vector<16xf32>
    %get3A_1871 = arith.constant 11 : i32
    %get3A_1872 = arith.index_cast %get3A_1871 : i32 to index
    %get3A_1873 = arith.constant 32 : index
    %get3A_1874 = tpu.vector_load %arg12[%get3A_1872, %get3A_1873] {strides = array<i32>} : memref<272x64xf32, #tpu.memory_space<vmem>>, vector<1x16xf32>,
    %get3A_1875 = vector.shape_cast %get3A_1874 : vector<1x16xf32> to vector<16xf32>
    %add3A_1876 = arith.addf %add3A_1852, %get3A_1875 : vector<16xf32>
    %get3A_1877 = arith.constant 11 : i32
    %get3A_1878 = arith.index_cast %get3A_1877 : i32 to index
    %get3A_1879 = arith.constant 48 : index
    %get3A_1880 = tpu.vector_load %arg12[%get3A_1878, %get3A_1879] {strides = array<i32>} : memref<272x64xf32, #tpu.memory_space<vmem>>, vector<1x16xf32>,
    %get3A_1881 = vector.shape_cast %get3A_1880 : vector<1x16xf32> to vector<16xf32>
    %add3A_1882 = arith.addf %add3A_1858, %get3A_1881 : vector<16xf32>
    %get3A_1883 = arith.constant 12 : i32
    %get3A_1884 = arith.index_cast %get3A_1883 : i32 to index
    %get3A_1885 = arith.constant 0 : index
    %get3A_1886 = tpu.vector_load %arg12[%get3A_1884, %get3A_1885] {strides = array<i32>} : memref<272x64xf32, #tpu.memory_space<vmem>>, vector<1x16xf32>,
    %get3A_1887 = vector.shape_cast %get3A_1886 : vector<1x16xf32> to vector<16xf32>
    %add3A_1888 = arith.addf %add3A_1864, %get3A_1887 : vector<16xf32>
    %get3A_1889 = arith.constant 12 : i32
    %get3A_1890 = arith.index_cast %get3A_1889 : i32 to index
    %get3A_1891 = arith.constant 16 : index
    %get3A_1892 = tpu.vector_load %arg12[%get3A_1890, %get3A_1891] {strides = array<i32>} : memref<272x64xf32, #tpu.memory_space<vmem>>, vector<1x16xf32>,
    %get3A_1893 = vector.shape_cast %get3A_1892 : vector<1x16xf32> to vector<16xf32>
    %add3A_1894 = arith.addf %add3A_1870, %get3A_1893 : vector<16xf32>
    %get3A_1895 = arith.constant 12 : i32
    %get3A_1896 = arith.index_cast %get3A_1895 : i32 to index
    %get3A_1897 = arith.constant 32 : index
    %get3A_1898 = tpu.vector_load %arg12[%get3A_1896, %get3A_1897] {strides = array<i32>} : memref<272x64xf32, #tpu.memory_space<vmem>>, vector<1x16xf32>,
    %get3A_1899 = vector.shape_cast %get3A_1898 : vector<1x16xf32> to vector<16xf32>
    %add3A_1900 = arith.addf %add3A_1876, %get3A_1899 : vector<16xf32>
    %get3A_1901 = arith.constant 12 : i32
    %get3A_1902 = arith.index_cast %get3A_1901 : i32 to index
    %get3A_1903 = arith.constant 48 : index
    %get3A_1904 = tpu.vector_load %arg12[%get3A_1902, %get3A_1903] {strides = array<i32>} : memref<272x64xf32, #tpu.memory_space<vmem>>, vector<1x16xf32>,
    %get3A_1905 = vector.shape_cast %get3A_1904 : vector<1x16xf32> to vector<16xf32>
    %add3A_1906 = arith.addf %add3A_1882, %get3A_1905 : vector<16xf32>
    %get3A_1907 = arith.constant 13 : i32
    %get3A_1908 = arith.index_cast %get3A_1907 : i32 to index
    %get3A_1909 = arith.constant 0 : index
    %get3A_1910 = tpu.vector_load %arg12[%get3A_1908, %get3A_1909] {strides = array<i32>} : memref<272x64xf32, #tpu.memory_space<vmem>>, vector<1x16xf32>,
    %get3A_1911 = vector.shape_cast %get3A_1910 : vector<1x16xf32> to vector<16xf32>
    %add3A_1912 = arith.addf %add3A_1888, %get3A_1911 : vector<16xf32>
    %get3A_1913 = arith.constant 13 : i32
    %get3A_1914 = arith.index_cast %get3A_1913 : i32 to index
    %get3A_1915 = arith.constant 16 : index
    %get3A_1916 = tpu.vector_load %arg12[%get3A_1914, %get3A_1915] {strides = array<i32>} : memref<272x64xf32, #tpu.memory_space<vmem>>, vector<1x16xf32>,
    %get3A_1917 = vector.shape_cast %get3A_1916 : vector<1x16xf32> to vector<16xf32>
    %add3A_1918 = arith.addf %add3A_1894, %get3A_1917 : vector<16xf32>
    %get3A_1919 = arith.constant 13 : i32
    %get3A_1920 = arith.index_cast %get3A_1919 : i32 to index
    %get3A_1921 = arith.constant 32 : index
    %get3A_1922 = tpu.vector_load %arg12[%get3A_1920, %get3A_1921] {strides = array<i32>} : memref<272x64xf32, #tpu.memory_space<vmem>>, vector<1x16xf32>,
    %get3A_1923 = vector.shape_cast %get3A_1922 : vector<1x16xf32> to vector<16xf32>
    %add3A_1924 = arith.addf %add3A_1900, %get3A_1923 : vector<16xf32>
    %get3A_1925 = arith.constant 13 : i32
    %get3A_1926 = arith.index_cast %get3A_1925 : i32 to index
    %get3A_1927 = arith.constant 48 : index
    %get3A_1928 = tpu.vector_load %arg12[%get3A_1926, %get3A_1927] {strides = array<i32>} : memref<272x64xf32, #tpu.memory_space<vmem>>, vector<1x16xf32>,
    %get3A_1929 = vector.shape_cast %get3A_1928 : vector<1x16xf32> to vector<16xf32>
    %add3A_1930 = arith.addf %add3A_1906, %get3A_1929 : vector<16xf32>
    %get3A_1931 = arith.constant 14 : i32
    %get3A_1932 = arith.index_cast %get3A_1931 : i32 to index
    %get3A_1933 = arith.constant 0 : index
    %get3A_1934 = tpu.vector_load %arg12[%get3A_1932, %get3A_1933] {strides = array<i32>} : memref<272x64xf32, #tpu.memory_space<vmem>>, vector<1x16xf32>,
    %get3A_1935 = vector.shape_cast %get3A_1934 : vector<1x16xf32> to vector<16xf32>
    %add3A_1936 = arith.addf %add3A_1912, %get3A_1935 : vector<16xf32>
    %get3A_1937 = arith.constant 14 : i32
    %get3A_1938 = arith.index_cast %get3A_1937 : i32 to index
    %get3A_1939 = arith.constant 16 : index
    %get3A_1940 = tpu.vector_load %arg12[%get3A_1938, %get3A_1939] {strides = array<i32>} : memref<272x64xf32, #tpu.memory_space<vmem>>, vector<1x16xf32>,
    %get3A_1941 = vector.shape_cast %get3A_1940 : vector<1x16xf32> to vector<16xf32>
    %add3A_1942 = arith.addf %add3A_1918, %get3A_1941 : vector<16xf32>
    %get3A_1943 = arith.constant 14 : i32
    %get3A_1944 = arith.index_cast %get3A_1943 : i32 to index
    %get3A_1945 = arith.constant 32 : index
    %get3A_1946 = tpu.vector_load %arg12[%get3A_1944, %get3A_1945] {strides = array<i32>} : memref<272x64xf32, #tpu.memory_space<vmem>>, vector<1x16xf32>,
    %get3A_1947 = vector.shape_cast %get3A_1946 : vector<1x16xf32> to vector<16xf32>
    %add3A_1948 = arith.addf %add3A_1924, %get3A_1947 : vector<16xf32>
    %get3A_1949 = arith.constant 14 : i32
    %get3A_1950 = arith.index_cast %get3A_1949 : i32 to index
    %get3A_1951 = arith.constant 48 : index
    %get3A_1952 = tpu.vector_load %arg12[%get3A_1950, %get3A_1951] {strides = array<i32>} : memref<272x64xf32, #tpu.memory_space<vmem>>, vector<1x16xf32>,
    %get3A_1953 = vector.shape_cast %get3A_1952 : vector<1x16xf32> to vector<16xf32>
    %add3A_1954 = arith.addf %add3A_1930, %get3A_1953 : vector<16xf32>
    %get3A_1955 = arith.constant 15 : i32
    %get3A_1956 = arith.index_cast %get3A_1955 : i32 to index
    %get3A_1957 = arith.constant 0 : index
    %get3A_1958 = tpu.vector_load %arg12[%get3A_1956, %get3A_1957] {strides = array<i32>} : memref<272x64xf32, #tpu.memory_space<vmem>>, vector<1x16xf32>,
    %get3A_1959 = vector.shape_cast %get3A_1958 : vector<1x16xf32> to vector<16xf32>
    %add3A_1960 = arith.addf %add3A_1936, %get3A_1959 : vector<16xf32>
    %get3A_1961 = arith.constant 15 : i32
    %get3A_1962 = arith.index_cast %get3A_1961 : i32 to index
    %get3A_1963 = arith.constant 16 : index
    %get3A_1964 = tpu.vector_load %arg12[%get3A_1962, %get3A_1963] {strides = array<i32>} : memref<272x64xf32, #tpu.memory_space<vmem>>, vector<1x16xf32>,
    %get3A_1965 = vector.shape_cast %get3A_1964 : vector<1x16xf32> to vector<16xf32>
    %add3A_1966 = arith.addf %add3A_1942, %get3A_1965 : vector<16xf32>
    %get3A_1967 = arith.constant 15 : i32
    %get3A_1968 = arith.index_cast %get3A_1967 : i32 to index
    %get3A_1969 = arith.constant 32 : index
    %get3A_1970 = tpu.vector_load %arg12[%get3A_1968, %get3A_1969] {strides = array<i32>} : memref<272x64xf32, #tpu.memory_space<vmem>>, vector<1x16xf32>,
    %get3A_1971 = vector.shape_cast %get3A_1970 : vector<1x16xf32> to vector<16xf32>
    %add3A_1972 = arith.addf %add3A_1948, %get3A_1971 : vector<16xf32>
    %get3A_1973 = arith.constant 15 : i32
    %get3A_1974 = arith.index_cast %get3A_1973 : i32 to index
    %get3A_1975 = arith.constant 48 : index
    %get3A_1976 = tpu.vector_load %arg12[%get3A_1974, %get3A_1975] {strides = array<i32>} : memref<272x64xf32, #tpu.memory_space<vmem>>, vector<1x16xf32>,
    %get3A_1977 = vector.shape_cast %get3A_1976 : vector<1x16xf32> to vector<16xf32>
    %add3A_1978 = arith.addf %add3A_1954, %get3A_1977 : vector<16xf32>
    %scan3A_1979 = arith.constant 0 : i32
    %scan3A_1980 = arith.constant 128 : i32
    %scan3A_1981 = arith.addi %scan3A_1979, %scan3A_1980 : i32
    %scan3A_1982 = arith.constant 1 : i32
    %scan3A_1983:4 = scf.for %scan3A_2242 = %scan3A_1979 to %scan3A_1981 step %scan3A_1982 iter_args(%scan3A_2243 = %add3A_1960, %scan3A_2244 = %add3A_1966, %scan3A_2245 = %add3A_1972, %scan3A_2246 = %add3A_1978) -> (vector<16xf32>, vector<16xf32>, vector<16xf32>, vector<16xf32>)  : i32 {
      %mul3A_2247 = arith.constant 2 : i32
      %mul3A_2248 = arith.muli %scan3A_2242, %mul3A_2247 : i32
      %add3A_2249 = arith.constant 0 : i32
      %add3A_2250 = arith.addi %mul3A_2248, %add3A_2249 : i32
      %add3A_2251 = arith.constant 16 : i32
      %add3A_2252 = arith.addi %add3A_2250, %add3A_2251 : i32
      %get3A_2253 = arith.index_cast %add3A_2252 : i32 to index
      %get3A_2254 = arith.constant 0 : index
      %get3A_2255 = tpu.vector_load %arg12[%get3A_2253, %get3A_2254] {strides = array<i32>} : memref<272x64xf32, #tpu.memory_space<vmem>>, vector<1x16xf32>,
      %get3A_2256 = vector.shape_cast %get3A_2255 : vector<1x16xf32> to vector<16xf32>
      %add3A_2257 = arith.addf %scan3A_2243, %get3A_2256 : vector<16xf32>
      %add3A_2258 = arith.constant 16 : i32
      %add3A_2259 = arith.addi %add3A_2250, %add3A_2258 : i32
      %sub3A_2260 = arith.constant 11 : i32
      %sub3A_2261 = arith.subi %add3A_2259, %sub3A_2260 : i32
      %get3A_2262 = arith.index_cast %sub3A_2261 : i32 to index
      %get3A_2263 = arith.constant 0 : index
      %get3A_2264 = tpu.vector_load %arg12[%get3A_2262, %get3A_2263] {strides = array<i32>} : memref<272x64xf32, #tpu.memory_space<vmem>>, vector<1x16xf32>,
      %get3A_2265 = vector.shape_cast %get3A_2264 : vector<1x16xf32> to vector<16xf32>
      %sub3A_2266 = arith.subf %add3A_2257, %get3A_2265 : vector<16xf32>
      %swap3A_2267 = arith.index_cast %add3A_2250 : i32 to index
      %swap3A_2268 = arith.constant 64 : index
      %swap3A_2269 = tpu.vector_load %arg14[%swap3A_2267, %swap3A_2268] {strides = array<i32>} : memref<256x192xf32, #tpu.memory_space<vmem>>, vector<1x16xf32>,
      %swap3A_2270 = vector.shape_cast %swap3A_2269 : vector<1x16xf32> to vector<16xf32>
      %swap3A_2271 = vector.shape_cast %sub3A_2266 : vector<16xf32> to vector<1x16xf32>
      tpu.vector_store %arg14[%swap3A_2267, %swap3A_2268], %swap3A_2271 {strides = array<i32>} : memref<256x192xf32, #tpu.memory_space<vmem>>, vector<1x16xf32>,
      %add3A_2272 = arith.constant 16 : i32
      %add3A_2273 = arith.addi %add3A_2250, %add3A_2272 : i32
      %get3A_2274 = arith.index_cast %add3A_2273 : i32 to index
      %get3A_2275 = arith.constant 16 : index
      %get3A_2276 = tpu.vector_load %arg12[%get3A_2274, %get3A_2275] {strides = array<i32>} : memref<272x64xf32, #tpu.memory_space<vmem>>, vector<1x16xf32>,
      %get3A_2277 = vector.shape_cast %get3A_2276 : vector<1x16xf32> to vector<16xf32>
      %add3A_2278 = arith.addf %scan3A_2244, %get3A_2277 : vector<16xf32>
      %add3A_2279 = arith.constant 16 : i32
      %add3A_2280 = arith.addi %add3A_2250, %add3A_2279 : i32
      %sub3A_2281 = arith.constant 11 : i32
      %sub3A_2282 = arith.subi %add3A_2280, %sub3A_2281 : i32
      %get3A_2283 = arith.index_cast %sub3A_2282 : i32 to index
      %get3A_2284 = arith.constant 16 : index
      %get3A_2285 = tpu.vector_load %arg12[%get3A_2283, %get3A_2284] {strides = array<i32>} : memref<272x64xf32, #tpu.memory_space<vmem>>, vector<1x16xf32>,
      %get3A_2286 = vector.shape_cast %get3A_2285 : vector<1x16xf32> to vector<16xf32>
      %sub3A_2287 = arith.subf %add3A_2278, %get3A_2286 : vector<16xf32>
      %swap3A_2288 = arith.index_cast %add3A_2250 : i32 to index
      %swap3A_2289 = arith.constant 80 : index
      %swap3A_2290 = tpu.vector_load %arg14[%swap3A_2288, %swap3A_2289] {strides = array<i32>} : memref<256x192xf32, #tpu.memory_space<vmem>>, vector<1x16xf32>,
      %swap3A_2291 = vector.shape_cast %swap3A_2290 : vector<1x16xf32> to vector<16xf32>
      %swap3A_2292 = vector.shape_cast %sub3A_2287 : vector<16xf32> to vector<1x16xf32>
      tpu.vector_store %arg14[%swap3A_2288, %swap3A_2289], %swap3A_2292 {strides = array<i32>} : memref<256x192xf32, #tpu.memory_space<vmem>>, vector<1x16xf32>,
      %add3A_2293 = arith.constant 16 : i32
      %add3A_2294 = arith.addi %add3A_2250, %add3A_2293 : i32
      %get3A_2295 = arith.index_cast %add3A_2294 : i32 to index
      %get3A_2296 = arith.constant 32 : index
      %get3A_2297 = tpu.vector_load %arg12[%get3A_2295, %get3A_2296] {strides = array<i32>} : memref<272x64xf32, #tpu.memory_space<vmem>>, vector<1x16xf32>,
      %get3A_2298 = vector.shape_cast %get3A_2297 : vector<1x16xf32> to vector<16xf32>
      %add3A_2299 = arith.addf %scan3A_2245, %get3A_2298 : vector<16xf32>
      %add3A_2300 = arith.constant 16 : i32
      %add3A_2301 = arith.addi %add3A_2250, %add3A_2300 : i32
      %sub3A_2302 = arith.constant 11 : i32
      %sub3A_2303 = arith.subi %add3A_2301, %sub3A_2302 : i32
      %get3A_2304 = arith.index_cast %sub3A_2303 : i32 to index
      %get3A_2305 = arith.constant 32 : index
      %get3A_2306 = tpu.vector_load %arg12[%get3A_2304, %get3A_2305] {strides = array<i32>} : memref<272x64xf32, #tpu.memory_space<vmem>>, vector<1x16xf32>,
      %get3A_2307 = vector.shape_cast %get3A_2306 : vector<1x16xf32> to vector<16xf32>
      %sub3A_2308 = arith.subf %add3A_2299, %get3A_2307 : vector<16xf32>
      %swap3A_2309 = arith.index_cast %add3A_2250 : i32 to index
      %swap3A_2310 = arith.constant 96 : index
      %swap3A_2311 = tpu.vector_load %arg14[%swap3A_2309, %swap3A_2310] {strides = array<i32>} : memref<256x192xf32, #tpu.memory_space<vmem>>, vector<1x16xf32>,
      %swap3A_2312 = vector.shape_cast %swap3A_2311 : vector<1x16xf32> to vector<16xf32>
      %swap3A_2313 = vector.shape_cast %sub3A_2308 : vector<16xf32> to vector<1x16xf32>
      tpu.vector_store %arg14[%swap3A_2309, %swap3A_2310], %swap3A_2313 {strides = array<i32>} : memref<256x192xf32, #tpu.memory_space<vmem>>, vector<1x16xf32>,
      %add3A_2314 = arith.constant 16 : i32
      %add3A_2315 = arith.addi %add3A_2250, %add3A_2314 : i32
      %get3A_2316 = arith.index_cast %add3A_2315 : i32 to index
      %get3A_2317 = arith.constant 48 : index
      %get3A_2318 = tpu.vector_load %arg12[%get3A_2316, %get3A_2317] {strides = array<i32>} : memref<272x64xf32, #tpu.memory_space<vmem>>, vector<1x16xf32>,
      %get3A_2319 = vector.shape_cast %get3A_2318 : vector<1x16xf32> to vector<16xf32>
      %add3A_2320 = arith.addf %scan3A_2246, %get3A_2319 : vector<16xf32>
      %add3A_2321 = arith.constant 16 : i32
      %add3A_2322 = arith.addi %add3A_2250, %add3A_2321 : i32
      %sub3A_2323 = arith.constant 11 : i32
      %sub3A_2324 = arith.subi %add3A_2322, %sub3A_2323 : i32
      %get3A_2325 = arith.index_cast %sub3A_2324 : i32 to index
      %get3A_2326 = arith.constant 48 : index
      %get3A_2327 = tpu.vector_load %arg12[%get3A_2325, %get3A_2326] {strides = array<i32>} : memref<272x64xf32, #tpu.memory_space<vmem>>, vector<1x16xf32>,
      %get3A_2328 = vector.shape_cast %get3A_2327 : vector<1x16xf32> to vector<16xf32>
      %sub3A_2329 = arith.subf %add3A_2320, %get3A_2328 : vector<16xf32>
      %swap3A_2330 = arith.index_cast %add3A_2250 : i32 to index
      %swap3A_2331 = arith.constant 112 : index
      %swap3A_2332 = tpu.vector_load %arg14[%swap3A_2330, %swap3A_2331] {strides = array<i32>} : memref<256x192xf32, #tpu.memory_space<vmem>>, vector<1x16xf32>,
      %swap3A_2333 = vector.shape_cast %swap3A_2332 : vector<1x16xf32> to vector<16xf32>
      %swap3A_2334 = vector.shape_cast %sub3A_2329 : vector<16xf32> to vector<1x16xf32>
      tpu.vector_store %arg14[%swap3A_2330, %swap3A_2331], %swap3A_2334 {strides = array<i32>} : memref<256x192xf32, #tpu.memory_space<vmem>>, vector<1x16xf32>,
      %mul3A_2335 = arith.constant 2 : i32
      %mul3A_2336 = arith.muli %scan3A_2242, %mul3A_2335 : i32
      %add3A_2337 = arith.constant 1 : i32
      %add3A_2338 = arith.addi %mul3A_2336, %add3A_2337 : i32
      %add3A_2339 = arith.constant 16 : i32
      %add3A_2340 = arith.addi %add3A_2338, %add3A_2339 : i32
      %get3A_2341 = arith.index_cast %add3A_2340 : i32 to index
      %get3A_2342 = arith.constant 0 : index
      %get3A_2343 = tpu.vector_load %arg12[%get3A_2341, %get3A_2342] {strides = array<i32>} : memref<272x64xf32, #tpu.memory_space<vmem>>, vector<1x16xf32>,
      %get3A_2344 = vector.shape_cast %get3A_2343 : vector<1x16xf32> to vector<16xf32>
      %add3A_2345 = arith.addf %sub3A_2266, %get3A_2344 : vector<16xf32>
      %add3A_2346 = arith.constant 16 : i32
      %add3A_2347 = arith.addi %add3A_2338, %add3A_2346 : i32
      %sub3A_2348 = arith.constant 11 : i32
      %sub3A_2349 = arith.subi %add3A_2347, %sub3A_2348 : i32
      %get3A_2350 = arith.index_cast %sub3A_2349 : i32 to index
      %get3A_2351 = arith.constant 0 : index
      %get3A_2352 = tpu.vector_load %arg12[%get3A_2350, %get3A_2351] {strides = array<i32>} : memref<272x64xf32, #tpu.memory_space<vmem>>, vector<1x16xf32>,
      %get3A_2353 = vector.shape_cast %get3A_2352 : vector<1x16xf32> to vector<16xf32>
      %sub3A_2354 = arith.subf %add3A_2345, %get3A_2353 : vector<16xf32>
      %swap3A_2355 = arith.index_cast %add3A_2338 : i32 to index
      %swap3A_2356 = arith.constant 64 : index
      %swap3A_2357 = tpu.vector_load %arg14[%swap3A_2355, %swap3A_2356] {strides = array<i32>} : memref<256x192xf32, #tpu.memory_space<vmem>>, vector<1x16xf32>,
      %swap3A_2358 = vector.shape_cast %swap3A_2357 : vector<1x16xf32> to vector<16xf32>
      %swap3A_2359 = vector.shape_cast %sub3A_2354 : vector<16xf32> to vector<1x16xf32>
      tpu.vector_store %arg14[%swap3A_2355, %swap3A_2356], %swap3A_2359 {strides = array<i32>} : memref<256x192xf32, #tpu.memory_space<vmem>>, vector<1x16xf32>,
      %add3A_2360 = arith.constant 16 : i32
      %add3A_2361 = arith.addi %add3A_2338, %add3A_2360 : i32
      %get3A_2362 = arith.index_cast %add3A_2361 : i32 to index
      %get3A_2363 = arith.constant 16 : index
      %get3A_2364 = tpu.vector_load %arg12[%get3A_2362, %get3A_2363] {strides = array<i32>} : memref<272x64xf32, #tpu.memory_space<vmem>>, vector<1x16xf32>,
      %get3A_2365 = vector.shape_cast %get3A_2364 : vector<1x16xf32> to vector<16xf32>
      %add3A_2366 = arith.addf %sub3A_2287, %get3A_2365 : vector<16xf32>
      %add3A_2367 = arith.constant 16 : i32
      %add3A_2368 = arith.addi %add3A_2338, %add3A_2367 : i32
      %sub3A_2369 = arith.constant 11 : i32
      %sub3A_2370 = arith.subi %add3A_2368, %sub3A_2369 : i32
      %get3A_2371 = arith.index_cast %sub3A_2370 : i32 to index
      %get3A_2372 = arith.constant 16 : index
      %get3A_2373 = tpu.vector_load %arg12[%get3A_2371, %get3A_2372] {strides = array<i32>} : memref<272x64xf32, #tpu.memory_space<vmem>>, vector<1x16xf32>,
      %get3A_2374 = vector.shape_cast %get3A_2373 : vector<1x16xf32> to vector<16xf32>
      %sub3A_2375 = arith.subf %add3A_2366, %get3A_2374 : vector<16xf32>
      %swap3A_2376 = arith.index_cast %add3A_2338 : i32 to index
      %swap3A_2377 = arith.constant 80 : index
      %swap3A_2378 = tpu.vector_load %arg14[%swap3A_2376, %swap3A_2377] {strides = array<i32>} : memref<256x192xf32, #tpu.memory_space<vmem>>, vector<1x16xf32>,
      %swap3A_2379 = vector.shape_cast %swap3A_2378 : vector<1x16xf32> to vector<16xf32>
      %swap3A_2380 = vector.shape_cast %sub3A_2375 : vector<16xf32> to vector<1x16xf32>
      tpu.vector_store %arg14[%swap3A_2376, %swap3A_2377], %swap3A_2380 {strides = array<i32>} : memref<256x192xf32, #tpu.memory_space<vmem>>, vector<1x16xf32>,
      %add3A_2381 = arith.constant 16 : i32
      %add3A_2382 = arith.addi %add3A_2338, %add3A_2381 : i32
      %get3A_2383 = arith.index_cast %add3A_2382 : i32 to index
      %get3A_2384 = arith.constant 32 : index
      %get3A_2385 = tpu.vector_load %arg12[%get3A_2383, %get3A_2384] {strides = array<i32>} : memref<272x64xf32, #tpu.memory_space<vmem>>, vector<1x16xf32>,
      %get3A_2386 = vector.shape_cast %get3A_2385 : vector<1x16xf32> to vector<16xf32>
      %add3A_2387 = arith.addf %sub3A_2308, %get3A_2386 : vector<16xf32>
      %add3A_2388 = arith.constant 16 : i32
      %add3A_2389 = arith.addi %add3A_2338, %add3A_2388 : i32
      %sub3A_2390 = arith.constant 11 : i32
      %sub3A_2391 = arith.subi %add3A_2389, %sub3A_2390 : i32
      %get3A_2392 = arith.index_cast %sub3A_2391 : i32 to index
      %get3A_2393 = arith.constant 32 : index
      %get3A_2394 = tpu.vector_load %arg12[%get3A_2392, %get3A_2393] {strides = array<i32>} : memref<272x64xf32, #tpu.memory_space<vmem>>, vector<1x16xf32>,
      %get3A_2395 = vector.shape_cast %get3A_2394 : vector<1x16xf32> to vector<16xf32>
      %sub3A_2396 = arith.subf %add3A_2387, %get3A_2395 : vector<16xf32>
      %swap3A_2397 = arith.index_cast %add3A_2338 : i32 to index
      %swap3A_2398 = arith.constant 96 : index
      %swap3A_2399 = tpu.vector_load %arg14[%swap3A_2397, %swap3A_2398] {strides = array<i32>} : memref<256x192xf32, #tpu.memory_space<vmem>>, vector<1x16xf32>,
      %swap3A_2400 = vector.shape_cast %swap3A_2399 : vector<1x16xf32> to vector<16xf32>
      %swap3A_2401 = vector.shape_cast %sub3A_2396 : vector<16xf32> to vector<1x16xf32>
      tpu.vector_store %arg14[%swap3A_2397, %swap3A_2398], %swap3A_2401 {strides = array<i32>} : memref<256x192xf32, #tpu.memory_space<vmem>>, vector<1x16xf32>,
      %add3A_2402 = arith.constant 16 : i32
      %add3A_2403 = arith.addi %add3A_2338, %add3A_2402 : i32
      %get3A_2404 = arith.index_cast %add3A_2403 : i32 to index
      %get3A_2405 = arith.constant 48 : index
      %get3A_2406 = tpu.vector_load %arg12[%get3A_2404, %get3A_2405] {strides = array<i32>} : memref<272x64xf32, #tpu.memory_space<vmem>>, vector<1x16xf32>,
      %get3A_2407 = vector.shape_cast %get3A_2406 : vector<1x16xf32> to vector<16xf32>
      %add3A_2408 = arith.addf %sub3A_2329, %get3A_2407 : vector<16xf32>
      %add3A_2409 = arith.constant 16 : i32
      %add3A_2410 = arith.addi %add3A_2338, %add3A_2409 : i32
      %sub3A_2411 = arith.constant 11 : i32
      %sub3A_2412 = arith.subi %add3A_2410, %sub3A_2411 : i32
      %get3A_2413 = arith.index_cast %sub3A_2412 : i32 to index
      %get3A_2414 = arith.constant 48 : index
      %get3A_2415 = tpu.vector_load %arg12[%get3A_2413, %get3A_2414] {strides = array<i32>} : memref<272x64xf32, #tpu.memory_space<vmem>>, vector<1x16xf32>,
      %get3A_2416 = vector.shape_cast %get3A_2415 : vector<1x16xf32> to vector<16xf32>
      %sub3A_2417 = arith.subf %add3A_2408, %get3A_2416 : vector<16xf32>
      %swap3A_2418 = arith.index_cast %add3A_2338 : i32 to index
      %swap3A_2419 = arith.constant 112 : index
      %swap3A_2420 = tpu.vector_load %arg14[%swap3A_2418, %swap3A_2419] {strides = array<i32>} : memref<256x192xf32, #tpu.memory_space<vmem>>, vector<1x16xf32>,
      %swap3A_2421 = vector.shape_cast %swap3A_2420 : vector<1x16xf32> to vector<16xf32>
      %swap3A_2422 = vector.shape_cast %sub3A_2417 : vector<16xf32> to vector<1x16xf32>
      tpu.vector_store %arg14[%swap3A_2418, %swap3A_2419], %swap3A_2422 {strides = array<i32>} : memref<256x192xf32, #tpu.memory_space<vmem>>, vector<1x16xf32>,
      scf.yield %sub3A_2354, %sub3A_2375, %sub3A_2396, %sub3A_2417 : vector<16xf32>, vector<16xf32>, vector<16xf32>, vector<16xf32>
    }
    %scan3A_1984 = arith.constant 128 : i32
    %dma_wait3A_1985 = arith.constant 0 : i32
    %dma_wait3A_1986 = arith.constant 0 : i32
    %dma_wait3A_1987 = arith.constant 0 : i32
    %dma_wait3A_1988 = tpu.memref_slice %arg13[%dma_wait3A_1986, %dma_wait3A_1987] : memref<272x64xf32, #tpu.memory_space<vmem>> -> memref<128x64xf32, #tpu.memory_space<vmem>>
    %dma_wait3A_1989 = arith.constant 0 : i32
    %dma_wait3A_1990 = tpu.memref_slice %arg10[%dma_wait3A_1985, %dma_wait3A_1989] : memref<3x128xi32, #tpu.memory_space<vmem>> -> memref<1x128xi32, #tpu.memory_space<vmem>>
    %dma_wait3A_1991 = tpu.memref_squeeze %dma_wait3A_1990 : memref<1x128xi32, #tpu.memory_space<vmem>> -> memref<128xi32, #tpu.memory_space<vmem>>
    %dma_wait3A_1992 = arith.constant 0 : i32
    %dma_wait3A_1993 = arith.constant 0 : i32
    %dma_wait3A_1994 = tpu.memref_slice %arg5[%dma_wait3A_1992, %dma_wait3A_1993] : memref<390625x64xf32, #tpu.memory_space<hbm>> -> memref<390625x64xf32, #tpu.memory_space<hbm>>
    tpu.wait_indirect_dma semaphore(%arg17 : memref<!tpu.dma_semaphore, #tpu.memory_space<semaphore_mem>>) src(%dma_wait3A_1994 : memref<390625x64xf32, #tpu.memory_space<hbm>>) dst(%dma_wait3A_1988 : memref<128x64xf32, #tpu.memory_space<vmem>>)
    %dma_wait3A_1995 = arith.constant 1 : i32
    %dma_wait3A_1996 = arith.constant 128 : i32
    %dma_wait3A_1997 = arith.constant 0 : i32
    %dma_wait3A_1998 = tpu.memref_slice %arg13[%dma_wait3A_1996, %dma_wait3A_1997] : memref<272x64xf32, #tpu.memory_space<vmem>> -> memref<128x64xf32, #tpu.memory_space<vmem>>
    %dma_wait3A_1999 = arith.constant 0 : i32
    %dma_wait3A_2000 = tpu.memref_slice %arg10[%dma_wait3A_1995, %dma_wait3A_1999] : memref<3x128xi32, #tpu.memory_space<vmem>> -> memref<1x128xi32, #tpu.memory_space<vmem>>
    %dma_wait3A_2001 = tpu.memref_squeeze %dma_wait3A_2000 : memref<1x128xi32, #tpu.memory_space<vmem>> -> memref<128xi32, #tpu.memory_space<vmem>>
    %dma_wait3A_2002 = arith.constant 0 : i32
    %dma_wait3A_2003 = arith.constant 0 : i32
    %dma_wait3A_2004 = tpu.memref_slice %arg5[%dma_wait3A_2002, %dma_wait3A_2003] : memref<390625x64xf32, #tpu.memory_space<hbm>> -> memref<390625x64xf32, #tpu.memory_space<hbm>>
    tpu.wait_indirect_dma semaphore(%arg17 : memref<!tpu.dma_semaphore, #tpu.memory_space<semaphore_mem>>) src(%dma_wait3A_2004 : memref<390625x64xf32, #tpu.memory_space<hbm>>) dst(%dma_wait3A_1998 : memref<128x64xf32, #tpu.memory_space<vmem>>)
    %dma_wait3A_2005 = arith.constant 2 : i32
    %dma_wait3A_2006 = arith.constant 256 : i32
    %dma_wait3A_2007 = arith.constant 0 : i32
    %dma_wait3A_2008 = tpu.memref_slice %arg13[%dma_wait3A_2006, %dma_wait3A_2007] : memref<272x64xf32, #tpu.memory_space<vmem>> -> memref<16x64xf32, #tpu.memory_space<vmem>>
    %dma_wait3A_2009 = arith.constant 0 : i32
    %dma_wait3A_2010 = tpu.memref_slice %arg10[%dma_wait3A_2005, %dma_wait3A_2009] : memref<3x128xi32, #tpu.memory_space<vmem>> -> memref<1x16xi32, #tpu.memory_space<vmem>>
    %dma_wait3A_2011 = tpu.memref_squeeze %dma_wait3A_2010 : memref<1x16xi32, #tpu.memory_space<vmem>> -> memref<16xi32, #tpu.memory_space<vmem>>
    %dma_wait3A_2012 = arith.constant 0 : i32
    %dma_wait3A_2013 = arith.constant 0 : i32
    %dma_wait3A_2014 = tpu.memref_slice %arg5[%dma_wait3A_2012, %dma_wait3A_2013] : memref<390625x64xf32, #tpu.memory_space<hbm>> -> memref<390625x64xf32, #tpu.memory_space<hbm>>
    tpu.wait_indirect_dma semaphore(%arg17 : memref<!tpu.dma_semaphore, #tpu.memory_space<semaphore_mem>>) src(%dma_wait3A_2014 : memref<390625x64xf32, #tpu.memory_space<hbm>>) dst(%dma_wait3A_2008 : memref<16x64xf32, #tpu.memory_space<vmem>>)
    %eq3A_2015 = arith.constant 0 : i32
    %eq3A_2016 = arith.cmpi eq, %mul3A_32, %eq3A_2015 : i32
    %convert_element_type3A_2017 = arith.extui %eq3A_2016 : i1 to i32
    %cond3A_2018 = arith.constant 0 : i32
    %cond3A_2019 = arith.cmpi ne, %convert_element_type3A_2017, %cond3A_2018 : i32
    scf.if %cond3A_2019 {
      %swap3A_2242 = arith.constant 0 : i32
      %swap3A_2243 = arith.index_cast %swap3A_2242 : i32 to index
      %swap3A_2244 = arith.constant 0 : index
      %swap3A_2245 = tpu.vector_load %arg13[%swap3A_2243, %swap3A_2244] {strides = array<i32>} : memref<272x64xf32, #tpu.memory_space<vmem>>, vector<1x16xf32>,
      %swap3A_2246 = vector.shape_cast %swap3A_2245 : vector<1x16xf32> to vector<16xf32>
      %swap3A_2247 = vector.shape_cast %broadcast_in_dim3A_35 : vector<16xf32> to vector<1x16xf32>
      tpu.vector_store %arg13[%swap3A_2243, %swap3A_2244], %swap3A_2247 {strides = array<i32>} : memref<272x64xf32, #tpu.memory_space<vmem>>, vector<1x16xf32>,
      %swap3A_2248 = arith.constant 0 : i32
      %swap3A_2249 = arith.index_cast %swap3A_2248 : i32 to index
      %swap3A_2250 = arith.constant 16 : index
      %swap3A_2251 = tpu.vector_load %arg13[%swap3A_2249, %swap3A_2250] {strides = array<i32>} : memref<272x64xf32, #tpu.memory_space<vmem>>, vector<1x16xf32>,
      %swap3A_2252 = vector.shape_cast %swap3A_2251 : vector<1x16xf32> to vector<16xf32>
      %swap3A_2253 = vector.shape_cast %broadcast_in_dim3A_35 : vector<16xf32> to vector<1x16xf32>
      tpu.vector_store %arg13[%swap3A_2249, %swap3A_2250], %swap3A_2253 {strides = array<i32>} : memref<272x64xf32, #tpu.memory_space<vmem>>, vector<1x16xf32>,
      %swap3A_2254 = arith.constant 0 : i32
      %swap3A_2255 = arith.index_cast %swap3A_2254 : i32 to index
      %swap3A_2256 = arith.constant 32 : index
      %swap3A_2257 = tpu.vector_load %arg13[%swap3A_2255, %swap3A_2256] {strides = array<i32>} : memref<272x64xf32, #tpu.memory_space<vmem>>, vector<1x16xf32>,
      %swap3A_2258 = vector.shape_cast %swap3A_2257 : vector<1x16xf32> to vector<16xf32>
      %swap3A_2259 = vector.shape_cast %broadcast_in_dim3A_35 : vector<16xf32> to vector<1x16xf32>
      tpu.vector_store %arg13[%swap3A_2255, %swap3A_2256], %swap3A_2259 {strides = array<i32>} : memref<272x64xf32, #tpu.memory_space<vmem>>, vector<1x16xf32>,
      %swap3A_2260 = arith.constant 0 : i32
      %swap3A_2261 = arith.index_cast %swap3A_2260 : i32 to index
      %swap3A_2262 = arith.constant 48 : index
      %swap3A_2263 = tpu.vector_load %arg13[%swap3A_2261, %swap3A_2262] {strides = array<i32>} : memref<272x64xf32, #tpu.memory_space<vmem>>, vector<1x16xf32>,
      %swap3A_2264 = vector.shape_cast %swap3A_2263 : vector<1x16xf32> to vector<16xf32>
      %swap3A_2265 = vector.shape_cast %broadcast_in_dim3A_35 : vector<16xf32> to vector<1x16xf32>
      tpu.vector_store %arg13[%swap3A_2261, %swap3A_2262], %swap3A_2265 {strides = array<i32>} : memref<272x64xf32, #tpu.memory_space<vmem>>, vector<1x16xf32>,
      %swap3A_2266 = arith.constant 1 : i32
      %swap3A_2267 = arith.index_cast %swap3A_2266 : i32 to index
      %swap3A_2268 = arith.constant 0 : index
      %swap3A_2269 = tpu.vector_load %arg13[%swap3A_2267, %swap3A_2268] {strides = array<i32>} : memref<272x64xf32, #tpu.memory_space<vmem>>, vector<1x16xf32>,
      %swap3A_2270 = vector.shape_cast %swap3A_2269 : vector<1x16xf32> to vector<16xf32>
      %swap3A_2271 = vector.shape_cast %broadcast_in_dim3A_35 : vector<16xf32> to vector<1x16xf32>
      tpu.vector_store %arg13[%swap3A_2267, %swap3A_2268], %swap3A_2271 {strides = array<i32>} : memref<272x64xf32, #tpu.memory_space<vmem>>, vector<1x16xf32>,
      %swap3A_2272 = arith.constant 1 : i32
      %swap3A_2273 = arith.index_cast %swap3A_2272 : i32 to index
      %swap3A_2274 = arith.constant 16 : index
      %swap3A_2275 = tpu.vector_load %arg13[%swap3A_2273, %swap3A_2274] {strides = array<i32>} : memref<272x64xf32, #tpu.memory_space<vmem>>, vector<1x16xf32>,
      %swap3A_2276 = vector.shape_cast %swap3A_2275 : vector<1x16xf32> to vector<16xf32>
      %swap3A_2277 = vector.shape_cast %broadcast_in_dim3A_35 : vector<16xf32> to vector<1x16xf32>
      tpu.vector_store %arg13[%swap3A_2273, %swap3A_2274], %swap3A_2277 {strides = array<i32>} : memref<272x64xf32, #tpu.memory_space<vmem>>, vector<1x16xf32>,
      %swap3A_2278 = arith.constant 1 : i32
      %swap3A_2279 = arith.index_cast %swap3A_2278 : i32 to index
      %swap3A_2280 = arith.constant 32 : index
      %swap3A_2281 = tpu.vector_load %arg13[%swap3A_2279, %swap3A_2280] {strides = array<i32>} : memref<272x64xf32, #tpu.memory_space<vmem>>, vector<1x16xf32>,
      %swap3A_2282 = vector.shape_cast %swap3A_2281 : vector<1x16xf32> to vector<16xf32>
      %swap3A_2283 = vector.shape_cast %broadcast_in_dim3A_35 : vector<16xf32> to vector<1x16xf32>
      tpu.vector_store %arg13[%swap3A_2279, %swap3A_2280], %swap3A_2283 {strides = array<i32>} : memref<272x64xf32, #tpu.memory_space<vmem>>, vector<1x16xf32>,
      %swap3A_2284 = arith.constant 1 : i32
      %swap3A_2285 = arith.index_cast %swap3A_2284 : i32 to index
      %swap3A_2286 = arith.constant 48 : index
      %swap3A_2287 = tpu.vector_load %arg13[%swap3A_2285, %swap3A_2286] {strides = array<i32>} : memref<272x64xf32, #tpu.memory_space<vmem>>, vector<1x16xf32>,
      %swap3A_2288 = vector.shape_cast %swap3A_2287 : vector<1x16xf32> to vector<16xf32>
      %swap3A_2289 = vector.shape_cast %broadcast_in_dim3A_35 : vector<16xf32> to vector<1x16xf32>
      tpu.vector_store %arg13[%swap3A_2285, %swap3A_2286], %swap3A_2289 {strides = array<i32>} : memref<272x64xf32, #tpu.memory_space<vmem>>, vector<1x16xf32>,
      %swap3A_2290 = arith.constant 2 : i32
      %swap3A_2291 = arith.index_cast %swap3A_2290 : i32 to index
      %swap3A_2292 = arith.constant 0 : index
      %swap3A_2293 = tpu.vector_load %arg13[%swap3A_2291, %swap3A_2292] {strides = array<i32>} : memref<272x64xf32, #tpu.memory_space<vmem>>, vector<1x16xf32>,
      %swap3A_2294 = vector.shape_cast %swap3A_2293 : vector<1x16xf32> to vector<16xf32>
      %swap3A_2295 = vector.shape_cast %broadcast_in_dim3A_35 : vector<16xf32> to vector<1x16xf32>
      tpu.vector_store %arg13[%swap3A_2291, %swap3A_2292], %swap3A_2295 {strides = array<i32>} : memref<272x64xf32, #tpu.memory_space<vmem>>, vector<1x16xf32>,
      %swap3A_2296 = arith.constant 2 : i32
      %swap3A_2297 = arith.index_cast %swap3A_2296 : i32 to index
      %swap3A_2298 = arith.constant 16 : index
      %swap3A_2299 = tpu.vector_load %arg13[%swap3A_2297, %swap3A_2298] {strides = array<i32>} : memref<272x64xf32, #tpu.memory_space<vmem>>, vector<1x16xf32>,
      %swap3A_2300 = vector.shape_cast %swap3A_2299 : vector<1x16xf32> to vector<16xf32>
      %swap3A_2301 = vector.shape_cast %broadcast_in_dim3A_35 : vector<16xf32> to vector<1x16xf32>
      tpu.vector_store %arg13[%swap3A_2297, %swap3A_2298], %swap3A_2301 {strides = array<i32>} : memref<272x64xf32, #tpu.memory_space<vmem>>, vector<1x16xf32>,
      %swap3A_2302 = arith.constant 2 : i32
      %swap3A_2303 = arith.index_cast %swap3A_2302 : i32 to index
      %swap3A_2304 = arith.constant 32 : index
      %swap3A_2305 = tpu.vector_load %arg13[%swap3A_2303, %swap3A_2304] {strides = array<i32>} : memref<272x64xf32, #tpu.memory_space<vmem>>, vector<1x16xf32>,
      %swap3A_2306 = vector.shape_cast %swap3A_2305 : vector<1x16xf32> to vector<16xf32>
      %swap3A_2307 = vector.shape_cast %broadcast_in_dim3A_35 : vector<16xf32> to vector<1x16xf32>
      tpu.vector_store %arg13[%swap3A_2303, %swap3A_2304], %swap3A_2307 {strides = array<i32>} : memref<272x64xf32, #tpu.memory_space<vmem>>, vector<1x16xf32>,
      %swap3A_2308 = arith.constant 2 : i32
      %swap3A_2309 = arith.index_cast %swap3A_2308 : i32 to index
      %swap3A_2310 = arith.constant 48 : index
      %swap3A_2311 = tpu.vector_load %arg13[%swap3A_2309, %swap3A_2310] {strides = array<i32>} : memref<272x64xf32, #tpu.memory_space<vmem>>, vector<1x16xf32>,
      %swap3A_2312 = vector.shape_cast %swap3A_2311 : vector<1x16xf32> to vector<16xf32>
      %swap3A_2313 = vector.shape_cast %broadcast_in_dim3A_35 : vector<16xf32> to vector<1x16xf32>
      tpu.vector_store %arg13[%swap3A_2309, %swap3A_2310], %swap3A_2313 {strides = array<i32>} : memref<272x64xf32, #tpu.memory_space<vmem>>, vector<1x16xf32>,
      %swap3A_2314 = arith.constant 3 : i32
      %swap3A_2315 = arith.index_cast %swap3A_2314 : i32 to index
      %swap3A_2316 = arith.constant 0 : index
      %swap3A_2317 = tpu.vector_load %arg13[%swap3A_2315, %swap3A_2316] {strides = array<i32>} : memref<272x64xf32, #tpu.memory_space<vmem>>, vector<1x16xf32>,
      %swap3A_2318 = vector.shape_cast %swap3A_2317 : vector<1x16xf32> to vector<16xf32>
      %swap3A_2319 = vector.shape_cast %broadcast_in_dim3A_35 : vector<16xf32> to vector<1x16xf32>
      tpu.vector_store %arg13[%swap3A_2315, %swap3A_2316], %swap3A_2319 {strides = array<i32>} : memref<272x64xf32, #tpu.memory_space<vmem>>, vector<1x16xf32>,
      %swap3A_2320 = arith.constant 3 : i32
      %swap3A_2321 = arith.index_cast %swap3A_2320 : i32 to index
      %swap3A_2322 = arith.constant 16 : index
      %swap3A_2323 = tpu.vector_load %arg13[%swap3A_2321, %swap3A_2322] {strides = array<i32>} : memref<272x64xf32, #tpu.memory_space<vmem>>, vector<1x16xf32>,
      %swap3A_2324 = vector.shape_cast %swap3A_2323 : vector<1x16xf32> to vector<16xf32>
      %swap3A_2325 = vector.shape_cast %broadcast_in_dim3A_35 : vector<16xf32> to vector<1x16xf32>
      tpu.vector_store %arg13[%swap3A_2321, %swap3A_2322], %swap3A_2325 {strides = array<i32>} : memref<272x64xf32, #tpu.memory_space<vmem>>, vector<1x16xf32>,
      %swap3A_2326 = arith.constant 3 : i32
      %swap3A_2327 = arith.index_cast %swap3A_2326 : i32 to index
      %swap3A_2328 = arith.constant 32 : index
      %swap3A_2329 = tpu.vector_load %arg13[%swap3A_2327, %swap3A_2328] {strides = array<i32>} : memref<272x64xf32, #tpu.memory_space<vmem>>, vector<1x16xf32>,
      %swap3A_2330 = vector.shape_cast %swap3A_2329 : vector<1x16xf32> to vector<16xf32>
      %swap3A_2331 = vector.shape_cast %broadcast_in_dim3A_35 : vector<16xf32> to vector<1x16xf32>
      tpu.vector_store %arg13[%swap3A_2327, %swap3A_2328], %swap3A_2331 {strides = array<i32>} : memref<272x64xf32, #tpu.memory_space<vmem>>, vector<1x16xf32>,
      %swap3A_2332 = arith.constant 3 : i32
      %swap3A_2333 = arith.index_cast %swap3A_2332 : i32 to index
      %swap3A_2334 = arith.constant 48 : index
      %swap3A_2335 = tpu.vector_load %arg13[%swap3A_2333, %swap3A_2334] {strides = array<i32>} : memref<272x64xf32, #tpu.memory_space<vmem>>, vector<1x16xf32>,
      %swap3A_2336 = vector.shape_cast %swap3A_2335 : vector<1x16xf32> to vector<16xf32>
      %swap3A_2337 = vector.shape_cast %broadcast_in_dim3A_35 : vector<16xf32> to vector<1x16xf32>
      tpu.vector_store %arg13[%swap3A_2333, %swap3A_2334], %swap3A_2337 {strides = array<i32>} : memref<272x64xf32, #tpu.memory_space<vmem>>, vector<1x16xf32>,
      %swap3A_2338 = arith.constant 4 : i32
      %swap3A_2339 = arith.index_cast %swap3A_2338 : i32 to index
      %swap3A_2340 = arith.constant 0 : index
      %swap3A_2341 = tpu.vector_load %arg13[%swap3A_2339, %swap3A_2340] {strides = array<i32>} : memref<272x64xf32, #tpu.memory_space<vmem>>, vector<1x16xf32>,
      %swap3A_2342 = vector.shape_cast %swap3A_2341 : vector<1x16xf32> to vector<16xf32>
      %swap3A_2343 = vector.shape_cast %broadcast_in_dim3A_35 : vector<16xf32> to vector<1x16xf32>
      tpu.vector_store %arg13[%swap3A_2339, %swap3A_2340], %swap3A_2343 {strides = array<i32>} : memref<272x64xf32, #tpu.memory_space<vmem>>, vector<1x16xf32>,
      %swap3A_2344 = arith.constant 4 : i32
      %swap3A_2345 = arith.index_cast %swap3A_2344 : i32 to index
      %swap3A_2346 = arith.constant 16 : index
      %swap3A_2347 = tpu.vector_load %arg13[%swap3A_2345, %swap3A_2346] {strides = array<i32>} : memref<272x64xf32, #tpu.memory_space<vmem>>, vector<1x16xf32>,
      %swap3A_2348 = vector.shape_cast %swap3A_2347 : vector<1x16xf32> to vector<16xf32>
      %swap3A_2349 = vector.shape_cast %broadcast_in_dim3A_35 : vector<16xf32> to vector<1x16xf32>
      tpu.vector_store %arg13[%swap3A_2345, %swap3A_2346], %swap3A_2349 {strides = array<i32>} : memref<272x64xf32, #tpu.memory_space<vmem>>, vector<1x16xf32>,
      %swap3A_2350 = arith.constant 4 : i32
      %swap3A_2351 = arith.index_cast %swap3A_2350 : i32 to index
      %swap3A_2352 = arith.constant 32 : index
      %swap3A_2353 = tpu.vector_load %arg13[%swap3A_2351, %swap3A_2352] {strides = array<i32>} : memref<272x64xf32, #tpu.memory_space<vmem>>, vector<1x16xf32>,
      %swap3A_2354 = vector.shape_cast %swap3A_2353 : vector<1x16xf32> to vector<16xf32>
      %swap3A_2355 = vector.shape_cast %broadcast_in_dim3A_35 : vector<16xf32> to vector<1x16xf32>
      tpu.vector_store %arg13[%swap3A_2351, %swap3A_2352], %swap3A_2355 {strides = array<i32>} : memref<272x64xf32, #tpu.memory_space<vmem>>, vector<1x16xf32>,
      %swap3A_2356 = arith.constant 4 : i32
      %swap3A_2357 = arith.index_cast %swap3A_2356 : i32 to index
      %swap3A_2358 = arith.constant 48 : index
      %swap3A_2359 = tpu.vector_load %arg13[%swap3A_2357, %swap3A_2358] {strides = array<i32>} : memref<272x64xf32, #tpu.memory_space<vmem>>, vector<1x16xf32>,
      %swap3A_2360 = vector.shape_cast %swap3A_2359 : vector<1x16xf32> to vector<16xf32>
      %swap3A_2361 = vector.shape_cast %broadcast_in_dim3A_35 : vector<16xf32> to vector<1x16xf32>
      tpu.vector_store %arg13[%swap3A_2357, %swap3A_2358], %swap3A_2361 {strides = array<i32>} : memref<272x64xf32, #tpu.memory_space<vmem>>, vector<1x16xf32>,
      %swap3A_2362 = arith.constant 5 : i32
      %swap3A_2363 = arith.index_cast %swap3A_2362 : i32 to index
      %swap3A_2364 = arith.constant 0 : index
      %swap3A_2365 = tpu.vector_load %arg13[%swap3A_2363, %swap3A_2364] {strides = array<i32>} : memref<272x64xf32, #tpu.memory_space<vmem>>, vector<1x16xf32>,
      %swap3A_2366 = vector.shape_cast %swap3A_2365 : vector<1x16xf32> to vector<16xf32>
      %swap3A_2367 = vector.shape_cast %broadcast_in_dim3A_35 : vector<16xf32> to vector<1x16xf32>
      tpu.vector_store %arg13[%swap3A_2363, %swap3A_2364], %swap3A_2367 {strides = array<i32>} : memref<272x64xf32, #tpu.memory_space<vmem>>, vector<1x16xf32>,
      %swap3A_2368 = arith.constant 5 : i32
      %swap3A_2369 = arith.index_cast %swap3A_2368 : i32 to index
      %swap3A_2370 = arith.constant 16 : index
      %swap3A_2371 = tpu.vector_load %arg13[%swap3A_2369, %swap3A_2370] {strides = array<i32>} : memref<272x64xf32, #tpu.memory_space<vmem>>, vector<1x16xf32>,
      %swap3A_2372 = vector.shape_cast %swap3A_2371 : vector<1x16xf32> to vector<16xf32>
      %swap3A_2373 = vector.shape_cast %broadcast_in_dim3A_35 : vector<16xf32> to vector<1x16xf32>
      tpu.vector_store %arg13[%swap3A_2369, %swap3A_2370], %swap3A_2373 {strides = array<i32>} : memref<272x64xf32, #tpu.memory_space<vmem>>, vector<1x16xf32>,
      %swap3A_2374 = arith.constant 5 : i32
      %swap3A_2375 = arith.index_cast %swap3A_2374 : i32 to index
      %swap3A_2376 = arith.constant 32 : index
      %swap3A_2377 = tpu.vector_load %arg13[%swap3A_2375, %swap3A_2376] {strides = array<i32>} : memref<272x64xf32, #tpu.memory_space<vmem>>, vector<1x16xf32>,
      %swap3A_2378 = vector.shape_cast %swap3A_2377 : vector<1x16xf32> to vector<16xf32>
      %swap3A_2379 = vector.shape_cast %broadcast_in_dim3A_35 : vector<16xf32> to vector<1x16xf32>
      tpu.vector_store %arg13[%swap3A_2375, %swap3A_2376], %swap3A_2379 {strides = array<i32>} : memref<272x64xf32, #tpu.memory_space<vmem>>, vector<1x16xf32>,
      %swap3A_2380 = arith.constant 5 : i32
      %swap3A_2381 = arith.index_cast %swap3A_2380 : i32 to index
      %swap3A_2382 = arith.constant 48 : index
      %swap3A_2383 = tpu.vector_load %arg13[%swap3A_2381, %swap3A_2382] {strides = array<i32>} : memref<272x64xf32, #tpu.memory_space<vmem>>, vector<1x16xf32>,
      %swap3A_2384 = vector.shape_cast %swap3A_2383 : vector<1x16xf32> to vector<16xf32>
      %swap3A_2385 = vector.shape_cast %broadcast_in_dim3A_35 : vector<16xf32> to vector<1x16xf32>
      tpu.vector_store %arg13[%swap3A_2381, %swap3A_2382], %swap3A_2385 {strides = array<i32>} : memref<272x64xf32, #tpu.memory_space<vmem>>, vector<1x16xf32>,
      %swap3A_2386 = arith.constant 6 : i32
      %swap3A_2387 = arith.index_cast %swap3A_2386 : i32 to index
      %swap3A_2388 = arith.constant 0 : index
      %swap3A_2389 = tpu.vector_load %arg13[%swap3A_2387, %swap3A_2388] {strides = array<i32>} : memref<272x64xf32, #tpu.memory_space<vmem>>, vector<1x16xf32>,
      %swap3A_2390 = vector.shape_cast %swap3A_2389 : vector<1x16xf32> to vector<16xf32>
      %swap3A_2391 = vector.shape_cast %broadcast_in_dim3A_35 : vector<16xf32> to vector<1x16xf32>
      tpu.vector_store %arg13[%swap3A_2387, %swap3A_2388], %swap3A_2391 {strides = array<i32>} : memref<272x64xf32, #tpu.memory_space<vmem>>, vector<1x16xf32>,
      %swap3A_2392 = arith.constant 6 : i32
      %swap3A_2393 = arith.index_cast %swap3A_2392 : i32 to index
      %swap3A_2394 = arith.constant 16 : index
      %swap3A_2395 = tpu.vector_load %arg13[%swap3A_2393, %swap3A_2394] {strides = array<i32>} : memref<272x64xf32, #tpu.memory_space<vmem>>, vector<1x16xf32>,
      %swap3A_2396 = vector.shape_cast %swap3A_2395 : vector<1x16xf32> to vector<16xf32>
      %swap3A_2397 = vector.shape_cast %broadcast_in_dim3A_35 : vector<16xf32> to vector<1x16xf32>
      tpu.vector_store %arg13[%swap3A_2393, %swap3A_2394], %swap3A_2397 {strides = array<i32>} : memref<272x64xf32, #tpu.memory_space<vmem>>, vector<1x16xf32>,
      %swap3A_2398 = arith.constant 6 : i32
      %swap3A_2399 = arith.index_cast %swap3A_2398 : i32 to index
      %swap3A_2400 = arith.constant 32 : index
      %swap3A_2401 = tpu.vector_load %arg13[%swap3A_2399, %swap3A_2400] {strides = array<i32>} : memref<272x64xf32, #tpu.memory_space<vmem>>, vector<1x16xf32>,
      %swap3A_2402 = vector.shape_cast %swap3A_2401 : vector<1x16xf32> to vector<16xf32>
      %swap3A_2403 = vector.shape_cast %broadcast_in_dim3A_35 : vector<16xf32> to vector<1x16xf32>
      tpu.vector_store %arg13[%swap3A_2399, %swap3A_2400], %swap3A_2403 {strides = array<i32>} : memref<272x64xf32, #tpu.memory_space<vmem>>, vector<1x16xf32>,
      %swap3A_2404 = arith.constant 6 : i32
      %swap3A_2405 = arith.index_cast %swap3A_2404 : i32 to index
      %swap3A_2406 = arith.constant 48 : index
      %swap3A_2407 = tpu.vector_load %arg13[%swap3A_2405, %swap3A_2406] {strides = array<i32>} : memref<272x64xf32, #tpu.memory_space<vmem>>, vector<1x16xf32>,
      %swap3A_2408 = vector.shape_cast %swap3A_2407 : vector<1x16xf32> to vector<16xf32>
      %swap3A_2409 = vector.shape_cast %broadcast_in_dim3A_35 : vector<16xf32> to vector<1x16xf32>
      tpu.vector_store %arg13[%swap3A_2405, %swap3A_2406], %swap3A_2409 {strides = array<i32>} : memref<272x64xf32, #tpu.memory_space<vmem>>, vector<1x16xf32>,
      %swap3A_2410 = arith.constant 7 : i32
      %swap3A_2411 = arith.index_cast %swap3A_2410 : i32 to index
      %swap3A_2412 = arith.constant 0 : index
      %swap3A_2413 = tpu.vector_load %arg13[%swap3A_2411, %swap3A_2412] {strides = array<i32>} : memref<272x64xf32, #tpu.memory_space<vmem>>, vector<1x16xf32>,
      %swap3A_2414 = vector.shape_cast %swap3A_2413 : vector<1x16xf32> to vector<16xf32>
      %swap3A_2415 = vector.shape_cast %broadcast_in_dim3A_35 : vector<16xf32> to vector<1x16xf32>
      tpu.vector_store %arg13[%swap3A_2411, %swap3A_2412], %swap3A_2415 {strides = array<i32>} : memref<272x64xf32, #tpu.memory_space<vmem>>, vector<1x16xf32>,
      %swap3A_2416 = arith.constant 7 : i32
      %swap3A_2417 = arith.index_cast %swap3A_2416 : i32 to index
      %swap3A_2418 = arith.constant 16 : index
      %swap3A_2419 = tpu.vector_load %arg13[%swap3A_2417, %swap3A_2418] {strides = array<i32>} : memref<272x64xf32, #tpu.memory_space<vmem>>, vector<1x16xf32>,
      %swap3A_2420 = vector.shape_cast %swap3A_2419 : vector<1x16xf32> to vector<16xf32>
      %swap3A_2421 = vector.shape_cast %broadcast_in_dim3A_35 : vector<16xf32> to vector<1x16xf32>
      tpu.vector_store %arg13[%swap3A_2417, %swap3A_2418], %swap3A_2421 {strides = array<i32>} : memref<272x64xf32, #tpu.memory_space<vmem>>, vector<1x16xf32>,
      %swap3A_2422 = arith.constant 7 : i32
      %swap3A_2423 = arith.index_cast %swap3A_2422 : i32 to index
      %swap3A_2424 = arith.constant 32 : index
      %swap3A_2425 = tpu.vector_load %arg13[%swap3A_2423, %swap3A_2424] {strides = array<i32>} : memref<272x64xf32, #tpu.memory_space<vmem>>, vector<1x16xf32>,
      %swap3A_2426 = vector.shape_cast %swap3A_2425 : vector<1x16xf32> to vector<16xf32>
      %swap3A_2427 = vector.shape_cast %broadcast_in_dim3A_35 : vector<16xf32> to vector<1x16xf32>
      tpu.vector_store %arg13[%swap3A_2423, %swap3A_2424], %swap3A_2427 {strides = array<i32>} : memref<272x64xf32, #tpu.memory_space<vmem>>, vector<1x16xf32>,
      %swap3A_2428 = arith.constant 7 : i32
      %swap3A_2429 = arith.index_cast %swap3A_2428 : i32 to index
      %swap3A_2430 = arith.constant 48 : index
      %swap3A_2431 = tpu.vector_load %arg13[%swap3A_2429, %swap3A_2430] {strides = array<i32>} : memref<272x64xf32, #tpu.memory_space<vmem>>, vector<1x16xf32>,
      %swap3A_2432 = vector.shape_cast %swap3A_2431 : vector<1x16xf32> to vector<16xf32>
      %swap3A_2433 = vector.shape_cast %broadcast_in_dim3A_35 : vector<16xf32> to vector<1x16xf32>
      tpu.vector_store %arg13[%swap3A_2429, %swap3A_2430], %swap3A_2433 {strides = array<i32>} : memref<272x64xf32, #tpu.memory_space<vmem>>, vector<1x16xf32>,
      %swap3A_2434 = arith.constant 8 : i32
      %swap3A_2435 = arith.index_cast %swap3A_2434 : i32 to index
      %swap3A_2436 = arith.constant 0 : index
      %swap3A_2437 = tpu.vector_load %arg13[%swap3A_2435, %swap3A_2436] {strides = array<i32>} : memref<272x64xf32, #tpu.memory_space<vmem>>, vector<1x16xf32>,
      %swap3A_2438 = vector.shape_cast %swap3A_2437 : vector<1x16xf32> to vector<16xf32>
      %swap3A_2439 = vector.shape_cast %broadcast_in_dim3A_35 : vector<16xf32> to vector<1x16xf32>
      tpu.vector_store %arg13[%swap3A_2435, %swap3A_2436], %swap3A_2439 {strides = array<i32>} : memref<272x64xf32, #tpu.memory_space<vmem>>, vector<1x16xf32>,
      %swap3A_2440 = arith.constant 8 : i32
      %swap3A_2441 = arith.index_cast %swap3A_2440 : i32 to index
      %swap3A_2442 = arith.constant 16 : index
      %swap3A_2443 = tpu.vector_load %arg13[%swap3A_2441, %swap3A_2442] {strides = array<i32>} : memref<272x64xf32, #tpu.memory_space<vmem>>, vector<1x16xf32>,
      %swap3A_2444 = vector.shape_cast %swap3A_2443 : vector<1x16xf32> to vector<16xf32>
      %swap3A_2445 = vector.shape_cast %broadcast_in_dim3A_35 : vector<16xf32> to vector<1x16xf32>
      tpu.vector_store %arg13[%swap3A_2441, %swap3A_2442], %swap3A_2445 {strides = array<i32>} : memref<272x64xf32, #tpu.memory_space<vmem>>, vector<1x16xf32>,
      %swap3A_2446 = arith.constant 8 : i32
      %swap3A_2447 = arith.index_cast %swap3A_2446 : i32 to index
      %swap3A_2448 = arith.constant 32 : index
      %swap3A_2449 = tpu.vector_load %arg13[%swap3A_2447, %swap3A_2448] {strides = array<i32>} : memref<272x64xf32, #tpu.memory_space<vmem>>, vector<1x16xf32>,
      %swap3A_2450 = vector.shape_cast %swap3A_2449 : vector<1x16xf32> to vector<16xf32>
      %swap3A_2451 = vector.shape_cast %broadcast_in_dim3A_35 : vector<16xf32> to vector<1x16xf32>
      tpu.vector_store %arg13[%swap3A_2447, %swap3A_2448], %swap3A_2451 {strides = array<i32>} : memref<272x64xf32, #tpu.memory_space<vmem>>, vector<1x16xf32>,
      %swap3A_2452 = arith.constant 8 : i32
      %swap3A_2453 = arith.index_cast %swap3A_2452 : i32 to index
      %swap3A_2454 = arith.constant 48 : index
      %swap3A_2455 = tpu.vector_load %arg13[%swap3A_2453, %swap3A_2454] {strides = array<i32>} : memref<272x64xf32, #tpu.memory_space<vmem>>, vector<1x16xf32>,
      %swap3A_2456 = vector.shape_cast %swap3A_2455 : vector<1x16xf32> to vector<16xf32>
      %swap3A_2457 = vector.shape_cast %broadcast_in_dim3A_35 : vector<16xf32> to vector<1x16xf32>
      tpu.vector_store %arg13[%swap3A_2453, %swap3A_2454], %swap3A_2457 {strides = array<i32>} : memref<272x64xf32, #tpu.memory_space<vmem>>, vector<1x16xf32>,
      %swap3A_2458 = arith.constant 9 : i32
      %swap3A_2459 = arith.index_cast %swap3A_2458 : i32 to index
      %swap3A_2460 = arith.constant 0 : index
      %swap3A_2461 = tpu.vector_load %arg13[%swap3A_2459, %swap3A_2460] {strides = array<i32>} : memref<272x64xf32, #tpu.memory_space<vmem>>, vector<1x16xf32>,
      %swap3A_2462 = vector.shape_cast %swap3A_2461 : vector<1x16xf32> to vector<16xf32>
      %swap3A_2463 = vector.shape_cast %broadcast_in_dim3A_35 : vector<16xf32> to vector<1x16xf32>
      tpu.vector_store %arg13[%swap3A_2459, %swap3A_2460], %swap3A_2463 {strides = array<i32>} : memref<272x64xf32, #tpu.memory_space<vmem>>, vector<1x16xf32>,
      %swap3A_2464 = arith.constant 9 : i32
      %swap3A_2465 = arith.index_cast %swap3A_2464 : i32 to index
      %swap3A_2466 = arith.constant 16 : index
      %swap3A_2467 = tpu.vector_load %arg13[%swap3A_2465, %swap3A_2466] {strides = array<i32>} : memref<272x64xf32, #tpu.memory_space<vmem>>, vector<1x16xf32>,
      %swap3A_2468 = vector.shape_cast %swap3A_2467 : vector<1x16xf32> to vector<16xf32>
      %swap3A_2469 = vector.shape_cast %broadcast_in_dim3A_35 : vector<16xf32> to vector<1x16xf32>
      tpu.vector_store %arg13[%swap3A_2465, %swap3A_2466], %swap3A_2469 {strides = array<i32>} : memref<272x64xf32, #tpu.memory_space<vmem>>, vector<1x16xf32>,
      %swap3A_2470 = arith.constant 9 : i32
      %swap3A_2471 = arith.index_cast %swap3A_2470 : i32 to index
      %swap3A_2472 = arith.constant 32 : index
      %swap3A_2473 = tpu.vector_load %arg13[%swap3A_2471, %swap3A_2472] {strides = array<i32>} : memref<272x64xf32, #tpu.memory_space<vmem>>, vector<1x16xf32>,
      %swap3A_2474 = vector.shape_cast %swap3A_2473 : vector<1x16xf32> to vector<16xf32>
      %swap3A_2475 = vector.shape_cast %broadcast_in_dim3A_35 : vector<16xf32> to vector<1x16xf32>
      tpu.vector_store %arg13[%swap3A_2471, %swap3A_2472], %swap3A_2475 {strides = array<i32>} : memref<272x64xf32, #tpu.memory_space<vmem>>, vector<1x16xf32>,
      %swap3A_2476 = arith.constant 9 : i32
      %swap3A_2477 = arith.index_cast %swap3A_2476 : i32 to index
      %swap3A_2478 = arith.constant 48 : index
      %swap3A_2479 = tpu.vector_load %arg13[%swap3A_2477, %swap3A_2478] {strides = array<i32>} : memref<272x64xf32, #tpu.memory_space<vmem>>, vector<1x16xf32>,
      %swap3A_2480 = vector.shape_cast %swap3A_2479 : vector<1x16xf32> to vector<16xf32>
      %swap3A_2481 = vector.shape_cast %broadcast_in_dim3A_35 : vector<16xf32> to vector<1x16xf32>
      tpu.vector_store %arg13[%swap3A_2477, %swap3A_2478], %swap3A_2481 {strides = array<i32>} : memref<272x64xf32, #tpu.memory_space<vmem>>, vector<1x16xf32>,
      %swap3A_2482 = arith.constant 10 : i32
      %swap3A_2483 = arith.index_cast %swap3A_2482 : i32 to index
      %swap3A_2484 = arith.constant 0 : index
      %swap3A_2485 = tpu.vector_load %arg13[%swap3A_2483, %swap3A_2484] {strides = array<i32>} : memref<272x64xf32, #tpu.memory_space<vmem>>, vector<1x16xf32>,
      %swap3A_2486 = vector.shape_cast %swap3A_2485 : vector<1x16xf32> to vector<16xf32>
      %swap3A_2487 = vector.shape_cast %broadcast_in_dim3A_35 : vector<16xf32> to vector<1x16xf32>
      tpu.vector_store %arg13[%swap3A_2483, %swap3A_2484], %swap3A_2487 {strides = array<i32>} : memref<272x64xf32, #tpu.memory_space<vmem>>, vector<1x16xf32>,
      %swap3A_2488 = arith.constant 10 : i32
      %swap3A_2489 = arith.index_cast %swap3A_2488 : i32 to index
      %swap3A_2490 = arith.constant 16 : index
      %swap3A_2491 = tpu.vector_load %arg13[%swap3A_2489, %swap3A_2490] {strides = array<i32>} : memref<272x64xf32, #tpu.memory_space<vmem>>, vector<1x16xf32>,
      %swap3A_2492 = vector.shape_cast %swap3A_2491 : vector<1x16xf32> to vector<16xf32>
      %swap3A_2493 = vector.shape_cast %broadcast_in_dim3A_35 : vector<16xf32> to vector<1x16xf32>
      tpu.vector_store %arg13[%swap3A_2489, %swap3A_2490], %swap3A_2493 {strides = array<i32>} : memref<272x64xf32, #tpu.memory_space<vmem>>, vector<1x16xf32>,
      %swap3A_2494 = arith.constant 10 : i32
      %swap3A_2495 = arith.index_cast %swap3A_2494 : i32 to index
      %swap3A_2496 = arith.constant 32 : index
      %swap3A_2497 = tpu.vector_load %arg13[%swap3A_2495, %swap3A_2496] {strides = array<i32>} : memref<272x64xf32, #tpu.memory_space<vmem>>, vector<1x16xf32>,
      %swap3A_2498 = vector.shape_cast %swap3A_2497 : vector<1x16xf32> to vector<16xf32>
      %swap3A_2499 = vector.shape_cast %broadcast_in_dim3A_35 : vector<16xf32> to vector<1x16xf32>
      tpu.vector_store %arg13[%swap3A_2495, %swap3A_2496], %swap3A_2499 {strides = array<i32>} : memref<272x64xf32, #tpu.memory_space<vmem>>, vector<1x16xf32>,
      %swap3A_2500 = arith.constant 10 : i32
      %swap3A_2501 = arith.index_cast %swap3A_2500 : i32 to index
      %swap3A_2502 = arith.constant 48 : index
      %swap3A_2503 = tpu.vector_load %arg13[%swap3A_2501, %swap3A_2502] {strides = array<i32>} : memref<272x64xf32, #tpu.memory_space<vmem>>, vector<1x16xf32>,
      %swap3A_2504 = vector.shape_cast %swap3A_2503 : vector<1x16xf32> to vector<16xf32>
      %swap3A_2505 = vector.shape_cast %broadcast_in_dim3A_35 : vector<16xf32> to vector<1x16xf32>
      tpu.vector_store %arg13[%swap3A_2501, %swap3A_2502], %swap3A_2505 {strides = array<i32>} : memref<272x64xf32, #tpu.memory_space<vmem>>, vector<1x16xf32>,
      %swap3A_2506 = arith.constant 11 : i32
      %swap3A_2507 = arith.index_cast %swap3A_2506 : i32 to index
      %swap3A_2508 = arith.constant 0 : index
      %swap3A_2509 = tpu.vector_load %arg13[%swap3A_2507, %swap3A_2508] {strides = array<i32>} : memref<272x64xf32, #tpu.memory_space<vmem>>, vector<1x16xf32>,
      %swap3A_2510 = vector.shape_cast %swap3A_2509 : vector<1x16xf32> to vector<16xf32>
      %swap3A_2511 = vector.shape_cast %broadcast_in_dim3A_35 : vector<16xf32> to vector<1x16xf32>
      tpu.vector_store %arg13[%swap3A_2507, %swap3A_2508], %swap3A_2511 {strides = array<i32>} : memref<272x64xf32, #tpu.memory_space<vmem>>, vector<1x16xf32>,
      %swap3A_2512 = arith.constant 11 : i32
      %swap3A_2513 = arith.index_cast %swap3A_2512 : i32 to index
      %swap3A_2514 = arith.constant 16 : index
      %swap3A_2515 = tpu.vector_load %arg13[%swap3A_2513, %swap3A_2514] {strides = array<i32>} : memref<272x64xf32, #tpu.memory_space<vmem>>, vector<1x16xf32>,
      %swap3A_2516 = vector.shape_cast %swap3A_2515 : vector<1x16xf32> to vector<16xf32>
      %swap3A_2517 = vector.shape_cast %broadcast_in_dim3A_35 : vector<16xf32> to vector<1x16xf32>
      tpu.vector_store %arg13[%swap3A_2513, %swap3A_2514], %swap3A_2517 {strides = array<i32>} : memref<272x64xf32, #tpu.memory_space<vmem>>, vector<1x16xf32>,
      %swap3A_2518 = arith.constant 11 : i32
      %swap3A_2519 = arith.index_cast %swap3A_2518 : i32 to index
      %swap3A_2520 = arith.constant 32 : index
      %swap3A_2521 = tpu.vector_load %arg13[%swap3A_2519, %swap3A_2520] {strides = array<i32>} : memref<272x64xf32, #tpu.memory_space<vmem>>, vector<1x16xf32>,
      %swap3A_2522 = vector.shape_cast %swap3A_2521 : vector<1x16xf32> to vector<16xf32>
      %swap3A_2523 = vector.shape_cast %broadcast_in_dim3A_35 : vector<16xf32> to vector<1x16xf32>
      tpu.vector_store %arg13[%swap3A_2519, %swap3A_2520], %swap3A_2523 {strides = array<i32>} : memref<272x64xf32, #tpu.memory_space<vmem>>, vector<1x16xf32>,
      %swap3A_2524 = arith.constant 11 : i32
      %swap3A_2525 = arith.index_cast %swap3A_2524 : i32 to index
      %swap3A_2526 = arith.constant 48 : index
      %swap3A_2527 = tpu.vector_load %arg13[%swap3A_2525, %swap3A_2526] {strides = array<i32>} : memref<272x64xf32, #tpu.memory_space<vmem>>, vector<1x16xf32>,
      %swap3A_2528 = vector.shape_cast %swap3A_2527 : vector<1x16xf32> to vector<16xf32>
      %swap3A_2529 = vector.shape_cast %broadcast_in_dim3A_35 : vector<16xf32> to vector<1x16xf32>
      tpu.vector_store %arg13[%swap3A_2525, %swap3A_2526], %swap3A_2529 {strides = array<i32>} : memref<272x64xf32, #tpu.memory_space<vmem>>, vector<1x16xf32>,
      %swap3A_2530 = arith.constant 12 : i32
      %swap3A_2531 = arith.index_cast %swap3A_2530 : i32 to index
      %swap3A_2532 = arith.constant 0 : index
      %swap3A_2533 = tpu.vector_load %arg13[%swap3A_2531, %swap3A_2532] {strides = array<i32>} : memref<272x64xf32, #tpu.memory_space<vmem>>, vector<1x16xf32>,
      %swap3A_2534 = vector.shape_cast %swap3A_2533 : vector<1x16xf32> to vector<16xf32>
      %swap3A_2535 = vector.shape_cast %broadcast_in_dim3A_35 : vector<16xf32> to vector<1x16xf32>
      tpu.vector_store %arg13[%swap3A_2531, %swap3A_2532], %swap3A_2535 {strides = array<i32>} : memref<272x64xf32, #tpu.memory_space<vmem>>, vector<1x16xf32>,
      %swap3A_2536 = arith.constant 12 : i32
      %swap3A_2537 = arith.index_cast %swap3A_2536 : i32 to index
      %swap3A_2538 = arith.constant 16 : index
      %swap3A_2539 = tpu.vector_load %arg13[%swap3A_2537, %swap3A_2538] {strides = array<i32>} : memref<272x64xf32, #tpu.memory_space<vmem>>, vector<1x16xf32>,
      %swap3A_2540 = vector.shape_cast %swap3A_2539 : vector<1x16xf32> to vector<16xf32>
      %swap3A_2541 = vector.shape_cast %broadcast_in_dim3A_35 : vector<16xf32> to vector<1x16xf32>
      tpu.vector_store %arg13[%swap3A_2537, %swap3A_2538], %swap3A_2541 {strides = array<i32>} : memref<272x64xf32, #tpu.memory_space<vmem>>, vector<1x16xf32>,
      %swap3A_2542 = arith.constant 12 : i32
      %swap3A_2543 = arith.index_cast %swap3A_2542 : i32 to index
      %swap3A_2544 = arith.constant 32 : index
      %swap3A_2545 = tpu.vector_load %arg13[%swap3A_2543, %swap3A_2544] {strides = array<i32>} : memref<272x64xf32, #tpu.memory_space<vmem>>, vector<1x16xf32>,
      %swap3A_2546 = vector.shape_cast %swap3A_2545 : vector<1x16xf32> to vector<16xf32>
      %swap3A_2547 = vector.shape_cast %broadcast_in_dim3A_35 : vector<16xf32> to vector<1x16xf32>
      tpu.vector_store %arg13[%swap3A_2543, %swap3A_2544], %swap3A_2547 {strides = array<i32>} : memref<272x64xf32, #tpu.memory_space<vmem>>, vector<1x16xf32>,
      %swap3A_2548 = arith.constant 12 : i32
      %swap3A_2549 = arith.index_cast %swap3A_2548 : i32 to index
      %swap3A_2550 = arith.constant 48 : index
      %swap3A_2551 = tpu.vector_load %arg13[%swap3A_2549, %swap3A_2550] {strides = array<i32>} : memref<272x64xf32, #tpu.memory_space<vmem>>, vector<1x16xf32>,
      %swap3A_2552 = vector.shape_cast %swap3A_2551 : vector<1x16xf32> to vector<16xf32>
      %swap3A_2553 = vector.shape_cast %broadcast_in_dim3A_35 : vector<16xf32> to vector<1x16xf32>
      tpu.vector_store %arg13[%swap3A_2549, %swap3A_2550], %swap3A_2553 {strides = array<i32>} : memref<272x64xf32, #tpu.memory_space<vmem>>, vector<1x16xf32>,
      %swap3A_2554 = arith.constant 13 : i32
      %swap3A_2555 = arith.index_cast %swap3A_2554 : i32 to index
      %swap3A_2556 = arith.constant 0 : index
      %swap3A_2557 = tpu.vector_load %arg13[%swap3A_2555, %swap3A_2556] {strides = array<i32>} : memref<272x64xf32, #tpu.memory_space<vmem>>, vector<1x16xf32>,
      %swap3A_2558 = vector.shape_cast %swap3A_2557 : vector<1x16xf32> to vector<16xf32>
      %swap3A_2559 = vector.shape_cast %broadcast_in_dim3A_35 : vector<16xf32> to vector<1x16xf32>
      tpu.vector_store %arg13[%swap3A_2555, %swap3A_2556], %swap3A_2559 {strides = array<i32>} : memref<272x64xf32, #tpu.memory_space<vmem>>, vector<1x16xf32>,
      %swap3A_2560 = arith.constant 13 : i32
      %swap3A_2561 = arith.index_cast %swap3A_2560 : i32 to index
      %swap3A_2562 = arith.constant 16 : index
      %swap3A_2563 = tpu.vector_load %arg13[%swap3A_2561, %swap3A_2562] {strides = array<i32>} : memref<272x64xf32, #tpu.memory_space<vmem>>, vector<1x16xf32>,
      %swap3A_2564 = vector.shape_cast %swap3A_2563 : vector<1x16xf32> to vector<16xf32>
      %swap3A_2565 = vector.shape_cast %broadcast_in_dim3A_35 : vector<16xf32> to vector<1x16xf32>
      tpu.vector_store %arg13[%swap3A_2561, %swap3A_2562], %swap3A_2565 {strides = array<i32>} : memref<272x64xf32, #tpu.memory_space<vmem>>, vector<1x16xf32>,
      %swap3A_2566 = arith.constant 13 : i32
      %swap3A_2567 = arith.index_cast %swap3A_2566 : i32 to index
      %swap3A_2568 = arith.constant 32 : index
      %swap3A_2569 = tpu.vector_load %arg13[%swap3A_2567, %swap3A_2568] {strides = array<i32>} : memref<272x64xf32, #tpu.memory_space<vmem>>, vector<1x16xf32>,
      %swap3A_2570 = vector.shape_cast %swap3A_2569 : vector<1x16xf32> to vector<16xf32>
      %swap3A_2571 = vector.shape_cast %broadcast_in_dim3A_35 : vector<16xf32> to vector<1x16xf32>
      tpu.vector_store %arg13[%swap3A_2567, %swap3A_2568], %swap3A_2571 {strides = array<i32>} : memref<272x64xf32, #tpu.memory_space<vmem>>, vector<1x16xf32>,
      %swap3A_2572 = arith.constant 13 : i32
      %swap3A_2573 = arith.index_cast %swap3A_2572 : i32 to index
      %swap3A_2574 = arith.constant 48 : index
      %swap3A_2575 = tpu.vector_load %arg13[%swap3A_2573, %swap3A_2574] {strides = array<i32>} : memref<272x64xf32, #tpu.memory_space<vmem>>, vector<1x16xf32>,
      %swap3A_2576 = vector.shape_cast %swap3A_2575 : vector<1x16xf32> to vector<16xf32>
      %swap3A_2577 = vector.shape_cast %broadcast_in_dim3A_35 : vector<16xf32> to vector<1x16xf32>
      tpu.vector_store %arg13[%swap3A_2573, %swap3A_2574], %swap3A_2577 {strides = array<i32>} : memref<272x64xf32, #tpu.memory_space<vmem>>, vector<1x16xf32>,
      %swap3A_2578 = arith.constant 14 : i32
      %swap3A_2579 = arith.index_cast %swap3A_2578 : i32 to index
      %swap3A_2580 = arith.constant 0 : index
      %swap3A_2581 = tpu.vector_load %arg13[%swap3A_2579, %swap3A_2580] {strides = array<i32>} : memref<272x64xf32, #tpu.memory_space<vmem>>, vector<1x16xf32>,
      %swap3A_2582 = vector.shape_cast %swap3A_2581 : vector<1x16xf32> to vector<16xf32>
      %swap3A_2583 = vector.shape_cast %broadcast_in_dim3A_35 : vector<16xf32> to vector<1x16xf32>
      tpu.vector_store %arg13[%swap3A_2579, %swap3A_2580], %swap3A_2583 {strides = array<i32>} : memref<272x64xf32, #tpu.memory_space<vmem>>, vector<1x16xf32>,
      %swap3A_2584 = arith.constant 14 : i32
      %swap3A_2585 = arith.index_cast %swap3A_2584 : i32 to index
      %swap3A_2586 = arith.constant 16 : index
      %swap3A_2587 = tpu.vector_load %arg13[%swap3A_2585, %swap3A_2586] {strides = array<i32>} : memref<272x64xf32, #tpu.memory_space<vmem>>, vector<1x16xf32>,
      %swap3A_2588 = vector.shape_cast %swap3A_2587 : vector<1x16xf32> to vector<16xf32>
      %swap3A_2589 = vector.shape_cast %broadcast_in_dim3A_35 : vector<16xf32> to vector<1x16xf32>
      tpu.vector_store %arg13[%swap3A_2585, %swap3A_2586], %swap3A_2589 {strides = array<i32>} : memref<272x64xf32, #tpu.memory_space<vmem>>, vector<1x16xf32>,
      %swap3A_2590 = arith.constant 14 : i32
      %swap3A_2591 = arith.index_cast %swap3A_2590 : i32 to index
      %swap3A_2592 = arith.constant 32 : index
      %swap3A_2593 = tpu.vector_load %arg13[%swap3A_2591, %swap3A_2592] {strides = array<i32>} : memref<272x64xf32, #tpu.memory_space<vmem>>, vector<1x16xf32>,
      %swap3A_2594 = vector.shape_cast %swap3A_2593 : vector<1x16xf32> to vector<16xf32>
      %swap3A_2595 = vector.shape_cast %broadcast_in_dim3A_35 : vector<16xf32> to vector<1x16xf32>
      tpu.vector_store %arg13[%swap3A_2591, %swap3A_2592], %swap3A_2595 {strides = array<i32>} : memref<272x64xf32, #tpu.memory_space<vmem>>, vector<1x16xf32>,
      %swap3A_2596 = arith.constant 14 : i32
      %swap3A_2597 = arith.index_cast %swap3A_2596 : i32 to index
      %swap3A_2598 = arith.constant 48 : index
      %swap3A_2599 = tpu.vector_load %arg13[%swap3A_2597, %swap3A_2598] {strides = array<i32>} : memref<272x64xf32, #tpu.memory_space<vmem>>, vector<1x16xf32>,
      %swap3A_2600 = vector.shape_cast %swap3A_2599 : vector<1x16xf32> to vector<16xf32>
      %swap3A_2601 = vector.shape_cast %broadcast_in_dim3A_35 : vector<16xf32> to vector<1x16xf32>
      tpu.vector_store %arg13[%swap3A_2597, %swap3A_2598], %swap3A_2601 {strides = array<i32>} : memref<272x64xf32, #tpu.memory_space<vmem>>, vector<1x16xf32>,
      %swap3A_2602 = arith.constant 15 : i32
      %swap3A_2603 = arith.index_cast %swap3A_2602 : i32 to index
      %swap3A_2604 = arith.constant 0 : index
      %swap3A_2605 = tpu.vector_load %arg13[%swap3A_2603, %swap3A_2604] {strides = array<i32>} : memref<272x64xf32, #tpu.memory_space<vmem>>, vector<1x16xf32>,
      %swap3A_2606 = vector.shape_cast %swap3A_2605 : vector<1x16xf32> to vector<16xf32>
      %swap3A_2607 = vector.shape_cast %broadcast_in_dim3A_35 : vector<16xf32> to vector<1x16xf32>
      tpu.vector_store %arg13[%swap3A_2603, %swap3A_2604], %swap3A_2607 {strides = array<i32>} : memref<272x64xf32, #tpu.memory_space<vmem>>, vector<1x16xf32>,
      %swap3A_2608 = arith.constant 15 : i32
      %swap3A_2609 = arith.index_cast %swap3A_2608 : i32 to index
      %swap3A_2610 = arith.constant 16 : index
      %swap3A_2611 = tpu.vector_load %arg13[%swap3A_2609, %swap3A_2610] {strides = array<i32>} : memref<272x64xf32, #tpu.memory_space<vmem>>, vector<1x16xf32>,
      %swap3A_2612 = vector.shape_cast %swap3A_2611 : vector<1x16xf32> to vector<16xf32>
      %swap3A_2613 = vector.shape_cast %broadcast_in_dim3A_35 : vector<16xf32> to vector<1x16xf32>
      tpu.vector_store %arg13[%swap3A_2609, %swap3A_2610], %swap3A_2613 {strides = array<i32>} : memref<272x64xf32, #tpu.memory_space<vmem>>, vector<1x16xf32>,
      %swap3A_2614 = arith.constant 15 : i32
      %swap3A_2615 = arith.index_cast %swap3A_2614 : i32 to index
      %swap3A_2616 = arith.constant 32 : index
      %swap3A_2617 = tpu.vector_load %arg13[%swap3A_2615, %swap3A_2616] {strides = array<i32>} : memref<272x64xf32, #tpu.memory_space<vmem>>, vector<1x16xf32>,
      %swap3A_2618 = vector.shape_cast %swap3A_2617 : vector<1x16xf32> to vector<16xf32>
      %swap3A_2619 = vector.shape_cast %broadcast_in_dim3A_35 : vector<16xf32> to vector<1x16xf32>
      tpu.vector_store %arg13[%swap3A_2615, %swap3A_2616], %swap3A_2619 {strides = array<i32>} : memref<272x64xf32, #tpu.memory_space<vmem>>, vector<1x16xf32>,
      %swap3A_2620 = arith.constant 15 : i32
      %swap3A_2621 = arith.index_cast %swap3A_2620 : i32 to index
      %swap3A_2622 = arith.constant 48 : index
      %swap3A_2623 = tpu.vector_load %arg13[%swap3A_2621, %swap3A_2622] {strides = array<i32>} : memref<272x64xf32, #tpu.memory_space<vmem>>, vector<1x16xf32>,
      %swap3A_2624 = vector.shape_cast %swap3A_2623 : vector<1x16xf32> to vector<16xf32>
      %swap3A_2625 = vector.shape_cast %broadcast_in_dim3A_35 : vector<16xf32> to vector<1x16xf32>
      tpu.vector_store %arg13[%swap3A_2621, %swap3A_2622], %swap3A_2625 {strides = array<i32>} : memref<272x64xf32, #tpu.memory_space<vmem>>, vector<1x16xf32>,
      %swap3A_2626 = arith.constant 16 : i32
      %swap3A_2627 = arith.index_cast %swap3A_2626 : i32 to index
      %swap3A_2628 = arith.constant 0 : index
      %swap3A_2629 = tpu.vector_load %arg13[%swap3A_2627, %swap3A_2628] {strides = array<i32>} : memref<272x64xf32, #tpu.memory_space<vmem>>, vector<1x16xf32>,
      %swap3A_2630 = vector.shape_cast %swap3A_2629 : vector<1x16xf32> to vector<16xf32>
      %swap3A_2631 = vector.shape_cast %broadcast_in_dim3A_35 : vector<16xf32> to vector<1x16xf32>
      tpu.vector_store %arg13[%swap3A_2627, %swap3A_2628], %swap3A_2631 {strides = array<i32>} : memref<272x64xf32, #tpu.memory_space<vmem>>, vector<1x16xf32>,
      %swap3A_2632 = arith.constant 16 : i32
      %swap3A_2633 = arith.index_cast %swap3A_2632 : i32 to index
      %swap3A_2634 = arith.constant 16 : index
      %swap3A_2635 = tpu.vector_load %arg13[%swap3A_2633, %swap3A_2634] {strides = array<i32>} : memref<272x64xf32, #tpu.memory_space<vmem>>, vector<1x16xf32>,
      %swap3A_2636 = vector.shape_cast %swap3A_2635 : vector<1x16xf32> to vector<16xf32>
      %swap3A_2637 = vector.shape_cast %broadcast_in_dim3A_35 : vector<16xf32> to vector<1x16xf32>
      tpu.vector_store %arg13[%swap3A_2633, %swap3A_2634], %swap3A_2637 {strides = array<i32>} : memref<272x64xf32, #tpu.memory_space<vmem>>, vector<1x16xf32>,
      %swap3A_2638 = arith.constant 16 : i32
      %swap3A_2639 = arith.index_cast %swap3A_2638 : i32 to index
      %swap3A_2640 = arith.constant 32 : index
      %swap3A_2641 = tpu.vector_load %arg13[%swap3A_2639, %swap3A_2640] {strides = array<i32>} : memref<272x64xf32, #tpu.memory_space<vmem>>, vector<1x16xf32>,
      %swap3A_2642 = vector.shape_cast %swap3A_2641 : vector<1x16xf32> to vector<16xf32>
      %swap3A_2643 = vector.shape_cast %broadcast_in_dim3A_35 : vector<16xf32> to vector<1x16xf32>
      tpu.vector_store %arg13[%swap3A_2639, %swap3A_2640], %swap3A_2643 {strides = array<i32>} : memref<272x64xf32, #tpu.memory_space<vmem>>, vector<1x16xf32>,
      %swap3A_2644 = arith.constant 16 : i32
      %swap3A_2645 = arith.index_cast %swap3A_2644 : i32 to index
      %swap3A_2646 = arith.constant 48 : index
      %swap3A_2647 = tpu.vector_load %arg13[%swap3A_2645, %swap3A_2646] {strides = array<i32>} : memref<272x64xf32, #tpu.memory_space<vmem>>, vector<1x16xf32>,
      %swap3A_2648 = vector.shape_cast %swap3A_2647 : vector<1x16xf32> to vector<16xf32>
      %swap3A_2649 = vector.shape_cast %broadcast_in_dim3A_35 : vector<16xf32> to vector<1x16xf32>
      tpu.vector_store %arg13[%swap3A_2645, %swap3A_2646], %swap3A_2649 {strides = array<i32>} : memref<272x64xf32, #tpu.memory_space<vmem>>, vector<1x16xf32>,
      %swap3A_2650 = arith.constant 17 : i32
      %swap3A_2651 = arith.index_cast %swap3A_2650 : i32 to index
      %swap3A_2652 = arith.constant 0 : index
      %swap3A_2653 = tpu.vector_load %arg13[%swap3A_2651, %swap3A_2652] {strides = array<i32>} : memref<272x64xf32, #tpu.memory_space<vmem>>, vector<1x16xf32>,
      %swap3A_2654 = vector.shape_cast %swap3A_2653 : vector<1x16xf32> to vector<16xf32>
      %swap3A_2655 = vector.shape_cast %broadcast_in_dim3A_35 : vector<16xf32> to vector<1x16xf32>
      tpu.vector_store %arg13[%swap3A_2651, %swap3A_2652], %swap3A_2655 {strides = array<i32>} : memref<272x64xf32, #tpu.memory_space<vmem>>, vector<1x16xf32>,
      %swap3A_2656 = arith.constant 17 : i32
      %swap3A_2657 = arith.index_cast %swap3A_2656 : i32 to index
      %swap3A_2658 = arith.constant 16 : index
      %swap3A_2659 = tpu.vector_load %arg13[%swap3A_2657, %swap3A_2658] {strides = array<i32>} : memref<272x64xf32, #tpu.memory_space<vmem>>, vector<1x16xf32>,
      %swap3A_2660 = vector.shape_cast %swap3A_2659 : vector<1x16xf32> to vector<16xf32>
      %swap3A_2661 = vector.shape_cast %broadcast_in_dim3A_35 : vector<16xf32> to vector<1x16xf32>
      tpu.vector_store %arg13[%swap3A_2657, %swap3A_2658], %swap3A_2661 {strides = array<i32>} : memref<272x64xf32, #tpu.memory_space<vmem>>, vector<1x16xf32>,
      %swap3A_2662 = arith.constant 17 : i32
      %swap3A_2663 = arith.index_cast %swap3A_2662 : i32 to index
      %swap3A_2664 = arith.constant 32 : index
      %swap3A_2665 = tpu.vector_load %arg13[%swap3A_2663, %swap3A_2664] {strides = array<i32>} : memref<272x64xf32, #tpu.memory_space<vmem>>, vector<1x16xf32>,
      %swap3A_2666 = vector.shape_cast %swap3A_2665 : vector<1x16xf32> to vector<16xf32>
      %swap3A_2667 = vector.shape_cast %broadcast_in_dim3A_35 : vector<16xf32> to vector<1x16xf32>
      tpu.vector_store %arg13[%swap3A_2663, %swap3A_2664], %swap3A_2667 {strides = array<i32>} : memref<272x64xf32, #tpu.memory_space<vmem>>, vector<1x16xf32>,
      %swap3A_2668 = arith.constant 17 : i32
      %swap3A_2669 = arith.index_cast %swap3A_2668 : i32 to index
      %swap3A_2670 = arith.constant 48 : index
      %swap3A_2671 = tpu.vector_load %arg13[%swap3A_2669, %swap3A_2670] {strides = array<i32>} : memref<272x64xf32, #tpu.memory_space<vmem>>, vector<1x16xf32>,
      %swap3A_2672 = vector.shape_cast %swap3A_2671 : vector<1x16xf32> to vector<16xf32>
      %swap3A_2673 = vector.shape_cast %broadcast_in_dim3A_35 : vector<16xf32> to vector<1x16xf32>
      tpu.vector_store %arg13[%swap3A_2669, %swap3A_2670], %swap3A_2673 {strides = array<i32>} : memref<272x64xf32, #tpu.memory_space<vmem>>, vector<1x16xf32>,
      %swap3A_2674 = arith.constant 18 : i32
      %swap3A_2675 = arith.index_cast %swap3A_2674 : i32 to index
      %swap3A_2676 = arith.constant 0 : index
      %swap3A_2677 = tpu.vector_load %arg13[%swap3A_2675, %swap3A_2676] {strides = array<i32>} : memref<272x64xf32, #tpu.memory_space<vmem>>, vector<1x16xf32>,
      %swap3A_2678 = vector.shape_cast %swap3A_2677 : vector<1x16xf32> to vector<16xf32>
      %swap3A_2679 = vector.shape_cast %broadcast_in_dim3A_35 : vector<16xf32> to vector<1x16xf32>
      tpu.vector_store %arg13[%swap3A_2675, %swap3A_2676], %swap3A_2679 {strides = array<i32>} : memref<272x64xf32, #tpu.memory_space<vmem>>, vector<1x16xf32>,
      %swap3A_2680 = arith.constant 18 : i32
      %swap3A_2681 = arith.index_cast %swap3A_2680 : i32 to index
      %swap3A_2682 = arith.constant 16 : index
      %swap3A_2683 = tpu.vector_load %arg13[%swap3A_2681, %swap3A_2682] {strides = array<i32>} : memref<272x64xf32, #tpu.memory_space<vmem>>, vector<1x16xf32>,
      %swap3A_2684 = vector.shape_cast %swap3A_2683 : vector<1x16xf32> to vector<16xf32>
      %swap3A_2685 = vector.shape_cast %broadcast_in_dim3A_35 : vector<16xf32> to vector<1x16xf32>
      tpu.vector_store %arg13[%swap3A_2681, %swap3A_2682], %swap3A_2685 {strides = array<i32>} : memref<272x64xf32, #tpu.memory_space<vmem>>, vector<1x16xf32>,
      %swap3A_2686 = arith.constant 18 : i32
      %swap3A_2687 = arith.index_cast %swap3A_2686 : i32 to index
      %swap3A_2688 = arith.constant 32 : index
      %swap3A_2689 = tpu.vector_load %arg13[%swap3A_2687, %swap3A_2688] {strides = array<i32>} : memref<272x64xf32, #tpu.memory_space<vmem>>, vector<1x16xf32>,
      %swap3A_2690 = vector.shape_cast %swap3A_2689 : vector<1x16xf32> to vector<16xf32>
      %swap3A_2691 = vector.shape_cast %broadcast_in_dim3A_35 : vector<16xf32> to vector<1x16xf32>
      tpu.vector_store %arg13[%swap3A_2687, %swap3A_2688], %swap3A_2691 {strides = array<i32>} : memref<272x64xf32, #tpu.memory_space<vmem>>, vector<1x16xf32>,
      %swap3A_2692 = arith.constant 18 : i32
      %swap3A_2693 = arith.index_cast %swap3A_2692 : i32 to index
      %swap3A_2694 = arith.constant 48 : index
      %swap3A_2695 = tpu.vector_load %arg13[%swap3A_2693, %swap3A_2694] {strides = array<i32>} : memref<272x64xf32, #tpu.memory_space<vmem>>, vector<1x16xf32>,
      %swap3A_2696 = vector.shape_cast %swap3A_2695 : vector<1x16xf32> to vector<16xf32>
      %swap3A_2697 = vector.shape_cast %broadcast_in_dim3A_35 : vector<16xf32> to vector<1x16xf32>
      tpu.vector_store %arg13[%swap3A_2693, %swap3A_2694], %swap3A_2697 {strides = array<i32>} : memref<272x64xf32, #tpu.memory_space<vmem>>, vector<1x16xf32>,
      %swap3A_2698 = arith.constant 19 : i32
      %swap3A_2699 = arith.index_cast %swap3A_2698 : i32 to index
      %swap3A_2700 = arith.constant 0 : index
      %swap3A_2701 = tpu.vector_load %arg13[%swap3A_2699, %swap3A_2700] {strides = array<i32>} : memref<272x64xf32, #tpu.memory_space<vmem>>, vector<1x16xf32>,
      %swap3A_2702 = vector.shape_cast %swap3A_2701 : vector<1x16xf32> to vector<16xf32>
      %swap3A_2703 = vector.shape_cast %broadcast_in_dim3A_35 : vector<16xf32> to vector<1x16xf32>
      tpu.vector_store %arg13[%swap3A_2699, %swap3A_2700], %swap3A_2703 {strides = array<i32>} : memref<272x64xf32, #tpu.memory_space<vmem>>, vector<1x16xf32>,
      %swap3A_2704 = arith.constant 19 : i32
      %swap3A_2705 = arith.index_cast %swap3A_2704 : i32 to index
      %swap3A_2706 = arith.constant 16 : index
      %swap3A_2707 = tpu.vector_load %arg13[%swap3A_2705, %swap3A_2706] {strides = array<i32>} : memref<272x64xf32, #tpu.memory_space<vmem>>, vector<1x16xf32>,
      %swap3A_2708 = vector.shape_cast %swap3A_2707 : vector<1x16xf32> to vector<16xf32>
      %swap3A_2709 = vector.shape_cast %broadcast_in_dim3A_35 : vector<16xf32> to vector<1x16xf32>
      tpu.vector_store %arg13[%swap3A_2705, %swap3A_2706], %swap3A_2709 {strides = array<i32>} : memref<272x64xf32, #tpu.memory_space<vmem>>, vector<1x16xf32>,
      %swap3A_2710 = arith.constant 19 : i32
      %swap3A_2711 = arith.index_cast %swap3A_2710 : i32 to index
      %swap3A_2712 = arith.constant 32 : index
      %swap3A_2713 = tpu.vector_load %arg13[%swap3A_2711, %swap3A_2712] {strides = array<i32>} : memref<272x64xf32, #tpu.memory_space<vmem>>, vector<1x16xf32>,
      %swap3A_2714 = vector.shape_cast %swap3A_2713 : vector<1x16xf32> to vector<16xf32>
      %swap3A_2715 = vector.shape_cast %broadcast_in_dim3A_35 : vector<16xf32> to vector<1x16xf32>
      tpu.vector_store %arg13[%swap3A_2711, %swap3A_2712], %swap3A_2715 {strides = array<i32>} : memref<272x64xf32, #tpu.memory_space<vmem>>, vector<1x16xf32>,
      %swap3A_2716 = arith.constant 19 : i32
      %swap3A_2717 = arith.index_cast %swap3A_2716 : i32 to index
      %swap3A_2718 = arith.constant 48 : index
      %swap3A_2719 = tpu.vector_load %arg13[%swap3A_2717, %swap3A_2718] {strides = array<i32>} : memref<272x64xf32, #tpu.memory_space<vmem>>, vector<1x16xf32>,
      %swap3A_2720 = vector.shape_cast %swap3A_2719 : vector<1x16xf32> to vector<16xf32>
      %swap3A_2721 = vector.shape_cast %broadcast_in_dim3A_35 : vector<16xf32> to vector<1x16xf32>
      tpu.vector_store %arg13[%swap3A_2717, %swap3A_2718], %swap3A_2721 {strides = array<i32>} : memref<272x64xf32, #tpu.memory_space<vmem>>, vector<1x16xf32>,
      %swap3A_2722 = arith.constant 20 : i32
      %swap3A_2723 = arith.index_cast %swap3A_2722 : i32 to index
      %swap3A_2724 = arith.constant 0 : index
      %swap3A_2725 = tpu.vector_load %arg13[%swap3A_2723, %swap3A_2724] {strides = array<i32>} : memref<272x64xf32, #tpu.memory_space<vmem>>, vector<1x16xf32>,
      %swap3A_2726 = vector.shape_cast %swap3A_2725 : vector<1x16xf32> to vector<16xf32>
      %swap3A_2727 = vector.shape_cast %broadcast_in_dim3A_35 : vector<16xf32> to vector<1x16xf32>
      tpu.vector_store %arg13[%swap3A_2723, %swap3A_2724], %swap3A_2727 {strides = array<i32>} : memref<272x64xf32, #tpu.memory_space<vmem>>, vector<1x16xf32>,
      %swap3A_2728 = arith.constant 20 : i32
      %swap3A_2729 = arith.index_cast %swap3A_2728 : i32 to index
      %swap3A_2730 = arith.constant 16 : index
      %swap3A_2731 = tpu.vector_load %arg13[%swap3A_2729, %swap3A_2730] {strides = array<i32>} : memref<272x64xf32, #tpu.memory_space<vmem>>, vector<1x16xf32>,
      %swap3A_2732 = vector.shape_cast %swap3A_2731 : vector<1x16xf32> to vector<16xf32>
      %swap3A_2733 = vector.shape_cast %broadcast_in_dim3A_35 : vector<16xf32> to vector<1x16xf32>
      tpu.vector_store %arg13[%swap3A_2729, %swap3A_2730], %swap3A_2733 {strides = array<i32>} : memref<272x64xf32, #tpu.memory_space<vmem>>, vector<1x16xf32>,
      %swap3A_2734 = arith.constant 20 : i32
      %swap3A_2735 = arith.index_cast %swap3A_2734 : i32 to index
      %swap3A_2736 = arith.constant 32 : index
      %swap3A_2737 = tpu.vector_load %arg13[%swap3A_2735, %swap3A_2736] {strides = array<i32>} : memref<272x64xf32, #tpu.memory_space<vmem>>, vector<1x16xf32>,
      %swap3A_2738 = vector.shape_cast %swap3A_2737 : vector<1x16xf32> to vector<16xf32>
      %swap3A_2739 = vector.shape_cast %broadcast_in_dim3A_35 : vector<16xf32> to vector<1x16xf32>
      tpu.vector_store %arg13[%swap3A_2735, %swap3A_2736], %swap3A_2739 {strides = array<i32>} : memref<272x64xf32, #tpu.memory_space<vmem>>, vector<1x16xf32>,
      %swap3A_2740 = arith.constant 20 : i32
      %swap3A_2741 = arith.index_cast %swap3A_2740 : i32 to index
      %swap3A_2742 = arith.constant 48 : index
      %swap3A_2743 = tpu.vector_load %arg13[%swap3A_2741, %swap3A_2742] {strides = array<i32>} : memref<272x64xf32, #tpu.memory_space<vmem>>, vector<1x16xf32>,
      %swap3A_2744 = vector.shape_cast %swap3A_2743 : vector<1x16xf32> to vector<16xf32>
      %swap3A_2745 = vector.shape_cast %broadcast_in_dim3A_35 : vector<16xf32> to vector<1x16xf32>
      tpu.vector_store %arg13[%swap3A_2741, %swap3A_2742], %swap3A_2745 {strides = array<i32>} : memref<272x64xf32, #tpu.memory_space<vmem>>, vector<1x16xf32>,
      %swap3A_2746 = arith.constant 21 : i32
      %swap3A_2747 = arith.index_cast %swap3A_2746 : i32 to index
      %swap3A_2748 = arith.constant 0 : index
      %swap3A_2749 = tpu.vector_load %arg13[%swap3A_2747, %swap3A_2748] {strides = array<i32>} : memref<272x64xf32, #tpu.memory_space<vmem>>, vector<1x16xf32>,
      %swap3A_2750 = vector.shape_cast %swap3A_2749 : vector<1x16xf32> to vector<16xf32>
      %swap3A_2751 = vector.shape_cast %broadcast_in_dim3A_35 : vector<16xf32> to vector<1x16xf32>
      tpu.vector_store %arg13[%swap3A_2747, %swap3A_2748], %swap3A_2751 {strides = array<i32>} : memref<272x64xf32, #tpu.memory_space<vmem>>, vector<1x16xf32>,
      %swap3A_2752 = arith.constant 21 : i32
      %swap3A_2753 = arith.index_cast %swap3A_2752 : i32 to index
      %swap3A_2754 = arith.constant 16 : index
      %swap3A_2755 = tpu.vector_load %arg13[%swap3A_2753, %swap3A_2754] {strides = array<i32>} : memref<272x64xf32, #tpu.memory_space<vmem>>, vector<1x16xf32>,
      %swap3A_2756 = vector.shape_cast %swap3A_2755 : vector<1x16xf32> to vector<16xf32>
      %swap3A_2757 = vector.shape_cast %broadcast_in_dim3A_35 : vector<16xf32> to vector<1x16xf32>
      tpu.vector_store %arg13[%swap3A_2753, %swap3A_2754], %swap3A_2757 {strides = array<i32>} : memref<272x64xf32, #tpu.memory_space<vmem>>, vector<1x16xf32>,
      %swap3A_2758 = arith.constant 21 : i32
      %swap3A_2759 = arith.index_cast %swap3A_2758 : i32 to index
      %swap3A_2760 = arith.constant 32 : index
      %swap3A_2761 = tpu.vector_load %arg13[%swap3A_2759, %swap3A_2760] {strides = array<i32>} : memref<272x64xf32, #tpu.memory_space<vmem>>, vector<1x16xf32>,
      %swap3A_2762 = vector.shape_cast %swap3A_2761 : vector<1x16xf32> to vector<16xf32>
      %swap3A_2763 = vector.shape_cast %broadcast_in_dim3A_35 : vector<16xf32> to vector<1x16xf32>
      tpu.vector_store %arg13[%swap3A_2759, %swap3A_2760], %swap3A_2763 {strides = array<i32>} : memref<272x64xf32, #tpu.memory_space<vmem>>, vector<1x16xf32>,
      %swap3A_2764 = arith.constant 21 : i32
      %swap3A_2765 = arith.index_cast %swap3A_2764 : i32 to index
      %swap3A_2766 = arith.constant 48 : index
      %swap3A_2767 = tpu.vector_load %arg13[%swap3A_2765, %swap3A_2766] {strides = array<i32>} : memref<272x64xf32, #tpu.memory_space<vmem>>, vector<1x16xf32>,
      %swap3A_2768 = vector.shape_cast %swap3A_2767 : vector<1x16xf32> to vector<16xf32>
      %swap3A_2769 = vector.shape_cast %broadcast_in_dim3A_35 : vector<16xf32> to vector<1x16xf32>
      tpu.vector_store %arg13[%swap3A_2765, %swap3A_2766], %swap3A_2769 {strides = array<i32>} : memref<272x64xf32, #tpu.memory_space<vmem>>, vector<1x16xf32>,
      %swap3A_2770 = arith.constant 22 : i32
      %swap3A_2771 = arith.index_cast %swap3A_2770 : i32 to index
      %swap3A_2772 = arith.constant 0 : index
      %swap3A_2773 = tpu.vector_load %arg13[%swap3A_2771, %swap3A_2772] {strides = array<i32>} : memref<272x64xf32, #tpu.memory_space<vmem>>, vector<1x16xf32>,
      %swap3A_2774 = vector.shape_cast %swap3A_2773 : vector<1x16xf32> to vector<16xf32>
      %swap3A_2775 = vector.shape_cast %broadcast_in_dim3A_35 : vector<16xf32> to vector<1x16xf32>
      tpu.vector_store %arg13[%swap3A_2771, %swap3A_2772], %swap3A_2775 {strides = array<i32>} : memref<272x64xf32, #tpu.memory_space<vmem>>, vector<1x16xf32>,
      %swap3A_2776 = arith.constant 22 : i32
      %swap3A_2777 = arith.index_cast %swap3A_2776 : i32 to index
      %swap3A_2778 = arith.constant 16 : index
      %swap3A_2779 = tpu.vector_load %arg13[%swap3A_2777, %swap3A_2778] {strides = array<i32>} : memref<272x64xf32, #tpu.memory_space<vmem>>, vector<1x16xf32>,
      %swap3A_2780 = vector.shape_cast %swap3A_2779 : vector<1x16xf32> to vector<16xf32>
      %swap3A_2781 = vector.shape_cast %broadcast_in_dim3A_35 : vector<16xf32> to vector<1x16xf32>
      tpu.vector_store %arg13[%swap3A_2777, %swap3A_2778], %swap3A_2781 {strides = array<i32>} : memref<272x64xf32, #tpu.memory_space<vmem>>, vector<1x16xf32>,
      %swap3A_2782 = arith.constant 22 : i32
      %swap3A_2783 = arith.index_cast %swap3A_2782 : i32 to index
      %swap3A_2784 = arith.constant 32 : index
      %swap3A_2785 = tpu.vector_load %arg13[%swap3A_2783, %swap3A_2784] {strides = array<i32>} : memref<272x64xf32, #tpu.memory_space<vmem>>, vector<1x16xf32>,
      %swap3A_2786 = vector.shape_cast %swap3A_2785 : vector<1x16xf32> to vector<16xf32>
      %swap3A_2787 = vector.shape_cast %broadcast_in_dim3A_35 : vector<16xf32> to vector<1x16xf32>
      tpu.vector_store %arg13[%swap3A_2783, %swap3A_2784], %swap3A_2787 {strides = array<i32>} : memref<272x64xf32, #tpu.memory_space<vmem>>, vector<1x16xf32>,
      %swap3A_2788 = arith.constant 22 : i32
      %swap3A_2789 = arith.index_cast %swap3A_2788 : i32 to index
      %swap3A_2790 = arith.constant 48 : index
      %swap3A_2791 = tpu.vector_load %arg13[%swap3A_2789, %swap3A_2790] {strides = array<i32>} : memref<272x64xf32, #tpu.memory_space<vmem>>, vector<1x16xf32>,
      %swap3A_2792 = vector.shape_cast %swap3A_2791 : vector<1x16xf32> to vector<16xf32>
      %swap3A_2793 = vector.shape_cast %broadcast_in_dim3A_35 : vector<16xf32> to vector<1x16xf32>
      tpu.vector_store %arg13[%swap3A_2789, %swap3A_2790], %swap3A_2793 {strides = array<i32>} : memref<272x64xf32, #tpu.memory_space<vmem>>, vector<1x16xf32>,
    } else {
    }
    %get3A_2020 = arith.constant 7 : i32
    %get3A_2021 = arith.index_cast %get3A_2020 : i32 to index
    %get3A_2022 = arith.constant 0 : index
    %get3A_2023 = tpu.vector_load %arg13[%get3A_2021, %get3A_2022] {strides = array<i32>} : memref<272x64xf32, #tpu.memory_space<vmem>>, vector<1x16xf32>,
    %get3A_2024 = vector.shape_cast %get3A_2023 : vector<1x16xf32> to vector<16xf32>
    %add3A_2025 = arith.addf %broadcast_in_dim3A_35, %get3A_2024 : vector<16xf32>
    %get3A_2026 = arith.constant 7 : i32
    %get3A_2027 = arith.index_cast %get3A_2026 : i32 to index
    %get3A_2028 = arith.constant 16 : index
    %get3A_2029 = tpu.vector_load %arg13[%get3A_2027, %get3A_2028] {strides = array<i32>} : memref<272x64xf32, #tpu.memory_space<vmem>>, vector<1x16xf32>,
    %get3A_2030 = vector.shape_cast %get3A_2029 : vector<1x16xf32> to vector<16xf32>
    %add3A_2031 = arith.addf %broadcast_in_dim3A_35, %get3A_2030 : vector<16xf32>
    %get3A_2032 = arith.constant 7 : i32
    %get3A_2033 = arith.index_cast %get3A_2032 : i32 to index
    %get3A_2034 = arith.constant 32 : index
    %get3A_2035 = tpu.vector_load %arg13[%get3A_2033, %get3A_2034] {strides = array<i32>} : memref<272x64xf32, #tpu.memory_space<vmem>>, vector<1x16xf32>,
    %get3A_2036 = vector.shape_cast %get3A_2035 : vector<1x16xf32> to vector<16xf32>
    %add3A_2037 = arith.addf %broadcast_in_dim3A_35, %get3A_2036 : vector<16xf32>
    %get3A_2038 = arith.constant 7 : i32
    %get3A_2039 = arith.index_cast %get3A_2038 : i32 to index
    %get3A_2040 = arith.constant 48 : index
    %get3A_2041 = tpu.vector_load %arg13[%get3A_2039, %get3A_2040] {strides = array<i32>} : memref<272x64xf32, #tpu.memory_space<vmem>>, vector<1x16xf32>,
    %get3A_2042 = vector.shape_cast %get3A_2041 : vector<1x16xf32> to vector<16xf32>
    %add3A_2043 = arith.addf %broadcast_in_dim3A_35, %get3A_2042 : vector<16xf32>
    %get3A_2044 = arith.constant 8 : i32
    %get3A_2045 = arith.index_cast %get3A_2044 : i32 to index
    %get3A_2046 = arith.constant 0 : index
    %get3A_2047 = tpu.vector_load %arg13[%get3A_2045, %get3A_2046] {strides = array<i32>} : memref<272x64xf32, #tpu.memory_space<vmem>>, vector<1x16xf32>,
    %get3A_2048 = vector.shape_cast %get3A_2047 : vector<1x16xf32> to vector<16xf32>
    %add3A_2049 = arith.addf %add3A_2025, %get3A_2048 : vector<16xf32>
    %get3A_2050 = arith.constant 8 : i32
    %get3A_2051 = arith.index_cast %get3A_2050 : i32 to index
    %get3A_2052 = arith.constant 16 : index
    %get3A_2053 = tpu.vector_load %arg13[%get3A_2051, %get3A_2052] {strides = array<i32>} : memref<272x64xf32, #tpu.memory_space<vmem>>, vector<1x16xf32>,
    %get3A_2054 = vector.shape_cast %get3A_2053 : vector<1x16xf32> to vector<16xf32>
    %add3A_2055 = arith.addf %add3A_2031, %get3A_2054 : vector<16xf32>
    %get3A_2056 = arith.constant 8 : i32
    %get3A_2057 = arith.index_cast %get3A_2056 : i32 to index
    %get3A_2058 = arith.constant 32 : index
    %get3A_2059 = tpu.vector_load %arg13[%get3A_2057, %get3A_2058] {strides = array<i32>} : memref<272x64xf32, #tpu.memory_space<vmem>>, vector<1x16xf32>,
    %get3A_2060 = vector.shape_cast %get3A_2059 : vector<1x16xf32> to vector<16xf32>
    %add3A_2061 = arith.addf %add3A_2037, %get3A_2060 : vector<16xf32>
    %get3A_2062 = arith.constant 8 : i32
    %get3A_2063 = arith.index_cast %get3A_2062 : i32 to index
    %get3A_2064 = arith.constant 48 : index
    %get3A_2065 = tpu.vector_load %arg13[%get3A_2063, %get3A_2064] {strides = array<i32>} : memref<272x64xf32, #tpu.memory_space<vmem>>, vector<1x16xf32>,
    %get3A_2066 = vector.shape_cast %get3A_2065 : vector<1x16xf32> to vector<16xf32>
    %add3A_2067 = arith.addf %add3A_2043, %get3A_2066 : vector<16xf32>
    %get3A_2068 = arith.constant 9 : i32
    %get3A_2069 = arith.index_cast %get3A_2068 : i32 to index
    %get3A_2070 = arith.constant 0 : index
    %get3A_2071 = tpu.vector_load %arg13[%get3A_2069, %get3A_2070] {strides = array<i32>} : memref<272x64xf32, #tpu.memory_space<vmem>>, vector<1x16xf32>,
    %get3A_2072 = vector.shape_cast %get3A_2071 : vector<1x16xf32> to vector<16xf32>
    %add3A_2073 = arith.addf %add3A_2049, %get3A_2072 : vector<16xf32>
    %get3A_2074 = arith.constant 9 : i32
    %get3A_2075 = arith.index_cast %get3A_2074 : i32 to index
    %get3A_2076 = arith.constant 16 : index
    %get3A_2077 = tpu.vector_load %arg13[%get3A_2075, %get3A_2076] {strides = array<i32>} : memref<272x64xf32, #tpu.memory_space<vmem>>, vector<1x16xf32>,
    %get3A_2078 = vector.shape_cast %get3A_2077 : vector<1x16xf32> to vector<16xf32>
    %add3A_2079 = arith.addf %add3A_2055, %get3A_2078 : vector<16xf32>
    %get3A_2080 = arith.constant 9 : i32
    %get3A_2081 = arith.index_cast %get3A_2080 : i32 to index
    %get3A_2082 = arith.constant 32 : index
    %get3A_2083 = tpu.vector_load %arg13[%get3A_2081, %get3A_2082] {strides = array<i32>} : memref<272x64xf32, #tpu.memory_space<vmem>>, vector<1x16xf32>,
    %get3A_2084 = vector.shape_cast %get3A_2083 : vector<1x16xf32> to vector<16xf32>
    %add3A_2085 = arith.addf %add3A_2061, %get3A_2084 : vector<16xf32>
    %get3A_2086 = arith.constant 9 : i32
    %get3A_2087 = arith.index_cast %get3A_2086 : i32 to index
    %get3A_2088 = arith.constant 48 : index
    %get3A_2089 = tpu.vector_load %arg13[%get3A_2087, %get3A_2088] {strides = array<i32>} : memref<272x64xf32, #tpu.memory_space<vmem>>, vector<1x16xf32>,
    %get3A_2090 = vector.shape_cast %get3A_2089 : vector<1x16xf32> to vector<16xf32>
    %add3A_2091 = arith.addf %add3A_2067, %get3A_2090 : vector<16xf32>
    %get3A_2092 = arith.constant 10 : i32
    %get3A_2093 = arith.index_cast %get3A_2092 : i32 to index
    %get3A_2094 = arith.constant 0 : index
    %get3A_2095 = tpu.vector_load %arg13[%get3A_2093, %get3A_2094] {strides = array<i32>} : memref<272x64xf32, #tpu.memory_space<vmem>>, vector<1x16xf32>,
    %get3A_2096 = vector.shape_cast %get3A_2095 : vector<1x16xf32> to vector<16xf32>
    %add3A_2097 = arith.addf %add3A_2073, %get3A_2096 : vector<16xf32>
    %get3A_2098 = arith.constant 10 : i32
    %get3A_2099 = arith.index_cast %get3A_2098 : i32 to index
    %get3A_2100 = arith.constant 16 : index
    %get3A_2101 = tpu.vector_load %arg13[%get3A_2099, %get3A_2100] {strides = array<i32>} : memref<272x64xf32, #tpu.memory_space<vmem>>, vector<1x16xf32>,
    %get3A_2102 = vector.shape_cast %get3A_2101 : vector<1x16xf32> to vector<16xf32>
    %add3A_2103 = arith.addf %add3A_2079, %get3A_2102 : vector<16xf32>
    %get3A_2104 = arith.constant 10 : i32
    %get3A_2105 = arith.index_cast %get3A_2104 : i32 to index
    %get3A_2106 = arith.constant 32 : index
    %get3A_2107 = tpu.vector_load %arg13[%get3A_2105, %get3A_2106] {strides = array<i32>} : memref<272x64xf32, #tpu.memory_space<vmem>>, vector<1x16xf32>,
    %get3A_2108 = vector.shape_cast %get3A_2107 : vector<1x16xf32> to vector<16xf32>
    %add3A_2109 = arith.addf %add3A_2085, %get3A_2108 : vector<16xf32>
    %get3A_2110 = arith.constant 10 : i32
    %get3A_2111 = arith.index_cast %get3A_2110 : i32 to index
    %get3A_2112 = arith.constant 48 : index
    %get3A_2113 = tpu.vector_load %arg13[%get3A_2111, %get3A_2112] {strides = array<i32>} : memref<272x64xf32, #tpu.memory_space<vmem>>, vector<1x16xf32>,
    %get3A_2114 = vector.shape_cast %get3A_2113 : vector<1x16xf32> to vector<16xf32>
    %add3A_2115 = arith.addf %add3A_2091, %get3A_2114 : vector<16xf32>
    %get3A_2116 = arith.constant 11 : i32
    %get3A_2117 = arith.index_cast %get3A_2116 : i32 to index
    %get3A_2118 = arith.constant 0 : index
    %get3A_2119 = tpu.vector_load %arg13[%get3A_2117, %get3A_2118] {strides = array<i32>} : memref<272x64xf32, #tpu.memory_space<vmem>>, vector<1x16xf32>,
    %get3A_2120 = vector.shape_cast %get3A_2119 : vector<1x16xf32> to vector<16xf32>
    %add3A_2121 = arith.addf %add3A_2097, %get3A_2120 : vector<16xf32>
    %get3A_2122 = arith.constant 11 : i32
    %get3A_2123 = arith.index_cast %get3A_2122 : i32 to index
    %get3A_2124 = arith.constant 16 : index
    %get3A_2125 = tpu.vector_load %arg13[%get3A_2123, %get3A_2124] {strides = array<i32>} : memref<272x64xf32, #tpu.memory_space<vmem>>, vector<1x16xf32>,
    %get3A_2126 = vector.shape_cast %get3A_2125 : vector<1x16xf32> to vector<16xf32>
    %add3A_2127 = arith.addf %add3A_2103, %get3A_2126 : vector<16xf32>
    %get3A_2128 = arith.constant 11 : i32
    %get3A_2129 = arith.index_cast %get3A_2128 : i32 to index
    %get3A_2130 = arith.constant 32 : index
    %get3A_2131 = tpu.vector_load %arg13[%get3A_2129, %get3A_2130] {strides = array<i32>} : memref<272x64xf32, #tpu.memory_space<vmem>>, vector<1x16xf32>,
    %get3A_2132 = vector.shape_cast %get3A_2131 : vector<1x16xf32> to vector<16xf32>
    %add3A_2133 = arith.addf %add3A_2109, %get3A_2132 : vector<16xf32>
    %get3A_2134 = arith.constant 11 : i32
    %get3A_2135 = arith.index_cast %get3A_2134 : i32 to index
    %get3A_2136 = arith.constant 48 : index
    %get3A_2137 = tpu.vector_load %arg13[%get3A_2135, %get3A_2136] {strides = array<i32>} : memref<272x64xf32, #tpu.memory_space<vmem>>, vector<1x16xf32>,
    %get3A_2138 = vector.shape_cast %get3A_2137 : vector<1x16xf32> to vector<16xf32>
    %add3A_2139 = arith.addf %add3A_2115, %get3A_2138 : vector<16xf32>
    %get3A_2140 = arith.constant 12 : i32
    %get3A_2141 = arith.index_cast %get3A_2140 : i32 to index
    %get3A_2142 = arith.constant 0 : index
    %get3A_2143 = tpu.vector_load %arg13[%get3A_2141, %get3A_2142] {strides = array<i32>} : memref<272x64xf32, #tpu.memory_space<vmem>>, vector<1x16xf32>,
    %get3A_2144 = vector.shape_cast %get3A_2143 : vector<1x16xf32> to vector<16xf32>
    %add3A_2145 = arith.addf %add3A_2121, %get3A_2144 : vector<16xf32>
    %get3A_2146 = arith.constant 12 : i32
    %get3A_2147 = arith.index_cast %get3A_2146 : i32 to index
    %get3A_2148 = arith.constant 16 : index
    %get3A_2149 = tpu.vector_load %arg13[%get3A_2147, %get3A_2148] {strides = array<i32>} : memref<272x64xf32, #tpu.memory_space<vmem>>, vector<1x16xf32>,
    %get3A_2150 = vector.shape_cast %get3A_2149 : vector<1x16xf32> to vector<16xf32>
    %add3A_2151 = arith.addf %add3A_2127, %get3A_2150 : vector<16xf32>
    %get3A_2152 = arith.constant 12 : i32
    %get3A_2153 = arith.index_cast %get3A_2152 : i32 to index
    %get3A_2154 = arith.constant 32 : index
    %get3A_2155 = tpu.vector_load %arg13[%get3A_2153, %get3A_2154] {strides = array<i32>} : memref<272x64xf32, #tpu.memory_space<vmem>>, vector<1x16xf32>,
    %get3A_2156 = vector.shape_cast %get3A_2155 : vector<1x16xf32> to vector<16xf32>
    %add3A_2157 = arith.addf %add3A_2133, %get3A_2156 : vector<16xf32>
    %get3A_2158 = arith.constant 12 : i32
    %get3A_2159 = arith.index_cast %get3A_2158 : i32 to index
    %get3A_2160 = arith.constant 48 : index
    %get3A_2161 = tpu.vector_load %arg13[%get3A_2159, %get3A_2160] {strides = array<i32>} : memref<272x64xf32, #tpu.memory_space<vmem>>, vector<1x16xf32>,
    %get3A_2162 = vector.shape_cast %get3A_2161 : vector<1x16xf32> to vector<16xf32>
    %add3A_2163 = arith.addf %add3A_2139, %get3A_2162 : vector<16xf32>
    %get3A_2164 = arith.constant 13 : i32
    %get3A_2165 = arith.index_cast %get3A_2164 : i32 to index
    %get3A_2166 = arith.constant 0 : index
    %get3A_2167 = tpu.vector_load %arg13[%get3A_2165, %get3A_2166] {strides = array<i32>} : memref<272x64xf32, #tpu.memory_space<vmem>>, vector<1x16xf32>,
    %get3A_2168 = vector.shape_cast %get3A_2167 : vector<1x16xf32> to vector<16xf32>
    %add3A_2169 = arith.addf %add3A_2145, %get3A_2168 : vector<16xf32>
    %get3A_2170 = arith.constant 13 : i32
    %get3A_2171 = arith.index_cast %get3A_2170 : i32 to index
    %get3A_2172 = arith.constant 16 : index
    %get3A_2173 = tpu.vector_load %arg13[%get3A_2171, %get3A_2172] {strides = array<i32>} : memref<272x64xf32, #tpu.memory_space<vmem>>, vector<1x16xf32>,
    %get3A_2174 = vector.shape_cast %get3A_2173 : vector<1x16xf32> to vector<16xf32>
    %add3A_2175 = arith.addf %add3A_2151, %get3A_2174 : vector<16xf32>
    %get3A_2176 = arith.constant 13 : i32
    %get3A_2177 = arith.index_cast %get3A_2176 : i32 to index
    %get3A_2178 = arith.constant 32 : index
    %get3A_2179 = tpu.vector_load %arg13[%get3A_2177, %get3A_2178] {strides = array<i32>} : memref<272x64xf32, #tpu.memory_space<vmem>>, vector<1x16xf32>,
    %get3A_2180 = vector.shape_cast %get3A_2179 : vector<1x16xf32> to vector<16xf32>
    %add3A_2181 = arith.addf %add3A_2157, %get3A_2180 : vector<16xf32>
    %get3A_2182 = arith.constant 13 : i32
    %get3A_2183 = arith.index_cast %get3A_2182 : i32 to index
    %get3A_2184 = arith.constant 48 : index
    %get3A_2185 = tpu.vector_load %arg13[%get3A_2183, %get3A_2184] {strides = array<i32>} : memref<272x64xf32, #tpu.memory_space<vmem>>, vector<1x16xf32>,
    %get3A_2186 = vector.shape_cast %get3A_2185 : vector<1x16xf32> to vector<16xf32>
    %add3A_2187 = arith.addf %add3A_2163, %get3A_2186 : vector<16xf32>
    %get3A_2188 = arith.constant 14 : i32
    %get3A_2189 = arith.index_cast %get3A_2188 : i32 to index
    %get3A_2190 = arith.constant 0 : index
    %get3A_2191 = tpu.vector_load %arg13[%get3A_2189, %get3A_2190] {strides = array<i32>} : memref<272x64xf32, #tpu.memory_space<vmem>>, vector<1x16xf32>,
    %get3A_2192 = vector.shape_cast %get3A_2191 : vector<1x16xf32> to vector<16xf32>
    %add3A_2193 = arith.addf %add3A_2169, %get3A_2192 : vector<16xf32>
    %get3A_2194 = arith.constant 14 : i32
    %get3A_2195 = arith.index_cast %get3A_2194 : i32 to index
    %get3A_2196 = arith.constant 16 : index
    %get3A_2197 = tpu.vector_load %arg13[%get3A_2195, %get3A_2196] {strides = array<i32>} : memref<272x64xf32, #tpu.memory_space<vmem>>, vector<1x16xf32>,
    %get3A_2198 = vector.shape_cast %get3A_2197 : vector<1x16xf32> to vector<16xf32>
    %add3A_2199 = arith.addf %add3A_2175, %get3A_2198 : vector<16xf32>
    %get3A_2200 = arith.constant 14 : i32
    %get3A_2201 = arith.index_cast %get3A_2200 : i32 to index
    %get3A_2202 = arith.constant 32 : index
    %get3A_2203 = tpu.vector_load %arg13[%get3A_2201, %get3A_2202] {strides = array<i32>} : memref<272x64xf32, #tpu.memory_space<vmem>>, vector<1x16xf32>,
    %get3A_2204 = vector.shape_cast %get3A_2203 : vector<1x16xf32> to vector<16xf32>
    %add3A_2205 = arith.addf %add3A_2181, %get3A_2204 : vector<16xf32>
    %get3A_2206 = arith.constant 14 : i32
    %get3A_2207 = arith.index_cast %get3A_2206 : i32 to index
    %get3A_2208 = arith.constant 48 : index
    %get3A_2209 = tpu.vector_load %arg13[%get3A_2207, %get3A_2208] {strides = array<i32>} : memref<272x64xf32, #tpu.memory_space<vmem>>, vector<1x16xf32>,
    %get3A_2210 = vector.shape_cast %get3A_2209 : vector<1x16xf32> to vector<16xf32>
    %add3A_2211 = arith.addf %add3A_2187, %get3A_2210 : vector<16xf32>
    %get3A_2212 = arith.constant 15 : i32
    %get3A_2213 = arith.index_cast %get3A_2212 : i32 to index
    %get3A_2214 = arith.constant 0 : index
    %get3A_2215 = tpu.vector_load %arg13[%get3A_2213, %get3A_2214] {strides = array<i32>} : memref<272x64xf32, #tpu.memory_space<vmem>>, vector<1x16xf32>,
    %get3A_2216 = vector.shape_cast %get3A_2215 : vector<1x16xf32> to vector<16xf32>
    %add3A_2217 = arith.addf %add3A_2193, %get3A_2216 : vector<16xf32>
    %get3A_2218 = arith.constant 15 : i32
    %get3A_2219 = arith.index_cast %get3A_2218 : i32 to index
    %get3A_2220 = arith.constant 16 : index
    %get3A_2221 = tpu.vector_load %arg13[%get3A_2219, %get3A_2220] {strides = array<i32>} : memref<272x64xf32, #tpu.memory_space<vmem>>, vector<1x16xf32>,
    %get3A_2222 = vector.shape_cast %get3A_2221 : vector<1x16xf32> to vector<16xf32>
    %add3A_2223 = arith.addf %add3A_2199, %get3A_2222 : vector<16xf32>
    %get3A_2224 = arith.constant 15 : i32
    %get3A_2225 = arith.index_cast %get3A_2224 : i32 to index
    %get3A_2226 = arith.constant 32 : index
    %get3A_2227 = tpu.vector_load %arg13[%get3A_2225, %get3A_2226] {strides = array<i32>} : memref<272x64xf32, #tpu.memory_space<vmem>>, vector<1x16xf32>,
    %get3A_2228 = vector.shape_cast %get3A_2227 : vector<1x16xf32> to vector<16xf32>
    %add3A_2229 = arith.addf %add3A_2205, %get3A_2228 : vector<16xf32>
    %get3A_2230 = arith.constant 15 : i32
    %get3A_2231 = arith.index_cast %get3A_2230 : i32 to index
    %get3A_2232 = arith.constant 48 : index
    %get3A_2233 = tpu.vector_load %arg13[%get3A_2231, %get3A_2232] {strides = array<i32>} : memref<272x64xf32, #tpu.memory_space<vmem>>, vector<1x16xf32>,
    %get3A_2234 = vector.shape_cast %get3A_2233 : vector<1x16xf32> to vector<16xf32>
    %add3A_2235 = arith.addf %add3A_2211, %get3A_2234 : vector<16xf32>
    %scan3A_2236 = arith.constant 0 : i32
    %scan3A_2237 = arith.constant 128 : i32
    %scan3A_2238 = arith.addi %scan3A_2236, %scan3A_2237 : i32
    %scan3A_2239 = arith.constant 1 : i32
    %scan3A_2240:4 = scf.for %scan3A_2242 = %scan3A_2236 to %scan3A_2238 step %scan3A_2239 iter_args(%scan3A_2243 = %add3A_2217, %scan3A_2244 = %add3A_2223, %scan3A_2245 = %add3A_2229, %scan3A_2246 = %add3A_2235) -> (vector<16xf32>, vector<16xf32>, vector<16xf32>, vector<16xf32>)  : i32 {
      %mul3A_2247 = arith.constant 2 : i32
      %mul3A_2248 = arith.muli %scan3A_2242, %mul3A_2247 : i32
      %add3A_2249 = arith.constant 0 : i32
      %add3A_2250 = arith.addi %mul3A_2248, %add3A_2249 : i32
      %add3A_2251 = arith.constant 16 : i32
      %add3A_2252 = arith.addi %add3A_2250, %add3A_2251 : i32
      %get3A_2253 = arith.index_cast %add3A_2252 : i32 to index
      %get3A_2254 = arith.constant 0 : index
      %get3A_2255 = tpu.vector_load %arg13[%get3A_2253, %get3A_2254] {strides = array<i32>} : memref<272x64xf32, #tpu.memory_space<vmem>>, vector<1x16xf32>,
      %get3A_2256 = vector.shape_cast %get3A_2255 : vector<1x16xf32> to vector<16xf32>
      %add3A_2257 = arith.addf %scan3A_2243, %get3A_2256 : vector<16xf32>
      %add3A_2258 = arith.constant 16 : i32
      %add3A_2259 = arith.addi %add3A_2250, %add3A_2258 : i32
      %sub3A_2260 = arith.constant 9 : i32
      %sub3A_2261 = arith.subi %add3A_2259, %sub3A_2260 : i32
      %get3A_2262 = arith.index_cast %sub3A_2261 : i32 to index
      %get3A_2263 = arith.constant 0 : index
      %get3A_2264 = tpu.vector_load %arg13[%get3A_2262, %get3A_2263] {strides = array<i32>} : memref<272x64xf32, #tpu.memory_space<vmem>>, vector<1x16xf32>,
      %get3A_2265 = vector.shape_cast %get3A_2264 : vector<1x16xf32> to vector<16xf32>
      %sub3A_2266 = arith.subf %add3A_2257, %get3A_2265 : vector<16xf32>
      %swap3A_2267 = arith.index_cast %add3A_2250 : i32 to index
      %swap3A_2268 = arith.constant 128 : index
      %swap3A_2269 = tpu.vector_load %arg14[%swap3A_2267, %swap3A_2268] {strides = array<i32>} : memref<256x192xf32, #tpu.memory_space<vmem>>, vector<1x16xf32>,
      %swap3A_2270 = vector.shape_cast %swap3A_2269 : vector<1x16xf32> to vector<16xf32>
      %swap3A_2271 = vector.shape_cast %sub3A_2266 : vector<16xf32> to vector<1x16xf32>
      tpu.vector_store %arg14[%swap3A_2267, %swap3A_2268], %swap3A_2271 {strides = array<i32>} : memref<256x192xf32, #tpu.memory_space<vmem>>, vector<1x16xf32>,
      %add3A_2272 = arith.constant 16 : i32
      %add3A_2273 = arith.addi %add3A_2250, %add3A_2272 : i32
      %get3A_2274 = arith.index_cast %add3A_2273 : i32 to index
      %get3A_2275 = arith.constant 16 : index
      %get3A_2276 = tpu.vector_load %arg13[%get3A_2274, %get3A_2275] {strides = array<i32>} : memref<272x64xf32, #tpu.memory_space<vmem>>, vector<1x16xf32>,
      %get3A_2277 = vector.shape_cast %get3A_2276 : vector<1x16xf32> to vector<16xf32>
      %add3A_2278 = arith.addf %scan3A_2244, %get3A_2277 : vector<16xf32>
      %add3A_2279 = arith.constant 16 : i32
      %add3A_2280 = arith.addi %add3A_2250, %add3A_2279 : i32
      %sub3A_2281 = arith.constant 9 : i32
      %sub3A_2282 = arith.subi %add3A_2280, %sub3A_2281 : i32
      %get3A_2283 = arith.index_cast %sub3A_2282 : i32 to index
      %get3A_2284 = arith.constant 16 : index
      %get3A_2285 = tpu.vector_load %arg13[%get3A_2283, %get3A_2284] {strides = array<i32>} : memref<272x64xf32, #tpu.memory_space<vmem>>, vector<1x16xf32>,
      %get3A_2286 = vector.shape_cast %get3A_2285 : vector<1x16xf32> to vector<16xf32>
      %sub3A_2287 = arith.subf %add3A_2278, %get3A_2286 : vector<16xf32>
      %swap3A_2288 = arith.index_cast %add3A_2250 : i32 to index
      %swap3A_2289 = arith.constant 144 : index
      %swap3A_2290 = tpu.vector_load %arg14[%swap3A_2288, %swap3A_2289] {strides = array<i32>} : memref<256x192xf32, #tpu.memory_space<vmem>>, vector<1x16xf32>,
      %swap3A_2291 = vector.shape_cast %swap3A_2290 : vector<1x16xf32> to vector<16xf32>
      %swap3A_2292 = vector.shape_cast %sub3A_2287 : vector<16xf32> to vector<1x16xf32>
      tpu.vector_store %arg14[%swap3A_2288, %swap3A_2289], %swap3A_2292 {strides = array<i32>} : memref<256x192xf32, #tpu.memory_space<vmem>>, vector<1x16xf32>,
      %add3A_2293 = arith.constant 16 : i32
      %add3A_2294 = arith.addi %add3A_2250, %add3A_2293 : i32
      %get3A_2295 = arith.index_cast %add3A_2294 : i32 to index
      %get3A_2296 = arith.constant 32 : index
      %get3A_2297 = tpu.vector_load %arg13[%get3A_2295, %get3A_2296] {strides = array<i32>} : memref<272x64xf32, #tpu.memory_space<vmem>>, vector<1x16xf32>,
      %get3A_2298 = vector.shape_cast %get3A_2297 : vector<1x16xf32> to vector<16xf32>
      %add3A_2299 = arith.addf %scan3A_2245, %get3A_2298 : vector<16xf32>
      %add3A_2300 = arith.constant 16 : i32
      %add3A_2301 = arith.addi %add3A_2250, %add3A_2300 : i32
      %sub3A_2302 = arith.constant 9 : i32
      %sub3A_2303 = arith.subi %add3A_2301, %sub3A_2302 : i32
      %get3A_2304 = arith.index_cast %sub3A_2303 : i32 to index
      %get3A_2305 = arith.constant 32 : index
      %get3A_2306 = tpu.vector_load %arg13[%get3A_2304, %get3A_2305] {strides = array<i32>} : memref<272x64xf32, #tpu.memory_space<vmem>>, vector<1x16xf32>,
      %get3A_2307 = vector.shape_cast %get3A_2306 : vector<1x16xf32> to vector<16xf32>
      %sub3A_2308 = arith.subf %add3A_2299, %get3A_2307 : vector<16xf32>
      %swap3A_2309 = arith.index_cast %add3A_2250 : i32 to index
      %swap3A_2310 = arith.constant 160 : index
      %swap3A_2311 = tpu.vector_load %arg14[%swap3A_2309, %swap3A_2310] {strides = array<i32>} : memref<256x192xf32, #tpu.memory_space<vmem>>, vector<1x16xf32>,
      %swap3A_2312 = vector.shape_cast %swap3A_2311 : vector<1x16xf32> to vector<16xf32>
      %swap3A_2313 = vector.shape_cast %sub3A_2308 : vector<16xf32> to vector<1x16xf32>
      tpu.vector_store %arg14[%swap3A_2309, %swap3A_2310], %swap3A_2313 {strides = array<i32>} : memref<256x192xf32, #tpu.memory_space<vmem>>, vector<1x16xf32>,
      %add3A_2314 = arith.constant 16 : i32
      %add3A_2315 = arith.addi %add3A_2250, %add3A_2314 : i32
      %get3A_2316 = arith.index_cast %add3A_2315 : i32 to index
      %get3A_2317 = arith.constant 48 : index
      %get3A_2318 = tpu.vector_load %arg13[%get3A_2316, %get3A_2317] {strides = array<i32>} : memref<272x64xf32, #tpu.memory_space<vmem>>, vector<1x16xf32>,
      %get3A_2319 = vector.shape_cast %get3A_2318 : vector<1x16xf32> to vector<16xf32>
      %add3A_2320 = arith.addf %scan3A_2246, %get3A_2319 : vector<16xf32>
      %add3A_2321 = arith.constant 16 : i32
      %add3A_2322 = arith.addi %add3A_2250, %add3A_2321 : i32
      %sub3A_2323 = arith.constant 9 : i32
      %sub3A_2324 = arith.subi %add3A_2322, %sub3A_2323 : i32
      %get3A_2325 = arith.index_cast %sub3A_2324 : i32 to index
      %get3A_2326 = arith.constant 48 : index
      %get3A_2327 = tpu.vector_load %arg13[%get3A_2325, %get3A_2326] {strides = array<i32>} : memref<272x64xf32, #tpu.memory_space<vmem>>, vector<1x16xf32>,
      %get3A_2328 = vector.shape_cast %get3A_2327 : vector<1x16xf32> to vector<16xf32>
      %sub3A_2329 = arith.subf %add3A_2320, %get3A_2328 : vector<16xf32>
      %swap3A_2330 = arith.index_cast %add3A_2250 : i32 to index
      %swap3A_2331 = arith.constant 176 : index
      %swap3A_2332 = tpu.vector_load %arg14[%swap3A_2330, %swap3A_2331] {strides = array<i32>} : memref<256x192xf32, #tpu.memory_space<vmem>>, vector<1x16xf32>,
      %swap3A_2333 = vector.shape_cast %swap3A_2332 : vector<1x16xf32> to vector<16xf32>
      %swap3A_2334 = vector.shape_cast %sub3A_2329 : vector<16xf32> to vector<1x16xf32>
      tpu.vector_store %arg14[%swap3A_2330, %swap3A_2331], %swap3A_2334 {strides = array<i32>} : memref<256x192xf32, #tpu.memory_space<vmem>>, vector<1x16xf32>,
      %mul3A_2335 = arith.constant 2 : i32
      %mul3A_2336 = arith.muli %scan3A_2242, %mul3A_2335 : i32
      %add3A_2337 = arith.constant 1 : i32
      %add3A_2338 = arith.addi %mul3A_2336, %add3A_2337 : i32
      %add3A_2339 = arith.constant 16 : i32
      %add3A_2340 = arith.addi %add3A_2338, %add3A_2339 : i32
      %get3A_2341 = arith.index_cast %add3A_2340 : i32 to index
      %get3A_2342 = arith.constant 0 : index
      %get3A_2343 = tpu.vector_load %arg13[%get3A_2341, %get3A_2342] {strides = array<i32>} : memref<272x64xf32, #tpu.memory_space<vmem>>, vector<1x16xf32>,
      %get3A_2344 = vector.shape_cast %get3A_2343 : vector<1x16xf32> to vector<16xf32>
      %add3A_2345 = arith.addf %sub3A_2266, %get3A_2344 : vector<16xf32>
      %add3A_2346 = arith.constant 16 : i32
      %add3A_2347 = arith.addi %add3A_2338, %add3A_2346 : i32
      %sub3A_2348 = arith.constant 9 : i32
      %sub3A_2349 = arith.subi %add3A_2347, %sub3A_2348 : i32
      %get3A_2350 = arith.index_cast %sub3A_2349 : i32 to index
      %get3A_2351 = arith.constant 0 : index
      %get3A_2352 = tpu.vector_load %arg13[%get3A_2350, %get3A_2351] {strides = array<i32>} : memref<272x64xf32, #tpu.memory_space<vmem>>, vector<1x16xf32>,
      %get3A_2353 = vector.shape_cast %get3A_2352 : vector<1x16xf32> to vector<16xf32>
      %sub3A_2354 = arith.subf %add3A_2345, %get3A_2353 : vector<16xf32>
      %swap3A_2355 = arith.index_cast %add3A_2338 : i32 to index
      %swap3A_2356 = arith.constant 128 : index
      %swap3A_2357 = tpu.vector_load %arg14[%swap3A_2355, %swap3A_2356] {strides = array<i32>} : memref<256x192xf32, #tpu.memory_space<vmem>>, vector<1x16xf32>,
      %swap3A_2358 = vector.shape_cast %swap3A_2357 : vector<1x16xf32> to vector<16xf32>
      %swap3A_2359 = vector.shape_cast %sub3A_2354 : vector<16xf32> to vector<1x16xf32>
      tpu.vector_store %arg14[%swap3A_2355, %swap3A_2356], %swap3A_2359 {strides = array<i32>} : memref<256x192xf32, #tpu.memory_space<vmem>>, vector<1x16xf32>,
      %add3A_2360 = arith.constant 16 : i32
      %add3A_2361 = arith.addi %add3A_2338, %add3A_2360 : i32
      %get3A_2362 = arith.index_cast %add3A_2361 : i32 to index
      %get3A_2363 = arith.constant 16 : index
      %get3A_2364 = tpu.vector_load %arg13[%get3A_2362, %get3A_2363] {strides = array<i32>} : memref<272x64xf32, #tpu.memory_space<vmem>>, vector<1x16xf32>,
      %get3A_2365 = vector.shape_cast %get3A_2364 : vector<1x16xf32> to vector<16xf32>
      %add3A_2366 = arith.addf %sub3A_2287, %get3A_2365 : vector<16xf32>
      %add3A_2367 = arith.constant 16 : i32
      %add3A_2368 = arith.addi %add3A_2338, %add3A_2367 : i32
      %sub3A_2369 = arith.constant 9 : i32
      %sub3A_2370 = arith.subi %add3A_2368, %sub3A_2369 : i32
      %get3A_2371 = arith.index_cast %sub3A_2370 : i32 to index
      %get3A_2372 = arith.constant 16 : index
      %get3A_2373 = tpu.vector_load %arg13[%get3A_2371, %get3A_2372] {strides = array<i32>} : memref<272x64xf32, #tpu.memory_space<vmem>>, vector<1x16xf32>,
      %get3A_2374 = vector.shape_cast %get3A_2373 : vector<1x16xf32> to vector<16xf32>
      %sub3A_2375 = arith.subf %add3A_2366, %get3A_2374 : vector<16xf32>
      %swap3A_2376 = arith.index_cast %add3A_2338 : i32 to index
      %swap3A_2377 = arith.constant 144 : index
      %swap3A_2378 = tpu.vector_load %arg14[%swap3A_2376, %swap3A_2377] {strides = array<i32>} : memref<256x192xf32, #tpu.memory_space<vmem>>, vector<1x16xf32>,
      %swap3A_2379 = vector.shape_cast %swap3A_2378 : vector<1x16xf32> to vector<16xf32>
      %swap3A_2380 = vector.shape_cast %sub3A_2375 : vector<16xf32> to vector<1x16xf32>
      tpu.vector_store %arg14[%swap3A_2376, %swap3A_2377], %swap3A_2380 {strides = array<i32>} : memref<256x192xf32, #tpu.memory_space<vmem>>, vector<1x16xf32>,
      %add3A_2381 = arith.constant 16 : i32
      %add3A_2382 = arith.addi %add3A_2338, %add3A_2381 : i32
      %get3A_2383 = arith.index_cast %add3A_2382 : i32 to index
      %get3A_2384 = arith.constant 32 : index
      %get3A_2385 = tpu.vector_load %arg13[%get3A_2383, %get3A_2384] {strides = array<i32>} : memref<272x64xf32, #tpu.memory_space<vmem>>, vector<1x16xf32>,
      %get3A_2386 = vector.shape_cast %get3A_2385 : vector<1x16xf32> to vector<16xf32>
      %add3A_2387 = arith.addf %sub3A_2308, %get3A_2386 : vector<16xf32>
      %add3A_2388 = arith.constant 16 : i32
      %add3A_2389 = arith.addi %add3A_2338, %add3A_2388 : i32
      %sub3A_2390 = arith.constant 9 : i32
      %sub3A_2391 = arith.subi %add3A_2389, %sub3A_2390 : i32
      %get3A_2392 = arith.index_cast %sub3A_2391 : i32 to index
      %get3A_2393 = arith.constant 32 : index
      %get3A_2394 = tpu.vector_load %arg13[%get3A_2392, %get3A_2393] {strides = array<i32>} : memref<272x64xf32, #tpu.memory_space<vmem>>, vector<1x16xf32>,
      %get3A_2395 = vector.shape_cast %get3A_2394 : vector<1x16xf32> to vector<16xf32>
      %sub3A_2396 = arith.subf %add3A_2387, %get3A_2395 : vector<16xf32>
      %swap3A_2397 = arith.index_cast %add3A_2338 : i32 to index
      %swap3A_2398 = arith.constant 160 : index
      %swap3A_2399 = tpu.vector_load %arg14[%swap3A_2397, %swap3A_2398] {strides = array<i32>} : memref<256x192xf32, #tpu.memory_space<vmem>>, vector<1x16xf32>,
      %swap3A_2400 = vector.shape_cast %swap3A_2399 : vector<1x16xf32> to vector<16xf32>
      %swap3A_2401 = vector.shape_cast %sub3A_2396 : vector<16xf32> to vector<1x16xf32>
      tpu.vector_store %arg14[%swap3A_2397, %swap3A_2398], %swap3A_2401 {strides = array<i32>} : memref<256x192xf32, #tpu.memory_space<vmem>>, vector<1x16xf32>,
      %add3A_2402 = arith.constant 16 : i32
      %add3A_2403 = arith.addi %add3A_2338, %add3A_2402 : i32
      %get3A_2404 = arith.index_cast %add3A_2403 : i32 to index
      %get3A_2405 = arith.constant 48 : index
      %get3A_2406 = tpu.vector_load %arg13[%get3A_2404, %get3A_2405] {strides = array<i32>} : memref<272x64xf32, #tpu.memory_space<vmem>>, vector<1x16xf32>,
      %get3A_2407 = vector.shape_cast %get3A_2406 : vector<1x16xf32> to vector<16xf32>
      %add3A_2408 = arith.addf %sub3A_2329, %get3A_2407 : vector<16xf32>
      %add3A_2409 = arith.constant 16 : i32
      %add3A_2410 = arith.addi %add3A_2338, %add3A_2409 : i32
      %sub3A_2411 = arith.constant 9 : i32
      %sub3A_2412 = arith.subi %add3A_2410, %sub3A_2411 : i32
      %get3A_2413 = arith.index_cast %sub3A_2412 : i32 to index
      %get3A_2414 = arith.constant 48 : index
      %get3A_2415 = tpu.vector_load %arg13[%get3A_2413, %get3A_2414] {strides = array<i32>} : memref<272x64xf32, #tpu.memory_space<vmem>>, vector<1x16xf32>,
      %get3A_2416 = vector.shape_cast %get3A_2415 : vector<1x16xf32> to vector<16xf32>
      %sub3A_2417 = arith.subf %add3A_2408, %get3A_2416 : vector<16xf32>
      %swap3A_2418 = arith.index_cast %add3A_2338 : i32 to index
      %swap3A_2419 = arith.constant 176 : index
      %swap3A_2420 = tpu.vector_load %arg14[%swap3A_2418, %swap3A_2419] {strides = array<i32>} : memref<256x192xf32, #tpu.memory_space<vmem>>, vector<1x16xf32>,
      %swap3A_2421 = vector.shape_cast %swap3A_2420 : vector<1x16xf32> to vector<16xf32>
      %swap3A_2422 = vector.shape_cast %sub3A_2417 : vector<16xf32> to vector<1x16xf32>
      tpu.vector_store %arg14[%swap3A_2418, %swap3A_2419], %swap3A_2422 {strides = array<i32>} : memref<256x192xf32, #tpu.memory_space<vmem>>, vector<1x16xf32>,
      scf.yield %sub3A_2354, %sub3A_2375, %sub3A_2396, %sub3A_2417 : vector<16xf32>, vector<16xf32>, vector<16xf32>, vector<16xf32>
    }
    %scan3A_2241 = arith.constant 128 : i32
    "tpu.region"() ({
      %run_scoped3A = tpu.sem_alloc : memref<!tpu.dma_semaphore, #tpu.memory_space<semaphore_mem>>
      %dma_start3A_2242 = arith.constant 0 : i32
      %dma_start3A_2243 = tpu.memref_slice %arg6[%select_n3A, %mul3A_32, %dma_start3A_2242] : memref<2x4096x192xf32, #tpu.memory_space<hbm>> -> memref<1x256x192xf32, #tpu.memory_space<hbm>>
      %dma_start3A_2244 = tpu.memref_squeeze %dma_start3A_2243 : memref<1x256x192xf32, #tpu.memory_space<hbm>> -> memref<256x192xf32, #tpu.memory_space<hbm>>
      %dma_start3A_2245 = arith.constant 0 : i32
      %dma_start3A_2246 = tpu.memref_slice %arg6[%select_n3A, %mul3A_32, %dma_start3A_2245] : memref<2x4096x192xf32, #tpu.memory_space<hbm>> -> memref<1x256x192xf32, #tpu.memory_space<hbm>>
      %dma_start3A_2247 = tpu.memref_squeeze %dma_start3A_2246 : memref<1x256x192xf32, #tpu.memory_space<hbm>> -> memref<256x192xf32, #tpu.memory_space<hbm>>
      tpu.enqueue_dma source(%arg14 : memref<256x192xf32, #tpu.memory_space<vmem>>) target(%dma_start3A_2247 : memref<256x192xf32, #tpu.memory_space<hbm>>) target_semaphore(%run_scoped3A : memref<!tpu.dma_semaphore, #tpu.memory_space<semaphore_mem>>)
      %dma_wait3A_2248 = arith.constant 0 : i32
      %dma_wait3A_2249 = tpu.memref_slice %arg6[%select_n3A, %mul3A_32, %dma_wait3A_2248] : memref<2x4096x192xf32, #tpu.memory_space<hbm>> -> memref<1x256x192xf32, #tpu.memory_space<hbm>>
      %dma_wait3A_2250 = tpu.memref_squeeze %dma_wait3A_2249 : memref<1x256x192xf32, #tpu.memory_space<hbm>> -> memref<256x192xf32, #tpu.memory_space<hbm>>
      %dma_wait3A_2251 = arith.constant 0 : i32
      %dma_wait3A_2252 = tpu.memref_slice %arg6[%select_n3A, %mul3A_32, %dma_wait3A_2251] : memref<2x4096x192xf32, #tpu.memory_space<hbm>> -> memref<1x256x192xf32, #tpu.memory_space<hbm>>
      %dma_wait3A_2253 = tpu.memref_squeeze %dma_wait3A_2252 : memref<1x256x192xf32, #tpu.memory_space<hbm>> -> memref<256x192xf32, #tpu.memory_space<hbm>>
      tpu.wait_dma2 semaphore(%run_scoped3A : memref<!tpu.dma_semaphore, #tpu.memory_space<semaphore_mem>>) src(%arg14 : memref<256x192xf32, #tpu.memory_space<vmem>>) dst(%dma_wait3A_2253 : memref<256x192xf32, #tpu.memory_space<hbm>>)
      tpu.yield
    }) : () -> ()
    return
  }
}

module attributes {stable_mosaic.version = 14 : i64} {
  func.func @_tc_body(%arg0: i32, %arg1: memref<256x2x2048xf32, #tpu.memory_space<vmem>>, %arg2: memref<2x256x192xf32, #tpu.memory_space<vmem>>, %arg3: memref<2048x192xf32, #tpu.memory_space<vmem>>, %arg4: memref<2048x192xf32, #tpu.memory_space<vmem>>, %arg5: memref<1x2048xf32, #tpu.memory_space<vmem>>, %arg6: memref<1x2048xf32, #tpu.memory_space<vmem>>, %arg7: memref<256x2x2048xf32, #tpu.memory_space<vmem>>) attributes {dimension_semantics = [#tpu.dimension_semantics<arbitrary>], iteration_bounds = array<i64: 16>, scalar_prefetch = 0 : i64, scratch_operands = 0 : i64, tpu.core_type = #tpu.core_type<tc>, window_params = [{transform_indices = @transform_0, window_bounds = array<i64: 256, 2, 2048>}, {transform_indices = @transform_1, window_bounds = array<i64: 2, 256, 192>}, {pipeline_mode = #tpu.pipeline_mode<synchronous>, transform_indices = @transform_2, window_bounds = array<i64: 2048, 192>}, {pipeline_mode = #tpu.pipeline_mode<synchronous>, transform_indices = @transform_3, window_bounds = array<i64: 2048, 192>}, {pipeline_mode = #tpu.pipeline_mode<synchronous>, transform_indices = @transform_4, window_bounds = array<i64: 1, 2048>}, {pipeline_mode = #tpu.pipeline_mode<synchronous>, transform_indices = @transform_5, window_bounds = array<i64: 1, 2048>}, {transform_indices = @transform_6, window_bounds = array<i64: 256, 2, 2048>}]} {
    %get3A = arith.constant 0 : index
    %get3A_0 = arith.constant 0 : index
    %get3A_1 = vector.load %arg3[%get3A, %get3A_0] : memref<2048x192xf32, #tpu.memory_space<vmem>>, vector<2048x192xf32>
    %get3A_2 = arith.constant 0 : index
    %get3A_3 = arith.constant 0 : index
    %get3A_4 = vector.load %arg4[%get3A_2, %get3A_3] : memref<2048x192xf32, #tpu.memory_space<vmem>>, vector<2048x192xf32>
    %get3A_5 = arith.constant 0 : index
    %get3A_6 = arith.constant 0 : index
    %get3A_7 = vector.load %arg5[%get3A_5, %get3A_6] : memref<1x2048xf32, #tpu.memory_space<vmem>>, vector<1x2048xf32>
    %get3A_8 = arith.constant 0 : index
    %get3A_9 = arith.constant 0 : index
    %get3A_10 = vector.load %arg6[%get3A_8, %get3A_9] : memref<1x2048xf32, #tpu.memory_space<vmem>>, vector<1x2048xf32>
    %iota3A = tpu.iota {dimensions = array<i32: 0>} : vector<256x192xi32>
    %mul3A = arith.constant 256 : i32
    %mul3A_11 = arith.muli %arg0, %mul3A : i32
    %add3A = vector.broadcast %mul3A_11 : i32 to vector<256x192xi32>
    %add3A_12 = arith.addi %iota3A, %add3A : vector<256x192xi32>
    %iota3A_13 = tpu.iota {dimensions = array<i32: 1>} : vector<256x192xi32>
    %jit3A = arith.constant 64 : i32
    %div3A = vector.broadcast %jit3A : i32 to vector<256x192xi32>
    %div3A_14 = arith.divsi %iota3A_13, %div3A : vector<256x192xi32>
    %sign3A = arith.constant 0 : i32
    %sign3A_15 = vector.broadcast %sign3A : i32 to vector<256x192xi32>
    %sign3A_16 = arith.cmpi sgt, %iota3A_13, %sign3A_15 : vector<256x192xi32>
    %sign3A_17 = arith.extui %sign3A_16 : vector<256x192xi1> to vector<256x192xi32>
    %sign3A_18 = arith.constant 0 : i32
    %sign3A_19 = vector.broadcast %sign3A_18 : i32 to vector<256x192xi32>
    %sign3A_20 = arith.cmpi slt, %iota3A_13, %sign3A_19 : vector<256x192xi32>
    %sign3A_21 = arith.extui %sign3A_20 : vector<256x192xi1> to vector<256x192xi32>
    %sign3A_22 = arith.subi %sign3A_17, %sign3A_21 : vector<256x192xi32>
    %sign3A_23 = arith.constant 0 : i32
    %sign3A_24 = arith.cmpi sgt, %jit3A, %sign3A_23 : i32
    %sign3A_25 = arith.extui %sign3A_24 : i1 to i32
    %sign3A_26 = arith.constant 0 : i32
    %sign3A_27 = arith.cmpi slt, %jit3A, %sign3A_26 : i32
    %sign3A_28 = arith.extui %sign3A_27 : i1 to i32
    %sign3A_29 = arith.subi %sign3A_25, %sign3A_28 : i32
    %ne3A = vector.broadcast %sign3A_29 : i32 to vector<256x192xi32>
    %ne3A_30 = arith.cmpi ne, %sign3A_22, %ne3A : vector<256x192xi32>
    %rem3A = vector.broadcast %jit3A : i32 to vector<256x192xi32>
    %rem3A_31 = arith.remsi %iota3A_13, %rem3A : vector<256x192xi32>
    %ne3A_32 = arith.constant 0 : i32
    %ne3A_33 = vector.broadcast %ne3A_32 : i32 to vector<256x192xi32>
    %ne3A_34 = arith.cmpi ne, %rem3A_31, %ne3A_33 : vector<256x192xi32>
    %and3A = arith.andi %ne3A_30, %ne3A_34 : vector<256x192xi1>
    %sub3A = arith.constant 1 : i32
    %sub3A_35 = vector.broadcast %sub3A : i32 to vector<256x192xi32>
    %sub3A_36 = arith.subi %div3A_14, %sub3A_35 : vector<256x192xi32>
    %select_n3A = arith.select %and3A, %sub3A_36, %div3A_14 : vector<256x192xi1>, vector<256x192xi32>
    %mul3A_37 = arith.constant 2 : i32
    %mul3A_38 = vector.broadcast %mul3A_37 : i32 to vector<256x192xi32>
    %mul3A_39 = arith.muli %mul3A_38, %select_n3A : vector<256x192xi32>
    %add3A_40 = arith.constant 4 : i32
    %add3A_41 = vector.broadcast %add3A_40 : i32 to vector<256x192xi32>
    %add3A_42 = arith.addi %add3A_41, %mul3A_39 : vector<256x192xi32>
    %sub3A_43 = arith.subi %add3A_12, %add3A_42 : vector<256x192xi32>
    %add3A_44 = arith.constant 2 : i32
    %add3A_45 = vector.broadcast %add3A_44 : i32 to vector<256x192xi32>
    %add3A_46 = arith.addi %sub3A_43, %add3A_45 : vector<256x192xi32>
    %sub3A_47 = arith.constant 16 : i32
    %sub3A_48 = vector.broadcast %sub3A_47 : i32 to vector<256x192xi32>
    %sub3A_49 = arith.subi %sub3A_48, %add3A_42 : vector<256x192xi32>
    %add3A_50 = arith.constant 1 : i32
    %add3A_51 = vector.broadcast %add3A_50 : i32 to vector<256x192xi32>
    %add3A_52 = arith.addi %sub3A_49, %add3A_51 : vector<256x192xi32>
    %jit3A_53 = arith.constant 1 : i32
    %max3A = vector.broadcast %jit3A_53 : i32 to vector<256x192xi32>
    %max3A_54 = arith.maxsi %max3A, %add3A_46 : vector<256x192xi32>
    %min3A = arith.minsi %add3A_52, %max3A_54 : vector<256x192xi32>
    %convert_element_type3A = arith.sitofp %min3A : vector<256x192xi32> to vector<256x192xf32>
    %div3A_55 = arith.constant 1.000000e+00 : f32
    %div3A_56 = vector.broadcast %div3A_55 : f32 to vector<256x192xf32>
    %div3A_57 = arith.divf %div3A_56, %convert_element_type3A : vector<256x192xf32>
    %get3A_58 = arith.constant 0 : index
    %get3A_59 = arith.constant 0 : index
    %get3A_60 = arith.constant 0 : index
    %get3A_61 = vector.load %arg1[%get3A_58, %get3A_59, %get3A_60] : memref<256x2x2048xf32, #tpu.memory_space<vmem>>, vector<256x1x2048xf32>
    %get3A_62 = vector.shape_cast %get3A_61 : vector<256x1x2048xf32> to vector<256x2048xf32>
    %get3A_63 = arith.constant 0 : index
    %get3A_64 = arith.constant 0 : index
    %get3A_65 = arith.constant 0 : index
    %get3A_66 = vector.load %arg2[%get3A_63, %get3A_64, %get3A_65] : memref<2x256x192xf32, #tpu.memory_space<vmem>>, vector<1x256x192xf32>
    %get3A_67 = vector.shape_cast %get3A_66 : vector<1x256x192xf32> to vector<256x192xf32>
    %mul3A_68 = arith.mulf %get3A_67, %div3A_57 : vector<256x192xf32>
    %dot_general3A = arith.constant dense<0.000000e+00> : vector<256x2048xf32>
    %dot_general3A_69 = tpu.matmul %mul3A_68, %get3A_1, %dot_general3A {dimension_numbers = #tpu.dot_dimension_numbers<[1], [1], [0], [0], [0, 0, 1, 0], [], []>, transpose_lhs_hint = false} : vector<256x192xf32>, vector<2048x192xf32>, vector<256x2048xf32> -> vector<256x2048xf32>
    %dot_general3A_70 = arith.constant dense<0.000000e+00> : vector<256x2048xf32>
    %dot_general3A_71 = tpu.matmul %mul3A_68, %get3A_4, %dot_general3A_70 {dimension_numbers = #tpu.dot_dimension_numbers<[1], [1], [0], [0], [0, 0, 1, 0], [], []>, transpose_lhs_hint = false} : vector<256x192xf32>, vector<2048x192xf32>, vector<256x2048xf32> -> vector<256x2048xf32>
    %mul3A_72 = arith.mulf %get3A_62, %get3A_62 : vector<256x2048xf32>
    %reduce_sum3A = arith.constant dense<0.000000e+00> : vector<256xf32>
    %reduce_sum3A_73 = vector.multi_reduction <add>, %mul3A_72, %reduce_sum3A [1] : vector<256x2048xf32> to vector<256xf32>
    %broadcast_in_dim3A = vector.shape_cast %reduce_sum3A_73 : vector<256xf32> to vector<256x1xf32>
    %div3A_74 = arith.constant 2.048000e+03 : f32
    %div3A_75 = vector.broadcast %div3A_74 : f32 to vector<256x1xf32>
    %div3A_76 = arith.divf %broadcast_in_dim3A, %div3A_75 : vector<256x1xf32>
    %add3A_77 = arith.constant 9.99999974E-6 : f32
    %add3A_78 = vector.broadcast %add3A_77 : f32 to vector<256x1xf32>
    %add3A_79 = arith.addf %div3A_76, %add3A_78 : vector<256x1xf32>
    %rsqrt3A = math.rsqrt %add3A_79 : vector<256x1xf32>
    %mul3A_80 = vector.broadcast %rsqrt3A : vector<256x1xf32> to vector<256x2048xf32>
    %mul3A_81 = arith.mulf %get3A_62, %mul3A_80 : vector<256x2048xf32>
    %mul3A_82 = vector.broadcast %get3A_7 : vector<1x2048xf32> to vector<256x2048xf32>
    %mul3A_83 = arith.mulf %mul3A_81, %mul3A_82 : vector<256x2048xf32>
    %mul3A_84 = arith.mulf %dot_general3A_69, %dot_general3A_69 : vector<256x2048xf32>
    %reduce_sum3A_85 = arith.constant dense<0.000000e+00> : vector<256xf32>
    %reduce_sum3A_86 = vector.multi_reduction <add>, %mul3A_84, %reduce_sum3A_85 [1] : vector<256x2048xf32> to vector<256xf32>
    %broadcast_in_dim3A_87 = vector.shape_cast %reduce_sum3A_86 : vector<256xf32> to vector<256x1xf32>
    %div3A_88 = arith.constant 2.048000e+03 : f32
    %div3A_89 = vector.broadcast %div3A_88 : f32 to vector<256x1xf32>
    %div3A_90 = arith.divf %broadcast_in_dim3A_87, %div3A_89 : vector<256x1xf32>
    %add3A_91 = arith.constant 9.99999974E-6 : f32
    %add3A_92 = vector.broadcast %add3A_91 : f32 to vector<256x1xf32>
    %add3A_93 = arith.addf %div3A_90, %add3A_92 : vector<256x1xf32>
    %rsqrt3A_94 = math.rsqrt %add3A_93 : vector<256x1xf32>
    %mul3A_95 = vector.broadcast %rsqrt3A_94 : vector<256x1xf32> to vector<256x2048xf32>
    %mul3A_96 = arith.mulf %dot_general3A_69, %mul3A_95 : vector<256x2048xf32>
    %mul3A_97 = vector.broadcast %get3A_10 : vector<1x2048xf32> to vector<256x2048xf32>
    %mul3A_98 = arith.mulf %mul3A_96, %mul3A_97 : vector<256x2048xf32>
    %mul3A_99 = arith.mulf %mul3A_83, %mul3A_98 : vector<256x2048xf32>
    %reduce_sum3A_100 = arith.constant dense<0.000000e+00> : vector<256xf32>
    %reduce_sum3A_101 = vector.multi_reduction <add>, %mul3A_99, %reduce_sum3A_100 [1] : vector<256x2048xf32> to vector<256xf32>
    %broadcast_in_dim3A_102 = vector.shape_cast %reduce_sum3A_101 : vector<256xf32> to vector<256x1xf32>
    %mul3A_103 = arith.constant 0.0220970865 : f32
    %mul3A_104 = vector.broadcast %mul3A_103 : f32 to vector<256x1xf32>
    %mul3A_105 = arith.mulf %broadcast_in_dim3A_102, %mul3A_104 : vector<256x1xf32>
    %neg3A = arith.constant 0.000000e+00 : f32
    %neg3A_106 = vector.broadcast %neg3A : f32 to vector<256x1xf32>
    %neg3A_107 = arith.subf %neg3A_106, %mul3A_105 : vector<256x1xf32>
    %exp3A = math.exp %neg3A_107 : vector<256x1xf32>
    %add3A_108 = arith.constant 1.000000e+00 : f32
    %add3A_109 = vector.broadcast %add3A_108 : f32 to vector<256x1xf32>
    %add3A_110 = arith.addf %add3A_109, %exp3A : vector<256x1xf32>
    %div3A_111 = arith.constant 1.000000e+00 : f32
    %div3A_112 = vector.broadcast %div3A_111 : f32 to vector<256x1xf32>
    %div3A_113 = arith.divf %div3A_112, %add3A_110 : vector<256x1xf32>
    %mul3A_114 = vector.broadcast %div3A_113 : vector<256x1xf32> to vector<256x2048xf32>
    %mul3A_115 = arith.mulf %mul3A_114, %dot_general3A_71 : vector<256x2048xf32>
    %swap3A = arith.constant 0 : index
    %swap3A_116 = arith.constant 0 : index
    %swap3A_117 = arith.constant 0 : index
    %swap3A_118 = vector.load %arg7[%swap3A, %swap3A_116, %swap3A_117] : memref<256x2x2048xf32, #tpu.memory_space<vmem>>, vector<256x1x2048xf32>
    %swap3A_119 = vector.shape_cast %swap3A_118 : vector<256x1x2048xf32> to vector<256x2048xf32>
    %swap3A_120 = vector.shape_cast %mul3A_115 : vector<256x2048xf32> to vector<256x1x2048xf32>
    tpu.vector_store %arg7[%swap3A, %swap3A_116, %swap3A_117], %swap3A_120 {strides = array<i32>} : memref<256x2x2048xf32, #tpu.memory_space<vmem>>, vector<256x1x2048xf32>,
    %get3A_121 = arith.constant 0 : index
    %get3A_122 = arith.constant 1 : index
    %get3A_123 = arith.constant 0 : index
    %get3A_124 = vector.load %arg1[%get3A_121, %get3A_122, %get3A_123] : memref<256x2x2048xf32, #tpu.memory_space<vmem>>, vector<256x1x2048xf32>
    %get3A_125 = vector.shape_cast %get3A_124 : vector<256x1x2048xf32> to vector<256x2048xf32>
    %get3A_126 = arith.constant 1 : index
    %get3A_127 = arith.constant 0 : index
    %get3A_128 = arith.constant 0 : index
    %get3A_129 = vector.load %arg2[%get3A_126, %get3A_127, %get3A_128] : memref<2x256x192xf32, #tpu.memory_space<vmem>>, vector<1x256x192xf32>
    %get3A_130 = vector.shape_cast %get3A_129 : vector<1x256x192xf32> to vector<256x192xf32>
    %mul3A_131 = arith.mulf %get3A_130, %div3A_57 : vector<256x192xf32>
    %dot_general3A_132 = arith.constant dense<0.000000e+00> : vector<256x2048xf32>
    %dot_general3A_133 = tpu.matmul %mul3A_131, %get3A_1, %dot_general3A_132 {dimension_numbers = #tpu.dot_dimension_numbers<[1], [1], [0], [0], [0, 0, 1, 0], [], []>, transpose_lhs_hint = false} : vector<256x192xf32>, vector<2048x192xf32>, vector<256x2048xf32> -> vector<256x2048xf32>
    %dot_general3A_134 = arith.constant dense<0.000000e+00> : vector<256x2048xf32>
    %dot_general3A_135 = tpu.matmul %mul3A_131, %get3A_4, %dot_general3A_134 {dimension_numbers = #tpu.dot_dimension_numbers<[1], [1], [0], [0], [0, 0, 1, 0], [], []>, transpose_lhs_hint = false} : vector<256x192xf32>, vector<2048x192xf32>, vector<256x2048xf32> -> vector<256x2048xf32>
    %mul3A_136 = arith.mulf %get3A_125, %get3A_125 : vector<256x2048xf32>
    %reduce_sum3A_137 = arith.constant dense<0.000000e+00> : vector<256xf32>
    %reduce_sum3A_138 = vector.multi_reduction <add>, %mul3A_136, %reduce_sum3A_137 [1] : vector<256x2048xf32> to vector<256xf32>
    %broadcast_in_dim3A_139 = vector.shape_cast %reduce_sum3A_138 : vector<256xf32> to vector<256x1xf32>
    %div3A_140 = arith.constant 2.048000e+03 : f32
    %div3A_141 = vector.broadcast %div3A_140 : f32 to vector<256x1xf32>
    %div3A_142 = arith.divf %broadcast_in_dim3A_139, %div3A_141 : vector<256x1xf32>
    %add3A_143 = arith.constant 9.99999974E-6 : f32
    %add3A_144 = vector.broadcast %add3A_143 : f32 to vector<256x1xf32>
    %add3A_145 = arith.addf %div3A_142, %add3A_144 : vector<256x1xf32>
    %rsqrt3A_146 = math.rsqrt %add3A_145 : vector<256x1xf32>
    %mul3A_147 = vector.broadcast %rsqrt3A_146 : vector<256x1xf32> to vector<256x2048xf32>
    %mul3A_148 = arith.mulf %get3A_125, %mul3A_147 : vector<256x2048xf32>
    %mul3A_149 = vector.broadcast %get3A_7 : vector<1x2048xf32> to vector<256x2048xf32>
    %mul3A_150 = arith.mulf %mul3A_148, %mul3A_149 : vector<256x2048xf32>
    %mul3A_151 = arith.mulf %dot_general3A_133, %dot_general3A_133 : vector<256x2048xf32>
    %reduce_sum3A_152 = arith.constant dense<0.000000e+00> : vector<256xf32>
    %reduce_sum3A_153 = vector.multi_reduction <add>, %mul3A_151, %reduce_sum3A_152 [1] : vector<256x2048xf32> to vector<256xf32>
    %broadcast_in_dim3A_154 = vector.shape_cast %reduce_sum3A_153 : vector<256xf32> to vector<256x1xf32>
    %div3A_155 = arith.constant 2.048000e+03 : f32
    %div3A_156 = vector.broadcast %div3A_155 : f32 to vector<256x1xf32>
    %div3A_157 = arith.divf %broadcast_in_dim3A_154, %div3A_156 : vector<256x1xf32>
    %add3A_158 = arith.constant 9.99999974E-6 : f32
    %add3A_159 = vector.broadcast %add3A_158 : f32 to vector<256x1xf32>
    %add3A_160 = arith.addf %div3A_157, %add3A_159 : vector<256x1xf32>
    %rsqrt3A_161 = math.rsqrt %add3A_160 : vector<256x1xf32>
    %mul3A_162 = vector.broadcast %rsqrt3A_161 : vector<256x1xf32> to vector<256x2048xf32>
    %mul3A_163 = arith.mulf %dot_general3A_133, %mul3A_162 : vector<256x2048xf32>
    %mul3A_164 = vector.broadcast %get3A_10 : vector<1x2048xf32> to vector<256x2048xf32>
    %mul3A_165 = arith.mulf %mul3A_163, %mul3A_164 : vector<256x2048xf32>
    %mul3A_166 = arith.mulf %mul3A_150, %mul3A_165 : vector<256x2048xf32>
    %reduce_sum3A_167 = arith.constant dense<0.000000e+00> : vector<256xf32>
    %reduce_sum3A_168 = vector.multi_reduction <add>, %mul3A_166, %reduce_sum3A_167 [1] : vector<256x2048xf32> to vector<256xf32>
    %broadcast_in_dim3A_169 = vector.shape_cast %reduce_sum3A_168 : vector<256xf32> to vector<256x1xf32>
    %mul3A_170 = arith.constant 0.0220970865 : f32
    %mul3A_171 = vector.broadcast %mul3A_170 : f32 to vector<256x1xf32>
    %mul3A_172 = arith.mulf %broadcast_in_dim3A_169, %mul3A_171 : vector<256x1xf32>
    %neg3A_173 = arith.constant 0.000000e+00 : f32
    %neg3A_174 = vector.broadcast %neg3A_173 : f32 to vector<256x1xf32>
    %neg3A_175 = arith.subf %neg3A_174, %mul3A_172 : vector<256x1xf32>
    %exp3A_176 = math.exp %neg3A_175 : vector<256x1xf32>
    %add3A_177 = arith.constant 1.000000e+00 : f32
    %add3A_178 = vector.broadcast %add3A_177 : f32 to vector<256x1xf32>
    %add3A_179 = arith.addf %add3A_178, %exp3A_176 : vector<256x1xf32>
    %div3A_180 = arith.constant 1.000000e+00 : f32
    %div3A_181 = vector.broadcast %div3A_180 : f32 to vector<256x1xf32>
    %div3A_182 = arith.divf %div3A_181, %add3A_179 : vector<256x1xf32>
    %mul3A_183 = vector.broadcast %div3A_182 : vector<256x1xf32> to vector<256x2048xf32>
    %mul3A_184 = arith.mulf %mul3A_183, %dot_general3A_135 : vector<256x2048xf32>
    %swap3A_185 = arith.constant 0 : index
    %swap3A_186 = arith.constant 1 : index
    %swap3A_187 = arith.constant 0 : index
    %swap3A_188 = vector.load %arg7[%swap3A_185, %swap3A_186, %swap3A_187] : memref<256x2x2048xf32, #tpu.memory_space<vmem>>, vector<256x1x2048xf32>
    %swap3A_189 = vector.shape_cast %swap3A_188 : vector<256x1x2048xf32> to vector<256x2048xf32>
    %swap3A_190 = vector.shape_cast %mul3A_184 : vector<256x2048xf32> to vector<256x1x2048xf32>
    tpu.vector_store %arg7[%swap3A_185, %swap3A_186, %swap3A_187], %swap3A_190 {strides = array<i32>} : memref<256x2x2048xf32, #tpu.memory_space<vmem>>, vector<256x1x2048xf32>,
    return
  }
  func.func @transform_0(%arg0: i32) -> (i32, i32, i32) {
    %c0_i32 = arith.constant 0 : i32
    %c0_i32_0 = arith.constant 0 : i32
    %c0_i32_1 = arith.constant 0 : i32
    return %arg0, %c0_i32, %c0_i32_0 : i32, i32, i32
  }
  func.func @transform_1(%arg0: i32) -> (i32, i32, i32) {
    %c0_i32 = arith.constant 0 : i32
    %c0_i32_0 = arith.constant 0 : i32
    %c0_i32_1 = arith.constant 0 : i32
    return %c0_i32, %arg0, %c0_i32_0 : i32, i32, i32
  }
  func.func @transform_2(%arg0: i32) -> (i32, i32) {
    %c0_i32 = arith.constant 0 : i32
    %c0_i32_0 = arith.constant 0 : i32
    %c0_i32_1 = arith.constant 0 : i32
    return %c0_i32, %c0_i32_0 : i32, i32
  }
  func.func @transform_3(%arg0: i32) -> (i32, i32) {
    %c0_i32 = arith.constant 0 : i32
    %c0_i32_0 = arith.constant 0 : i32
    %c0_i32_1 = arith.constant 0 : i32
    return %c0_i32, %c0_i32_0 : i32, i32
  }
  func.func @transform_4(%arg0: i32) -> (i32, i32) {
    %c0_i32 = arith.constant 0 : i32
    %c0_i32_0 = arith.constant 0 : i32
    %c0_i32_1 = arith.constant 0 : i32
    return %c0_i32, %c0_i32_0 : i32, i32
  }
  func.func @transform_5(%arg0: i32) -> (i32, i32) {
    %c0_i32 = arith.constant 0 : i32
    %c0_i32_0 = arith.constant 0 : i32
    %c0_i32_1 = arith.constant 0 : i32
    return %c0_i32, %c0_i32_0 : i32, i32
  }
  func.func @transform_6(%arg0: i32) -> (i32, i32, i32) {
    %c0_i32 = arith.constant 0 : i32
    %c0_i32_0 = arith.constant 0 : i32
    %c0_i32_1 = arith.constant 0 : i32
    return %arg0, %c0_i32, %c0_i32_0 : i32, i32, i32
  }
}

</mosaic_0001>

<sc_bundles>
// kernel: kernel.4.cloned.1.call-start
scs
__scs_entry_jumppad:
0x0: {  	(pc) =	sbr.rel $0x88, $3  }
0x1: {  	(tag) =	ssettag $0x0;
	lr =	simm.s32 $0x1  }
0x2: {  	[smem:$0x3F98] =	sst lr;
	_ =	strace $0xD0000000  }
0x3: {  	_ = 	snop  }
0x4: {  	_ = 	snop  }
0x5: {  	_ = 	snop  }
0x6: {  	_ = 	snop  }
0x7: {  	_ = 	snop  }
__scs_overlays_trampoline_lowered:
0x8: {  	[smem:$0x3FA7] =	sst s0  }
0x9: {  	[smem:$0x3FA8] =	sst s1  }
0xa: {  	[smem:$0x3FA9] =	sst s2  }
0xb: {  	[smem:$0x3FAA] =	sst s3  }
0xc: {  	[smem:$0x3FAB] =	sst s4  }
0xd: {  	[smem:$0x3FAC] =	sst s5  }
0xe: {  	[smem:$0x3FAD] =	sst s6  }
0xf: {  	[smem:$0x3FAE] =	sst s7  }
0x10: {  	[smem:$0x3FAF] =	sst s8  }
0x11: {  	[smem:$0x3FB0] =	sst s9;
	s0 =	simm.s32 @!p0 $0x0  }
0x12: {  	s1 =	sld [smem:$0x3F96];
	s0 =	simm.s32 @p0 $0x1  }
0x13: {  	[smem:$0x3FB1] =	sst s0;
	s0 =	simm.s32 @!p1 $0x0  }
0x14: {  	s2 =	sld [smem:$0x3F95];
	s0 =	simm.s32 @p1 $0x1  }
0x15: {  	[smem:$0x3FB2] =	sst s0;
	s0 =	simm.s32 @!p2 $0x0  }
0x16: {  	s3 =	sld [smem:$0x3FDB];
	s0 =	simm.s32 @p2 $0x1  }
0x17: {  	s4 =	simm.s32 $0x1BF5;
	[smem:$0x3FB4] =	sst s0  }
0x18: {  	s0 =	sld [smem:$0x3F97];
	_ =	swait.ge [sflag:s4], $0x0  }
0x19: {  	s7 =	sld [smem:$0x3F98]  }
0x1a: {  	s8 =	sadd.s32 $0xFFFFE003, lr  }
0x1b: {  	s9 =	sadd.s32 $0xFFFFFEF7, lr;
	s5 =	simm.s32 $0xFFFFFFFF;
	p2 =	slt.u32 s8, $0xFFFFF086  }
0x1c: {  	p1 =	slt.u32 s9, $0xF7A;
	s5 =	simm.s32 @!p2 $0x0  }
0x1d: {  	s5 =	simm.s32 @p1 $0x1;
	p0 =	seq.s32 s7, s2  }
0x1e: {  	s7 =	smul.u32 @!p0 $0xF7A, s2;
	p2 =	seq.s32 @!p0 s5, $0x0  }
0x1f: {  	s9 =	smul.u32 $0xF7A, s1;
	s8 =	simm.s32 @!p0 $0x1BF5;
	p2 =	por !p2, p0  }
0x20: {  	[sflag:s8] =	ssyncset.s32 @!p0 $0xFFFFF086;
	s6 =	sadd.s32 @!p0 s3, s7;
	s7 =	simm.s32 @!p0 $0x108  }
0x21: {  	s3 =	sadd.s32 s3, s9;
	s6 =	sadd.s32 @!p0 $0x88, s6;
	s7 =	simm.s32 @p2 $0x1082  }
0x22: {  	[simem:s7], [sflag:s8] =	dma.local @!p0 [hbm:s6], $0xF7A  }
0x23: {  	s9 =	sor.u32 $0xD0000000, s2;
	s6 =	simm.s32 $0x108;
	_ =	swait.ge @!p0 [sflag:s8], $0x0  }
0x24: {  	s3 =	sadd.s32 $0x88, s3;
	s6 =	simm.s32 @!p1 $0x1082;
	[sflag:s4] =	ssyncset.s32 $0xFFFFF086  }
0x25: {  	[simem:s6], [sflag:s4] =	dma.local [hbm:s3], $0xF7A  }
0x26: {  	[smem:$0x3F98] =	sst s1;
	(tag) =	ssettag s2;
	_ =	strace s9  }
0x27: {  	s1 =	sld [smem:$0x3FA8]  }
0x28: {  	s2 =	sld [smem:$0x3FA9]  }
0x29: {  	s4 =	sld [smem:$0x3FAB]  }
0x2a: {  	p0 =	seq.s32 s5, $0x0;
	s5 =	sld [smem:$0x3FAC]  }
0x2b: {  	s6 =	sld [smem:$0x3FAD]  }
0x2c: {  	s7 =	sld [smem:$0x3FAE]  }
0x2d: {  	s3 =	simm.s32 $0x108;
	s8 =	sld [smem:$0x3FAF]  }
0x2e: {  	s3 =	simm.s32 @!p0 $0x1082;
	s9 =	sld [smem:$0x3FB0]  }
0x2f: {  	lr =	sadd.s32 s0, s3;
	s0 =	sld [smem:$0x3FA7]  }
0x30: {  	s3 =	sld [smem:$0x3FAA]  }
0x31: {  	[smem:$0x3FB3] =	sst s10  }
0x32: {  	s10 =	sld [smem:$0x3FB1];
	_ =	sdelay $0x3  }
0x33: {  	p0 =	seq.s32 s10, $0x1;
	s10 =	sld [smem:$0x3FB3];
	_ =	sdelay $0x3  }
0x34: {  	[smem:$0x3FB3] =	sst s10  }
0x35: {  	s10 =	sld [smem:$0x3FB2];
	_ =	sdelay $0x3  }
0x36: {  	p1 =	seq.s32 s10, $0x1;
	s10 =	sld [smem:$0x3FB3];
	_ =	sdelay $0x3  }
0x37: {  	[smem:$0x3FB3] =	sst s10  }
0x38: {  	s10 =	sld [smem:$0x3FB4]  }
0x39: {  	_ = 	snop;
	(pc) =	sbr.ind lr, $3  }
0x3a: {  	_ = 	snop  }
0x3b: {  	_ = 	snop  }
0x3c: {  	p2 =	seq.s32 s10, $0x1;
	s10 =	sld [smem:$0x3FB3]  }
0x3d: {  	_ =	shalt  }
0x3e: {  	_ =	shalt  }
0x3f: {  	_ =	shalt  }
0x40: {  	_ =	shalt  }
0x41: {  	_ =	shalt  }
0x42: {  	_ =	shalt  }
0x43: {  	_ =	shalt  }
0x44: {  	_ =	shalt  }
0x45: {  	_ =	shalt  }
0x46: {  	_ =	shalt  }
0x47: {  	_ =	shalt  }
0x48: {  	_ =	shalt  }
0x49: {  	_ =	shalt  }
0x4a: {  	_ =	shalt  }
0x4b: {  	_ =	shalt  }
0x4c: {  	_ =	shalt  }
0x4d: {  	_ =	shalt  }
0x4e: {  	_ =	shalt  }
0x4f: {  	_ =	shalt  }
0x50: {  	_ =	shalt  }
0x51: {  	_ =	shalt  }
0x52: {  	_ =	shalt  }
0x53: {  	_ =	shalt  }
0x54: {  	_ =	shalt  }
0x55: {  	_ =	shalt  }
0x56: {  	_ =	shalt  }
0x57: {  	_ =	shalt  }
0x58: {  	_ =	shalt  }
0x59: {  	_ =	shalt  }
0x5a: {  	_ =	shalt  }
0x5b: {  	_ =	shalt  }
0x5c: {  	_ =	shalt  }
0x5d: {  	_ =	shalt  }
0x5e: {  	_ =	shalt  }
0x5f: {  	_ =	shalt  }
0x60: {  	_ =	shalt  }
0x61: {  	_ =	shalt  }
0x62: {  	_ =	shalt  }
0x63: {  	_ =	shalt  }
0x64: {  	_ =	shalt  }
0x65: {  	_ =	shalt  }
0x66: {  	_ =	shalt  }
0x67: {  	_ =	shalt  }
0x68: {  	_ =	shalt  }
0x69: {  	_ =	shalt  }
0x6a: {  	_ =	shalt  }
0x6b: {  	_ =	shalt  }
0x6c: {  	_ =	shalt  }
0x6d: {  	_ =	shalt  }
0x6e: {  	_ =	shalt  }
0x6f: {  	_ =	shalt  }
0x70: {  	_ =	shalt  }
0x71: {  	_ =	shalt  }
0x72: {  	_ =	shalt  }
0x73: {  	_ =	shalt  }
0x74: {  	_ =	shalt  }
0x75: {  	_ =	shalt  }
0x76: {  	_ =	shalt  }
0x77: {  	_ =	shalt  }
0x78: {  	_ =	shalt  }
0x79: {  	_ =	shalt  }
0x7a: {  	_ =	shalt  }
0x7b: {  	_ =	shalt  }
0x7c: {  	_ =	shalt  }
0x7d: {  	_ =	shalt  }
0x7e: {  	_ =	shalt  }
0x7f: {  	_ =	shalt  }
0x80: {  	_ =	shalt  }
0x81: {  	_ =	shalt  }
0x82: {  	_ =	shalt  }
0x83: {  	_ =	shalt  }
0x84: {  	_ =	shalt  }
0x85: {  	_ =	shalt  }
0x86: {  	_ =	shalt  }
0x87: {  	_ =	shalt  }
.Lfunc_end0:
.L_simem_size_0:
called_computation_lowered:
.L_overlay_start_0:
0x88: {  	s2 =	sld [smem:$0x3FD9]  }
0x89: {  	s3 =	sld [smem:$0x3FFE];
	_ =	sdelay $0x1  }
0x8a: {  	s1 =	srdreg.scid  }
0x8b: {  	s0 =	sand.u32 $0x1, s1  }
0x8c: {  	s17 =	sshll.u32 s0, $0xA;
	s2 =	sadd.s32 s3, s2  }
0x8d: {  	s2 =	sadd.s32 s2, s17  }
0x8e: {  	[smem:$0x3FBF] =	sst s2  }
0x8f: {  	_ = 	snop  }
0x90: {  	s2 =	sld [smem:$0x3FD0];
	(tm) =	ssettm $0x1  }
0x91: {  	s18 =	sld [smem:$0x3FFB];
	_ =	sdelay $0x3  }
0x92: {  	_ =	strace s18  }
0x93: {  	s3 =	sld [smem:$0x3FFC];
	_ =	sdelay $0x3  }
0x94: {  	_ =	strace s3  }
0x95: {  	s3 =	sld [smem:$0x3FFD];
	_ =	sdelay $0x3  }
0x96: {  	_ =	strace s3  }
0x97: {  	_ =	strace $0x8FFFFFFF  }
0x98: {  	s19 =	sld [smem:$0x3FDB];
	_ =	sdelay $0x1  }
0x99: {  	s4 =	simm.s32 $_scs_section_size  }
0x9a: {  	s5 =	simm.s32 $_size__tile_overlayer_lowered;
	s6 =	simm.s32 $_tile_overlayer_lowered  }
0x9b: {  	s22 =	simm.s32 $0x1BFF;
	s21 =	sshll.u32 s6, $0x1;
	s3 =	sadd.s32 s4, s19  }
0x9c: {  	s7 =	simm.s32 $0x0;
	s20 =	sshll.u32 s5, $0x1;
	s5 =	sadd.s32 s21, s3  }
0x9d: {  	[timem:s7], [sflag:s22] =	dma.local [hbm:s5], s20  }
0x9e: {  	_ =	swait.ge [sflag:s22], s20  }
0x9f: {  	s4 =	ssub.s32 $0x0, s20;
	[sflag:s22] =	ssyncset.done $0x0  }
0xa0: {  	[sflag:s22] =	ssyncadd.s32 s4;
	_ =	sdelay $0x1  }
0xa1: {  	s23 =	simm.s32 $0x1B8B  }
0xa2: {  	_ =	swait.ge [sflag:s23], $0x1  }
0xa3: {  	[sflag:s23] =	ssyncset.done $0x0  }
0xa4: {  	s25 =	simm.s32 $0x1B8E;
	s24 =	sld [smem:$0x3FFE];
	[sflag:s23] =	ssyncadd.s32 $0xFFFFFFFF  }
0xa5: {  	s26 =	simm.s32 $execute0_lowered;
	[smem:$0x3FD2] =	sst s25  }
0xa6: {  	s5 =	sshll.u32 s26, $0x1;
	_ =	strace $0x80000046;
	[dreg:$0x1] =	wrdreg $0xFFFFFFFF  }
0xa7: {  	s28 =	simm.s32 $_size_execute0_lowered;
	s3 =	sadd.s32 s3, s5;
	[dreg:$0x0] =	wrdreg $0x0  }
0xa8: {  	s5 =	sshll.u32 s28, $0x1;
	[dreg:$0x2] =	wrdreg s3  }
0xa9: {  	[dreg:$0x3] =	wrdreg s5  }
0xaa: {  	[dreg:$0x4] =	wrdreg $0xC0  }
0xab: {  	_ =	task [dreg:s7], $0x5FFFF  }
0xac: {  	[dreg:$0x1] =	wrdreg $0xFFFFFFFF  }
0xad: {  	[dreg:$0x0] =	wrdreg $0x60  }
0xae: {  	[dreg:$0x2] =	wrdreg s24  }
0xaf: {  	[dreg:$0x3] =	wrdreg s2  }
0xb0: {  	[dreg:$0x4] =	wrdreg $0x9  }
0xb1: {  	_ =	task.clear_ibuf [dreg:s7], $0x5FFFF;
	_ =	strace $0x90000046  }
0xb2: {  	s29 =	simm.s32 $0x9;
	_ =	strace $0x80000048  }
0xb3: {  	_ =	swait.ge [sflag:s29], $0x1  }
0xb4: {  	[sflag:s29] =	ssyncadd.s32 $0xFFFFFFFF  }
0xb5: {  	_ =	strace $0x90000048  }
0xb6: {  	_ =	sfence  }
0xb7: {  	s30 =	sld [smem:$0x0];
	_ =	sdelay $0x2  }
0xb8: {  	s31 =	sshll.u32 s1, $0xD;
	s1 =	sshrl.u32 s1, $0x2  }
0xb9: {  	s3 =	sand.u32 $0x4000, s31;
	s1 =	sadd.s32 s1, s30  }
0xba: {  	s0 =	sor.u32 s3, s0;
	s1 =	sshll.u32 s1, $0x11  }
0xbb: {  	s0 =	sor.u32 s1, s0  }
0xbc: {  	s0 =	sadd.s32 $0x8F2B, s0  }
0xbd: {  	[sflag:s0] =	ssyncadd.remote.s32 $0x1  }
0xbe: {  	_ =	sfence.sel $0xFFFF  }
0xbf: {  	[dreg:$0x0] =	wrdreg $0xFFFFFFFF;
	(pc) =	sbr.abs _section_cstart, $3  }
0xc0: {  	[dreg:$0x1] =	wrdreg $0xFFFFFFFF  }
0xc1: {  	_ =	task.clear_ibuf [dreg:s7], $0x2FFFF;
	_ =	strace $0x9FFFFFFF  }
0xc2: {  	(tm) =	ssettm $0x7FFFFFFF  }
0xc3: {  	_ =	shalt  }
tec
execute0_lowered:
.L_overlay_start_1:
0x0: {  	(tag) =	ssettag $0x1  }
0x1: {  	s0 =	rddreg [dreg:$0x0]  }
0x2: {  	s1 =	rddreg [dreg:$0x1];
	s2 =	simm.s32 $0x0  }
0x3: {  	s8 =	stileid.u32;
	s4 =	srdreg.scid;
	s15 =	simm.s32 $0x10  }
0x4: {  	s18 =	simm.s32 $0x2C0;
	s19 =	simm.s32 $0x49C0;
	s20 =	simm.s32 $0x340  }
0x5: {  	s21 =	simm.s32 $0x69C0;
	s22 =	simm.s32 $0x3C0;
	s23 =	simm.s32 $0x89C0  }
0x6: {  	s28 =	simm.s32 $0xADC0;
	s29 =	simm.s32 $0x540;
	s30 =	simm.s32 $0xCDC0  }
0x7: {  	s31 =	simm.s32 $0x1;
	s13 =	simm.s32 $0x0;
	[smem:$0x7FF] =	sst s2  }
0x8: {  	s7 =	sadd.s32 $0x20C00, s0;
	s5 =	sshll.u32 s8, $0x1;
	s3 =	sadd.s32 $0x1F800, s0  }
0x9: {  	s6 =	sand.u32 $0x1, s4;
	s4 =	sadd.s32 $0xE00, s0;
	s8 =	sshrl.u32 s8, $0x3  }
0xa: {  	_ =	strace $0x80000047;
	s5 =	sand.u32 $0xE, s5;
	s9 =	sshll.u32 s8, $0xC  }
0xb: {  	s11 =	smul.u32 $0xC0000, s8;
	s8 =	sshll.u32 s8, $0x9;
	s10 =	sor.u32 s6, s5  }
0xc: {  	s6 =	ssub.s32 $0x2, s6;
	s5 =	sshll.u32 s10, $0x8;
	s12 =	smul.u32 $0xC000, s10  }
0xd: {  	s24 =	sshrl.u32 s6, $0x1;
	p0 =	sne.s32 s10, $0x0;
	s10 =	simm.s32 $0x80  }
0xe: {  	s9 =	sor.u32 s5, s9;
	s5 =	sadd.s32 $0x5F6E00, s0;
	s0 =	ssub.s32 s6, s24  }
0xf: {  	s24 =	simm.s32 $0x440;
	s9 =	sadd.s32 $0xFFFFFFE8, s9;
	s26 =	sadd.s32 s11, s12  }
0x10: {  	s11 =	simm.s32 $0xD1C0;
	s12 =	simm.s32 $0x4;
	s25 =	sshrl.u32 s9, $0x3  }
0x11: {  	s9 =	sshrl.u32 s26, $0x3;
	s26 =	simm.s32 $0x4C0;
	s6 =	sadd.s32 s7, s25  }
0x12: {  	s7 =	sadd.s32 s7, s8;
	s8 =	sadd.s32 s1, s9;
	s9 =	smax.u32 s0, $0x1  }
0x13: {  	v1 =	vimm.f32 $0.0e+00;
	s25 =	simm.s32 $0x8DC0;
	s0 =	simm.s32 $0x2;
	s1 =	simm.s32 $0x3  }
.LBB2_1:
0x14: {  	v0 =	vimm.s32 $0x0  }
0x15: {  	[tilespmem:$0x0] =	vst v0  }
0x16: {  	s14 =	simm.s32 @p0 $0x0;
	[tilespmem:$0x10] =	vst v0  }
0x17: {  	[tilespmem:s14], [sflag:$0x4] =	stream.linear.gather @p0 [hbm4b:s6+s14], $0x118, $0x38;
	[tilespmem:$0x191C0] =	vst v63  }
0x18: {  	s14 =	simm.s32 @p0 $0x4  }
0x19: {  	_ =	swait.ge @p0 [sflag:s14], $0x118  }
0x1a: {  	[sflag:s14] =	ssyncset.done @p0 $0x0  }
0x1b: {  	s16 =	simm.s32 @!p0 $0x18;
	[sflag:s14] =	ssyncadd.s32 @p0 $0xFFFFFEE8;
	s14 =	simm.s32 @!p0 $0x0  }
0x1c: {  	[tilespmem:s16], [sflag:$0x4] =	stream.linear.gather @!p0 [hbm4b:s7+s14], $0x100, $0x38;
	[tilespmem:$0x191C0] =	vst v63  }
0x1d: {  	s14 =	simm.s32 @!p0 $0x4  }
0x1e: {  	_ =	swait.ge @!p0 [sflag:s14], $0x100  }
0x1f: {  	[sflag:s14] =	ssyncset.done @!p0 $0x0  }
0x20: {  	[sflag:s14] =	ssyncadd.s32 @!p0 $0xFFFFFF00  }
0x21: {  	v2 =	vld [tilespmem:$0x8]  }
0x22: {  	v4 =	vld [tilespmem:$0x7]  }
0x23: {  	v5 =	vld [tilespmem:$0x6]  }
0x24: {  	v6 =	vld [tilespmem:$0x5]  }
0x25: {  	v12 =	vld [tilespmem:$0x4]  }
0x26: {  	v13 =	vld [tilespmem:$0x3]  }
0x27: {  	v15 =	vld [tilespmem:$0x2]  }
0x28: {  	v16 =	vld [tilespmem:$0x1]  }
0x29: {  	v17 =	vld [tilespmem:$0x18]  }
0x2a: {  	v18 =	vld [tilespmem:$0x17]  }
0x2b: {  	v19 =	vld [tilespmem:$0x16]  }
0x2c: {  	v23 =	vld [tilespmem:$0x15]  }
0x2d: {  	v24 =	vld [tilespmem:$0x14]  }
0x2e: {  	v25 =	vld [tilespmem:$0x13]  }
0x2f: {  	v26 =	vld [tilespmem:$0x12]  }
0x30: {  	v27 =	vld [tilespmem:$0x11]  }
0x31: {  	v28 =	vld [tilespmem:$0x28]  }
0x32: {  	v29 =	vld [tilespmem:$0x27]  }
0x33: {  	v30 =	vld [tilespmem:$0x26]  }
0x34: {  	v31 =	vld [tilespmem:$0x25]  }
0x35: {  	v32 =	vld [tilespmem:$0x24]  }
0x36: {  	v33 =	vld [tilespmem:$0x23]  }
0x37: {  	v34 =	vld [tilespmem:$0x22]  }
0x38: {  	v35 =	vld [tilespmem:$0x21]  }
0x39: {  	v36 =	vld [tilespmem:$0x38]  }
0x3a: {  	v37 =	vld [tilespmem:$0x37]  }
0x3b: {  	v38 =	vld [tilespmem:$0x36]  }
0x3c: {  	v39 =	vld [tilespmem:$0x35]  }
0x3d: {  	v40 =	vld [tilespmem:$0x34]  }
0x3e: {  	v41 =	vld [tilespmem:$0x33]  }
0x3f: {  	v42 =	vld [tilespmem:$0x32]  }
0x40: {  	v43 =	vld [tilespmem:$0x31]  }
0x41: {  	v44 =	vld [tilespmem:$0x48]  }
0x42: {  	v45 =	vld [tilespmem:$0x47]  }
0x43: {  	v46 =	vld [tilespmem:$0x46]  }
0x44: {  	v47 =	vld [tilespmem:$0x45]  }
0x45: {  	v48 =	vld [tilespmem:$0x44]  }
0x46: {  	v49 =	vld [tilespmem:$0x43]  }
0x47: {  	v50 =	vld [tilespmem:$0x42]  }
0x48: {  	v51 =	vld [tilespmem:$0x41]  }
0x49: {  	v52 =	vld [tilespmem:$0x58]  }
0x4a: {  	v53 =	vld [tilespmem:$0x57]  }
0x4b: {  	v54 =	vld [tilespmem:$0x56]  }
0x4c: {  	v55 =	vld [tilespmem:$0x55]  }
0x4d: {  	v56 =	vld [tilespmem:$0x54]  }
0x4e: {  	v57 =	vld [tilespmem:$0x53]  }
0x4f: {  	v58 =	vld [tilespmem:$0x52]  }
0x50: {  	v59 =	vld [tilespmem:$0x51]  }
0x51: {  	v60 =	vld [tilespmem:$0x68]  }
0x52: {  	v61 =	vld [tilespmem:$0x67]  }
0x53: {  	v62 =	vld [tilespmem:$0x66]  }
0x54: {  	v63 =	vld [tilespmem:$0x65]  }
0x55: {  	v3 =	vld [tilespmem:$0x64]  }
0x56: {  	v22 =	vld [tilespmem:$0x63]  }
0x57: {  	v14 =	vld [tilespmem:$0x62]  }
0x58: {  	v0 =	vld [tilespmem:$0x61]  }
0x59: {  	v10 =	vld [tilespmem:$0x78]  }
0x5a: {  	v21 =	vld [tilespmem:$0x76]  }
0x5b: {  	v11 =	vld [tilespmem:$0x75]  }
0x5c: {  	v9 =	vld [tilespmem:$0x74]  }
0x5d: {  	v8 =	vld [tilespmem:$0x73];
	v4 =	vmul.u32 $0x5, v4  }
0x5e: {  	v7 =	vld [tilespmem:$0x72];
	v5 =	vmul.u32 $0x19, v5  }
0x5f: {  	[tilespmem:$0x1FFF0] =	vst v0;
	v0 =	vld [tilespmem:$0x77];
	v2 =	vadd.s32 v2, v4;
	v4 =	vmul.u32 $0x7D, v6  }
0x60: {  	v20 =	vmul.u32 $0x271, v12;
	v5 =	vadd.s32 v5, v2;
	v2 =	vld [tilespmem:$0x71]  }
0x61: {  	v12 =	vmul.u32 $0xC35, v13;
	v13 =	vmul.u32 $0x5, v18;
	v4 =	vadd.s32 v4, v5;
	v5 =	vld [tilespmem:$0x88]  }
0x62: {  	v6 =	vadd.s32 v20, v4;
	v20 =	vld [tilespmem:$0x87]  }
0x63: {  	v15 =	vmul.u32 $0x3D09, v15;
	v6 =	vadd.s32 v12, v6;
	v12 =	vadd.s32 v17, v13;
	v17 =	vld [tilespmem:$0x86]  }
0x64: {  	v18 =	vmul.u32 $0x19, v19;
	v0 =	vmul.u32 $0x5, v0;
	v13 =	vld [tilespmem:$0x83]  }
0x65: {  	v23 =	vmul.u32 $0x7D, v23;
	v16 =	vmul.u32 $0x1312D, v16;
	v19 =	vadd.s32 v15, v6;
	v15 =	vld [tilespmem:$0x85]  }
0x66: {  	v12 =	vadd.s32 v18, v12;
	v18 =	vmul.u32 $0x271, v24;
	v0 =	vadd.s32 v10, v0;
	v10 =	vld [tilespmem:$0xB2]  }
0x67: {  	v24 =	vmul.u32 $0xC35, v25;
	v25 =	vmul.u32 $0x3D09, v26;
	v23 =	vadd.s32 v23, v12;
	v12 =	vld [tilespmem:$0x84]  }
0x68: {  	v26 =	vmul.u32 $0x5, v29;
	v29 =	vadd.s32 v16, v19;
	v16 =	vmul.u32 $0x19, v30;
	v30 =	vld [tilespmem:$0x82]  }
0x69: {  	v18 =	vadd.s32 v18, v23;
	[tilespmem:$0x150] =	vst v23;
	v23 =	vld [tilespmem:$0xC2]  }
0x6a: {  	v24 =	vadd.s32 v24, v18;
	v18 =	vadd.s32 v28, v26;
	v28 =	vmul.u32 $0x271, v32;
	v32 =	vld [tilespmem:$0x97]  }
0x6b: {  	v27 =	vmul.u32 $0x1312D, v27;
	v19 =	vadd.s32 v25, v24;
	v25 =	vld [tilespmem:$0x81]  }
0x6c: {  	v34 =	vmul.u32 $0x3D09, v34;
	v26 =	vmul.u32 $0x7D, v31;
	v16 =	vadd.s32 v16, v18;
	v18 =	vld [tilespmem:$0x98]  }
0x6d: {  	v35 =	vmul.u32 $0x1312D, v35;
	v45 =	vmul.u32 $0x5, v45;
	[tilespmem:$0x2D0] =	vst v24;
	v24 =	vmul.u32 $0x19, v17;
	v17 =	vld [tilespmem:$0xC5]  }
0x6e: {  	v20 =	vmul.u32 $0x5, v20;
	v26 =	vadd.s32 v26, v16;
	v16 =	vmul.u32 $0xC35, v33;
	v33 =	vld [tilespmem:$0x96]  }
0x6f: {  	v31 =	vmul.u32 $0x5, v37;
	v27 =	vadd.s32 v27, v19;
	v19 =	vmul.u32 $0x7D, v39;
	v39 =	vld [tilespmem:$0x93]  }
0x70: {  	v43 =	vmul.u32 $0x1312D, v43;
	v48 =	vmul.u32 $0x271, v48;
	v5 =	vadd.s32 v5, v20;
	v20 =	vld [tilespmem:$0xC3]  }
0x71: {  	v37 =	vadd.s32 v28, v26;
	v28 =	vmul.u32 $0x19, v38;
	v38 =	vadd.s32 v36, v31;
	v31 =	vld [tilespmem:$0x95]  }
0x72: {  	v49 =	vmul.u32 $0xC35, v49;
	v53 =	vmul.u32 $0x5, v53;
	v15 =	vmul.u32 $0x7D, v15;
	v36 =	vld [tilespmem:$0x94]  }
0x73: {  	[tilespmem:$0x160] =	vst v26;
	v5 =	vadd.s32 v24, v5;
	v26 =	vmul.u32 $0x271, v12;
	v12 =	vld [tilespmem:$0xC4];
	v37 =	vadd.s32 v16, v37  }
0x74: {  	v16 =	vadd.s32 v28, v38;
	v28 =	vmul.u32 $0x271, v40;
	v40 =	vadd.s32 v44, v45;
	v44 =	vld [tilespmem:$0xA8]  }
0x75: {  	v56 =	vmul.u32 $0x271, v56;
	v61 =	vmul.u32 $0x5, v61;
	v5 =	vadd.s32 v15, v5;
	v45 =	vld [tilespmem:$0xA7]  }
0x76: {  	v3 =	vmul.u32 $0x271, v3;
	v22 =	vmul.u32 $0xC35, v22;
	[tilespmem:$0x440] =	vst v29;
	v29 =	vadd.s32 v26, v5;
	v26 =	vld [tilespmem:$0xD8]  }
0x77: {  	v9 =	vmul.u32 $0x271, v9;
	v34 =	vadd.s32 v34, v37;
	v38 =	vadd.s32 v19, v16;
	v19 =	vld [tilespmem:$0x92]  }
0x78: {  	[tilespmem:$0x450] =	vst v27;
	v27 =	vmul.u32 $0x5, v32;
	v34 =	vadd.s32 v35, v34;
	v35 =	vmul.u32 $0x19, v46;
	v46 =	vld [tilespmem:$0xA6]  }
0x79: {  	v16 =	vmul.u32 $0xC35, v41;
	v41 =	vmul.u32 $0x3D09, v42;
	v42 =	vmul.u32 $0x7D, v47;
	v47 =	vld [tilespmem:$0xA5]  }
0x7a: {  	v7 =	vmul.u32 $0x3D09, v7;
	v32 =	vmul.u32 $0x19, v33;
	v33 =	vadd.s32 v18, v27;
	v18 =	vld [tilespmem:$0xC1]  }
0x7b: {  	v2 =	vmul.u32 $0x1312D, v2;
	v13 =	vmul.u32 $0xC35, v13;
	v28 =	vadd.s32 v28, v38;
	v27 =	vld [tilespmem:$0xD7]  }
0x7c: {  	v10 =	vmul.u32 $0x3D09, v10;
	v28 =	vadd.s32 v16, v28;
	v16 =	vld [tilespmem:$0x91];
	v35 =	vadd.s32 v35, v40  }
0x7d: {  	[tilespmem:$0x460] =	vst v34;
	v34 =	vmul.u32 $0x7D, v31;
	v31 =	vld [tilespmem:$0xD4];
	v35 =	vadd.s32 v42, v35;
	v42 =	vmul.u32 $0x3D09, v50  }
0x7e: {  	v50 =	vmul.u32 $0x1312D, v51;
	v51 =	vmul.u32 $0x7D, v55;
	v55 =	vadd.s32 v60, v61;
	v60 =	vld [tilespmem:$0xB6]  }
0x7f: {  	[tilespmem:$0x2E0] =	vst v37;
	v37 =	vmul.u32 $0x3D09, v30;
	v41 =	vadd.s32 v41, v28;
	v61 =	vmul.u32 $0x7D, v11;
	v11 =	vld [tilespmem:$0xB1]  }
0x80: {  	v25 =	vmul.u32 $0x1312D, v25;
	v41 =	vadd.s32 v43, v41;
	v43 =	vadd.s32 v52, v53;
	v52 =	vld [tilespmem:$0xA3]  }
0x81: {  	[tilespmem:$0x170] =	vst v38;
	v38 =	vmul.u32 $0x271, v36;
	v40 =	vadd.s32 v48, v35;
	v48 =	vmul.u32 $0x19, v54;
	v53 =	vld [tilespmem:$0xA2]  }
0x82: {  	v54 =	vmul.u32 $0x3D09, v58;
	v58 =	vld [tilespmem:$0xB7];
	[tilespmem:$0x180] =	vst v35;
	v45 =	vmul.u32 $0x5, v45;
	v40 =	vadd.s32 v49, v40  }
0x83: {  	v35 =	vld [tilespmem:$0xE8];
	[tilespmem:$0x470] =	vst v41;
	v41 =	vmul.u32 $0xC35, v39;
	v46 =	vmul.u32 $0x19, v46;
	v19 =	vmul.u32 $0x3D09, v19  }
0x84: {  	v49 =	vld [tilespmem:$0xA4];
	v47 =	vmul.u32 $0x7D, v47;
	v42 =	vadd.s32 v42, v40;
	v43 =	vadd.s32 v48, v43  }
0x85: {  	[tilespmem:$0x2F0] =	vst v28;
	v28 =	vadd.s32 v44, v45;
	v44 =	vld [tilespmem:$0xE5];
	v42 =	vadd.s32 v50, v42;
	v43 =	vadd.s32 v51, v43  }
0x86: {  	v50 =	vmul.u32 $0xC35, v57;
	v51 =	vld [tilespmem:$0xA1];
	v57 =	vmul.u32 $0x19, v62;
	v15 =	vadd.s32 v46, v28  }
0x87: {  	v16 =	vmul.u32 $0x1312D, v16;
	v46 =	vld [tilespmem:$0xE4];
	v48 =	vadd.s32 v56, v43;
	v15 =	vadd.s32 v47, v15  }
0x88: {  	v56 =	vld [tilespmem:$0xB8];
	v47 =	vmul.u32 $0x1312D, v11;
	v48 =	vadd.s32 v50, v48;
	v50 =	vmul.u32 $0x1312D, v59  }
0x89: {  	v59 =	vmul.u32 $0x7D, v63;
	v62 =	vadd.s32 v57, v55;
	v55 =	vld [tilespmem:$0xB5];
	v63 =	vmul.u32 $0x3D09, v14  }
0x8a: {  	v57 =	vld [tilespmem:$0xB4];
	v52 =	vmul.u32 $0xC35, v52;
	v54 =	vadd.s32 v54, v48;
	v49 =	vmul.u32 $0x271, v49  }
0x8b: {  	[tilespmem:$0x140] =	vst v4;
	v50 =	vadd.s32 v50, v54;
	v54 =	vadd.s32 v59, v62;
	v59 =	vmul.u32 $0x19, v21;
	v21 =	vld [tilespmem:$0xB3]  }
0x8c: {  	v58 =	vmul.u32 $0x5, v58;
	v62 =	vld [tilespmem:$0x1FFF0];
	v3 =	vadd.s32 v3, v54;
	[tilespmem:$0x1A0] =	vst v54;
	v54 =	vadd.s32 v49, v15  }
0x8d: {  	[tilespmem:$0x2C0] =	vst v6;
	v49 =	vld [tilespmem:$0xE3];
	v3 =	vadd.s32 v22, v3;
	v0 =	vadd.s32 v59, v0;
	v59 =	vmul.u32 $0x3D09, v53  }
0x8e: {  	[tilespmem:$0x1C0] =	vst v5;
	v22 =	vld [tilespmem:$0xC7];
	v28 =	vadd.s32 v56, v58;
	v53 =	vmul.u32 $0x271, v12;
	v56 =	vmul.u32 $0x5, v27  }
0x8f: {  	[tilespmem:$0x300] =	vst v40;
	v58 =	vmul.u32 $0x3D09, v23;
	v23 =	vmul.u32 $0x271, v31;
	v31 =	vld [tilespmem:$0xF2];
	v4 =	vadd.s32 v63, v3  }
0x90: {  	v0 =	vadd.s32 v61, v0;
	v63 =	vmul.u32 $0xC35, v8;
	v8 =	vld [tilespmem:$0xC8];
	[tilespmem:$0x320] =	vst v3;
	v3 =	vadd.s32 v52, v54  }
0x91: {  	v61 =	vmul.u32 $0x19, v60;
	v40 =	vmul.u32 $0x271, v57;
	v52 =	vld [tilespmem:$0xE2];
	v9 =	vadd.s32 v9, v0;
	[tilespmem:$0x1B0] =	vst v0  }
0x92: {  	v57 =	vld [tilespmem:$0xF8];
	v0 =	vadd.s32 v59, v3;
	[tilespmem:$0x360] =	vst v3;
	v3 =	vmul.u32 $0x1312D, v18;
	v14 =	vmul.u32 $0x1312D, v62  }
0x93: {  	[tilespmem:$0x480] =	vst v42;
	v60 =	vld [tilespmem:$0xF7];
	v6 =	vadd.s32 v63, v9;
	v9 =	vadd.s32 v32, v33;
	v62 =	vmul.u32 $0x1312D, v51  }
0x94: {  	[tilespmem:$0x190] =	vst v43;
	v33 =	vld [tilespmem:$0xD2];
	v63 =	vmul.u32 $0x7D, v55;
	v39 =	vadd.s32 v61, v28;
	v43 =	vmul.u32 $0xC35, v21  }
0x95: {  	[tilespmem:$0x1E0] =	vst v15;
	v51 =	vmul.u32 $0x7D, v17;
	v55 =	vmul.u32 $0xC35, v20;
	v61 =	vadd.s32 v26, v56;
	v26 =	vld [tilespmem:$0xF4]  }
0x96: {  	[tilespmem:$0x310] =	vst v48;
	v7 =	vadd.s32 v7, v6;
	v9 =	vadd.s32 v34, v9;
	v34 =	vld [tilespmem:$0xD1];
	v4 =	vadd.s32 v14, v4  }
0x97: {  	[tilespmem:$0x490] =	vst v50;
	v14 =	vld [tilespmem:$0xC6];
	v2 =	vadd.s32 v2, v7;
	v7 =	vadd.s32 v13, v29;
	v13 =	vadd.s32 v38, v9  }
0x98: {  	[tilespmem:$0x330] =	vst v6;
	v29 =	vld [tilespmem:$0xD6];
	v0 =	vadd.s32 v62, v0;
	v42 =	vadd.s32 v63, v39;
	v45 =	vmul.u32 $0x5, v22  }
0x99: {  	[tilespmem:$0x1D0] =	vst v9;
	v63 =	vld [tilespmem:$0xF6];
	v39 =	vmul.u32 $0xC35, v49;
	v24 =	vadd.s32 v37, v7;
	v13 =	vadd.s32 v41, v13  }
0x9a: {  	v37 =	vld [tilespmem:$0xE7];
	[tilespmem:$0x4B0] =	vst v2;
	v2 =	vadd.s32 v40, v42;
	v40 =	vmul.u32 $0x5, v60;
	v24 =	vadd.s32 v25, v24  }
0x9b: {  	[tilespmem:$0x4A0] =	vst v4;
	v41 =	vld [tilespmem:$0xE6];
	v19 =	vadd.s32 v19, v13;
	v2 =	vadd.s32 v43, v2;
	v8 =	vadd.s32 v8, v45  }
0x9c: {  	[tilespmem:$0x340] =	vst v7;
	v25 =	vld [tilespmem:$0xD5];
	v16 =	vadd.s32 v16, v19;
	v50 =	vadd.s32 v10, v2;
	v27 =	vmul.u32 $0x3D09, v33  }
0x9d: {  	v32 =	vld [tilespmem:$0xD3];
	[tilespmem:$0x4E0] =	vst v0;
	v33 =	vmul.u32 $0x7D, v44;
	v45 =	vadd.s32 v57, v40;
	v49 =	vmul.u32 $0x271, v26  }
0x9e: {  	[tilespmem:$0x4C0] =	vst v24;
	v24 =	vld [tilespmem:$0xF5];
	v57 =	vmul.u32 $0x3D09, v31;
	v5 =	vadd.s32 v47, v50;
	v36 =	vmul.u32 $0x1312D, v34  }
0x9f: {  	[tilespmem:$0x1F0] =	vst v42;
	v44 =	vld [tilespmem:$0x106];
	v48 =	vmul.u32 $0x19, v14;
	v59 =	vmul.u32 $0x19, v29;
	v43 =	vmul.u32 $0x19, v63  }
0xa0: {  	[tilespmem:$0x350] =	vst v13;
	v50 =	vld [tilespmem:$0x104];
	v28 =	vmul.u32 $0x5, v37;
	v30 =	vmul.u32 $0x19, v41;
	v37 =	vmul.u32 $0x271, v46  }
0xa1: {  	[tilespmem:$0x370] =	vst v2;
	v6 =	vadd.s32 v48, v8;
	v62 =	vmul.u32 $0x7D, v25;
	v9 =	vadd.s32 v59, v61  }
0xa2: {  	v54 =	vld [tilespmem:$0xE1];
	[tilespmem:$0x4F0] =	vst v5;
	v25 =	vmul.u32 $0xC35, v32;
	v48 =	vmul.u32 $0x3D09, v52;
	v5 =	vadd.s32 v43, v45  }
0xa3: {  	v38 =	vld [tilespmem:$0x108];
	[tilespmem:$0x4D0] =	vst v16;
	v6 =	vadd.s32 v51, v6;
	v32 =	vadd.s32 v35, v28;
	v46 =	vmul.u32 $0x7D, v24  }
0xa4: {  	v41 =	vld [tilespmem:$0x107];
	v56 =	vmul.u32 $0x19, v44;
	v7 =	vadd.s32 v53, v6;
	v9 =	vadd.s32 v62, v9;
	[tilespmem:$0x200] =	vst v6  }
0xa5: {  	v29 =	vld [tilespmem:$0xF3];
	v4 =	vadd.s32 v30, v32;
	v59 =	vmul.u32 $0x271, v50;
	v7 =	vadd.s32 v55, v7;
	[tilespmem:$0x210] =	vst v9  }
0xa6: {  	v47 =	vld [tilespmem:$0x105];
	v0 =	vadd.s32 v23, v9;
	v4 =	vadd.s32 v33, v4;
	v5 =	vadd.s32 v46, v5;
	[tilespmem:$0x380] =	vst v7  }
0xa7: {  	v35 =	vld [tilespmem:$0xF1];
	v13 =	vadd.s32 v58, v7;
	v0 =	vadd.s32 v25, v0;
	v42 =	vadd.s32 v37, v4;
	[tilespmem:$0x220] =	vst v4  }
0xa8: {  	v52 =	vld [tilespmem:$0x103];
	v3 =	vadd.s32 v3, v13;
	v2 =	vadd.s32 v27, v0;
	[tilespmem:$0x390] =	vst v0;
	v0 =	vmul.u32 $0x1312D, v54  }
0xa9: {  	v53 =	vld [tilespmem:$0x102];
	v54 =	vmul.u32 $0x5, v41;
	v2 =	vadd.s32 v36, v2;
	[tilespmem:$0x500] =	vst v3;
	v3 =	vadd.s32 v39, v42  }
0xaa: {  	v51 =	vmul.u32 $0xC35, v29;
	v55 =	vld [tilespmem:$0x101];
	v7 =	vadd.s32 v49, v5;
	[tilespmem:$0x510] =	vst v2;
	v2 =	vadd.s32 v48, v3  }
0xab: {  	v58 =	vmul.u32 $0x7D, v47;
	[tilespmem:$0x3A0] =	vst v3;
	v3 =	vadd.s32 v38, v54;
	v0 =	vadd.s32 v0, v2  }
0xac: {  	v2 =	vadd.s32 v51, v7;
	[tilespmem:$0x520] =	vst v0;
	v0 =	vadd.s32 v56, v3;
	v3 =	vmul.u32 $0x1312D, v35  }
0xad: {  	[tilespmem:$0x230] =	vst v5;
	v61 =	vmul.u32 $0xC35, v52;
	v60 =	vadd.s32 v57, v2;
	v0 =	vadd.s32 v58, v0  }
0xae: {  	v62 =	vmul.u32 $0x3D09, v53;
	[tilespmem:$0x3B0] =	vst v2;
	v3 =	vadd.s32 v3, v60;
	v2 =	vadd.s32 v59, v0  }
0xaf: {  	[tilespmem:$0x530] =	vst v3;
	v2 =	vadd.s32 v61, v2;
	v3 =	vmul.u32 $0x1312D, v55  }
0xb0: {  	[tilespmem:$0x240] =	vst v0;
	v63 =	vadd.s32 v62, v2  }
0xb1: {  	[tilespmem:$0x3C0] =	vst v2;
	v0 =	vadd.s32 v3, v63  }
0xb2: {  	s17 =	simm.s32 $0x5C0;
	s16 =	simm.s32 $0x140;
	[tilespmem:$0x540] =	vst v0  }
0xb3: {  	[tilespmem:s17], [sflag:$0x1] =	stream.indirect.gather [hbm4b:s3+s10], $0x40, s16, s10, $0xb8;
	[tilespmem:$0x191C0] =	vst v63  }
0xb4: {  	s16 =	simm.s32 $0x1C0;
	s17 =	simm.s32 $0x25C0  }
0xb5: {  	[tilespmem:s17], [sflag:$0x1] =	stream.indirect.gather [hbm4b:s3+s10], $0x40, s16, s10, $0xb8;
	[tilespmem:$0x191C0] =	vst v63  }
0xb6: {  	s16 =	simm.s32 $0x240;
	s17 =	simm.s32 $0x45C0  }
0xb7: {  	[tilespmem:s17], [sflag:$0x1] =	stream.indirect.gather [hbm4b:s3+s15], $0x40, s16, s15, $0xb8;
	[tilespmem:$0x191C0] =	vst v63  }
0xb8: {  	_ = 	snop  }
0xb9: {  	[tilespmem:s19], [sflag:$0x2] =	stream.indirect.gather [hbm4b:s4+s10], $0x40, s18, s10, $0xb8;
	[tilespmem:$0x191C0] =	vst v63  }
0xba: {  	_ = 	snop  }
0xbb: {  	[tilespmem:s21], [sflag:$0x2] =	stream.indirect.gather [hbm4b:s4+s10], $0x40, s20, s10, $0xb8;
	[tilespmem:$0x191C0] =	vst v63  }
0xbc: {  	_ = 	snop  }
0xbd: {  	[tilespmem:s23], [sflag:$0x2] =	stream.indirect.gather [hbm4b:s4+s15], $0x40, s22, s15, $0xb8;
	[tilespmem:$0x191C0] =	vst v63  }
0xbe: {  	_ = 	snop  }
0xbf: {  	[tilespmem:s25], [sflag:$0x3] =	stream.indirect.gather [hbm4b:s5+s10], $0x40, s24, s10, $0xb8;
	[tilespmem:$0x191C0] =	vst v63  }
0xc0: {  	_ = 	snop  }
0xc1: {  	[tilespmem:s28], [sflag:$0x3] =	stream.indirect.gather [hbm4b:s5+s10], $0x40, s26, s10, $0xb8;
	[tilespmem:$0x191C0] =	vst v63  }
0xc2: {  	_ = 	snop  }
0xc3: {  	[tilespmem:s30], [sflag:$0x3] =	stream.indirect.gather [hbm4b:s5+s15], $0x40, s29, s15, $0xb8;
	[tilespmem:$0x191C0] =	vst v63  }
0xc4: {  	_ =	swait.ge [sflag:s31], $0x2000  }
0xc5: {  	[sflag:s31] =	ssyncset.done $0x0  }
0xc6: {  	[sflag:s31] =	ssyncadd.s32 $0xFFFFE000  }
0xc7: {  	_ =	swait.ge [sflag:s31], $0x2000  }
.Ltmp0:
0xc8: {  	[sflag:s31] =	ssyncset.done $0x0;
	(pc) =	sbr.rel @p0 .LBB2_3-.Ltmp0, $4  }
0xc9: {  	[sflag:s31] =	ssyncadd.s32 $0xFFFFE000  }
0xca: {  	_ =	swait.ge [sflag:s31], $0x400  }
0xcb: {  	[sflag:s31] =	ssyncset.done $0x0  }
0xcc: {  	[sflag:s31] =	ssyncadd.s32 $0xFFFFFC00  }
0xcd: {  	[tilespmem:$0x5C0] =	vst v1  }
0xce: {  	[tilespmem:$0x5D0] =	vst v1  }
0xcf: {  	[tilespmem:$0x5E0] =	vst v1  }
0xd0: {  	[tilespmem:$0x5F0] =	vst v1  }
0xd1: {  	[tilespmem:$0x600] =	vst v1  }
0xd2: {  	[tilespmem:$0x610] =	vst v1  }
0xd3: {  	[tilespmem:$0x620] =	vst v1  }
0xd4: {  	[tilespmem:$0x630] =	vst v1  }
0xd5: {  	[tilespmem:$0x640] =	vst v1  }
0xd6: {  	[tilespmem:$0x650] =	vst v1  }
0xd7: {  	[tilespmem:$0x660] =	vst v1  }
0xd8: {  	[tilespmem:$0x670] =	vst v1  }
0xd9: {  	[tilespmem:$0x680] =	vst v1  }
0xda: {  	[tilespmem:$0x690] =	vst v1  }
0xdb: {  	[tilespmem:$0x6A0] =	vst v1  }
0xdc: {  	[tilespmem:$0x6B0] =	vst v1  }
0xdd: {  	[tilespmem:$0x6C0] =	vst v1  }
0xde: {  	[tilespmem:$0x6D0] =	vst v1  }
0xdf: {  	[tilespmem:$0x6E0] =	vst v1  }
0xe0: {  	[tilespmem:$0x6F0] =	vst v1  }
0xe1: {  	[tilespmem:$0x700] =	vst v1  }
0xe2: {  	[tilespmem:$0x710] =	vst v1  }
0xe3: {  	[tilespmem:$0x720] =	vst v1  }
0xe4: {  	[tilespmem:$0x730] =	vst v1  }
0xe5: {  	[tilespmem:$0x740] =	vst v1  }
0xe6: {  	[tilespmem:$0x750] =	vst v1  }
0xe7: {  	[tilespmem:$0x760] =	vst v1  }
0xe8: {  	[tilespmem:$0x770] =	vst v1  }
0xe9: {  	[tilespmem:$0x780] =	vst v1  }
0xea: {  	[tilespmem:$0x790] =	vst v1  }
0xeb: {  	[tilespmem:$0x7A0] =	vst v1  }
0xec: {  	[tilespmem:$0x7B0] =	vst v1  }
0xed: {  	[tilespmem:$0x7C0] =	vst v1  }
0xee: {  	[tilespmem:$0x7D0] =	vst v1  }
0xef: {  	[tilespmem:$0x7E0] =	vst v1  }
0xf0: {  	[tilespmem:$0x7F0] =	vst v1  }
0xf1: {  	[tilespmem:$0x800] =	vst v1  }
0xf2: {  	[tilespmem:$0x810] =	vst v1  }
0xf3: {  	[tilespmem:$0x820] =	vst v1  }
0xf4: {  	[tilespmem:$0x830] =	vst v1  }
0xf5: {  	[tilespmem:$0x840] =	vst v1  }
0xf6: {  	[tilespmem:$0x850] =	vst v1  }
0xf7: {  	[tilespmem:$0x860] =	vst v1  }
0xf8: {  	[tilespmem:$0x870] =	vst v1  }
0xf9: {  	[tilespmem:$0x880] =	vst v1  }
0xfa: {  	[tilespmem:$0x890] =	vst v1  }
0xfb: {  	[tilespmem:$0x8A0] =	vst v1  }
0xfc: {  	[tilespmem:$0x8B0] =	vst v1  }
0xfd: {  	[tilespmem:$0x8C0] =	vst v1  }
0xfe: {  	[tilespmem:$0x8D0] =	vst v1  }
0xff: {  	[tilespmem:$0x8E0] =	vst v1  }
0x100: {  	[tilespmem:$0x8F0] =	vst v1  }
0x101: {  	[tilespmem:$0x900] =	vst v1  }
0x102: {  	[tilespmem:$0x910] =	vst v1  }
0x103: {  	[tilespmem:$0x920] =	vst v1  }
0x104: {  	[tilespmem:$0x930] =	vst v1  }
0x105: {  	[tilespmem:$0x940] =	vst v1  }
0x106: {  	[tilespmem:$0x950] =	vst v1  }
0x107: {  	[tilespmem:$0x960] =	vst v1  }
0x108: {  	[tilespmem:$0x970] =	vst v1  }
0x109: {  	[tilespmem:$0x980] =	vst v1  }
0x10a: {  	[tilespmem:$0x990] =	vst v1  }
0x10b: {  	[tilespmem:$0x9A0] =	vst v1  }
0x10c: {  	[tilespmem:$0x9B0] =	vst v1  }
0x10d: {  	[tilespmem:$0x9C0] =	vst v1  }
0x10e: {  	[tilespmem:$0x9D0] =	vst v1  }
0x10f: {  	[tilespmem:$0x9E0] =	vst v1  }
0x110: {  	[tilespmem:$0x9F0] =	vst v1  }
0x111: {  	[tilespmem:$0xA00] =	vst v1  }
0x112: {  	[tilespmem:$0xA10] =	vst v1  }
0x113: {  	[tilespmem:$0xA20] =	vst v1  }
0x114: {  	[tilespmem:$0xA30] =	vst v1  }
0x115: {  	[tilespmem:$0xA40] =	vst v1  }
0x116: {  	[tilespmem:$0xA50] =	vst v1  }
0x117: {  	[tilespmem:$0xA60] =	vst v1  }
0x118: {  	[tilespmem:$0xA70] =	vst v1  }
.LBB2_3:
0x119: {  	v0 =	vld [tilespmem:$0x680]  }
0x11a: {  	v2 =	vld [tilespmem:$0x690]  }
0x11b: {  	v3 =	vld [tilespmem:$0x6A0]  }
0x11c: {  	v4 =	vld [tilespmem:$0x6B0]  }
0x11d: {  	v5 =	vld [tilespmem:$0x6C0]  }
0x11e: {  	v6 =	vld [tilespmem:$0x6D0]  }
0x11f: {  	v7 =	vld [tilespmem:$0x6E0]  }
0x120: {  	v8 =	vld [tilespmem:$0x6F0]  }
0x121: {  	v9 =	vld [tilespmem:$0x700]  }
0x122: {  	v10 =	vld [tilespmem:$0x710]  }
0x123: {  	v11 =	vld [tilespmem:$0x720]  }
0x124: {  	v12 =	vld [tilespmem:$0x730]  }
0x125: {  	v13 =	vld [tilespmem:$0x740]  }
0x126: {  	v14 =	vld [tilespmem:$0x750]  }
0x127: {  	v15 =	vld [tilespmem:$0x760]  }
0x128: {  	v16 =	vld [tilespmem:$0x770]  }
0x129: {  	v17 =	vld [tilespmem:$0x780]  }
0x12a: {  	v18 =	vld [tilespmem:$0x790]  }
0x12b: {  	v19 =	vld [tilespmem:$0x7A0]  }
0x12c: {  	v20 =	vld [tilespmem:$0x7B0]  }
0x12d: {  	v21 =	vld [tilespmem:$0x7C0]  }
0x12e: {  	v22 =	vld [tilespmem:$0x7D0]  }
0x12f: {  	v23 =	vld [tilespmem:$0x7E0]  }
0x130: {  	v24 =	vld [tilespmem:$0x7F0];
	v0 =	vadd.f32 $0.0e+00, v0  }
0x131: {  	v25 =	vld [tilespmem:$0x800]  }
0x132: {  	v26 =	vld [tilespmem:$0x810];
	v0 =	vadd.f32 v5, v0  }
0x133: {  	v27 =	vld [tilespmem:$0x830]  }
0x134: {  	v46 =	vld [tilespmem:$0x840];
	v0 =	vadd.f32 v9, v0  }
0x135: {  	v28 =	vld [tilespmem:$0x850]  }
0x136: {  	v47 =	vld [tilespmem:$0x860];
	v0 =	vadd.f32 v13, v0  }
0x137: {  	v29 =	vld [tilespmem:$0x870]  }
0x138: {  	v48 =	vld [tilespmem:$0x880];
	v0 =	vadd.f32 v17, v0  }
0x139: {  	v30 =	vld [tilespmem:$0x890]  }
0x13a: {  	v49 =	vld [tilespmem:$0x8A0];
	v2 =	vadd.f32 $0.0e+00, v2;
	v0 =	vadd.f32 v21, v0  }
0x13b: {  	v31 =	vld [tilespmem:$0x8B0]  }
0x13c: {  	v50 =	vld [tilespmem:$0x8D0];
	v2 =	vadd.f32 v6, v2;
	v0 =	vadd.f32 v25, v0  }
0x13d: {  	v6 =	vld [tilespmem:$0x8C0]  }
0x13e: {  	v51 =	vld [tilespmem:$0x8E0];
	v2 =	vadd.f32 v10, v2;
	v0 =	vadd.f32 v46, v0  }
0x13f: {  	v52 =	vld [tilespmem:$0x900]  }
0x140: {  	v53 =	vld [tilespmem:$0x8F0];
	v2 =	vadd.f32 v14, v2;
	v0 =	vadd.f32 v48, v0  }
0x141: {  	v54 =	vld [tilespmem:$0x940]  }
0x142: {  	v55 =	vld [tilespmem:$0x980];
	v2 =	vadd.f32 v18, v2;
	v0 =	vadd.f32 v6, v0  }
0x143: {  	v56 =	vld [tilespmem:$0x920];
	v3 =	vadd.f32 $0.0e+00, v3  }
0x144: {  	s14 =	simm.s32 $0xA30;
	v57 =	vld [tilespmem:$0x930];
	v2 =	vadd.f32 v22, v2;
	v0 =	vadd.f32 v52, v0  }
0x145: {  	v3 =	vadd.f32 v7, v3;
	v7 =	vld [tilespmem:s14+$0xFFFFFF90]  }
0x146: {  	v59 =	vld [tilespmem:$0x950];
	v2 =	vadd.f32 v26, v2;
	v0 =	vadd.f32 v54, v0  }
0x147: {  	v58 =	vld [tilespmem:s14+$0xFFFFFC50];
	v3 =	vadd.f32 v11, v3  }
0x148: {  	v60 =	vld [tilespmem:$0x960];
	v2 =	vadd.f32 v28, v2;
	v0 =	vadd.f32 v55, v0  }
0x149: {  	v3 =	vadd.f32 v15, v3;
	v6 =	vld [tilespmem:$0x910]  }
0x14a: {  	v61 =	vld [tilespmem:$0x990];
	v2 =	vadd.f32 v30, v2;
	v0 =	vadd.f32 v7, v0  }
0x14b: {  	v5 =	vld [tilespmem:$0x820];
	v3 =	vadd.f32 v19, v3  }
0x14c: {  	v62 =	vld [tilespmem:$0x9A0];
	v2 =	vadd.f32 v50, v2;
	v0 =	vsub.f32 v0, v58  }
0x14d: {  	v63 =	vld [tilespmem:$0x9B0];
	s16 =	simm.s32 $0x0;
	v4 =	vadd.f32 $0.0e+00, v4  }
0x14e: {  	v3 =	vadd.f32 v23, v3;
	v2 =	vadd.f32 v6, v2;
	v7 =	vld [tilespmem:$0x970];
	[tilespmem:s16+$0xD1C0] =	vst v0  }
0x14f: {  	v4 =	vadd.f32 v8, v4;
	v6 =	vld [tilespmem:s14+$0xFFFFFFA0]  }
0x150: {  	v3 =	vadd.f32 v5, v3;
	v2 =	vadd.f32 v59, v2  }
0x151: {  	v4 =	vadd.f32 v12, v4;
	v5 =	vld [tilespmem:s14+$0xFFFFFC60]  }
0x152: {  	v3 =	vadd.f32 v47, v3;
	v2 =	vadd.f32 v61, v2  }
0x153: {  	v4 =	vadd.f32 v16, v4  }
0x154: {  	v3 =	vadd.f32 v49, v3;
	v2 =	vadd.f32 v6, v2  }
0x155: {  	v4 =	vadd.f32 v20, v4  }
0x156: {  	v3 =	vadd.f32 v51, v3;
	v5 =	vsub.f32 v2, v5;
	_ =	sdelay $0x1  }
0x157: {  	v3 =	vadd.f32 v56, v3;
	v2 =	vadd.f32 v24, v4;
	[tilespmem:s16+$0xD1D0] =	vst v5  }
0x158: {  	v4 =	vld [tilespmem:s14+$0xFFFFFFB0]  }
0x159: {  	v3 =	vadd.f32 v60, v3;
	v2 =	vadd.f32 v27, v2  }
0x15a: {  	v6 =	vld [tilespmem:s14+$0xFFFFFC70]  }
0x15b: {  	v3 =	vadd.f32 v62, v3;
	v2 =	vadd.f32 v29, v2;
	_ =	sdelay $0x1  }
0x15c: {  	v2 =	vadd.f32 v31, v2;
	v3 =	vadd.f32 v4, v3;
	_ =	sdelay $0x1  }
0x15d: {  	v2 =	vadd.f32 v53, v2;
	v4 =	vsub.f32 v3, v6;
	_ =	sdelay $0x1  }
0x15e: {  	v2 =	vadd.f32 v57, v2;
	[tilespmem:s16+$0xD1E0] =	vst v4  }
0x15f: {  	v3 =	vld [tilespmem:s14+$0xFFFFFFC0]  }
0x160: {  	v2 =	vadd.f32 v7, v2  }
0x161: {  	v6 =	vld [tilespmem:s14+$0xFFFFFC80]  }
0x162: {  	v2 =	vadd.f32 v63, v2;
	_ =	sdelay $0x1  }
0x163: {  	v2 =	vadd.f32 v3, v2;
	_ =	sdelay $0x1  }
0x164: {  	v6 =	vsub.f32 v2, v6;
	_ =	sdelay $0x1  }
0x165: {  	[tilespmem:s16+$0xD1F0] =	vst v6  }
0x166: {  	v2 =	vld [tilespmem:s14+$0xFFFFFFD0];
	_ =	sdelay $0x1  }
0x167: {  	v3 =	vld [tilespmem:s14+$0xFFFFFC90];
	_ =	sdelay $0x2  }
0x168: {  	v0 =	vadd.f32 v2, v0;
	_ =	sdelay $0x1  }
0x169: {  	v2 =	vsub.f32 v0, v3;
	_ =	sdelay $0x1  }
0x16a: {  	[tilespmem:s16+$0xD280] =	vst v2  }
0x16b: {  	v0 =	vld [tilespmem:s14+$0xFFFFFFE0];
	_ =	sdelay $0x1  }
0x16c: {  	v3 =	vld [tilespmem:s14+$0xFFFFFCA0];
	_ =	sdelay $0x2  }
0x16d: {  	v0 =	vadd.f32 v0, v5;
	_ =	sdelay $0x1  }
0x16e: {  	v3 =	vsub.f32 v0, v3;
	_ =	sdelay $0x1  }
0x16f: {  	[tilespmem:s16+$0xD290] =	vst v3  }
0x170: {  	v0 =	vld [tilespmem:s14+$0xFFFFFFF0];
	_ =	sdelay $0x1  }
0x171: {  	v5 =	vld [tilespmem:s14+$0xFFFFFCB0];
	_ =	sdelay $0x2  }
0x172: {  	v0 =	vadd.f32 v0, v4;
	_ =	sdelay $0x1  }
0x173: {  	v4 =	vsub.f32 v0, v5;
	_ =	sdelay $0x1  }
0x174: {  	[tilespmem:s16+$0xD2A0] =	vst v4  }
0x175: {  	v0 =	vld [tilespmem:s14+$0x0];
	_ =	sdelay $0x1  }
0x176: {  	v5 =	vld [tilespmem:s14+$0xFFFFFCC0];
	_ =	sdelay $0x2  }
0x177: {  	v0 =	vadd.f32 v0, v6;
	_ =	sdelay $0x1  }
0x178: {  	s17 =	simm.s32 $0x600;
	v5 =	vsub.f32 v0, v5  }
.LBB2_4:
0x179: {  	p1 =	sne.s32 s17, $0x2FA00  }
0x17a: {  	s14 =	sadd.s32 $0x80, s14;
	[tilespmem:s16+$0xD2B0] =	vst v5;
	s16 =	smov.u32 s17;
	s17 =	sadd.s32 $0x600, s17  }
0x17b: {  	v0 =	vld [tilespmem:s14+$0xFFFFFF90];
	_ =	sdelay $0x1  }
0x17c: {  	v6 =	vld [tilespmem:s14+$0xFFFFFC50];
	_ =	sdelay $0x2  }
0x17d: {  	v0 =	vadd.f32 v0, v2;
	_ =	sdelay $0x1  }
0x17e: {  	v0 =	vsub.f32 v0, v6  }
0x17f: {  	s16 =	sshra.s32 s16, $0x2  }
0x180: {  	[tilespmem:s16+$0xD1C0] =	vst v0  }
0x181: {  	v2 =	vld [tilespmem:s14+$0xFFFFFFA0];
	_ =	sdelay $0x1  }
0x182: {  	v6 =	vld [tilespmem:s14+$0xFFFFFC60];
	_ =	sdelay $0x2  }
0x183: {  	v2 =	vadd.f32 v2, v3;
	_ =	sdelay $0x1  }
0x184: {  	v3 =	vsub.f32 v2, v6;
	_ =	sdelay $0x1  }
0x185: {  	[tilespmem:s16+$0xD1D0] =	vst v3  }
0x186: {  	v2 =	vld [tilespmem:s14+$0xFFFFFFB0];
	_ =	sdelay $0x1  }
0x187: {  	v6 =	vld [tilespmem:s14+$0xFFFFFC70];
	_ =	sdelay $0x2  }
0x188: {  	v2 =	vadd.f32 v2, v4;
	_ =	sdelay $0x1  }
0x189: {  	v4 =	vsub.f32 v2, v6;
	_ =	sdelay $0x1  }
0x18a: {  	[tilespmem:s16+$0xD1E0] =	vst v4  }
0x18b: {  	v2 =	vld [tilespmem:s14+$0xFFFFFFC0];
	_ =	sdelay $0x1  }
0x18c: {  	v6 =	vld [tilespmem:s14+$0xFFFFFC80];
	_ =	sdelay $0x2  }
0x18d: {  	v2 =	vadd.f32 v2, v5;
	_ =	sdelay $0x1  }
0x18e: {  	v5 =	vsub.f32 v2, v6;
	_ =	sdelay $0x1  }
0x18f: {  	[tilespmem:s16+$0xD1F0] =	vst v5  }
0x190: {  	v2 =	vld [tilespmem:s14+$0xFFFFFFD0];
	_ =	sdelay $0x1  }
0x191: {  	v6 =	vld [tilespmem:s14+$0xFFFFFC90];
	_ =	sdelay $0x2  }
0x192: {  	v0 =	vadd.f32 v2, v0;
	_ =	sdelay $0x1  }
0x193: {  	v2 =	vsub.f32 v0, v6;
	_ =	sdelay $0x1  }
0x194: {  	[tilespmem:s16+$0xD280] =	vst v2  }
0x195: {  	v0 =	vld [tilespmem:s14+$0xFFFFFFE0]  }
0x196: {  	v6 =	vld [tilespmem:s14+$0xFFFFFCA0];
	_ =	sdelay $0x3  }
0x197: {  	v0 =	vadd.f32 v0, v3;
	_ =	sdelay $0x1  }
0x198: {  	v3 =	vsub.f32 v0, v6;
	_ =	sdelay $0x1  }
0x199: {  	[tilespmem:s16+$0xD290] =	vst v3  }
0x19a: {  	v0 =	vld [tilespmem:s14+$0xFFFFFFF0]  }
0x19b: {  	v6 =	vld [tilespmem:s14+$0xFFFFFCB0];
	_ =	sdelay $0x3  }
0x19c: {  	v0 =	vadd.f32 v0, v4;
	_ =	sdelay $0x1  }
0x19d: {  	v4 =	vsub.f32 v0, v6;
	_ =	sdelay $0x1  }
0x19e: {  	[tilespmem:s16+$0xD2A0] =	vst v4  }
0x19f: {  	v0 =	vld [tilespmem:s14+$0x0]  }
0x1a0: {  	v6 =	vld [tilespmem:s14+$0xFFFFFCC0];
	_ =	sdelay $0x1  }
.Ltmp1:
0x1a1: {  	(pc) =	sbr.rel @p1 .LBB2_4-.Ltmp1, $3  }
0x1a2: {  	_ = 	snop  }
0x1a3: {  	v0 =	vadd.f32 v0, v5;
	_ =	sdelay $0x1  }
0x1a4: {  	v5 =	vsub.f32 v0, v6  }
0x1a5: {  	_ = 	snop  }
0x1a6: {  	[tilespmem:s16+$0xD2B0] =	vst v5  }
0x1a7: {  	_ =	swait.ge [sflag:s0], $0x2000  }
0x1a8: {  	[sflag:s0] =	ssyncset.done $0x0  }
0x1a9: {  	[sflag:s0] =	ssyncadd.s32 $0xFFFFE000  }
0x1aa: {  	_ =	swait.ge [sflag:s0], $0x2000  }
.Ltmp2:
0x1ab: {  	[sflag:s0] =	ssyncset.done $0x0;
	(pc) =	sbr.rel @p0 .LBB2_7-.Ltmp2, $4  }
0x1ac: {  	[sflag:s0] =	ssyncadd.s32 $0xFFFFE000  }
0x1ad: {  	_ =	swait.ge [sflag:s0], $0x400  }
0x1ae: {  	[sflag:s0] =	ssyncset.done $0x0  }
0x1af: {  	[sflag:s0] =	ssyncadd.s32 $0xFFFFFC00  }
0x1b0: {  	[tilespmem:$0x49C0] =	vst v1  }
0x1b1: {  	[tilespmem:$0x49D0] =	vst v1  }
0x1b2: {  	[tilespmem:$0x49E0] =	vst v1  }
0x1b3: {  	[tilespmem:$0x49F0] =	vst v1  }
0x1b4: {  	[tilespmem:$0x4A00] =	vst v1  }
0x1b5: {  	[tilespmem:$0x4A10] =	vst v1  }
0x1b6: {  	[tilespmem:$0x4A20] =	vst v1  }
0x1b7: {  	[tilespmem:$0x4A30] =	vst v1  }
0x1b8: {  	[tilespmem:$0x4A40] =	vst v1  }
0x1b9: {  	[tilespmem:$0x4A50] =	vst v1  }
0x1ba: {  	[tilespmem:$0x4A60] =	vst v1  }
0x1bb: {  	[tilespmem:$0x4A70] =	vst v1  }
0x1bc: {  	[tilespmem:$0x4A80] =	vst v1  }
0x1bd: {  	[tilespmem:$0x4A90] =	vst v1  }
0x1be: {  	[tilespmem:$0x4AA0] =	vst v1  }
0x1bf: {  	[tilespmem:$0x4AB0] =	vst v1  }
0x1c0: {  	[tilespmem:$0x4AC0] =	vst v1  }
0x1c1: {  	[tilespmem:$0x4AD0] =	vst v1  }
0x1c2: {  	[tilespmem:$0x4AE0] =	vst v1  }
0x1c3: {  	[tilespmem:$0x4AF0] =	vst v1  }
0x1c4: {  	[tilespmem:$0x4B00] =	vst v1  }
0x1c5: {  	[tilespmem:$0x4B10] =	vst v1  }
0x1c6: {  	[tilespmem:$0x4B20] =	vst v1  }
0x1c7: {  	[tilespmem:$0x4B30] =	vst v1  }
0x1c8: {  	[tilespmem:$0x4B40] =	vst v1  }
0x1c9: {  	[tilespmem:$0x4B50] =	vst v1  }
0x1ca: {  	[tilespmem:$0x4B60] =	vst v1  }
0x1cb: {  	[tilespmem:$0x4B70] =	vst v1  }
0x1cc: {  	[tilespmem:$0x4B80] =	vst v1  }
0x1cd: {  	[tilespmem:$0x4B90] =	vst v1  }
0x1ce: {  	[tilespmem:$0x4BA0] =	vst v1  }
0x1cf: {  	[tilespmem:$0x4BB0] =	vst v1  }
0x1d0: {  	[tilespmem:$0x4BC0] =	vst v1  }
0x1d1: {  	[tilespmem:$0x4BD0] =	vst v1  }
0x1d2: {  	[tilespmem:$0x4BE0] =	vst v1  }
0x1d3: {  	[tilespmem:$0x4BF0] =	vst v1  }
0x1d4: {  	[tilespmem:$0x4C00] =	vst v1  }
0x1d5: {  	[tilespmem:$0x4C10] =	vst v1  }
0x1d6: {  	[tilespmem:$0x4C20] =	vst v1  }
0x1d7: {  	[tilespmem:$0x4C30] =	vst v1  }
0x1d8: {  	[tilespmem:$0x4C40] =	vst v1  }
0x1d9: {  	[tilespmem:$0x4C50] =	vst v1  }
0x1da: {  	[tilespmem:$0x4C60] =	vst v1  }
0x1db: {  	[tilespmem:$0x4C70] =	vst v1  }
0x1dc: {  	[tilespmem:$0x4C80] =	vst v1  }
0x1dd: {  	[tilespmem:$0x4C90] =	vst v1  }
0x1de: {  	[tilespmem:$0x4CA0] =	vst v1  }
0x1df: {  	[tilespmem:$0x4CB0] =	vst v1  }
0x1e0: {  	[tilespmem:$0x4CC0] =	vst v1  }
0x1e1: {  	[tilespmem:$0x4CD0] =	vst v1  }
0x1e2: {  	[tilespmem:$0x4CE0] =	vst v1  }
0x1e3: {  	[tilespmem:$0x4CF0] =	vst v1  }
0x1e4: {  	[tilespmem:$0x4D00] =	vst v1  }
0x1e5: {  	[tilespmem:$0x4D10] =	vst v1  }
0x1e6: {  	[tilespmem:$0x4D20] =	vst v1  }
0x1e7: {  	[tilespmem:$0x4D30] =	vst v1  }
0x1e8: {  	[tilespmem:$0x4D40] =	vst v1  }
0x1e9: {  	[tilespmem:$0x4D50] =	vst v1  }
0x1ea: {  	[tilespmem:$0x4D60] =	vst v1  }
0x1eb: {  	[tilespmem:$0x4D70] =	vst v1  }
0x1ec: {  	[tilespmem:$0x4D80] =	vst v1  }
0x1ed: {  	[tilespmem:$0x4D90] =	vst v1  }
0x1ee: {  	[tilespmem:$0x4DA0] =	vst v1  }
0x1ef: {  	[tilespmem:$0x4DB0] =	vst v1  }
0x1f0: {  	[tilespmem:$0x4DC0] =	vst v1  }
0x1f1: {  	[tilespmem:$0x4DD0] =	vst v1  }
0x1f2: {  	[tilespmem:$0x4DE0] =	vst v1  }
0x1f3: {  	[tilespmem:$0x4DF0] =	vst v1  }
0x1f4: {  	[tilespmem:$0x4E00] =	vst v1  }
0x1f5: {  	[tilespmem:$0x4E10] =	vst v1  }
0x1f6: {  	[tilespmem:$0x4E20] =	vst v1  }
0x1f7: {  	[tilespmem:$0x4E30] =	vst v1  }
0x1f8: {  	[tilespmem:$0x4E40] =	vst v1  }
0x1f9: {  	[tilespmem:$0x4E50] =	vst v1  }
0x1fa: {  	[tilespmem:$0x4E60] =	vst v1  }
0x1fb: {  	[tilespmem:$0x4E70] =	vst v1  }
0x1fc: {  	[tilespmem:$0x4E80] =	vst v1  }
0x1fd: {  	[tilespmem:$0x4E90] =	vst v1  }
0x1fe: {  	[tilespmem:$0x4EA0] =	vst v1  }
0x1ff: {  	[tilespmem:$0x4EB0] =	vst v1  }
0x200: {  	[tilespmem:$0x4EC0] =	vst v1  }
0x201: {  	[tilespmem:$0x4ED0] =	vst v1  }
0x202: {  	[tilespmem:$0x4EE0] =	vst v1  }
0x203: {  	[tilespmem:$0x4EF0] =	vst v1  }
.LBB2_7:
0x204: {  	v0 =	vld [tilespmem:$0x4B00]  }
0x205: {  	v2 =	vld [tilespmem:$0x4B10]  }
0x206: {  	v3 =	vld [tilespmem:$0x4B20]  }
0x207: {  	v4 =	vld [tilespmem:$0x4B30]  }
0x208: {  	v5 =	vld [tilespmem:$0x4B40]  }
0x209: {  	v6 =	vld [tilespmem:$0x4B50]  }
0x20a: {  	v7 =	vld [tilespmem:$0x4B60]  }
0x20b: {  	v8 =	vld [tilespmem:$0x4B70]  }
0x20c: {  	v9 =	vld [tilespmem:$0x4B80]  }
0x20d: {  	v10 =	vld [tilespmem:$0x4B90]  }
0x20e: {  	v11 =	vld [tilespmem:$0x4BA0]  }
0x20f: {  	v12 =	vld [tilespmem:$0x4BB0]  }
0x210: {  	v13 =	vld [tilespmem:$0x4BC0]  }
0x211: {  	v14 =	vld [tilespmem:$0x4BD0]  }
0x212: {  	v15 =	vld [tilespmem:$0x4BE0]  }
0x213: {  	v16 =	vld [tilespmem:$0x4BF0]  }
0x214: {  	v17 =	vld [tilespmem:$0x4C00]  }
0x215: {  	v18 =	vld [tilespmem:$0x4C10]  }
0x216: {  	v19 =	vld [tilespmem:$0x4C20]  }
0x217: {  	v20 =	vld [tilespmem:$0x4C30];
	v0 =	vadd.f32 $0.0e+00, v0  }
0x218: {  	v21 =	vld [tilespmem:$0x4C40]  }
0x219: {  	v22 =	vld [tilespmem:$0x4C50];
	v0 =	vadd.f32 v5, v0  }
0x21a: {  	v23 =	vld [tilespmem:$0x4C70]  }
0x21b: {  	v46 =	vld [tilespmem:$0x4C80];
	v0 =	vadd.f32 v9, v0  }
0x21c: {  	v24 =	vld [tilespmem:$0x4C90]  }
0x21d: {  	v47 =	vld [tilespmem:$0x4CA0];
	v0 =	vadd.f32 v13, v0  }
0x21e: {  	v25 =	vld [tilespmem:$0x4CB0]  }
0x21f: {  	v48 =	vld [tilespmem:$0x4CC0];
	v0 =	vadd.f32 v17, v0  }
0x220: {  	v26 =	vld [tilespmem:$0x4CD0]  }
0x221: {  	v49 =	vld [tilespmem:$0x4CE0];
	v2 =	vadd.f32 $0.0e+00, v2;
	v0 =	vadd.f32 v21, v0  }
0x222: {  	v27 =	vld [tilespmem:$0x4D00]  }
0x223: {  	v50 =	vld [tilespmem:$0x4D40];
	v2 =	vadd.f32 v6, v2;
	v0 =	vadd.f32 v46, v0  }
0x224: {  	v51 =	vld [tilespmem:$0x4D10]  }
0x225: {  	v52 =	vld [tilespmem:$0x4D80];
	v2 =	vadd.f32 v10, v2;
	v0 =	vadd.f32 v48, v0  }
0x226: {  	v53 =	vld [tilespmem:$0x4D20]  }
0x227: {  	s14 =	simm.s32 $0x4E30;
	v55 =	vld [tilespmem:$0x4D30];
	v2 =	vadd.f32 v14, v2;
	v0 =	vadd.f32 v27, v0  }
0x228: {  	v54 =	vld [tilespmem:s14+$0xFFFFFF90]  }
0x229: {  	v57 =	vld [tilespmem:$0x4D50];
	v2 =	vadd.f32 v18, v2;
	v0 =	vadd.f32 v50, v0  }
0x22a: {  	v56 =	vld [tilespmem:s14+$0xFFFFFCD0];
	v3 =	vadd.f32 $0.0e+00, v3  }
0x22b: {  	v58 =	vld [tilespmem:$0x4D70];
	v2 =	vadd.f32 v22, v2;
	v0 =	vadd.f32 v52, v0  }
0x22c: {  	v59 =	vld [tilespmem:$0x4D90];
	v3 =	vadd.f32 v7, v3  }
0x22d: {  	v60 =	vld [tilespmem:$0x4DA0];
	v2 =	vadd.f32 v24, v2;
	v0 =	vadd.f32 v54, v0  }
0x22e: {  	v61 =	vld [tilespmem:$0x4DB0];
	v3 =	vadd.f32 v11, v3  }
0x22f: {  	v5 =	vld [tilespmem:$0x4C60];
	v2 =	vadd.f32 v26, v2;
	v0 =	vsub.f32 v0, v56  }
0x230: {  	s16 =	simm.s32 $0x0;
	v6 =	vld [tilespmem:$0x4CF0]  }
0x231: {  	v7 =	vld [tilespmem:$0x4D60];
	v3 =	vadd.f32 v15, v3;
	v2 =	vadd.f32 v51, v2;
	[tilespmem:s16+$0xD200] =	vst v0  }
0x232: {  	v62 =	vld [tilespmem:s14+$0xFFFFFFA0]  }
0x233: {  	v3 =	vadd.f32 v19, v3;
	v2 =	vadd.f32 v57, v2  }
0x234: {  	v4 =	vadd.f32 $0.0e+00, v4;
	v63 =	vld [tilespmem:s14+$0xFFFFFCE0]  }
0x235: {  	v3 =	vadd.f32 v5, v3;
	v2 =	vadd.f32 v59, v2  }
0x236: {  	v4 =	vadd.f32 v8, v4  }
0x237: {  	v3 =	vadd.f32 v47, v3;
	v2 =	vadd.f32 v62, v2  }
0x238: {  	v4 =	vadd.f32 v12, v4  }
0x239: {  	v3 =	vadd.f32 v49, v3;
	v5 =	vsub.f32 v2, v63;
	_ =	sdelay $0x1  }
0x23a: {  	v3 =	vadd.f32 v53, v3;
	v2 =	vadd.f32 v16, v4;
	[tilespmem:s16+$0xD210] =	vst v5  }
0x23b: {  	v4 =	vld [tilespmem:s14+$0xFFFFFFB0]  }
0x23c: {  	v3 =	vadd.f32 v7, v3;
	v2 =	vadd.f32 v20, v2  }
0x23d: {  	v7 =	vld [tilespmem:s14+$0xFFFFFCF0]  }
0x23e: {  	v3 =	vadd.f32 v60, v3;
	v2 =	vadd.f32 v23, v2;
	_ =	sdelay $0x1  }
0x23f: {  	v2 =	vadd.f32 v25, v2;
	v3 =	vadd.f32 v4, v3;
	_ =	sdelay $0x1  }
0x240: {  	v2 =	vadd.f32 v6, v2;
	v4 =	vsub.f32 v3, v7;
	_ =	sdelay $0x1  }
0x241: {  	v2 =	vadd.f32 v55, v2;
	[tilespmem:s16+$0xD220] =	vst v4  }
0x242: {  	v3 =	vld [tilespmem:s14+$0xFFFFFFC0]  }
0x243: {  	v2 =	vadd.f32 v58, v2  }
0x244: {  	v6 =	vld [tilespmem:s14+$0xFFFFFD00]  }
0x245: {  	v2 =	vadd.f32 v61, v2;
	_ =	sdelay $0x1  }
0x246: {  	v2 =	vadd.f32 v3, v2;
	_ =	sdelay $0x1  }
0x247: {  	v6 =	vsub.f32 v2, v6;
	_ =	sdelay $0x1  }
0x248: {  	[tilespmem:s16+$0xD230] =	vst v6  }
0x249: {  	v2 =	vld [tilespmem:s14+$0xFFFFFFD0];
	_ =	sdelay $0x1  }
0x24a: {  	v3 =	vld [tilespmem:s14+$0xFFFFFD10];
	_ =	sdelay $0x2  }
0x24b: {  	v0 =	vadd.f32 v2, v0;
	_ =	sdelay $0x1  }
0x24c: {  	v2 =	vsub.f32 v0, v3;
	_ =	sdelay $0x1  }
0x24d: {  	[tilespmem:s16+$0xD2C0] =	vst v2  }
0x24e: {  	v0 =	vld [tilespmem:s14+$0xFFFFFFE0];
	_ =	sdelay $0x1  }
0x24f: {  	v3 =	vld [tilespmem:s14+$0xFFFFFD20];
	_ =	sdelay $0x2  }
0x250: {  	v0 =	vadd.f32 v0, v5;
	_ =	sdelay $0x1  }
0x251: {  	v3 =	vsub.f32 v0, v3;
	_ =	sdelay $0x1  }
0x252: {  	[tilespmem:s16+$0xD2D0] =	vst v3  }
0x253: {  	v0 =	vld [tilespmem:s14+$0xFFFFFFF0];
	_ =	sdelay $0x1  }
0x254: {  	v5 =	vld [tilespmem:s14+$0xFFFFFD30];
	_ =	sdelay $0x2  }
0x255: {  	v0 =	vadd.f32 v0, v4;
	_ =	sdelay $0x1  }
0x256: {  	v4 =	vsub.f32 v0, v5;
	_ =	sdelay $0x1  }
0x257: {  	[tilespmem:s16+$0xD2E0] =	vst v4  }
0x258: {  	v0 =	vld [tilespmem:s14+$0x0];
	_ =	sdelay $0x1  }
0x259: {  	v5 =	vld [tilespmem:s14+$0xFFFFFD40];
	_ =	sdelay $0x2  }
0x25a: {  	v0 =	vadd.f32 v0, v6;
	_ =	sdelay $0x1  }
0x25b: {  	s17 =	simm.s32 $0x600;
	v5 =	vsub.f32 v0, v5  }
.LBB2_8:
0x25c: {  	p1 =	sne.s32 s17, $0x2FA00  }
0x25d: {  	s14 =	sadd.s32 $0x80, s14;
	[tilespmem:s16+$0xD2F0] =	vst v5;
	s16 =	smov.u32 s17;
	s17 =	sadd.s32 $0x600, s17  }
0x25e: {  	v0 =	vld [tilespmem:s14+$0xFFFFFF90];
	_ =	sdelay $0x1  }
0x25f: {  	v6 =	vld [tilespmem:s14+$0xFFFFFCD0];
	_ =	sdelay $0x2  }
0x260: {  	v0 =	vadd.f32 v0, v2;
	_ =	sdelay $0x1  }
0x261: {  	v0 =	vsub.f32 v0, v6  }
0x262: {  	s16 =	sshra.s32 s16, $0x2  }
0x263: {  	[tilespmem:s16+$0xD200] =	vst v0  }
0x264: {  	v2 =	vld [tilespmem:s14+$0xFFFFFFA0];
	_ =	sdelay $0x1  }
0x265: {  	v6 =	vld [tilespmem:s14+$0xFFFFFCE0];
	_ =	sdelay $0x2  }
0x266: {  	v2 =	vadd.f32 v2, v3;
	_ =	sdelay $0x1  }
0x267: {  	v3 =	vsub.f32 v2, v6;
	_ =	sdelay $0x1  }
0x268: {  	[tilespmem:s16+$0xD210] =	vst v3  }
0x269: {  	v2 =	vld [tilespmem:s14+$0xFFFFFFB0];
	_ =	sdelay $0x1  }
0x26a: {  	v6 =	vld [tilespmem:s14+$0xFFFFFCF0];
	_ =	sdelay $0x2  }
0x26b: {  	v2 =	vadd.f32 v2, v4;
	_ =	sdelay $0x1  }
0x26c: {  	v4 =	vsub.f32 v2, v6;
	_ =	sdelay $0x1  }
0x26d: {  	[tilespmem:s16+$0xD220] =	vst v4  }
0x26e: {  	v2 =	vld [tilespmem:s14+$0xFFFFFFC0];
	_ =	sdelay $0x1  }
0x26f: {  	v6 =	vld [tilespmem:s14+$0xFFFFFD00];
	_ =	sdelay $0x2  }
0x270: {  	v2 =	vadd.f32 v2, v5;
	_ =	sdelay $0x1  }
0x271: {  	v5 =	vsub.f32 v2, v6;
	_ =	sdelay $0x1  }
0x272: {  	[tilespmem:s16+$0xD230] =	vst v5  }
0x273: {  	v2 =	vld [tilespmem:s14+$0xFFFFFFD0];
	_ =	sdelay $0x1  }
0x274: {  	v6 =	vld [tilespmem:s14+$0xFFFFFD10];
	_ =	sdelay $0x2  }
0x275: {  	v0 =	vadd.f32 v2, v0;
	_ =	sdelay $0x1  }
0x276: {  	v2 =	vsub.f32 v0, v6;
	_ =	sdelay $0x1  }
0x277: {  	[tilespmem:s16+$0xD2C0] =	vst v2  }
0x278: {  	v0 =	vld [tilespmem:s14+$0xFFFFFFE0]  }
0x279: {  	v6 =	vld [tilespmem:s14+$0xFFFFFD20];
	_ =	sdelay $0x3  }
0x27a: {  	v0 =	vadd.f32 v0, v3;
	_ =	sdelay $0x1  }
0x27b: {  	v3 =	vsub.f32 v0, v6;
	_ =	sdelay $0x1  }
0x27c: {  	[tilespmem:s16+$0xD2D0] =	vst v3  }
0x27d: {  	v0 =	vld [tilespmem:s14+$0xFFFFFFF0]  }
0x27e: {  	v6 =	vld [tilespmem:s14+$0xFFFFFD30];
	_ =	sdelay $0x3  }
0x27f: {  	v0 =	vadd.f32 v0, v4;
	_ =	sdelay $0x1  }
0x280: {  	v4 =	vsub.f32 v0, v6;
	_ =	sdelay $0x1  }
0x281: {  	[tilespmem:s16+$0xD2E0] =	vst v4  }
0x282: {  	v0 =	vld [tilespmem:s14+$0x0]  }
0x283: {  	v6 =	vld [tilespmem:s14+$0xFFFFFD40];
	_ =	sdelay $0x1  }
.Ltmp3:
0x284: {  	(pc) =	sbr.rel @p1 .LBB2_8-.Ltmp3, $3  }
0x285: {  	_ = 	snop  }
0x286: {  	v0 =	vadd.f32 v0, v5;
	_ =	sdelay $0x1  }
0x287: {  	v5 =	vsub.f32 v0, v6  }
0x288: {  	_ = 	snop  }
0x289: {  	[tilespmem:s16+$0xD2F0] =	vst v5  }
0x28a: {  	_ =	swait.ge [sflag:s1], $0x2000  }
0x28b: {  	[sflag:s1] =	ssyncset.done $0x0  }
0x28c: {  	[sflag:s1] =	ssyncadd.s32 $0xFFFFE000  }
0x28d: {  	_ =	swait.ge [sflag:s1], $0x2000  }
.Ltmp4:
0x28e: {  	[sflag:s1] =	ssyncset.done $0x0;
	(pc) =	sbr.rel @p0 .LBB2_11-.Ltmp4, $4  }
0x28f: {  	[sflag:s1] =	ssyncadd.s32 $0xFFFFE000  }
0x290: {  	_ =	swait.ge [sflag:s1], $0x400  }
0x291: {  	[sflag:s1] =	ssyncset.done $0x0  }
0x292: {  	[sflag:s1] =	ssyncadd.s32 $0xFFFFFC00  }
0x293: {  	[tilespmem:$0x8DC0] =	vst v1  }
0x294: {  	[tilespmem:$0x8DD0] =	vst v1  }
0x295: {  	[tilespmem:$0x8DE0] =	vst v1  }
0x296: {  	[tilespmem:$0x8DF0] =	vst v1  }
0x297: {  	[tilespmem:$0x8E00] =	vst v1  }
0x298: {  	[tilespmem:$0x8E10] =	vst v1  }
0x299: {  	[tilespmem:$0x8E20] =	vst v1  }
0x29a: {  	[tilespmem:$0x8E30] =	vst v1  }
0x29b: {  	[tilespmem:$0x8E40] =	vst v1  }
0x29c: {  	[tilespmem:$0x8E50] =	vst v1  }
0x29d: {  	[tilespmem:$0x8E60] =	vst v1  }
0x29e: {  	[tilespmem:$0x8E70] =	vst v1  }
0x29f: {  	[tilespmem:$0x8E80] =	vst v1  }
0x2a0: {  	[tilespmem:$0x8E90] =	vst v1  }
0x2a1: {  	[tilespmem:$0x8EA0] =	vst v1  }
0x2a2: {  	[tilespmem:$0x8EB0] =	vst v1  }
0x2a3: {  	[tilespmem:$0x8EC0] =	vst v1  }
0x2a4: {  	[tilespmem:$0x8ED0] =	vst v1  }
0x2a5: {  	[tilespmem:$0x8EE0] =	vst v1  }
0x2a6: {  	[tilespmem:$0x8EF0] =	vst v1  }
0x2a7: {  	[tilespmem:$0x8F00] =	vst v1  }
0x2a8: {  	[tilespmem:$0x8F10] =	vst v1  }
0x2a9: {  	[tilespmem:$0x8F20] =	vst v1  }
0x2aa: {  	[tilespmem:$0x8F30] =	vst v1  }
0x2ab: {  	[tilespmem:$0x8F40] =	vst v1  }
0x2ac: {  	[tilespmem:$0x8F50] =	vst v1  }
0x2ad: {  	[tilespmem:$0x8F60] =	vst v1  }
0x2ae: {  	[tilespmem:$0x8F70] =	vst v1  }
0x2af: {  	[tilespmem:$0x8F80] =	vst v1  }
0x2b0: {  	[tilespmem:$0x8F90] =	vst v1  }
0x2b1: {  	[tilespmem:$0x8FA0] =	vst v1  }
0x2b2: {  	[tilespmem:$0x8FB0] =	vst v1  }
0x2b3: {  	[tilespmem:$0x8FC0] =	vst v1  }
0x2b4: {  	[tilespmem:$0x8FD0] =	vst v1  }
0x2b5: {  	[tilespmem:$0x8FE0] =	vst v1  }
0x2b6: {  	[tilespmem:$0x8FF0] =	vst v1  }
0x2b7: {  	[tilespmem:$0x9000] =	vst v1  }
0x2b8: {  	[tilespmem:$0x9010] =	vst v1  }
0x2b9: {  	[tilespmem:$0x9020] =	vst v1  }
0x2ba: {  	[tilespmem:$0x9030] =	vst v1  }
0x2bb: {  	[tilespmem:$0x9040] =	vst v1  }
0x2bc: {  	[tilespmem:$0x9050] =	vst v1  }
0x2bd: {  	[tilespmem:$0x9060] =	vst v1  }
0x2be: {  	[tilespmem:$0x9070] =	vst v1  }
0x2bf: {  	[tilespmem:$0x9080] =	vst v1  }
0x2c0: {  	[tilespmem:$0x9090] =	vst v1  }
0x2c1: {  	[tilespmem:$0x90A0] =	vst v1  }
0x2c2: {  	[tilespmem:$0x90B0] =	vst v1  }
0x2c3: {  	[tilespmem:$0x90C0] =	vst v1  }
0x2c4: {  	[tilespmem:$0x90D0] =	vst v1  }
0x2c5: {  	[tilespmem:$0x90E0] =	vst v1  }
0x2c6: {  	[tilespmem:$0x90F0] =	vst v1  }
0x2c7: {  	[tilespmem:$0x9100] =	vst v1  }
0x2c8: {  	[tilespmem:$0x9110] =	vst v1  }
0x2c9: {  	[tilespmem:$0x9120] =	vst v1  }
0x2ca: {  	[tilespmem:$0x9130] =	vst v1  }
0x2cb: {  	[tilespmem:$0x9140] =	vst v1  }
0x2cc: {  	[tilespmem:$0x9150] =	vst v1  }
0x2cd: {  	[tilespmem:$0x9160] =	vst v1  }
0x2ce: {  	[tilespmem:$0x9170] =	vst v1  }
0x2cf: {  	[tilespmem:$0x9180] =	vst v1  }
0x2d0: {  	[tilespmem:$0x9190] =	vst v1  }
0x2d1: {  	[tilespmem:$0x91A0] =	vst v1  }
0x2d2: {  	[tilespmem:$0x91B0] =	vst v1  }
0x2d3: {  	[tilespmem:$0x91C0] =	vst v1  }
0x2d4: {  	[tilespmem:$0x91D0] =	vst v1  }
0x2d5: {  	[tilespmem:$0x91E0] =	vst v1  }
0x2d6: {  	[tilespmem:$0x91F0] =	vst v1  }
0x2d7: {  	[tilespmem:$0x9200] =	vst v1  }
0x2d8: {  	[tilespmem:$0x9210] =	vst v1  }
0x2d9: {  	[tilespmem:$0x9220] =	vst v1  }
0x2da: {  	[tilespmem:$0x9230] =	vst v1  }
0x2db: {  	[tilespmem:$0x9240] =	vst v1  }
0x2dc: {  	[tilespmem:$0x9250] =	vst v1  }
0x2dd: {  	[tilespmem:$0x9260] =	vst v1  }
0x2de: {  	[tilespmem:$0x9270] =	vst v1  }
0x2df: {  	[tilespmem:$0x9280] =	vst v1  }
0x2e0: {  	[tilespmem:$0x9290] =	vst v1  }
0x2e1: {  	[tilespmem:$0x92A0] =	vst v1  }
0x2e2: {  	[tilespmem:$0x92B0] =	vst v1  }
0x2e3: {  	[tilespmem:$0x92C0] =	vst v1  }
0x2e4: {  	[tilespmem:$0x92D0] =	vst v1  }
0x2e5: {  	[tilespmem:$0x92E0] =	vst v1  }
0x2e6: {  	[tilespmem:$0x92F0] =	vst v1  }
0x2e7: {  	[tilespmem:$0x9300] =	vst v1  }
0x2e8: {  	[tilespmem:$0x9310] =	vst v1  }
0x2e9: {  	[tilespmem:$0x9320] =	vst v1  }
0x2ea: {  	[tilespmem:$0x9330] =	vst v1  }
0x2eb: {  	[tilespmem:$0x9340] =	vst v1  }
0x2ec: {  	[tilespmem:$0x9350] =	vst v1  }
0x2ed: {  	[tilespmem:$0x9360] =	vst v1  }
0x2ee: {  	[tilespmem:$0x9370] =	vst v1  }
.LBB2_11:
0x2ef: {  	v0 =	vld [tilespmem:$0x8F80]  }
0x2f0: {  	v2 =	vld [tilespmem:$0x8F90]  }
0x2f1: {  	v3 =	vld [tilespmem:$0x8FA0]  }
0x2f2: {  	v4 =	vld [tilespmem:$0x8FB0]  }
0x2f3: {  	v5 =	vld [tilespmem:$0x8FC0]  }
0x2f4: {  	v6 =	vld [tilespmem:$0x8FD0]  }
0x2f5: {  	v7 =	vld [tilespmem:$0x8FE0]  }
0x2f6: {  	v8 =	vld [tilespmem:$0x8FF0]  }
0x2f7: {  	v9 =	vld [tilespmem:$0x9000]  }
0x2f8: {  	v10 =	vld [tilespmem:$0x9010]  }
0x2f9: {  	v11 =	vld [tilespmem:$0x9020]  }
0x2fa: {  	v12 =	vld [tilespmem:$0x9030]  }
0x2fb: {  	v13 =	vld [tilespmem:$0x9040]  }
0x2fc: {  	v14 =	vld [tilespmem:$0x9050]  }
0x2fd: {  	v15 =	vld [tilespmem:$0x9060]  }
0x2fe: {  	v16 =	vld [tilespmem:$0x9070];
	v0 =	vadd.f32 $0.0e+00, v0  }
0x2ff: {  	v17 =	vld [tilespmem:$0x9080]  }
0x300: {  	v18 =	vld [tilespmem:$0x9090];
	v0 =	vadd.f32 v5, v0  }
0x301: {  	v19 =	vld [tilespmem:$0x90B0]  }
0x302: {  	v50 =	vld [tilespmem:$0x90C0];
	v0 =	vadd.f32 v9, v0  }
0x303: {  	v20 =	vld [tilespmem:$0x90D0]  }
0x304: {  	v51 =	vld [tilespmem:$0x90E0];
	v0 =	vadd.f32 v13, v0  }
0x305: {  	v21 =	vld [tilespmem:$0x9100]  }
0x306: {  	v52 =	vld [tilespmem:$0x90F0];
	v0 =	vadd.f32 v17, v0  }
0x307: {  	v22 =	vld [tilespmem:$0x9140]  }
0x308: {  	v53 =	vld [tilespmem:$0x9110];
	v2 =	vadd.f32 $0.0e+00, v2;
	v0 =	vadd.f32 v50, v0  }
0x309: {  	v23 =	vld [tilespmem:$0x9180]  }
0x30a: {  	s14 =	simm.s32 $0x91C0;
	v55 =	vld [tilespmem:$0x9130];
	v2 =	vadd.f32 v6, v2;
	v0 =	vadd.f32 v21, v0  }
0x30b: {  	v54 =	vld [tilespmem:s14+$0x0]  }
0x30c: {  	v57 =	vld [tilespmem:$0x9150];
	v2 =	vadd.f32 v10, v2;
	v0 =	vadd.f32 v22, v0  }
0x30d: {  	v56 =	vld [tilespmem:s14+$0xFFFFFDC0]  }
0x30e: {  	v58 =	vld [tilespmem:$0x9160];
	v2 =	vadd.f32 v14, v2;
	v0 =	vadd.f32 v23, v0  }
0x30f: {  	v59 =	vld [tilespmem:$0x9170]  }
0x310: {  	v60 =	vld [tilespmem:$0x9190];
	v2 =	vadd.f32 v18, v2;
	v0 =	vadd.f32 v54, v0  }
0x311: {  	v61 =	vld [tilespmem:$0x91A0];
	v3 =	vadd.f32 $0.0e+00, v3  }
0x312: {  	v5 =	vld [tilespmem:$0x90A0];
	v2 =	vadd.f32 v20, v2;
	v0 =	vsub.f32 v0, v56  }
0x313: {  	s16 =	simm.s32 $0x0;
	v6 =	vld [tilespmem:$0x9120];
	v3 =	vadd.f32 v7, v3  }
0x314: {  	v7 =	vld [tilespmem:$0x91B0];
	v2 =	vadd.f32 v53, v2;
	[tilespmem:s16+$0xD240] =	vst v0  }
0x315: {  	v3 =	vadd.f32 v11, v3;
	v62 =	vld [tilespmem:s14+$0x10]  }
0x316: {  	v2 =	vadd.f32 v57, v2  }
0x317: {  	v3 =	vadd.f32 v15, v3;
	v63 =	vld [tilespmem:s14+$0xFFFFFDD0]  }
0x318: {  	v2 =	vadd.f32 v60, v2  }
0x319: {  	v3 =	vadd.f32 v5, v3  }
0x31a: {  	v2 =	vadd.f32 v62, v2  }
0x31b: {  	v3 =	vadd.f32 v51, v3  }
0x31c: {  	v5 =	vsub.f32 v2, v63;
	v2 =	vadd.f32 $0.0e+00, v4;
	_ =	sdelay $0x1  }
0x31d: {  	v3 =	vadd.f32 v6, v3;
	v2 =	vadd.f32 v8, v2;
	[tilespmem:s16+$0xD250] =	vst v5  }
0x31e: {  	v4 =	vld [tilespmem:s14+$0x20]  }
0x31f: {  	v3 =	vadd.f32 v58, v3;
	v2 =	vadd.f32 v12, v2  }
0x320: {  	v6 =	vld [tilespmem:s14+$0xFFFFFDE0]  }
0x321: {  	v3 =	vadd.f32 v61, v3;
	v2 =	vadd.f32 v16, v2;
	_ =	sdelay $0x1  }
0x322: {  	v2 =	vadd.f32 v19, v2;
	v3 =	vadd.f32 v4, v3;
	_ =	sdelay $0x1  }
0x323: {  	v2 =	vadd.f32 v52, v2;
	v4 =	vsub.f32 v3, v6;
	_ =	sdelay $0x1  }
0x324: {  	v2 =	vadd.f32 v55, v2;
	[tilespmem:s16+$0xD260] =	vst v4  }
0x325: {  	v3 =	vld [tilespmem:s14+$0x30]  }
0x326: {  	v2 =	vadd.f32 v59, v2  }
0x327: {  	v6 =	vld [tilespmem:s14+$0xFFFFFDF0]  }
0x328: {  	v2 =	vadd.f32 v7, v2;
	_ =	sdelay $0x1  }
0x329: {  	v2 =	vadd.f32 v3, v2;
	_ =	sdelay $0x1  }
0x32a: {  	v6 =	vsub.f32 v2, v6;
	_ =	sdelay $0x1  }
0x32b: {  	[tilespmem:s16+$0xD270] =	vst v6  }
0x32c: {  	v2 =	vld [tilespmem:s14+$0x40];
	_ =	sdelay $0x1  }
0x32d: {  	v3 =	vld [tilespmem:s14+$0xFFFFFE00];
	_ =	sdelay $0x2  }
0x32e: {  	v0 =	vadd.f32 v2, v0;
	_ =	sdelay $0x1  }
0x32f: {  	v2 =	vsub.f32 v0, v3;
	_ =	sdelay $0x1  }
0x330: {  	[tilespmem:s16+$0xD300] =	vst v2  }
0x331: {  	v0 =	vld [tilespmem:s14+$0x50];
	_ =	sdelay $0x1  }
0x332: {  	v3 =	vld [tilespmem:s14+$0xFFFFFE10];
	_ =	sdelay $0x2  }
0x333: {  	v0 =	vadd.f32 v0, v5;
	_ =	sdelay $0x1  }
0x334: {  	v3 =	vsub.f32 v0, v3;
	_ =	sdelay $0x1  }
0x335: {  	[tilespmem:s16+$0xD310] =	vst v3  }
0x336: {  	v0 =	vld [tilespmem:s14+$0x60];
	_ =	sdelay $0x1  }
0x337: {  	v5 =	vld [tilespmem:s14+$0xFFFFFE20];
	_ =	sdelay $0x2  }
0x338: {  	v0 =	vadd.f32 v0, v4;
	_ =	sdelay $0x1  }
0x339: {  	v4 =	vsub.f32 v0, v5;
	_ =	sdelay $0x1  }
0x33a: {  	[tilespmem:s16+$0xD320] =	vst v4  }
0x33b: {  	v0 =	vld [tilespmem:s14+$0x70];
	_ =	sdelay $0x1  }
0x33c: {  	v5 =	vld [tilespmem:s14+$0xFFFFFE30];
	_ =	sdelay $0x2  }
0x33d: {  	v0 =	vadd.f32 v0, v6;
	_ =	sdelay $0x1  }
0x33e: {  	s17 =	simm.s32 $0x600;
	v5 =	vsub.f32 v0, v5  }
.LBB2_12:
0x33f: {  	p1 =	sne.s32 s17, $0x2FA00  }
0x340: {  	s14 =	sadd.s32 $0x80, s14;
	[tilespmem:s16+$0xD330] =	vst v5;
	s16 =	smov.u32 s17;
	s17 =	sadd.s32 $0x600, s17  }
0x341: {  	v0 =	vld [tilespmem:s14+$0x0];
	_ =	sdelay $0x1  }
0x342: {  	v6 =	vld [tilespmem:s14+$0xFFFFFDC0];
	_ =	sdelay $0x2  }
0x343: {  	v0 =	vadd.f32 v0, v2;
	_ =	sdelay $0x1  }
0x344: {  	v0 =	vsub.f32 v0, v6  }
0x345: {  	s16 =	sshra.s32 s16, $0x2  }
0x346: {  	[tilespmem:s16+$0xD240] =	vst v0  }
0x347: {  	v2 =	vld [tilespmem:s14+$0x10];
	_ =	sdelay $0x1  }
0x348: {  	v6 =	vld [tilespmem:s14+$0xFFFFFDD0];
	_ =	sdelay $0x2  }
0x349: {  	v2 =	vadd.f32 v2, v3;
	_ =	sdelay $0x1  }
0x34a: {  	v3 =	vsub.f32 v2, v6;
	_ =	sdelay $0x1  }
0x34b: {  	[tilespmem:s16+$0xD250] =	vst v3  }
0x34c: {  	v2 =	vld [tilespmem:s14+$0x20];
	_ =	sdelay $0x1  }
0x34d: {  	v6 =	vld [tilespmem:s14+$0xFFFFFDE0];
	_ =	sdelay $0x2  }
0x34e: {  	v2 =	vadd.f32 v2, v4;
	_ =	sdelay $0x1  }
0x34f: {  	v4 =	vsub.f32 v2, v6;
	_ =	sdelay $0x1  }
0x350: {  	[tilespmem:s16+$0xD260] =	vst v4  }
0x351: {  	v2 =	vld [tilespmem:s14+$0x30];
	_ =	sdelay $0x1  }
0x352: {  	v6 =	vld [tilespmem:s14+$0xFFFFFDF0];
	_ =	sdelay $0x2  }
0x353: {  	v2 =	vadd.f32 v2, v5;
	_ =	sdelay $0x1  }
0x354: {  	v5 =	vsub.f32 v2, v6;
	_ =	sdelay $0x1  }
0x355: {  	[tilespmem:s16+$0xD270] =	vst v5  }
0x356: {  	v2 =	vld [tilespmem:s14+$0x40];
	_ =	sdelay $0x1  }
0x357: {  	v6 =	vld [tilespmem:s14+$0xFFFFFE00];
	_ =	sdelay $0x2  }
0x358: {  	v0 =	vadd.f32 v2, v0;
	_ =	sdelay $0x1  }
0x359: {  	v2 =	vsub.f32 v0, v6;
	_ =	sdelay $0x1  }
0x35a: {  	[tilespmem:s16+$0xD300] =	vst v2  }
0x35b: {  	v0 =	vld [tilespmem:s14+$0x50]  }
0x35c: {  	v6 =	vld [tilespmem:s14+$0xFFFFFE10];
	_ =	sdelay $0x3  }
0x35d: {  	v0 =	vadd.f32 v0, v3;
	_ =	sdelay $0x1  }
0x35e: {  	v3 =	vsub.f32 v0, v6;
	_ =	sdelay $0x1  }
0x35f: {  	[tilespmem:s16+$0xD310] =	vst v3  }
0x360: {  	v0 =	vld [tilespmem:s14+$0x60]  }
0x361: {  	v6 =	vld [tilespmem:s14+$0xFFFFFE20];
	_ =	sdelay $0x3  }
0x362: {  	v0 =	vadd.f32 v0, v4;
	_ =	sdelay $0x1  }
0x363: {  	v4 =	vsub.f32 v0, v6;
	_ =	sdelay $0x1  }
0x364: {  	[tilespmem:s16+$0xD320] =	vst v4  }
0x365: {  	v0 =	vld [tilespmem:s14+$0x70]  }
0x366: {  	v6 =	vld [tilespmem:s14+$0xFFFFFE30];
	_ =	sdelay $0x1  }
.Ltmp5:
0x367: {  	(pc) =	sbr.rel @p1 .LBB2_12-.Ltmp5, $3  }
0x368: {  	_ = 	snop  }
0x369: {  	v0 =	vadd.f32 v0, v5;
	_ =	sdelay $0x1  }
0x36a: {  	v5 =	vsub.f32 v0, v6  }
0x36b: {  	s13 =	sadd.s32 $0x1, s13  }
0x36c: {  	p1 =	sne.s32 s13, s9  }
.Ltmp6:
0x36d: {  	[tilespmem:s16+$0xD330] =	vst v5;
	(pc) =	sbr.rel @p1 .LBB2_1-.Ltmp6, $4  }
0x36e: {  	[hbm4b:s8+s2] =	stream.linear.scatter [tilespmem:s11], [sflag:$0x4], $0xC000, $0x38;
	[tilespmem:$0x191C0] =	vst v63  }
0x36f: {  	_ =	swait.ge [sflag:s12], $0xC000  }
0x370: {  	[sflag:s12] =	ssyncset.done $0x0  }
0x371: {  	[sflag:s12] =	ssyncadd.s32 $0xFFFF4000  }
0x372: {  	_ =	sfence.sel $0x180000  }
0x373: {  	[bflag:$0x0] =	sbarrier.arrive $0xFFFF  }
0x374: {  	_ =	strace $0x90000047  }
0x375: {  	s0 =	stileid.u32;
	[bflag:$0x2] =	sbarrier.arrive $0xFFFF  }
0x376: {  	p0 =	sne.s32 s0, $0x0;
	s0 =	rddreg [dreg:$0x2]  }
0x377: {  	s0 =	sadd.s32 @!p0 $0x100000, s0  }
0x378: {  	[sflag:s0] =	ssyncadd.tile.s32 @!p0 $0x1;
	_ =	shalt  }
.Lfunc_end2:
_tile_overlayer_lowered:
.L_overlay_start_2:
0x379: {  	(tag) =	ssettag $0x2  }
0x37a: {  	s0 =	rddreg [dreg:$0x0];
	s2 =	stileid.u32  }
0x37b: {  	s1 =	rddreg [dreg:$0x1];
	p0 =	sne.s32 s2, $0x0  }
0x37c: {  	s3 =	rddreg [dreg:$0x2];
	[bflag:$0x3] =	sbarrier.arrive $0xFFFF;
	s2 =	simm.s32 @!p0 $0x1C04  }
0x37d: {  	[timem:s3], [sflag:s2] =	dma.local @!p0 [hbm:s0], s1  }
0x37e: {  	s0 =	simm.s32 @!p0 $0x4  }
0x37f: {  	_ =	swait.ge @!p0 [sflag:s0], s1  }
0x380: {  	s1 =	ssub.s32 @!p0 $0x0, s1;
	[sflag:s0] =	ssyncset.done @!p0 $0x0  }
0x381: {  	[sflag:s0] =	ssyncadd.s32 @!p0 s1  }
0x382: {  	[bflag:$0x3] =	sbarrier.arrive $0xFFFF  }
0x383: {  	_ =	shalt  }

</sc_bundles>
